<compile_context>
chip_gen: v7x
topology: tpu7x:2x2x1
jax: 0.10.2.dev20260603
libtpu: 0.0.44.dev20260713+nightly
codegen_flags: <defaults>
</compile_context>

<pallas_src>
import functools

import jax
import jax.numpy as jnp
from jax import lax
from jax.experimental import pallas as pl
from jax.experimental.pallas import tpu as pltpu
from jax.experimental.pallas import tpu_sc as plsc

N = 10000
E = 320000
F = 128
H = 32
NG = 128
NCLS = 10

NC, NS = 2, 16
NW = NC * NS
CW = 128
CHUNKS = 80
E_PAD = NW * CHUNKS * CW
EPW = CHUNKS * CW
E_TL = E - (NW - 1) * EPW
N_PAD = 10240
RSL = N_PAD // NS
RB = 1280
GRID = N_PAD // RB

@functools.cache
def _mesh():
    return plsc.VectorSubcoreMesh(
        core_axis_name="c", subcore_axis_name="s",
        num_cores=NC, num_subcores=NS)


_sc_out = jax.ShapeDtypeStruct((NC, N_PAD, H), jnp.float32)


def _sc_scatter(g, ei, dstw, pad_idx, zrows):

    @functools.partial(
        pl.kernel,
        out_type=_sc_out,
        mesh=_mesh(),
        scratch_types=[
            pltpu.VMEM((EPW,), jnp.int32),
            pltpu.VMEM((CHUNKS, CW), jnp.int32),
            pltpu.VMEM((8, CW, H), jnp.float32),
            pltpu.VMEM_SHARED((N_PAD, H), jnp.float32),
            pltpu.VMEM_SHARED((N_PAD, H), jnp.float32),
            pltpu.SemaphoreType.DMA,
            pltpu.SemaphoreType.DMA,
        ],
        compiler_params=pltpu.CompilerParams(use_tc_tiling_on_sc=False),
    )
    def k(g_hbm, ei_hbm, dst_hbm, pad_hbm, z_hbm, out_hbm, src_v, dst_v,
          rows_v, acc, g_s, sem_g, sem_s):
        c = lax.axis_index("c")
        s = lax.axis_index("s")
        w = c * NS + s
        pltpu.sync_copy(g_hbm.at[pl.ds(s * RSL, RSL)],
                        g_s.at[pl.ds(s * RSL, RSL)])
        pltpu.sync_copy(z_hbm, acc.at[pl.ds(s * RSL, RSL)])
        @pl.when(w < NW - 1)
        def _():
            pltpu.sync_copy(ei_hbm.at[0, pl.ds(w * EPW, EPW)], src_v)

        @pl.when(w == NW - 1)
        def _():
            pltpu.sync_copy(ei_hbm.at[0, pl.ds((NW - 1) * EPW, E_TL)],
                            src_v.at[pl.ds(0, E_TL)])
            pltpu.sync_copy(pad_hbm, src_v.at[pl.ds(E_TL, EPW - E_TL)])

        pltpu.sync_copy(dst_hbm.at[w], dst_v)
        plsc.subcore_barrier()

        for b in range(6):
            pltpu.async_copy(
                g_s.at[src_v.at[pl.ds(b * CW, CW)]], rows_v.at[b], sem_g)

        def step(j, b):
            pltpu.make_async_copy(
                g_s.at[src_v.at[pl.ds(0, CW)]], rows_v.at[b], sem_g).wait()
            pltpu.async_copy(rows_v.at[b], acc.at[dst_v.at[j]], sem_s,
                             add=True)

            @pl.when(j >= 2)
            def _():
                pltpu.make_async_copy(
                    rows_v.at[b], acc.at[dst_v.at[0]], sem_s).wait()

            @pl.when(j + 6 < CHUNKS)
            def _():
                pltpu.async_copy(
                    g_s.at[src_v.at[pl.ds((j + 6) * CW, CW)]],
                    rows_v.at[(b + 6) % 8], sem_g)

        def body(t8, carry):
            j = 8 * t8
            for b in range(8):
                step(j + b, b)
            return carry

        lax.fori_loop(0, CHUNKS // 8, body, 0)
        pltpu.make_async_copy(rows_v.at[0], acc.at[dst_v.at[0]], sem_s).wait()
        pltpu.make_async_copy(rows_v.at[1], acc.at[dst_v.at[0]], sem_s).wait()
        plsc.subcore_barrier()
        pltpu.sync_copy(acc.at[pl.ds(s * RSL, RSL)],
                        out_hbm.at[c, pl.ds(s * RSL, RSL)])

    return k(g, ei, dstw, pad_idx, zrows)


def _sc_deg(ones_rows, dstw, zrows):

    @functools.partial(
        pl.kernel,
        out_type=_sc_out,
        mesh=_mesh(),
        scratch_types=[
            pltpu.VMEM((CHUNKS, CW), jnp.int32),
            pltpu.VMEM((CW, H), jnp.float32),
            pltpu.VMEM_SHARED((N_PAD, H), jnp.float32),
            pltpu.SemaphoreType.DMA,
        ],
        compiler_params=pltpu.CompilerParams(use_tc_tiling_on_sc=False),
    )
    def k(ones_hbm, dst_hbm, z_hbm, out_hbm, dst_v, rows_v, acc, sem):
        c = lax.axis_index("c")
        s = lax.axis_index("s")
        w = c * NS + s
        pltpu.sync_copy(z_hbm, acc.at[pl.ds(s * RSL, RSL)])
        pltpu.sync_copy(dst_hbm.at[w], dst_v)
        pltpu.sync_copy(ones_hbm, rows_v)
        plsc.subcore_barrier()

        def body(j, carry):
            @pl.when(j >= 8)
            def _():
                pltpu.make_async_copy(
                    rows_v, acc.at[dst_v.at[0]], sem).wait()

            pltpu.async_copy(rows_v, acc.at[dst_v.at[j]], sem, add=True)
            return carry

        lax.fori_loop(0, CHUNKS, body, 0)
        def drain(j, carry):
            pltpu.make_async_copy(rows_v, acc.at[dst_v.at[0]], sem).wait()
            return carry

        lax.fori_loop(0, 8, drain, 0)
        plsc.subcore_barrier()
        pltpu.sync_copy(acc.at[pl.ds(s * RSL, RSL)],
                        out_hbm.at[c, pl.ds(s * RSL, RSL)])

    return k(ones_rows, dstw, zrows)


def _tc_matmul1(xp, W0):

    def body(x_ref, w_ref, h_ref):
        h_ref[...] = jnp.dot(x_ref[...], w_ref[...],
                             preferred_element_type=jnp.float32)

    return pl.pallas_call(
        body,
        grid=(GRID,),
        in_specs=[
            pl.BlockSpec((RB, F), lambda i: (i, 0)),
            pl.BlockSpec((F, H), lambda i: (0, 0)),
        ],
        out_specs=pl.BlockSpec((RB, H), lambda i: (i, 0)),
        out_shape=jax.ShapeDtypeStruct((N_PAD, H), jnp.float32),
    )(xp, W0)


def _tc_norm1(degp, h1):

    def body(degp_ref, h_ref, dis_ref, g_ref):
        dis = lax.rsqrt(degp_ref[0] + degp_ref[1] + 1.0)
        dis_ref[...] = dis
        g_ref[...] = dis * h_ref[...]

    return pl.pallas_call(
        body,
        grid=(GRID,),
        in_specs=[
            pl.BlockSpec((NC, RB, H), lambda i: (0, i, 0)),
            pl.BlockSpec((RB, H), lambda i: (i, 0)),
        ],
        out_specs=[
            pl.BlockSpec((RB, H), lambda i: (i, 0)),
            pl.BlockSpec((RB, H), lambda i: (i, 0)),
        ],
        out_shape=[
            jax.ShapeDtypeStruct((N_PAD, H), jnp.float32),
            jax.ShapeDtypeStruct((N_PAD, H), jnp.float32),
        ],
    )(degp, h1)


def _tc_layer(sp, g, dis, b, W):

    def body(s_ref, g_ref, dis_ref, b_ref, w_ref, out_ref):
        h = dis_ref[...] * (s_ref[0] + s_ref[1] + g_ref[...]) + b_ref[...]
        h = jnp.maximum(h, 0.0)
        out_ref[...] = dis_ref[...] * jnp.dot(
            h, w_ref[...], preferred_element_type=jnp.float32)

    return pl.pallas_call(
        body,
        grid=(GRID,),
        in_specs=[
            pl.BlockSpec((NC, RB, H), lambda i: (0, i, 0)),
            pl.BlockSpec((RB, H), lambda i: (i, 0)),
            pl.BlockSpec((RB, H), lambda i: (i, 0)),
            pl.BlockSpec((1, H), lambda i: (0, 0)),
            pl.BlockSpec((H, H), lambda i: (0, 0)),
        ],
        out_specs=pl.BlockSpec((RB, H), lambda i: (i, 0)),
        out_shape=jax.ShapeDtypeStruct((N_PAD, H), jnp.float32),
    )(sp, g, dis, b, W)


def _tc_head(sp, g, dis, b, batch_p, lin_W, lin_b):

    def body(s_ref, g_ref, dis_ref, b_ref, batch_ref, lw_ref, lb_ref,
             out_ref, acc_ref, cnt_ref):
        i = pl.program_id(0)

        @pl.when(i == 0)
        def _():
            acc_ref[...] = jnp.zeros_like(acc_ref)
            cnt_ref[...] = jnp.zeros_like(cnt_ref)

        h = dis_ref[...] * (s_ref[0] + s_ref[1] + g_ref[...]) + b_ref[...]
        h = jnp.maximum(h, 0.0)
        rows = lax.broadcasted_iota(jnp.int32, (RB, NG), 0) + i * RB
        gids = lax.broadcasted_iota(jnp.int32, (RB, NG), 1)
        onehot = jnp.where((batch_ref[...] == gids) & (rows < N), 1.0, 0.0)
        acc_ref[...] += lax.dot_general(
            onehot, h, (((0,), (0,)), ((), ())),
            preferred_element_type=jnp.float32)
        cnt_ref[...] += lax.dot_general(
            onehot, jnp.ones((RB, 1), jnp.float32), (((0,), (0,)), ((), ())),
            preferred_element_type=jnp.float32)

        @pl.when(i == GRID - 1)
        def _():
            pooled = acc_ref[...] / jnp.maximum(cnt_ref[...], 1.0)
            logits = jnp.dot(pooled, lw_ref[...],
                             preferred_element_type=jnp.float32) + lb_ref[...]
            logits = jnp.maximum(logits, 0.0)
            m = jnp.max(logits, axis=1, keepdims=True)
            lse = jnp.log(jnp.sum(jnp.exp(logits - m), axis=1,
                                  keepdims=True)) + m
            out_ref[...] = logits - lse

    return pl.pallas_call(
        body,
        grid=(GRID,),
        in_specs=[
            pl.BlockSpec((NC, RB, H), lambda i: (0, i, 0)),
            pl.BlockSpec((RB, H), lambda i: (i, 0)),
            pl.BlockSpec((RB, H), lambda i: (i, 0)),
            pl.BlockSpec((1, H), lambda i: (0, 0)),
            pl.BlockSpec((RB, 1), lambda i: (i, 0)),
            pl.BlockSpec((H, NCLS), lambda i: (0, 0)),
            pl.BlockSpec((1, NCLS), lambda i: (0, 0)),
        ],
        out_specs=pl.BlockSpec((NG, NCLS), lambda i: (0, 0)),
        out_shape=jax.ShapeDtypeStruct((NG, NCLS), jnp.float32),
        scratch_shapes=[
            pltpu.VMEM((NG, H), jnp.float32),
            pltpu.VMEM((NG, 1), jnp.float32),
        ],
    )(sp, g, dis, b, batch_p, lin_W, lin_b)


def kernel(x, edge_index, batch, W0, b0, W1, b1, W2, b2, lin_W, lin_b):
    ei = edge_index.astype(jnp.int32)
    pad = jnp.full((E_PAD - E,), N, jnp.int32)
    dstw = jnp.concatenate([ei[1], pad]).reshape(NW, CHUNKS, CW)
    pad_idx = jnp.full((EPW - E_TL,), N, jnp.int32)
    xp = jnp.pad(x, ((0, N_PAD - N), (0, 0)))
    batch_p = jnp.pad(batch.astype(jnp.int32), (0, N_PAD - N)).reshape(
        N_PAD, 1)
    zrows = jnp.zeros((RSL, H), jnp.float32)
    ones_rows = jnp.ones((CW, H), jnp.float32)

    degp = _sc_deg(ones_rows, dstw, zrows)
    h1 = _tc_matmul1(xp, W0)
    dis, g1 = _tc_norm1(degp, h1)
    s1 = _sc_scatter(g1, ei, dstw, pad_idx, zrows)
    g2 = _tc_layer(s1, g1, dis, b0.reshape(1, H), W1)
    s2 = _sc_scatter(g2, ei, dstw, pad_idx, zrows)
    g3 = _tc_layer(s2, g2, dis, b1.reshape(1, H), W2)
    s3 = _sc_scatter(g3, ei, dstw, pad_idx, zrows)
    return _tc_head(s3, g3, dis, b2.reshape(1, H), batch_p,
                    lin_W, lin_b.reshape(1, NCLS))

# --- scband reference (transcript-rebuilt; emitter-appended) ---
"""Pipeline reference for scband-gcn-30253749633693 (READ-ONLY COPY).

The authoritative reference and input builder live on the scoring server;
editing this copy changes nothing except your own understanding.
"""

import jax, jax.numpy as jnp
import numpy as np

NUM_NODES = 10000
NUM_EDGES = 320000
NUM_FEATURES = 128
HIDDEN = 32
NUM_CLASSES = 10
NUM_GRAPHS = 128


def setup_inputs(seed: int = 0) -> dict:
    key = jax.random.key(seed)
    ks = jax.random.split(key, 12)
    x = jax.random.normal(ks[0], (NUM_NODES, NUM_FEATURES), dtype=jnp.float32)
    edge_index = jax.random.randint(ks[1], (2, NUM_EDGES), 0, NUM_NODES, dtype=jnp.int64)
    batch = jnp.sort(jax.random.randint(ks[2], (NUM_NODES,), 0, NUM_GRAPHS, dtype=jnp.int64))
    def glorot(k, fan_in, fan_out):
        lim = jnp.sqrt(6.0 / (fan_in + fan_out))
        return jax.random.uniform(k, (fan_in, fan_out), dtype=jnp.float32, minval=-lim, maxval=lim)
    W0 = glorot(ks[3], NUM_FEATURES, HIDDEN)
    b0 = jnp.zeros((HIDDEN,), dtype=jnp.float32)
    W1 = glorot(ks[4], HIDDEN, HIDDEN)
    b1 = jnp.zeros((HIDDEN,), dtype=jnp.float32)
    W2 = glorot(ks[5], HIDDEN, HIDDEN)
    b2 = jnp.zeros((HIDDEN,), dtype=jnp.float32)
    lin_W = glorot(ks[6], HIDDEN, NUM_CLASSES)
    lin_b = jnp.zeros((NUM_CLASSES,), dtype=jnp.float32)
    return {"x": x, "edge_index": edge_index, "batch": batch,
            "W0": W0, "b0": b0, "W1": W1, "b1": b1, "W2": W2, "b2": b2,
            "lin_W": lin_W, "lin_b": lin_b}


def _gcn_conv(x, edge_index, W, b):
    # PyG-style GCNConv: add self-loops, symmetric deg^{-1/2} normalization,
    # linear transform, scatter-add aggregation.
    N = x.shape[0]
    loop = jnp.arange(N, dtype=edge_index.dtype)
    src = jnp.concatenate([edge_index[0], loop])
    dst = jnp.concatenate([edge_index[1], loop])
    h = x @ W
    deg = jnp.zeros((N,), dtype=h.dtype).at[dst].add(1.0)
    deg_inv_sqrt = jnp.where(deg > 0, jax.lax.rsqrt(deg), 0.0)
    norm = deg_inv_sqrt[src] * deg_inv_sqrt[dst]
    msg = h[src] * norm[:, None]
    out = jnp.zeros((N, h.shape[1]), dtype=h.dtype).at[dst].add(msg)
    return out + b


def reference(x, edge_index, batch, W0, b0, W1, b1, W2, b2, lin_W, lin_b):
    h = jax.nn.relu(_gcn_conv(x, edge_index, W0, b0))
    h = jax.nn.relu(_gcn_conv(h, edge_index, W1, b1))
    h = jax.nn.relu(_gcn_conv(h, edge_index, W2, b2))
    # global_mean_pool over graph batch assignment
    sums = jax.ops.segment_sum(h, batch, num_segments=NUM_GRAPHS)
    counts = jax.ops.segment_sum(jnp.ones((h.shape[0],), dtype=h.dtype), batch, num_segments=NUM_GRAPHS)
    pooled = sums / jnp.maximum(counts, 1.0)[:, None]
    logits = jax.nn.relu(pooled @ lin_W + lin_b)
    return jax.nn.log_softmax(logits, axis=1)

if __name__ == "__main__":
    import jax
    _d = setup_inputs()
    print(jax.jit(kernel)(*tuple(_d.values())))

</pallas_src>

<mosaic_0001>
#map = affine_map<(d0, d1) -> (0, 0)>
#map1 = affine_map<(d0, d1) -> (0, 0, 0)>
#map2 = affine_map<(d0, d1) -> (0)>
module attributes {stable_mosaic.version = 14 : i64} {
  func.func @k(%arg0: i32, %arg1: i32, %arg2: memref<10240x32xf32, #tpu.memory_space<hbm>>, %arg3: memref<2x320000xi32, #tpu.memory_space<hbm>>, %arg4: memref<32x80x128xi32, #tpu.memory_space<hbm>>, %arg5: memref<7680xi32, #tpu.memory_space<hbm>>, %arg6: memref<640x32xf32, #tpu.memory_space<hbm>>, %arg7: memref<2x10240x32xf32, #tpu.memory_space<hbm>>, %arg8: memref<10240xi32, #tpu.memory_space<vmem>>, %arg9: memref<80x128xi32, #tpu.memory_space<vmem>>, %arg10: memref<8x128x32xf32, #tpu.memory_space<vmem>>, %arg11: memref<10240x32xf32, #tpu.memory_space<vmem_shared>>, %arg12: memref<10240x32xf32, #tpu.memory_space<vmem_shared>>, %arg13: memref<!tpu.dma_semaphore, #tpu.memory_space<semaphore_mem>>, %arg14: memref<!tpu.dma_semaphore, #tpu.memory_space<semaphore_mem>>) attributes {dimension_semantics = [#tpu.dimension_semantics<core_parallel>, #tpu.dimension_semantics<subcore_parallel>], iteration_bounds = array<i64: 2, 16>, scalar_prefetch = 0 : i64, scratch_operands = 7 : i64, tpu.core_type = #tpu.core_type<sc_vector_subcore>, window_params = [{transform_indices = #map}, {transform_indices = #map}, {transform_indices = #map1}, {transform_indices = #map2}, {transform_indices = #map}, {transform_indices = #map1}]} {
    %mul3A = arith.constant 16 : i32
    %mul3A_0 = arith.muli %arg0, %mul3A : i32
    %add3A = arith.addi %mul3A_0, %arg1 : i32
    %mul3A_1 = arith.constant 640 : i32
    %mul3A_2 = arith.muli %arg1, %mul3A_1 : i32
    %mul3A_3 = arith.constant 640 : i32
    %mul3A_4 = arith.muli %arg1, %mul3A_3 : i32
    "tpu.region"() ({
      %run_scoped3A = tpu.sem_alloc : memref<!tpu.dma_semaphore, #tpu.memory_space<semaphore_mem>>
      %dma_start3A_105 = arith.constant 0 : i32
      %dma_start3A_106 = tpu.memref_slice %arg12[%mul3A_4, %dma_start3A_105] : memref<10240x32xf32, #tpu.memory_space<vmem_shared>> -> memref<640x32xf32, #tpu.memory_space<vmem_shared>>
      %dma_start3A_107 = arith.constant 0 : i32
      %dma_start3A_108 = tpu.memref_slice %arg2[%mul3A_2, %dma_start3A_107] : memref<10240x32xf32, #tpu.memory_space<hbm>> -> memref<640x32xf32, #tpu.memory_space<hbm>>
      tpu.enqueue_dma source(%dma_start3A_108 : memref<640x32xf32, #tpu.memory_space<hbm>>) target(%dma_start3A_106 : memref<640x32xf32, #tpu.memory_space<vmem_shared>>) target_semaphore(%run_scoped3A : memref<!tpu.dma_semaphore, #tpu.memory_space<semaphore_mem>>)
      %dma_wait3A_109 = arith.constant 0 : i32
      %dma_wait3A_110 = tpu.memref_slice %arg12[%mul3A_4, %dma_wait3A_109] : memref<10240x32xf32, #tpu.memory_space<vmem_shared>> -> memref<640x32xf32, #tpu.memory_space<vmem_shared>>
      %dma_wait3A_111 = arith.constant 0 : i32
      %dma_wait3A_112 = tpu.memref_slice %arg2[%mul3A_2, %dma_wait3A_111] : memref<10240x32xf32, #tpu.memory_space<hbm>> -> memref<640x32xf32, #tpu.memory_space<hbm>>
      tpu.wait_dma2 semaphore(%run_scoped3A : memref<!tpu.dma_semaphore, #tpu.memory_space<semaphore_mem>>) src(%dma_wait3A_112 : memref<640x32xf32, #tpu.memory_space<hbm>>) dst(%dma_wait3A_110 : memref<640x32xf32, #tpu.memory_space<vmem_shared>>)
      tpu.yield
    }) : () -> ()
    %mul3A_5 = arith.constant 640 : i32
    %mul3A_6 = arith.muli %arg1, %mul3A_5 : i32
    "tpu.region"() ({
      %run_scoped3A = tpu.sem_alloc : memref<!tpu.dma_semaphore, #tpu.memory_space<semaphore_mem>>
      %dma_start3A_105 = arith.constant 0 : i32
      %dma_start3A_106 = tpu.memref_slice %arg11[%mul3A_6, %dma_start3A_105] : memref<10240x32xf32, #tpu.memory_space<vmem_shared>> -> memref<640x32xf32, #tpu.memory_space<vmem_shared>>
      tpu.enqueue_dma source(%arg6 : memref<640x32xf32, #tpu.memory_space<hbm>>) target(%dma_start3A_106 : memref<640x32xf32, #tpu.memory_space<vmem_shared>>) target_semaphore(%run_scoped3A : memref<!tpu.dma_semaphore, #tpu.memory_space<semaphore_mem>>)
      %dma_wait3A_107 = arith.constant 0 : i32
      %dma_wait3A_108 = tpu.memref_slice %arg11[%mul3A_6, %dma_wait3A_107] : memref<10240x32xf32, #tpu.memory_space<vmem_shared>> -> memref<640x32xf32, #tpu.memory_space<vmem_shared>>
      tpu.wait_dma2 semaphore(%run_scoped3A : memref<!tpu.dma_semaphore, #tpu.memory_space<semaphore_mem>>) src(%arg6 : memref<640x32xf32, #tpu.memory_space<hbm>>) dst(%dma_wait3A_108 : memref<640x32xf32, #tpu.memory_space<vmem_shared>>)
      tpu.yield
    }) : () -> ()
    %lt3A = arith.constant 31 : i32
    %lt3A_7 = arith.cmpi slt, %add3A, %lt3A : i32
    %convert_element_type3A = arith.extui %lt3A_7 : i1 to i32
    %cond3A = arith.constant 0 : i32
    %cond3A_8 = arith.cmpi ne, %convert_element_type3A, %cond3A : i32
    scf.if %cond3A_8 {
      %mul3A_105 = arith.constant 10240 : i32
      %mul3A_106 = arith.muli %add3A, %mul3A_105 : i32
      %run_scoped3A = arith.constant 0 : i32
      "tpu.region"() ({
        %run_scoped3A_107 = tpu.sem_alloc : memref<!tpu.dma_semaphore, #tpu.memory_space<semaphore_mem>>
        %dma_start3A_108 = tpu.memref_slice %arg3[%run_scoped3A, %mul3A_106] : memref<2x320000xi32, #tpu.memory_space<hbm>> -> memref<1x10240xi32, #tpu.memory_space<hbm>>
        %dma_start3A_109 = tpu.memref_squeeze %dma_start3A_108 : memref<1x10240xi32, #tpu.memory_space<hbm>> -> memref<10240xi32, #tpu.memory_space<hbm>>
        %dma_start3A_110 = tpu.memref_slice %arg3[%run_scoped3A, %mul3A_106] : memref<2x320000xi32, #tpu.memory_space<hbm>> -> memref<1x10240xi32, #tpu.memory_space<hbm>>
        %dma_start3A_111 = tpu.memref_squeeze %dma_start3A_110 : memref<1x10240xi32, #tpu.memory_space<hbm>> -> memref<10240xi32, #tpu.memory_space<hbm>>
        tpu.enqueue_dma source(%dma_start3A_111 : memref<10240xi32, #tpu.memory_space<hbm>>) target(%arg8 : memref<10240xi32, #tpu.memory_space<vmem>>) target_semaphore(%run_scoped3A_107 : memref<!tpu.dma_semaphore, #tpu.memory_space<semaphore_mem>>)
        %dma_wait3A_112 = tpu.memref_slice %arg3[%run_scoped3A, %mul3A_106] : memref<2x320000xi32, #tpu.memory_space<hbm>> -> memref<1x10240xi32, #tpu.memory_space<hbm>>
        %dma_wait3A_113 = tpu.memref_squeeze %dma_wait3A_112 : memref<1x10240xi32, #tpu.memory_space<hbm>> -> memref<10240xi32, #tpu.memory_space<hbm>>
        %dma_wait3A_114 = tpu.memref_slice %arg3[%run_scoped3A, %mul3A_106] : memref<2x320000xi32, #tpu.memory_space<hbm>> -> memref<1x10240xi32, #tpu.memory_space<hbm>>
        %dma_wait3A_115 = tpu.memref_squeeze %dma_wait3A_114 : memref<1x10240xi32, #tpu.memory_space<hbm>> -> memref<10240xi32, #tpu.memory_space<hbm>>
        tpu.wait_dma2 semaphore(%run_scoped3A_107 : memref<!tpu.dma_semaphore, #tpu.memory_space<semaphore_mem>>) src(%dma_wait3A_115 : memref<10240xi32, #tpu.memory_space<hbm>>) dst(%arg8 : memref<10240xi32, #tpu.memory_space<vmem>>)
        tpu.yield
      }) : () -> ()
    } else {
    }
    %eq3A = arith.constant 31 : i32
    %eq3A_9 = arith.cmpi eq, %add3A, %eq3A : i32
    %convert_element_type3A_10 = arith.extui %eq3A_9 : i1 to i32
    %cond3A_11 = arith.constant 0 : i32
    %cond3A_12 = arith.cmpi ne, %convert_element_type3A_10, %cond3A_11 : i32
    scf.if %cond3A_12 {
      %run_scoped3A = arith.constant 0 : i32
      "tpu.region"() ({
        %run_scoped3A_105 = tpu.sem_alloc : memref<!tpu.dma_semaphore, #tpu.memory_space<semaphore_mem>>
        %dma_start3A_106 = arith.constant 0 : i32
        %dma_start3A_107 = tpu.memref_slice %arg8[%dma_start3A_106] : memref<10240xi32, #tpu.memory_space<vmem>> -> memref<2560xi32, #tpu.memory_space<vmem>>
        %dma_start3A_108 = arith.constant 317440 : i32
        %dma_start3A_109 = tpu.memref_slice %arg3[%run_scoped3A, %dma_start3A_108] : memref<2x320000xi32, #tpu.memory_space<hbm>> -> memref<1x2560xi32, #tpu.memory_space<hbm>>
        %dma_start3A_110 = tpu.memref_squeeze %dma_start3A_109 : memref<1x2560xi32, #tpu.memory_space<hbm>> -> memref<2560xi32, #tpu.memory_space<hbm>>
        %dma_start3A_111 = arith.constant 0 : i32
        %dma_start3A_112 = tpu.memref_slice %arg8[%dma_start3A_111] : memref<10240xi32, #tpu.memory_space<vmem>> -> memref<2560xi32, #tpu.memory_space<vmem>>
        %dma_start3A_113 = arith.constant 317440 : i32
        %dma_start3A_114 = tpu.memref_slice %arg3[%run_scoped3A, %dma_start3A_113] : memref<2x320000xi32, #tpu.memory_space<hbm>> -> memref<1x2560xi32, #tpu.memory_space<hbm>>
        %dma_start3A_115 = tpu.memref_squeeze %dma_start3A_114 : memref<1x2560xi32, #tpu.memory_space<hbm>> -> memref<2560xi32, #tpu.memory_space<hbm>>
        tpu.enqueue_dma source(%dma_start3A_115 : memref<2560xi32, #tpu.memory_space<hbm>>) target(%dma_start3A_112 : memref<2560xi32, #tpu.memory_space<vmem>>) target_semaphore(%run_scoped3A_105 : memref<!tpu.dma_semaphore, #tpu.memory_space<semaphore_mem>>)
        %dma_wait3A_116 = arith.constant 0 : i32
        %dma_wait3A_117 = tpu.memref_slice %arg8[%dma_wait3A_116] : memref<10240xi32, #tpu.memory_space<vmem>> -> memref<2560xi32, #tpu.memory_space<vmem>>
        %dma_wait3A_118 = arith.constant 317440 : i32
        %dma_wait3A_119 = tpu.memref_slice %arg3[%run_scoped3A, %dma_wait3A_118] : memref<2x320000xi32, #tpu.memory_space<hbm>> -> memref<1x2560xi32, #tpu.memory_space<hbm>>
        %dma_wait3A_120 = tpu.memref_squeeze %dma_wait3A_119 : memref<1x2560xi32, #tpu.memory_space<hbm>> -> memref<2560xi32, #tpu.memory_space<hbm>>
        %dma_wait3A_121 = arith.constant 0 : i32
        %dma_wait3A_122 = tpu.memref_slice %arg8[%dma_wait3A_121] : memref<10240xi32, #tpu.memory_space<vmem>> -> memref<2560xi32, #tpu.memory_space<vmem>>
        %dma_wait3A_123 = arith.constant 317440 : i32
        %dma_wait3A_124 = tpu.memref_slice %arg3[%run_scoped3A, %dma_wait3A_123] : memref<2x320000xi32, #tpu.memory_space<hbm>> -> memref<1x2560xi32, #tpu.memory_space<hbm>>
        %dma_wait3A_125 = tpu.memref_squeeze %dma_wait3A_124 : memref<1x2560xi32, #tpu.memory_space<hbm>> -> memref<2560xi32, #tpu.memory_space<hbm>>
        tpu.wait_dma2 semaphore(%run_scoped3A_105 : memref<!tpu.dma_semaphore, #tpu.memory_space<semaphore_mem>>) src(%dma_wait3A_125 : memref<2560xi32, #tpu.memory_space<hbm>>) dst(%dma_wait3A_122 : memref<2560xi32, #tpu.memory_space<vmem>>)
        tpu.yield
      }) : () -> ()
      "tpu.region"() ({
        %run_scoped3A_105 = tpu.sem_alloc : memref<!tpu.dma_semaphore, #tpu.memory_space<semaphore_mem>>
        %dma_start3A_106 = arith.constant 2560 : i32
        %dma_start3A_107 = tpu.memref_slice %arg8[%dma_start3A_106] : memref<10240xi32, #tpu.memory_space<vmem>> -> memref<7680xi32, #tpu.memory_space<vmem>>
        %dma_start3A_108 = arith.constant 2560 : i32
        %dma_start3A_109 = tpu.memref_slice %arg8[%dma_start3A_108] : memref<10240xi32, #tpu.memory_space<vmem>> -> memref<7680xi32, #tpu.memory_space<vmem>>
        tpu.enqueue_dma source(%arg5 : memref<7680xi32, #tpu.memory_space<hbm>>) target(%dma_start3A_109 : memref<7680xi32, #tpu.memory_space<vmem>>) target_semaphore(%run_scoped3A_105 : memref<!tpu.dma_semaphore, #tpu.memory_space<semaphore_mem>>)
        %dma_wait3A_110 = arith.constant 2560 : i32
        %dma_wait3A_111 = tpu.memref_slice %arg8[%dma_wait3A_110] : memref<10240xi32, #tpu.memory_space<vmem>> -> memref<7680xi32, #tpu.memory_space<vmem>>
        %dma_wait3A_112 = arith.constant 2560 : i32
        %dma_wait3A_113 = tpu.memref_slice %arg8[%dma_wait3A_112] : memref<10240xi32, #tpu.memory_space<vmem>> -> memref<7680xi32, #tpu.memory_space<vmem>>
        tpu.wait_dma2 semaphore(%run_scoped3A_105 : memref<!tpu.dma_semaphore, #tpu.memory_space<semaphore_mem>>) src(%arg5 : memref<7680xi32, #tpu.memory_space<hbm>>) dst(%dma_wait3A_113 : memref<7680xi32, #tpu.memory_space<vmem>>)
        tpu.yield
      }) : () -> ()
    } else {
    }
    "tpu.region"() ({
      %run_scoped3A = tpu.sem_alloc : memref<!tpu.dma_semaphore, #tpu.memory_space<semaphore_mem>>
      %dma_start3A_105 = arith.constant 0 : i32
      %dma_start3A_106 = arith.constant 0 : i32
      %dma_start3A_107 = tpu.memref_slice %arg4[%add3A, %dma_start3A_105, %dma_start3A_106] : memref<32x80x128xi32, #tpu.memory_space<hbm>> -> memref<1x80x128xi32, #tpu.memory_space<hbm>>
      %dma_start3A_108 = tpu.memref_squeeze %dma_start3A_107 : memref<1x80x128xi32, #tpu.memory_space<hbm>> -> memref<80x128xi32, #tpu.memory_space<hbm>>
      %dma_start3A_109 = arith.constant 0 : i32
      %dma_start3A_110 = arith.constant 0 : i32
      %dma_start3A_111 = tpu.memref_slice %arg4[%add3A, %dma_start3A_109, %dma_start3A_110] : memref<32x80x128xi32, #tpu.memory_space<hbm>> -> memref<1x80x128xi32, #tpu.memory_space<hbm>>
      %dma_start3A_112 = tpu.memref_squeeze %dma_start3A_111 : memref<1x80x128xi32, #tpu.memory_space<hbm>> -> memref<80x128xi32, #tpu.memory_space<hbm>>
      tpu.enqueue_dma source(%dma_start3A_112 : memref<80x128xi32, #tpu.memory_space<hbm>>) target(%arg9 : memref<80x128xi32, #tpu.memory_space<vmem>>) target_semaphore(%run_scoped3A : memref<!tpu.dma_semaphore, #tpu.memory_space<semaphore_mem>>)
      %dma_wait3A_113 = arith.constant 0 : i32
      %dma_wait3A_114 = arith.constant 0 : i32
      %dma_wait3A_115 = tpu.memref_slice %arg4[%add3A, %dma_wait3A_113, %dma_wait3A_114] : memref<32x80x128xi32, #tpu.memory_space<hbm>> -> memref<1x80x128xi32, #tpu.memory_space<hbm>>
      %dma_wait3A_116 = tpu.memref_squeeze %dma_wait3A_115 : memref<1x80x128xi32, #tpu.memory_space<hbm>> -> memref<80x128xi32, #tpu.memory_space<hbm>>
      %dma_wait3A_117 = arith.constant 0 : i32
      %dma_wait3A_118 = arith.constant 0 : i32
      %dma_wait3A_119 = tpu.memref_slice %arg4[%add3A, %dma_wait3A_117, %dma_wait3A_118] : memref<32x80x128xi32, #tpu.memory_space<hbm>> -> memref<1x80x128xi32, #tpu.memory_space<hbm>>
      %dma_wait3A_120 = tpu.memref_squeeze %dma_wait3A_119 : memref<1x80x128xi32, #tpu.memory_space<hbm>> -> memref<80x128xi32, #tpu.memory_space<hbm>>
      tpu.wait_dma2 semaphore(%run_scoped3A : memref<!tpu.dma_semaphore, #tpu.memory_space<semaphore_mem>>) src(%dma_wait3A_120 : memref<80x128xi32, #tpu.memory_space<hbm>>) dst(%arg9 : memref<80x128xi32, #tpu.memory_space<vmem>>)
      tpu.yield
    }) : () -> ()
    %barrier3A = arith.constant 0 : index
    tpu.barrier barrier_id(%barrier3A)
    %dma_start3A = arith.constant 0 : i32
    %dma_start3A_13 = arith.constant 0 : i32
    %dma_start3A_14 = arith.constant 0 : i32
    %dma_start3A_15 = tpu.memref_slice %arg10[%dma_start3A, %dma_start3A_13, %dma_start3A_14] : memref<8x128x32xf32, #tpu.memory_space<vmem>> -> memref<1x128x32xf32, #tpu.memory_space<vmem>>
    %dma_start3A_16 = tpu.memref_squeeze %dma_start3A_15 : memref<1x128x32xf32, #tpu.memory_space<vmem>> -> memref<128x32xf32, #tpu.memory_space<vmem>>
    %dma_start3A_17 = arith.constant 0 : i32
    %dma_start3A_18 = tpu.memref_slice %arg8[%dma_start3A_17] : memref<10240xi32, #tpu.memory_space<vmem>> -> memref<128xi32, #tpu.memory_space<vmem>>
    %dma_start3A_19 = arith.constant 0 : i32
    %dma_start3A_20 = arith.constant 0 : i32
    %dma_start3A_21 = tpu.memref_slice %arg12[%dma_start3A_19, %dma_start3A_20] : memref<10240x32xf32, #tpu.memory_space<vmem_shared>> -> memref<10240x32xf32, #tpu.memory_space<vmem_shared>>
    tpu.enqueue_indirect_dma source(%dma_start3A_21 : memref<10240x32xf32, #tpu.memory_space<vmem_shared>>) target(%dma_start3A_16 : memref<128x32xf32, #tpu.memory_space<vmem>>) offsets(%dma_start3A_18 : memref<128xi32, #tpu.memory_space<vmem>>) semaphore(%arg13 : memref<!tpu.dma_semaphore, #tpu.memory_space<semaphore_mem>>)
    %dma_start3A_22 = arith.constant 1 : i32
    %dma_start3A_23 = arith.constant 0 : i32
    %dma_start3A_24 = arith.constant 0 : i32
    %dma_start3A_25 = tpu.memref_slice %arg10[%dma_start3A_22, %dma_start3A_23, %dma_start3A_24] : memref<8x128x32xf32, #tpu.memory_space<vmem>> -> memref<1x128x32xf32, #tpu.memory_space<vmem>>
    %dma_start3A_26 = tpu.memref_squeeze %dma_start3A_25 : memref<1x128x32xf32, #tpu.memory_space<vmem>> -> memref<128x32xf32, #tpu.memory_space<vmem>>
    %dma_start3A_27 = arith.constant 128 : i32
    %dma_start3A_28 = tpu.memref_slice %arg8[%dma_start3A_27] : memref<10240xi32, #tpu.memory_space<vmem>> -> memref<128xi32, #tpu.memory_space<vmem>>
    %dma_start3A_29 = arith.constant 0 : i32
    %dma_start3A_30 = arith.constant 0 : i32
    %dma_start3A_31 = tpu.memref_slice %arg12[%dma_start3A_29, %dma_start3A_30] : memref<10240x32xf32, #tpu.memory_space<vmem_shared>> -> memref<10240x32xf32, #tpu.memory_space<vmem_shared>>
    tpu.enqueue_indirect_dma source(%dma_start3A_31 : memref<10240x32xf32, #tpu.memory_space<vmem_shared>>) target(%dma_start3A_26 : memref<128x32xf32, #tpu.memory_space<vmem>>) offsets(%dma_start3A_28 : memref<128xi32, #tpu.memory_space<vmem>>) semaphore(%arg13 : memref<!tpu.dma_semaphore, #tpu.memory_space<semaphore_mem>>)
    %dma_start3A_32 = arith.constant 2 : i32
    %dma_start3A_33 = arith.constant 0 : i32
    %dma_start3A_34 = arith.constant 0 : i32
    %dma_start3A_35 = tpu.memref_slice %arg10[%dma_start3A_32, %dma_start3A_33, %dma_start3A_34] : memref<8x128x32xf32, #tpu.memory_space<vmem>> -> memref<1x128x32xf32, #tpu.memory_space<vmem>>
    %dma_start3A_36 = tpu.memref_squeeze %dma_start3A_35 : memref<1x128x32xf32, #tpu.memory_space<vmem>> -> memref<128x32xf32, #tpu.memory_space<vmem>>
    %dma_start3A_37 = arith.constant 256 : i32
    %dma_start3A_38 = tpu.memref_slice %arg8[%dma_start3A_37] : memref<10240xi32, #tpu.memory_space<vmem>> -> memref<128xi32, #tpu.memory_space<vmem>>
    %dma_start3A_39 = arith.constant 0 : i32
    %dma_start3A_40 = arith.constant 0 : i32
    %dma_start3A_41 = tpu.memref_slice %arg12[%dma_start3A_39, %dma_start3A_40] : memref<10240x32xf32, #tpu.memory_space<vmem_shared>> -> memref<10240x32xf32, #tpu.memory_space<vmem_shared>>
    tpu.enqueue_indirect_dma source(%dma_start3A_41 : memref<10240x32xf32, #tpu.memory_space<vmem_shared>>) target(%dma_start3A_36 : memref<128x32xf32, #tpu.memory_space<vmem>>) offsets(%dma_start3A_38 : memref<128xi32, #tpu.memory_space<vmem>>) semaphore(%arg13 : memref<!tpu.dma_semaphore, #tpu.memory_space<semaphore_mem>>)
    %dma_start3A_42 = arith.constant 3 : i32
    %dma_start3A_43 = arith.constant 0 : i32
    %dma_start3A_44 = arith.constant 0 : i32
    %dma_start3A_45 = tpu.memref_slice %arg10[%dma_start3A_42, %dma_start3A_43, %dma_start3A_44] : memref<8x128x32xf32, #tpu.memory_space<vmem>> -> memref<1x128x32xf32, #tpu.memory_space<vmem>>
    %dma_start3A_46 = tpu.memref_squeeze %dma_start3A_45 : memref<1x128x32xf32, #tpu.memory_space<vmem>> -> memref<128x32xf32, #tpu.memory_space<vmem>>
    %dma_start3A_47 = arith.constant 384 : i32
    %dma_start3A_48 = tpu.memref_slice %arg8[%dma_start3A_47] : memref<10240xi32, #tpu.memory_space<vmem>> -> memref<128xi32, #tpu.memory_space<vmem>>
    %dma_start3A_49 = arith.constant 0 : i32
    %dma_start3A_50 = arith.constant 0 : i32
    %dma_start3A_51 = tpu.memref_slice %arg12[%dma_start3A_49, %dma_start3A_50] : memref<10240x32xf32, #tpu.memory_space<vmem_shared>> -> memref<10240x32xf32, #tpu.memory_space<vmem_shared>>
    tpu.enqueue_indirect_dma source(%dma_start3A_51 : memref<10240x32xf32, #tpu.memory_space<vmem_shared>>) target(%dma_start3A_46 : memref<128x32xf32, #tpu.memory_space<vmem>>) offsets(%dma_start3A_48 : memref<128xi32, #tpu.memory_space<vmem>>) semaphore(%arg13 : memref<!tpu.dma_semaphore, #tpu.memory_space<semaphore_mem>>)
    %dma_start3A_52 = arith.constant 4 : i32
    %dma_start3A_53 = arith.constant 0 : i32
    %dma_start3A_54 = arith.constant 0 : i32
    %dma_start3A_55 = tpu.memref_slice %arg10[%dma_start3A_52, %dma_start3A_53, %dma_start3A_54] : memref<8x128x32xf32, #tpu.memory_space<vmem>> -> memref<1x128x32xf32, #tpu.memory_space<vmem>>
    %dma_start3A_56 = tpu.memref_squeeze %dma_start3A_55 : memref<1x128x32xf32, #tpu.memory_space<vmem>> -> memref<128x32xf32, #tpu.memory_space<vmem>>
    %dma_start3A_57 = arith.constant 512 : i32
    %dma_start3A_58 = tpu.memref_slice %arg8[%dma_start3A_57] : memref<10240xi32, #tpu.memory_space<vmem>> -> memref<128xi32, #tpu.memory_space<vmem>>
    %dma_start3A_59 = arith.constant 0 : i32
    %dma_start3A_60 = arith.constant 0 : i32
    %dma_start3A_61 = tpu.memref_slice %arg12[%dma_start3A_59, %dma_start3A_60] : memref<10240x32xf32, #tpu.memory_space<vmem_shared>> -> memref<10240x32xf32, #tpu.memory_space<vmem_shared>>
    tpu.enqueue_indirect_dma source(%dma_start3A_61 : memref<10240x32xf32, #tpu.memory_space<vmem_shared>>) target(%dma_start3A_56 : memref<128x32xf32, #tpu.memory_space<vmem>>) offsets(%dma_start3A_58 : memref<128xi32, #tpu.memory_space<vmem>>) semaphore(%arg13 : memref<!tpu.dma_semaphore, #tpu.memory_space<semaphore_mem>>)
    %dma_start3A_62 = arith.constant 5 : i32
    %dma_start3A_63 = arith.constant 0 : i32
    %dma_start3A_64 = arith.constant 0 : i32
    %dma_start3A_65 = tpu.memref_slice %arg10[%dma_start3A_62, %dma_start3A_63, %dma_start3A_64] : memref<8x128x32xf32, #tpu.memory_space<vmem>> -> memref<1x128x32xf32, #tpu.memory_space<vmem>>
    %dma_start3A_66 = tpu.memref_squeeze %dma_start3A_65 : memref<1x128x32xf32, #tpu.memory_space<vmem>> -> memref<128x32xf32, #tpu.memory_space<vmem>>
    %dma_start3A_67 = arith.constant 640 : i32
    %dma_start3A_68 = tpu.memref_slice %arg8[%dma_start3A_67] : memref<10240xi32, #tpu.memory_space<vmem>> -> memref<128xi32, #tpu.memory_space<vmem>>
    %dma_start3A_69 = arith.constant 0 : i32
    %dma_start3A_70 = arith.constant 0 : i32
    %dma_start3A_71 = tpu.memref_slice %arg12[%dma_start3A_69, %dma_start3A_70] : memref<10240x32xf32, #tpu.memory_space<vmem_shared>> -> memref<10240x32xf32, #tpu.memory_space<vmem_shared>>
    tpu.enqueue_indirect_dma source(%dma_start3A_71 : memref<10240x32xf32, #tpu.memory_space<vmem_shared>>) target(%dma_start3A_66 : memref<128x32xf32, #tpu.memory_space<vmem>>) offsets(%dma_start3A_68 : memref<128xi32, #tpu.memory_space<vmem>>) semaphore(%arg13 : memref<!tpu.dma_semaphore, #tpu.memory_space<semaphore_mem>>)
    %scan3A = arith.constant 0 : i32
    %scan3A_72 = arith.constant 0 : i32
    %scan3A_73 = arith.constant 10 : i32
    %scan3A_74 = arith.addi %scan3A_72, %scan3A_73 : i32
    %scan3A_75 = arith.constant 1 : i32
    scf.for %scan3A_105 = %scan3A_72 to %scan3A_74 step %scan3A_75  : i32 {
      %mul3A_106 = arith.constant 8 : i32
      %mul3A_107 = arith.muli %mul3A_106, %scan3A_105 : i32
      %add3A_108 = arith.constant 0 : i32
      %add3A_109 = arith.addi %mul3A_107, %add3A_108 : i32
      %dma_wait3A_110 = arith.constant 0 : i32
      %dma_wait3A_111 = arith.constant 0 : i32
      %dma_wait3A_112 = arith.constant 0 : i32
      %dma_wait3A_113 = tpu.memref_slice %arg10[%dma_wait3A_110, %dma_wait3A_111, %dma_wait3A_112] : memref<8x128x32xf32, #tpu.memory_space<vmem>> -> memref<1x128x32xf32, #tpu.memory_space<vmem>>
      %dma_wait3A_114 = tpu.memref_squeeze %dma_wait3A_113 : memref<1x128x32xf32, #tpu.memory_space<vmem>> -> memref<128x32xf32, #tpu.memory_space<vmem>>
      %dma_wait3A_115 = arith.constant 0 : i32
      %dma_wait3A_116 = tpu.memref_slice %arg8[%dma_wait3A_115] : memref<10240xi32, #tpu.memory_space<vmem>> -> memref<128xi32, #tpu.memory_space<vmem>>
      %dma_wait3A_117 = arith.constant 0 : i32
      %dma_wait3A_118 = arith.constant 0 : i32
      %dma_wait3A_119 = tpu.memref_slice %arg12[%dma_wait3A_117, %dma_wait3A_118] : memref<10240x32xf32, #tpu.memory_space<vmem_shared>> -> memref<10240x32xf32, #tpu.memory_space<vmem_shared>>
      tpu.wait_indirect_dma semaphore(%arg13 : memref<!tpu.dma_semaphore, #tpu.memory_space<semaphore_mem>>) src(%dma_wait3A_119 : memref<10240x32xf32, #tpu.memory_space<vmem_shared>>) dst(%dma_wait3A_114 : memref<128x32xf32, #tpu.memory_space<vmem>>)
      %dma_start3A_120 = arith.constant 0 : i32
      %dma_start3A_121 = arith.constant 0 : i32
      %dma_start3A_122 = arith.constant 0 : i32
      %dma_start3A_123 = tpu.memref_slice %arg10[%dma_start3A_120, %dma_start3A_121, %dma_start3A_122] : memref<8x128x32xf32, #tpu.memory_space<vmem>> -> memref<1x128x32xf32, #tpu.memory_space<vmem>>
      %dma_start3A_124 = tpu.memref_squeeze %dma_start3A_123 : memref<1x128x32xf32, #tpu.memory_space<vmem>> -> memref<128x32xf32, #tpu.memory_space<vmem>>
      %dma_start3A_125 = arith.constant 0 : i32
      %dma_start3A_126 = tpu.memref_slice %arg9[%add3A_109, %dma_start3A_125] : memref<80x128xi32, #tpu.memory_space<vmem>> -> memref<1x128xi32, #tpu.memory_space<vmem>>
      %dma_start3A_127 = tpu.memref_squeeze %dma_start3A_126 : memref<1x128xi32, #tpu.memory_space<vmem>> -> memref<128xi32, #tpu.memory_space<vmem>>
      %dma_start3A_128 = arith.constant 0 : i32
      %dma_start3A_129 = arith.constant 0 : i32
      %dma_start3A_130 = tpu.memref_slice %arg11[%dma_start3A_128, %dma_start3A_129] : memref<10240x32xf32, #tpu.memory_space<vmem_shared>> -> memref<10240x32xf32, #tpu.memory_space<vmem_shared>>
      tpu.enqueue_indirect_dma source(%dma_start3A_124 : memref<128x32xf32, #tpu.memory_space<vmem>>) target(%dma_start3A_130 : memref<10240x32xf32, #tpu.memory_space<vmem_shared>>) offsets(%dma_start3A_127 : memref<128xi32, #tpu.memory_space<vmem>>) semaphore(%arg14 : memref<!tpu.dma_semaphore, #tpu.memory_space<semaphore_mem>>) {add = true}
      %ge3A = arith.constant 2 : i32
      %ge3A_131 = arith.cmpi sge, %add3A_109, %ge3A : i32
      %convert_element_type3A_132 = arith.extui %ge3A_131 : i1 to i32
      %cond3A_133 = arith.constant 0 : i32
      %cond3A_134 = arith.cmpi ne, %convert_element_type3A_132, %cond3A_133 : i32
      scf.if %cond3A_134 {
        %dma_wait3A_387 = arith.constant 0 : i32
        %dma_wait3A_388 = arith.constant 0 : i32
        %dma_wait3A_389 = arith.constant 0 : i32
        %dma_wait3A_390 = arith.constant 0 : i32
        %dma_wait3A_391 = tpu.memref_slice %arg10[%dma_wait3A_387, %dma_wait3A_389, %dma_wait3A_390] : memref<8x128x32xf32, #tpu.memory_space<vmem>> -> memref<1x128x32xf32, #tpu.memory_space<vmem>>
        %dma_wait3A_392 = tpu.memref_squeeze %dma_wait3A_391 : memref<1x128x32xf32, #tpu.memory_space<vmem>> -> memref<128x32xf32, #tpu.memory_space<vmem>>
        %dma_wait3A_393 = arith.constant 0 : i32
        %dma_wait3A_394 = tpu.memref_slice %arg9[%dma_wait3A_388, %dma_wait3A_393] : memref<80x128xi32, #tpu.memory_space<vmem>> -> memref<1x128xi32, #tpu.memory_space<vmem>>
        %dma_wait3A_395 = tpu.memref_squeeze %dma_wait3A_394 : memref<1x128xi32, #tpu.memory_space<vmem>> -> memref<128xi32, #tpu.memory_space<vmem>>
        %dma_wait3A_396 = arith.constant 0 : i32
        %dma_wait3A_397 = arith.constant 0 : i32
        %dma_wait3A_398 = tpu.memref_slice %arg11[%dma_wait3A_396, %dma_wait3A_397] : memref<10240x32xf32, #tpu.memory_space<vmem_shared>> -> memref<10240x32xf32, #tpu.memory_space<vmem_shared>>
        tpu.wait_indirect_dma semaphore(%arg14 : memref<!tpu.dma_semaphore, #tpu.memory_space<semaphore_mem>>) src(%dma_wait3A_392 : memref<128x32xf32, #tpu.memory_space<vmem>>) dst(%dma_wait3A_398 : memref<10240x32xf32, #tpu.memory_space<vmem_shared>>)
      } else {
      }
      %add3A_135 = arith.constant 6 : i32
      %add3A_136 = arith.addi %add3A_109, %add3A_135 : i32
      %lt3A_137 = arith.constant 80 : i32
      %lt3A_138 = arith.cmpi slt, %add3A_136, %lt3A_137 : i32
      %convert_element_type3A_139 = arith.extui %lt3A_138 : i1 to i32
      %cond3A_140 = arith.constant 0 : i32
      %cond3A_141 = arith.cmpi ne, %convert_element_type3A_139, %cond3A_140 : i32
      scf.if %cond3A_141 {
        %add3A_387 = arith.constant 6 : i32
        %add3A_388 = arith.addi %add3A_109, %add3A_387 : i32
        %mul3A_389 = arith.constant 128 : i32
        %mul3A_390 = arith.muli %add3A_388, %mul3A_389 : i32
        %dma_start3A_391 = arith.constant 6 : i32
        %dma_start3A_392 = arith.constant 0 : i32
        %dma_start3A_393 = arith.constant 0 : i32
        %dma_start3A_394 = tpu.memref_slice %arg10[%dma_start3A_391, %dma_start3A_392, %dma_start3A_393] : memref<8x128x32xf32, #tpu.memory_space<vmem>> -> memref<1x128x32xf32, #tpu.memory_space<vmem>>
        %dma_start3A_395 = tpu.memref_squeeze %dma_start3A_394 : memref<1x128x32xf32, #tpu.memory_space<vmem>> -> memref<128x32xf32, #tpu.memory_space<vmem>>
        %dma_start3A_396 = tpu.memref_slice %arg8[%mul3A_390] : memref<10240xi32, #tpu.memory_space<vmem>> -> memref<128xi32, #tpu.memory_space<vmem>>
        %dma_start3A_397 = arith.constant 0 : i32
        %dma_start3A_398 = arith.constant 0 : i32
        %dma_start3A_399 = tpu.memref_slice %arg12[%dma_start3A_397, %dma_start3A_398] : memref<10240x32xf32, #tpu.memory_space<vmem_shared>> -> memref<10240x32xf32, #tpu.memory_space<vmem_shared>>
        tpu.enqueue_indirect_dma source(%dma_start3A_399 : memref<10240x32xf32, #tpu.memory_space<vmem_shared>>) target(%dma_start3A_395 : memref<128x32xf32, #tpu.memory_space<vmem>>) offsets(%dma_start3A_396 : memref<128xi32, #tpu.memory_space<vmem>>) semaphore(%arg13 : memref<!tpu.dma_semaphore, #tpu.memory_space<semaphore_mem>>)
      } else {
      }
      %add3A_142 = arith.constant 1 : i32
      %add3A_143 = arith.addi %mul3A_107, %add3A_142 : i32
      %dma_wait3A_144 = arith.constant 1 : i32
      %dma_wait3A_145 = arith.constant 0 : i32
      %dma_wait3A_146 = arith.constant 0 : i32
      %dma_wait3A_147 = tpu.memref_slice %arg10[%dma_wait3A_144, %dma_wait3A_145, %dma_wait3A_146] : memref<8x128x32xf32, #tpu.memory_space<vmem>> -> memref<1x128x32xf32, #tpu.memory_space<vmem>>
      %dma_wait3A_148 = tpu.memref_squeeze %dma_wait3A_147 : memref<1x128x32xf32, #tpu.memory_space<vmem>> -> memref<128x32xf32, #tpu.memory_space<vmem>>
      %dma_wait3A_149 = arith.constant 0 : i32
      %dma_wait3A_150 = tpu.memref_slice %arg8[%dma_wait3A_149] : memref<10240xi32, #tpu.memory_space<vmem>> -> memref<128xi32, #tpu.memory_space<vmem>>
      %dma_wait3A_151 = arith.constant 0 : i32
      %dma_wait3A_152 = arith.constant 0 : i32
      %dma_wait3A_153 = tpu.memref_slice %arg12[%dma_wait3A_151, %dma_wait3A_152] : memref<10240x32xf32, #tpu.memory_space<vmem_shared>> -> memref<10240x32xf32, #tpu.memory_space<vmem_shared>>
      tpu.wait_indirect_dma semaphore(%arg13 : memref<!tpu.dma_semaphore, #tpu.memory_space<semaphore_mem>>) src(%dma_wait3A_153 : memref<10240x32xf32, #tpu.memory_space<vmem_shared>>) dst(%dma_wait3A_148 : memref<128x32xf32, #tpu.memory_space<vmem>>)
      %dma_start3A_154 = arith.constant 1 : i32
      %dma_start3A_155 = arith.constant 0 : i32
      %dma_start3A_156 = arith.constant 0 : i32
      %dma_start3A_157 = tpu.memref_slice %arg10[%dma_start3A_154, %dma_start3A_155, %dma_start3A_156] : memref<8x128x32xf32, #tpu.memory_space<vmem>> -> memref<1x128x32xf32, #tpu.memory_space<vmem>>
      %dma_start3A_158 = tpu.memref_squeeze %dma_start3A_157 : memref<1x128x32xf32, #tpu.memory_space<vmem>> -> memref<128x32xf32, #tpu.memory_space<vmem>>
      %dma_start3A_159 = arith.constant 0 : i32
      %dma_start3A_160 = tpu.memref_slice %arg9[%add3A_143, %dma_start3A_159] : memref<80x128xi32, #tpu.memory_space<vmem>> -> memref<1x128xi32, #tpu.memory_space<vmem>>
      %dma_start3A_161 = tpu.memref_squeeze %dma_start3A_160 : memref<1x128xi32, #tpu.memory_space<vmem>> -> memref<128xi32, #tpu.memory_space<vmem>>
      %dma_start3A_162 = arith.constant 0 : i32
      %dma_start3A_163 = arith.constant 0 : i32
      %dma_start3A_164 = tpu.memref_slice %arg11[%dma_start3A_162, %dma_start3A_163] : memref<10240x32xf32, #tpu.memory_space<vmem_shared>> -> memref<10240x32xf32, #tpu.memory_space<vmem_shared>>
      tpu.enqueue_indirect_dma source(%dma_start3A_158 : memref<128x32xf32, #tpu.memory_space<vmem>>) target(%dma_start3A_164 : memref<10240x32xf32, #tpu.memory_space<vmem_shared>>) offsets(%dma_start3A_161 : memref<128xi32, #tpu.memory_space<vmem>>) semaphore(%arg14 : memref<!tpu.dma_semaphore, #tpu.memory_space<semaphore_mem>>) {add = true}
      %ge3A_165 = arith.constant 2 : i32
      %ge3A_166 = arith.cmpi sge, %add3A_143, %ge3A_165 : i32
      %convert_element_type3A_167 = arith.extui %ge3A_166 : i1 to i32
      %cond3A_168 = arith.constant 0 : i32
      %cond3A_169 = arith.cmpi ne, %convert_element_type3A_167, %cond3A_168 : i32
      scf.if %cond3A_169 {
        %dma_wait3A_387 = arith.constant 1 : i32
        %dma_wait3A_388 = arith.constant 0 : i32
        %dma_wait3A_389 = arith.constant 0 : i32
        %dma_wait3A_390 = arith.constant 0 : i32
        %dma_wait3A_391 = tpu.memref_slice %arg10[%dma_wait3A_387, %dma_wait3A_389, %dma_wait3A_390] : memref<8x128x32xf32, #tpu.memory_space<vmem>> -> memref<1x128x32xf32, #tpu.memory_space<vmem>>
        %dma_wait3A_392 = tpu.memref_squeeze %dma_wait3A_391 : memref<1x128x32xf32, #tpu.memory_space<vmem>> -> memref<128x32xf32, #tpu.memory_space<vmem>>
        %dma_wait3A_393 = arith.constant 0 : i32
        %dma_wait3A_394 = tpu.memref_slice %arg9[%dma_wait3A_388, %dma_wait3A_393] : memref<80x128xi32, #tpu.memory_space<vmem>> -> memref<1x128xi32, #tpu.memory_space<vmem>>
        %dma_wait3A_395 = tpu.memref_squeeze %dma_wait3A_394 : memref<1x128xi32, #tpu.memory_space<vmem>> -> memref<128xi32, #tpu.memory_space<vmem>>
        %dma_wait3A_396 = arith.constant 0 : i32
        %dma_wait3A_397 = arith.constant 0 : i32
        %dma_wait3A_398 = tpu.memref_slice %arg11[%dma_wait3A_396, %dma_wait3A_397] : memref<10240x32xf32, #tpu.memory_space<vmem_shared>> -> memref<10240x32xf32, #tpu.memory_space<vmem_shared>>
        tpu.wait_indirect_dma semaphore(%arg14 : memref<!tpu.dma_semaphore, #tpu.memory_space<semaphore_mem>>) src(%dma_wait3A_392 : memref<128x32xf32, #tpu.memory_space<vmem>>) dst(%dma_wait3A_398 : memref<10240x32xf32, #tpu.memory_space<vmem_shared>>)
      } else {
      }
      %add3A_170 = arith.constant 6 : i32
      %add3A_171 = arith.addi %add3A_143, %add3A_170 : i32
      %lt3A_172 = arith.constant 80 : i32
      %lt3A_173 = arith.cmpi slt, %add3A_171, %lt3A_172 : i32
      %convert_element_type3A_174 = arith.extui %lt3A_173 : i1 to i32
      %cond3A_175 = arith.constant 0 : i32
      %cond3A_176 = arith.cmpi ne, %convert_element_type3A_174, %cond3A_175 : i32
      scf.if %cond3A_176 {
        %add3A_387 = arith.constant 6 : i32
        %add3A_388 = arith.addi %add3A_143, %add3A_387 : i32
        %mul3A_389 = arith.constant 128 : i32
        %mul3A_390 = arith.muli %add3A_388, %mul3A_389 : i32
        %dma_start3A_391 = arith.constant 7 : i32
        %dma_start3A_392 = arith.constant 0 : i32
        %dma_start3A_393 = arith.constant 0 : i32
        %dma_start3A_394 = tpu.memref_slice %arg10[%dma_start3A_391, %dma_start3A_392, %dma_start3A_393] : memref<8x128x32xf32, #tpu.memory_space<vmem>> -> memref<1x128x32xf32, #tpu.memory_space<vmem>>
        %dma_start3A_395 = tpu.memref_squeeze %dma_start3A_394 : memref<1x128x32xf32, #tpu.memory_space<vmem>> -> memref<128x32xf32, #tpu.memory_space<vmem>>
        %dma_start3A_396 = tpu.memref_slice %arg8[%mul3A_390] : memref<10240xi32, #tpu.memory_space<vmem>> -> memref<128xi32, #tpu.memory_space<vmem>>
        %dma_start3A_397 = arith.constant 0 : i32
        %dma_start3A_398 = arith.constant 0 : i32
        %dma_start3A_399 = tpu.memref_slice %arg12[%dma_start3A_397, %dma_start3A_398] : memref<10240x32xf32, #tpu.memory_space<vmem_shared>> -> memref<10240x32xf32, #tpu.memory_space<vmem_shared>>
        tpu.enqueue_indirect_dma source(%dma_start3A_399 : memref<10240x32xf32, #tpu.memory_space<vmem_shared>>) target(%dma_start3A_395 : memref<128x32xf32, #tpu.memory_space<vmem>>) offsets(%dma_start3A_396 : memref<128xi32, #tpu.memory_space<vmem>>) semaphore(%arg13 : memref<!tpu.dma_semaphore, #tpu.memory_space<semaphore_mem>>)
      } else {
      }
      %add3A_177 = arith.constant 2 : i32
      %add3A_178 = arith.addi %mul3A_107, %add3A_177 : i32
      %dma_wait3A_179 = arith.constant 2 : i32
      %dma_wait3A_180 = arith.constant 0 : i32
      %dma_wait3A_181 = arith.constant 0 : i32
      %dma_wait3A_182 = tpu.memref_slice %arg10[%dma_wait3A_179, %dma_wait3A_180, %dma_wait3A_181] : memref<8x128x32xf32, #tpu.memory_space<vmem>> -> memref<1x128x32xf32, #tpu.memory_space<vmem>>
      %dma_wait3A_183 = tpu.memref_squeeze %dma_wait3A_182 : memref<1x128x32xf32, #tpu.memory_space<vmem>> -> memref<128x32xf32, #tpu.memory_space<vmem>>
      %dma_wait3A_184 = arith.constant 0 : i32
      %dma_wait3A_185 = tpu.memref_slice %arg8[%dma_wait3A_184] : memref<10240xi32, #tpu.memory_space<vmem>> -> memref<128xi32, #tpu.memory_space<vmem>>
      %dma_wait3A_186 = arith.constant 0 : i32
      %dma_wait3A_187 = arith.constant 0 : i32
      %dma_wait3A_188 = tpu.memref_slice %arg12[%dma_wait3A_186, %dma_wait3A_187] : memref<10240x32xf32, #tpu.memory_space<vmem_shared>> -> memref<10240x32xf32, #tpu.memory_space<vmem_shared>>
      tpu.wait_indirect_dma semaphore(%arg13 : memref<!tpu.dma_semaphore, #tpu.memory_space<semaphore_mem>>) src(%dma_wait3A_188 : memref<10240x32xf32, #tpu.memory_space<vmem_shared>>) dst(%dma_wait3A_183 : memref<128x32xf32, #tpu.memory_space<vmem>>)
      %dma_start3A_189 = arith.constant 2 : i32
      %dma_start3A_190 = arith.constant 0 : i32
      %dma_start3A_191 = arith.constant 0 : i32
      %dma_start3A_192 = tpu.memref_slice %arg10[%dma_start3A_189, %dma_start3A_190, %dma_start3A_191] : memref<8x128x32xf32, #tpu.memory_space<vmem>> -> memref<1x128x32xf32, #tpu.memory_space<vmem>>
      %dma_start3A_193 = tpu.memref_squeeze %dma_start3A_192 : memref<1x128x32xf32, #tpu.memory_space<vmem>> -> memref<128x32xf32, #tpu.memory_space<vmem>>
      %dma_start3A_194 = arith.constant 0 : i32
      %dma_start3A_195 = tpu.memref_slice %arg9[%add3A_178, %dma_start3A_194] : memref<80x128xi32, #tpu.memory_space<vmem>> -> memref<1x128xi32, #tpu.memory_space<vmem>>
      %dma_start3A_196 = tpu.memref_squeeze %dma_start3A_195 : memref<1x128xi32, #tpu.memory_space<vmem>> -> memref<128xi32, #tpu.memory_space<vmem>>
      %dma_start3A_197 = arith.constant 0 : i32
      %dma_start3A_198 = arith.constant 0 : i32
      %dma_start3A_199 = tpu.memref_slice %arg11[%dma_start3A_197, %dma_start3A_198] : memref<10240x32xf32, #tpu.memory_space<vmem_shared>> -> memref<10240x32xf32, #tpu.memory_space<vmem_shared>>
      tpu.enqueue_indirect_dma source(%dma_start3A_193 : memref<128x32xf32, #tpu.memory_space<vmem>>) target(%dma_start3A_199 : memref<10240x32xf32, #tpu.memory_space<vmem_shared>>) offsets(%dma_start3A_196 : memref<128xi32, #tpu.memory_space<vmem>>) semaphore(%arg14 : memref<!tpu.dma_semaphore, #tpu.memory_space<semaphore_mem>>) {add = true}
      %ge3A_200 = arith.constant 2 : i32
      %ge3A_201 = arith.cmpi sge, %add3A_178, %ge3A_200 : i32
      %convert_element_type3A_202 = arith.extui %ge3A_201 : i1 to i32
      %cond3A_203 = arith.constant 0 : i32
      %cond3A_204 = arith.cmpi ne, %convert_element_type3A_202, %cond3A_203 : i32
      scf.if %cond3A_204 {
        %dma_wait3A_387 = arith.constant 2 : i32
        %dma_wait3A_388 = arith.constant 0 : i32
        %dma_wait3A_389 = arith.constant 0 : i32
        %dma_wait3A_390 = arith.constant 0 : i32
        %dma_wait3A_391 = tpu.memref_slice %arg10[%dma_wait3A_387, %dma_wait3A_389, %dma_wait3A_390] : memref<8x128x32xf32, #tpu.memory_space<vmem>> -> memref<1x128x32xf32, #tpu.memory_space<vmem>>
        %dma_wait3A_392 = tpu.memref_squeeze %dma_wait3A_391 : memref<1x128x32xf32, #tpu.memory_space<vmem>> -> memref<128x32xf32, #tpu.memory_space<vmem>>
        %dma_wait3A_393 = arith.constant 0 : i32
        %dma_wait3A_394 = tpu.memref_slice %arg9[%dma_wait3A_388, %dma_wait3A_393] : memref<80x128xi32, #tpu.memory_space<vmem>> -> memref<1x128xi32, #tpu.memory_space<vmem>>
        %dma_wait3A_395 = tpu.memref_squeeze %dma_wait3A_394 : memref<1x128xi32, #tpu.memory_space<vmem>> -> memref<128xi32, #tpu.memory_space<vmem>>
        %dma_wait3A_396 = arith.constant 0 : i32
        %dma_wait3A_397 = arith.constant 0 : i32
        %dma_wait3A_398 = tpu.memref_slice %arg11[%dma_wait3A_396, %dma_wait3A_397] : memref<10240x32xf32, #tpu.memory_space<vmem_shared>> -> memref<10240x32xf32, #tpu.memory_space<vmem_shared>>
        tpu.wait_indirect_dma semaphore(%arg14 : memref<!tpu.dma_semaphore, #tpu.memory_space<semaphore_mem>>) src(%dma_wait3A_392 : memref<128x32xf32, #tpu.memory_space<vmem>>) dst(%dma_wait3A_398 : memref<10240x32xf32, #tpu.memory_space<vmem_shared>>)
      } else {
      }
      %add3A_205 = arith.constant 6 : i32
      %add3A_206 = arith.addi %add3A_178, %add3A_205 : i32
      %lt3A_207 = arith.constant 80 : i32
      %lt3A_208 = arith.cmpi slt, %add3A_206, %lt3A_207 : i32
      %convert_element_type3A_209 = arith.extui %lt3A_208 : i1 to i32
      %cond3A_210 = arith.constant 0 : i32
      %cond3A_211 = arith.cmpi ne, %convert_element_type3A_209, %cond3A_210 : i32
      scf.if %cond3A_211 {
        %add3A_387 = arith.constant 6 : i32
        %add3A_388 = arith.addi %add3A_178, %add3A_387 : i32
        %mul3A_389 = arith.constant 128 : i32
        %mul3A_390 = arith.muli %add3A_388, %mul3A_389 : i32
        %dma_start3A_391 = arith.constant 0 : i32
        %dma_start3A_392 = arith.constant 0 : i32
        %dma_start3A_393 = arith.constant 0 : i32
        %dma_start3A_394 = tpu.memref_slice %arg10[%dma_start3A_391, %dma_start3A_392, %dma_start3A_393] : memref<8x128x32xf32, #tpu.memory_space<vmem>> -> memref<1x128x32xf32, #tpu.memory_space<vmem>>
        %dma_start3A_395 = tpu.memref_squeeze %dma_start3A_394 : memref<1x128x32xf32, #tpu.memory_space<vmem>> -> memref<128x32xf32, #tpu.memory_space<vmem>>
        %dma_start3A_396 = tpu.memref_slice %arg8[%mul3A_390] : memref<10240xi32, #tpu.memory_space<vmem>> -> memref<128xi32, #tpu.memory_space<vmem>>
        %dma_start3A_397 = arith.constant 0 : i32
        %dma_start3A_398 = arith.constant 0 : i32
        %dma_start3A_399 = tpu.memref_slice %arg12[%dma_start3A_397, %dma_start3A_398] : memref<10240x32xf32, #tpu.memory_space<vmem_shared>> -> memref<10240x32xf32, #tpu.memory_space<vmem_shared>>
        tpu.enqueue_indirect_dma source(%dma_start3A_399 : memref<10240x32xf32, #tpu.memory_space<vmem_shared>>) target(%dma_start3A_395 : memref<128x32xf32, #tpu.memory_space<vmem>>) offsets(%dma_start3A_396 : memref<128xi32, #tpu.memory_space<vmem>>) semaphore(%arg13 : memref<!tpu.dma_semaphore, #tpu.memory_space<semaphore_mem>>)
      } else {
      }
      %add3A_212 = arith.constant 3 : i32
      %add3A_213 = arith.addi %mul3A_107, %add3A_212 : i32
      %dma_wait3A_214 = arith.constant 3 : i32
      %dma_wait3A_215 = arith.constant 0 : i32
      %dma_wait3A_216 = arith.constant 0 : i32
      %dma_wait3A_217 = tpu.memref_slice %arg10[%dma_wait3A_214, %dma_wait3A_215, %dma_wait3A_216] : memref<8x128x32xf32, #tpu.memory_space<vmem>> -> memref<1x128x32xf32, #tpu.memory_space<vmem>>
      %dma_wait3A_218 = tpu.memref_squeeze %dma_wait3A_217 : memref<1x128x32xf32, #tpu.memory_space<vmem>> -> memref<128x32xf32, #tpu.memory_space<vmem>>
      %dma_wait3A_219 = arith.constant 0 : i32
      %dma_wait3A_220 = tpu.memref_slice %arg8[%dma_wait3A_219] : memref<10240xi32, #tpu.memory_space<vmem>> -> memref<128xi32, #tpu.memory_space<vmem>>
      %dma_wait3A_221 = arith.constant 0 : i32
      %dma_wait3A_222 = arith.constant 0 : i32
      %dma_wait3A_223 = tpu.memref_slice %arg12[%dma_wait3A_221, %dma_wait3A_222] : memref<10240x32xf32, #tpu.memory_space<vmem_shared>> -> memref<10240x32xf32, #tpu.memory_space<vmem_shared>>
      tpu.wait_indirect_dma semaphore(%arg13 : memref<!tpu.dma_semaphore, #tpu.memory_space<semaphore_mem>>) src(%dma_wait3A_223 : memref<10240x32xf32, #tpu.memory_space<vmem_shared>>) dst(%dma_wait3A_218 : memref<128x32xf32, #tpu.memory_space<vmem>>)
      %dma_start3A_224 = arith.constant 3 : i32
      %dma_start3A_225 = arith.constant 0 : i32
      %dma_start3A_226 = arith.constant 0 : i32
      %dma_start3A_227 = tpu.memref_slice %arg10[%dma_start3A_224, %dma_start3A_225, %dma_start3A_226] : memref<8x128x32xf32, #tpu.memory_space<vmem>> -> memref<1x128x32xf32, #tpu.memory_space<vmem>>
      %dma_start3A_228 = tpu.memref_squeeze %dma_start3A_227 : memref<1x128x32xf32, #tpu.memory_space<vmem>> -> memref<128x32xf32, #tpu.memory_space<vmem>>
      %dma_start3A_229 = arith.constant 0 : i32
      %dma_start3A_230 = tpu.memref_slice %arg9[%add3A_213, %dma_start3A_229] : memref<80x128xi32, #tpu.memory_space<vmem>> -> memref<1x128xi32, #tpu.memory_space<vmem>>
      %dma_start3A_231 = tpu.memref_squeeze %dma_start3A_230 : memref<1x128xi32, #tpu.memory_space<vmem>> -> memref<128xi32, #tpu.memory_space<vmem>>
      %dma_start3A_232 = arith.constant 0 : i32
      %dma_start3A_233 = arith.constant 0 : i32
      %dma_start3A_234 = tpu.memref_slice %arg11[%dma_start3A_232, %dma_start3A_233] : memref<10240x32xf32, #tpu.memory_space<vmem_shared>> -> memref<10240x32xf32, #tpu.memory_space<vmem_shared>>
      tpu.enqueue_indirect_dma source(%dma_start3A_228 : memref<128x32xf32, #tpu.memory_space<vmem>>) target(%dma_start3A_234 : memref<10240x32xf32, #tpu.memory_space<vmem_shared>>) offsets(%dma_start3A_231 : memref<128xi32, #tpu.memory_space<vmem>>) semaphore(%arg14 : memref<!tpu.dma_semaphore, #tpu.memory_space<semaphore_mem>>) {add = true}
      %ge3A_235 = arith.constant 2 : i32
      %ge3A_236 = arith.cmpi sge, %add3A_213, %ge3A_235 : i32
      %convert_element_type3A_237 = arith.extui %ge3A_236 : i1 to i32
      %cond3A_238 = arith.constant 0 : i32
      %cond3A_239 = arith.cmpi ne, %convert_element_type3A_237, %cond3A_238 : i32
      scf.if %cond3A_239 {
        %dma_wait3A_387 = arith.constant 3 : i32
        %dma_wait3A_388 = arith.constant 0 : i32
        %dma_wait3A_389 = arith.constant 0 : i32
        %dma_wait3A_390 = arith.constant 0 : i32
        %dma_wait3A_391 = tpu.memref_slice %arg10[%dma_wait3A_387, %dma_wait3A_389, %dma_wait3A_390] : memref<8x128x32xf32, #tpu.memory_space<vmem>> -> memref<1x128x32xf32, #tpu.memory_space<vmem>>
        %dma_wait3A_392 = tpu.memref_squeeze %dma_wait3A_391 : memref<1x128x32xf32, #tpu.memory_space<vmem>> -> memref<128x32xf32, #tpu.memory_space<vmem>>
        %dma_wait3A_393 = arith.constant 0 : i32
        %dma_wait3A_394 = tpu.memref_slice %arg9[%dma_wait3A_388, %dma_wait3A_393] : memref<80x128xi32, #tpu.memory_space<vmem>> -> memref<1x128xi32, #tpu.memory_space<vmem>>
        %dma_wait3A_395 = tpu.memref_squeeze %dma_wait3A_394 : memref<1x128xi32, #tpu.memory_space<vmem>> -> memref<128xi32, #tpu.memory_space<vmem>>
        %dma_wait3A_396 = arith.constant 0 : i32
        %dma_wait3A_397 = arith.constant 0 : i32
        %dma_wait3A_398 = tpu.memref_slice %arg11[%dma_wait3A_396, %dma_wait3A_397] : memref<10240x32xf32, #tpu.memory_space<vmem_shared>> -> memref<10240x32xf32, #tpu.memory_space<vmem_shared>>
        tpu.wait_indirect_dma semaphore(%arg14 : memref<!tpu.dma_semaphore, #tpu.memory_space<semaphore_mem>>) src(%dma_wait3A_392 : memref<128x32xf32, #tpu.memory_space<vmem>>) dst(%dma_wait3A_398 : memref<10240x32xf32, #tpu.memory_space<vmem_shared>>)
      } else {
      }
      %add3A_240 = arith.constant 6 : i32
      %add3A_241 = arith.addi %add3A_213, %add3A_240 : i32
      %lt3A_242 = arith.constant 80 : i32
      %lt3A_243 = arith.cmpi slt, %add3A_241, %lt3A_242 : i32
      %convert_element_type3A_244 = arith.extui %lt3A_243 : i1 to i32
      %cond3A_245 = arith.constant 0 : i32
      %cond3A_246 = arith.cmpi ne, %convert_element_type3A_244, %cond3A_245 : i32
      scf.if %cond3A_246 {
        %add3A_387 = arith.constant 6 : i32
        %add3A_388 = arith.addi %add3A_213, %add3A_387 : i32
        %mul3A_389 = arith.constant 128 : i32
        %mul3A_390 = arith.muli %add3A_388, %mul3A_389 : i32
        %dma_start3A_391 = arith.constant 1 : i32
        %dma_start3A_392 = arith.constant 0 : i32
        %dma_start3A_393 = arith.constant 0 : i32
        %dma_start3A_394 = tpu.memref_slice %arg10[%dma_start3A_391, %dma_start3A_392, %dma_start3A_393] : memref<8x128x32xf32, #tpu.memory_space<vmem>> -> memref<1x128x32xf32, #tpu.memory_space<vmem>>
        %dma_start3A_395 = tpu.memref_squeeze %dma_start3A_394 : memref<1x128x32xf32, #tpu.memory_space<vmem>> -> memref<128x32xf32, #tpu.memory_space<vmem>>
        %dma_start3A_396 = tpu.memref_slice %arg8[%mul3A_390] : memref<10240xi32, #tpu.memory_space<vmem>> -> memref<128xi32, #tpu.memory_space<vmem>>
        %dma_start3A_397 = arith.constant 0 : i32
        %dma_start3A_398 = arith.constant 0 : i32
        %dma_start3A_399 = tpu.memref_slice %arg12[%dma_start3A_397, %dma_start3A_398] : memref<10240x32xf32, #tpu.memory_space<vmem_shared>> -> memref<10240x32xf32, #tpu.memory_space<vmem_shared>>
        tpu.enqueue_indirect_dma source(%dma_start3A_399 : memref<10240x32xf32, #tpu.memory_space<vmem_shared>>) target(%dma_start3A_395 : memref<128x32xf32, #tpu.memory_space<vmem>>) offsets(%dma_start3A_396 : memref<128xi32, #tpu.memory_space<vmem>>) semaphore(%arg13 : memref<!tpu.dma_semaphore, #tpu.memory_space<semaphore_mem>>)
      } else {
      }
      %add3A_247 = arith.constant 4 : i32
      %add3A_248 = arith.addi %mul3A_107, %add3A_247 : i32
      %dma_wait3A_249 = arith.constant 4 : i32
      %dma_wait3A_250 = arith.constant 0 : i32
      %dma_wait3A_251 = arith.constant 0 : i32
      %dma_wait3A_252 = tpu.memref_slice %arg10[%dma_wait3A_249, %dma_wait3A_250, %dma_wait3A_251] : memref<8x128x32xf32, #tpu.memory_space<vmem>> -> memref<1x128x32xf32, #tpu.memory_space<vmem>>
      %dma_wait3A_253 = tpu.memref_squeeze %dma_wait3A_252 : memref<1x128x32xf32, #tpu.memory_space<vmem>> -> memref<128x32xf32, #tpu.memory_space<vmem>>
      %dma_wait3A_254 = arith.constant 0 : i32
      %dma_wait3A_255 = tpu.memref_slice %arg8[%dma_wait3A_254] : memref<10240xi32, #tpu.memory_space<vmem>> -> memref<128xi32, #tpu.memory_space<vmem>>
      %dma_wait3A_256 = arith.constant 0 : i32
      %dma_wait3A_257 = arith.constant 0 : i32
      %dma_wait3A_258 = tpu.memref_slice %arg12[%dma_wait3A_256, %dma_wait3A_257] : memref<10240x32xf32, #tpu.memory_space<vmem_shared>> -> memref<10240x32xf32, #tpu.memory_space<vmem_shared>>
      tpu.wait_indirect_dma semaphore(%arg13 : memref<!tpu.dma_semaphore, #tpu.memory_space<semaphore_mem>>) src(%dma_wait3A_258 : memref<10240x32xf32, #tpu.memory_space<vmem_shared>>) dst(%dma_wait3A_253 : memref<128x32xf32, #tpu.memory_space<vmem>>)
      %dma_start3A_259 = arith.constant 4 : i32
      %dma_start3A_260 = arith.constant 0 : i32
      %dma_start3A_261 = arith.constant 0 : i32
      %dma_start3A_262 = tpu.memref_slice %arg10[%dma_start3A_259, %dma_start3A_260, %dma_start3A_261] : memref<8x128x32xf32, #tpu.memory_space<vmem>> -> memref<1x128x32xf32, #tpu.memory_space<vmem>>
      %dma_start3A_263 = tpu.memref_squeeze %dma_start3A_262 : memref<1x128x32xf32, #tpu.memory_space<vmem>> -> memref<128x32xf32, #tpu.memory_space<vmem>>
      %dma_start3A_264 = arith.constant 0 : i32
      %dma_start3A_265 = tpu.memref_slice %arg9[%add3A_248, %dma_start3A_264] : memref<80x128xi32, #tpu.memory_space<vmem>> -> memref<1x128xi32, #tpu.memory_space<vmem>>
      %dma_start3A_266 = tpu.memref_squeeze %dma_start3A_265 : memref<1x128xi32, #tpu.memory_space<vmem>> -> memref<128xi32, #tpu.memory_space<vmem>>
      %dma_start3A_267 = arith.constant 0 : i32
      %dma_start3A_268 = arith.constant 0 : i32
      %dma_start3A_269 = tpu.memref_slice %arg11[%dma_start3A_267, %dma_start3A_268] : memref<10240x32xf32, #tpu.memory_space<vmem_shared>> -> memref<10240x32xf32, #tpu.memory_space<vmem_shared>>
      tpu.enqueue_indirect_dma source(%dma_start3A_263 : memref<128x32xf32, #tpu.memory_space<vmem>>) target(%dma_start3A_269 : memref<10240x32xf32, #tpu.memory_space<vmem_shared>>) offsets(%dma_start3A_266 : memref<128xi32, #tpu.memory_space<vmem>>) semaphore(%arg14 : memref<!tpu.dma_semaphore, #tpu.memory_space<semaphore_mem>>) {add = true}
      %ge3A_270 = arith.constant 2 : i32
      %ge3A_271 = arith.cmpi sge, %add3A_248, %ge3A_270 : i32
      %convert_element_type3A_272 = arith.extui %ge3A_271 : i1 to i32
      %cond3A_273 = arith.constant 0 : i32
      %cond3A_274 = arith.cmpi ne, %convert_element_type3A_272, %cond3A_273 : i32
      scf.if %cond3A_274 {
        %dma_wait3A_387 = arith.constant 4 : i32
        %dma_wait3A_388 = arith.constant 0 : i32
        %dma_wait3A_389 = arith.constant 0 : i32
        %dma_wait3A_390 = arith.constant 0 : i32
        %dma_wait3A_391 = tpu.memref_slice %arg10[%dma_wait3A_387, %dma_wait3A_389, %dma_wait3A_390] : memref<8x128x32xf32, #tpu.memory_space<vmem>> -> memref<1x128x32xf32, #tpu.memory_space<vmem>>
        %dma_wait3A_392 = tpu.memref_squeeze %dma_wait3A_391 : memref<1x128x32xf32, #tpu.memory_space<vmem>> -> memref<128x32xf32, #tpu.memory_space<vmem>>
        %dma_wait3A_393 = arith.constant 0 : i32
        %dma_wait3A_394 = tpu.memref_slice %arg9[%dma_wait3A_388, %dma_wait3A_393] : memref<80x128xi32, #tpu.memory_space<vmem>> -> memref<1x128xi32, #tpu.memory_space<vmem>>
        %dma_wait3A_395 = tpu.memref_squeeze %dma_wait3A_394 : memref<1x128xi32, #tpu.memory_space<vmem>> -> memref<128xi32, #tpu.memory_space<vmem>>
        %dma_wait3A_396 = arith.constant 0 : i32
        %dma_wait3A_397 = arith.constant 0 : i32
        %dma_wait3A_398 = tpu.memref_slice %arg11[%dma_wait3A_396, %dma_wait3A_397] : memref<10240x32xf32, #tpu.memory_space<vmem_shared>> -> memref<10240x32xf32, #tpu.memory_space<vmem_shared>>
        tpu.wait_indirect_dma semaphore(%arg14 : memref<!tpu.dma_semaphore, #tpu.memory_space<semaphore_mem>>) src(%dma_wait3A_392 : memref<128x32xf32, #tpu.memory_space<vmem>>) dst(%dma_wait3A_398 : memref<10240x32xf32, #tpu.memory_space<vmem_shared>>)
      } else {
      }
      %add3A_275 = arith.constant 6 : i32
      %add3A_276 = arith.addi %add3A_248, %add3A_275 : i32
      %lt3A_277 = arith.constant 80 : i32
      %lt3A_278 = arith.cmpi slt, %add3A_276, %lt3A_277 : i32
      %convert_element_type3A_279 = arith.extui %lt3A_278 : i1 to i32
      %cond3A_280 = arith.constant 0 : i32
      %cond3A_281 = arith.cmpi ne, %convert_element_type3A_279, %cond3A_280 : i32
      scf.if %cond3A_281 {
        %add3A_387 = arith.constant 6 : i32
        %add3A_388 = arith.addi %add3A_248, %add3A_387 : i32
        %mul3A_389 = arith.constant 128 : i32
        %mul3A_390 = arith.muli %add3A_388, %mul3A_389 : i32
        %dma_start3A_391 = arith.constant 2 : i32
        %dma_start3A_392 = arith.constant 0 : i32
        %dma_start3A_393 = arith.constant 0 : i32
        %dma_start3A_394 = tpu.memref_slice %arg10[%dma_start3A_391, %dma_start3A_392, %dma_start3A_393] : memref<8x128x32xf32, #tpu.memory_space<vmem>> -> memref<1x128x32xf32, #tpu.memory_space<vmem>>
        %dma_start3A_395 = tpu.memref_squeeze %dma_start3A_394 : memref<1x128x32xf32, #tpu.memory_space<vmem>> -> memref<128x32xf32, #tpu.memory_space<vmem>>
        %dma_start3A_396 = tpu.memref_slice %arg8[%mul3A_390] : memref<10240xi32, #tpu.memory_space<vmem>> -> memref<128xi32, #tpu.memory_space<vmem>>
        %dma_start3A_397 = arith.constant 0 : i32
        %dma_start3A_398 = arith.constant 0 : i32
        %dma_start3A_399 = tpu.memref_slice %arg12[%dma_start3A_397, %dma_start3A_398] : memref<10240x32xf32, #tpu.memory_space<vmem_shared>> -> memref<10240x32xf32, #tpu.memory_space<vmem_shared>>
        tpu.enqueue_indirect_dma source(%dma_start3A_399 : memref<10240x32xf32, #tpu.memory_space<vmem_shared>>) target(%dma_start3A_395 : memref<128x32xf32, #tpu.memory_space<vmem>>) offsets(%dma_start3A_396 : memref<128xi32, #tpu.memory_space<vmem>>) semaphore(%arg13 : memref<!tpu.dma_semaphore, #tpu.memory_space<semaphore_mem>>)
      } else {
      }
      %add3A_282 = arith.constant 5 : i32
      %add3A_283 = arith.addi %mul3A_107, %add3A_282 : i32
      %dma_wait3A_284 = arith.constant 5 : i32
      %dma_wait3A_285 = arith.constant 0 : i32
      %dma_wait3A_286 = arith.constant 0 : i32
      %dma_wait3A_287 = tpu.memref_slice %arg10[%dma_wait3A_284, %dma_wait3A_285, %dma_wait3A_286] : memref<8x128x32xf32, #tpu.memory_space<vmem>> -> memref<1x128x32xf32, #tpu.memory_space<vmem>>
      %dma_wait3A_288 = tpu.memref_squeeze %dma_wait3A_287 : memref<1x128x32xf32, #tpu.memory_space<vmem>> -> memref<128x32xf32, #tpu.memory_space<vmem>>
      %dma_wait3A_289 = arith.constant 0 : i32
      %dma_wait3A_290 = tpu.memref_slice %arg8[%dma_wait3A_289] : memref<10240xi32, #tpu.memory_space<vmem>> -> memref<128xi32, #tpu.memory_space<vmem>>
      %dma_wait3A_291 = arith.constant 0 : i32
      %dma_wait3A_292 = arith.constant 0 : i32
      %dma_wait3A_293 = tpu.memref_slice %arg12[%dma_wait3A_291, %dma_wait3A_292] : memref<10240x32xf32, #tpu.memory_space<vmem_shared>> -> memref<10240x32xf32, #tpu.memory_space<vmem_shared>>
      tpu.wait_indirect_dma semaphore(%arg13 : memref<!tpu.dma_semaphore, #tpu.memory_space<semaphore_mem>>) src(%dma_wait3A_293 : memref<10240x32xf32, #tpu.memory_space<vmem_shared>>) dst(%dma_wait3A_288 : memref<128x32xf32, #tpu.memory_space<vmem>>)
      %dma_start3A_294 = arith.constant 5 : i32
      %dma_start3A_295 = arith.constant 0 : i32
      %dma_start3A_296 = arith.constant 0 : i32
      %dma_start3A_297 = tpu.memref_slice %arg10[%dma_start3A_294, %dma_start3A_295, %dma_start3A_296] : memref<8x128x32xf32, #tpu.memory_space<vmem>> -> memref<1x128x32xf32, #tpu.memory_space<vmem>>
      %dma_start3A_298 = tpu.memref_squeeze %dma_start3A_297 : memref<1x128x32xf32, #tpu.memory_space<vmem>> -> memref<128x32xf32, #tpu.memory_space<vmem>>
      %dma_start3A_299 = arith.constant 0 : i32
      %dma_start3A_300 = tpu.memref_slice %arg9[%add3A_283, %dma_start3A_299] : memref<80x128xi32, #tpu.memory_space<vmem>> -> memref<1x128xi32, #tpu.memory_space<vmem>>
      %dma_start3A_301 = tpu.memref_squeeze %dma_start3A_300 : memref<1x128xi32, #tpu.memory_space<vmem>> -> memref<128xi32, #tpu.memory_space<vmem>>
      %dma_start3A_302 = arith.constant 0 : i32
      %dma_start3A_303 = arith.constant 0 : i32
      %dma_start3A_304 = tpu.memref_slice %arg11[%dma_start3A_302, %dma_start3A_303] : memref<10240x32xf32, #tpu.memory_space<vmem_shared>> -> memref<10240x32xf32, #tpu.memory_space<vmem_shared>>
      tpu.enqueue_indirect_dma source(%dma_start3A_298 : memref<128x32xf32, #tpu.memory_space<vmem>>) target(%dma_start3A_304 : memref<10240x32xf32, #tpu.memory_space<vmem_shared>>) offsets(%dma_start3A_301 : memref<128xi32, #tpu.memory_space<vmem>>) semaphore(%arg14 : memref<!tpu.dma_semaphore, #tpu.memory_space<semaphore_mem>>) {add = true}
      %ge3A_305 = arith.constant 2 : i32
      %ge3A_306 = arith.cmpi sge, %add3A_283, %ge3A_305 : i32
      %convert_element_type3A_307 = arith.extui %ge3A_306 : i1 to i32
      %cond3A_308 = arith.constant 0 : i32
      %cond3A_309 = arith.cmpi ne, %convert_element_type3A_307, %cond3A_308 : i32
      scf.if %cond3A_309 {
        %dma_wait3A_387 = arith.constant 5 : i32
        %dma_wait3A_388 = arith.constant 0 : i32
        %dma_wait3A_389 = arith.constant 0 : i32
        %dma_wait3A_390 = arith.constant 0 : i32
        %dma_wait3A_391 = tpu.memref_slice %arg10[%dma_wait3A_387, %dma_wait3A_389, %dma_wait3A_390] : memref<8x128x32xf32, #tpu.memory_space<vmem>> -> memref<1x128x32xf32, #tpu.memory_space<vmem>>
        %dma_wait3A_392 = tpu.memref_squeeze %dma_wait3A_391 : memref<1x128x32xf32, #tpu.memory_space<vmem>> -> memref<128x32xf32, #tpu.memory_space<vmem>>
        %dma_wait3A_393 = arith.constant 0 : i32
        %dma_wait3A_394 = tpu.memref_slice %arg9[%dma_wait3A_388, %dma_wait3A_393] : memref<80x128xi32, #tpu.memory_space<vmem>> -> memref<1x128xi32, #tpu.memory_space<vmem>>
        %dma_wait3A_395 = tpu.memref_squeeze %dma_wait3A_394 : memref<1x128xi32, #tpu.memory_space<vmem>> -> memref<128xi32, #tpu.memory_space<vmem>>
        %dma_wait3A_396 = arith.constant 0 : i32
        %dma_wait3A_397 = arith.constant 0 : i32
        %dma_wait3A_398 = tpu.memref_slice %arg11[%dma_wait3A_396, %dma_wait3A_397] : memref<10240x32xf32, #tpu.memory_space<vmem_shared>> -> memref<10240x32xf32, #tpu.memory_space<vmem_shared>>
        tpu.wait_indirect_dma semaphore(%arg14 : memref<!tpu.dma_semaphore, #tpu.memory_space<semaphore_mem>>) src(%dma_wait3A_392 : memref<128x32xf32, #tpu.memory_space<vmem>>) dst(%dma_wait3A_398 : memref<10240x32xf32, #tpu.memory_space<vmem_shared>>)
      } else {
      }
      %add3A_310 = arith.constant 6 : i32
      %add3A_311 = arith.addi %add3A_283, %add3A_310 : i32
      %lt3A_312 = arith.constant 80 : i32
      %lt3A_313 = arith.cmpi slt, %add3A_311, %lt3A_312 : i32
      %convert_element_type3A_314 = arith.extui %lt3A_313 : i1 to i32
      %cond3A_315 = arith.constant 0 : i32
      %cond3A_316 = arith.cmpi ne, %convert_element_type3A_314, %cond3A_315 : i32
      scf.if %cond3A_316 {
        %add3A_387 = arith.constant 6 : i32
        %add3A_388 = arith.addi %add3A_283, %add3A_387 : i32
        %mul3A_389 = arith.constant 128 : i32
        %mul3A_390 = arith.muli %add3A_388, %mul3A_389 : i32
        %dma_start3A_391 = arith.constant 3 : i32
        %dma_start3A_392 = arith.constant 0 : i32
        %dma_start3A_393 = arith.constant 0 : i32
        %dma_start3A_394 = tpu.memref_slice %arg10[%dma_start3A_391, %dma_start3A_392, %dma_start3A_393] : memref<8x128x32xf32, #tpu.memory_space<vmem>> -> memref<1x128x32xf32, #tpu.memory_space<vmem>>
        %dma_start3A_395 = tpu.memref_squeeze %dma_start3A_394 : memref<1x128x32xf32, #tpu.memory_space<vmem>> -> memref<128x32xf32, #tpu.memory_space<vmem>>
        %dma_start3A_396 = tpu.memref_slice %arg8[%mul3A_390] : memref<10240xi32, #tpu.memory_space<vmem>> -> memref<128xi32, #tpu.memory_space<vmem>>
        %dma_start3A_397 = arith.constant 0 : i32
        %dma_start3A_398 = arith.constant 0 : i32
        %dma_start3A_399 = tpu.memref_slice %arg12[%dma_start3A_397, %dma_start3A_398] : memref<10240x32xf32, #tpu.memory_space<vmem_shared>> -> memref<10240x32xf32, #tpu.memory_space<vmem_shared>>
        tpu.enqueue_indirect_dma source(%dma_start3A_399 : memref<10240x32xf32, #tpu.memory_space<vmem_shared>>) target(%dma_start3A_395 : memref<128x32xf32, #tpu.memory_space<vmem>>) offsets(%dma_start3A_396 : memref<128xi32, #tpu.memory_space<vmem>>) semaphore(%arg13 : memref<!tpu.dma_semaphore, #tpu.memory_space<semaphore_mem>>)
      } else {
      }
      %add3A_317 = arith.constant 6 : i32
      %add3A_318 = arith.addi %mul3A_107, %add3A_317 : i32
      %dma_wait3A_319 = arith.constant 6 : i32
      %dma_wait3A_320 = arith.constant 0 : i32
      %dma_wait3A_321 = arith.constant 0 : i32
      %dma_wait3A_322 = tpu.memref_slice %arg10[%dma_wait3A_319, %dma_wait3A_320, %dma_wait3A_321] : memref<8x128x32xf32, #tpu.memory_space<vmem>> -> memref<1x128x32xf32, #tpu.memory_space<vmem>>
      %dma_wait3A_323 = tpu.memref_squeeze %dma_wait3A_322 : memref<1x128x32xf32, #tpu.memory_space<vmem>> -> memref<128x32xf32, #tpu.memory_space<vmem>>
      %dma_wait3A_324 = arith.constant 0 : i32
      %dma_wait3A_325 = tpu.memref_slice %arg8[%dma_wait3A_324] : memref<10240xi32, #tpu.memory_space<vmem>> -> memref<128xi32, #tpu.memory_space<vmem>>
      %dma_wait3A_326 = arith.constant 0 : i32
      %dma_wait3A_327 = arith.constant 0 : i32
      %dma_wait3A_328 = tpu.memref_slice %arg12[%dma_wait3A_326, %dma_wait3A_327] : memref<10240x32xf32, #tpu.memory_space<vmem_shared>> -> memref<10240x32xf32, #tpu.memory_space<vmem_shared>>
      tpu.wait_indirect_dma semaphore(%arg13 : memref<!tpu.dma_semaphore, #tpu.memory_space<semaphore_mem>>) src(%dma_wait3A_328 : memref<10240x32xf32, #tpu.memory_space<vmem_shared>>) dst(%dma_wait3A_323 : memref<128x32xf32, #tpu.memory_space<vmem>>)
      %dma_start3A_329 = arith.constant 6 : i32
      %dma_start3A_330 = arith.constant 0 : i32
      %dma_start3A_331 = arith.constant 0 : i32
      %dma_start3A_332 = tpu.memref_slice %arg10[%dma_start3A_329, %dma_start3A_330, %dma_start3A_331] : memref<8x128x32xf32, #tpu.memory_space<vmem>> -> memref<1x128x32xf32, #tpu.memory_space<vmem>>
      %dma_start3A_333 = tpu.memref_squeeze %dma_start3A_332 : memref<1x128x32xf32, #tpu.memory_space<vmem>> -> memref<128x32xf32, #tpu.memory_space<vmem>>
      %dma_start3A_334 = arith.constant 0 : i32
      %dma_start3A_335 = tpu.memref_slice %arg9[%add3A_318, %dma_start3A_334] : memref<80x128xi32, #tpu.memory_space<vmem>> -> memref<1x128xi32, #tpu.memory_space<vmem>>
      %dma_start3A_336 = tpu.memref_squeeze %dma_start3A_335 : memref<1x128xi32, #tpu.memory_space<vmem>> -> memref<128xi32, #tpu.memory_space<vmem>>
      %dma_start3A_337 = arith.constant 0 : i32
      %dma_start3A_338 = arith.constant 0 : i32
      %dma_start3A_339 = tpu.memref_slice %arg11[%dma_start3A_337, %dma_start3A_338] : memref<10240x32xf32, #tpu.memory_space<vmem_shared>> -> memref<10240x32xf32, #tpu.memory_space<vmem_shared>>
      tpu.enqueue_indirect_dma source(%dma_start3A_333 : memref<128x32xf32, #tpu.memory_space<vmem>>) target(%dma_start3A_339 : memref<10240x32xf32, #tpu.memory_space<vmem_shared>>) offsets(%dma_start3A_336 : memref<128xi32, #tpu.memory_space<vmem>>) semaphore(%arg14 : memref<!tpu.dma_semaphore, #tpu.memory_space<semaphore_mem>>) {add = true}
      %ge3A_340 = arith.constant 2 : i32
      %ge3A_341 = arith.cmpi sge, %add3A_318, %ge3A_340 : i32
      %convert_element_type3A_342 = arith.extui %ge3A_341 : i1 to i32
      %cond3A_343 = arith.constant 0 : i32
      %cond3A_344 = arith.cmpi ne, %convert_element_type3A_342, %cond3A_343 : i32
      scf.if %cond3A_344 {
        %dma_wait3A_387 = arith.constant 6 : i32
        %dma_wait3A_388 = arith.constant 0 : i32
        %dma_wait3A_389 = arith.constant 0 : i32
        %dma_wait3A_390 = arith.constant 0 : i32
        %dma_wait3A_391 = tpu.memref_slice %arg10[%dma_wait3A_387, %dma_wait3A_389, %dma_wait3A_390] : memref<8x128x32xf32, #tpu.memory_space<vmem>> -> memref<1x128x32xf32, #tpu.memory_space<vmem>>
        %dma_wait3A_392 = tpu.memref_squeeze %dma_wait3A_391 : memref<1x128x32xf32, #tpu.memory_space<vmem>> -> memref<128x32xf32, #tpu.memory_space<vmem>>
        %dma_wait3A_393 = arith.constant 0 : i32
        %dma_wait3A_394 = tpu.memref_slice %arg9[%dma_wait3A_388, %dma_wait3A_393] : memref<80x128xi32, #tpu.memory_space<vmem>> -> memref<1x128xi32, #tpu.memory_space<vmem>>
        %dma_wait3A_395 = tpu.memref_squeeze %dma_wait3A_394 : memref<1x128xi32, #tpu.memory_space<vmem>> -> memref<128xi32, #tpu.memory_space<vmem>>
        %dma_wait3A_396 = arith.constant 0 : i32
        %dma_wait3A_397 = arith.constant 0 : i32
        %dma_wait3A_398 = tpu.memref_slice %arg11[%dma_wait3A_396, %dma_wait3A_397] : memref<10240x32xf32, #tpu.memory_space<vmem_shared>> -> memref<10240x32xf32, #tpu.memory_space<vmem_shared>>
        tpu.wait_indirect_dma semaphore(%arg14 : memref<!tpu.dma_semaphore, #tpu.memory_space<semaphore_mem>>) src(%dma_wait3A_392 : memref<128x32xf32, #tpu.memory_space<vmem>>) dst(%dma_wait3A_398 : memref<10240x32xf32, #tpu.memory_space<vmem_shared>>)
      } else {
      }
      %add3A_345 = arith.constant 6 : i32
      %add3A_346 = arith.addi %add3A_318, %add3A_345 : i32
      %lt3A_347 = arith.constant 80 : i32
      %lt3A_348 = arith.cmpi slt, %add3A_346, %lt3A_347 : i32
      %convert_element_type3A_349 = arith.extui %lt3A_348 : i1 to i32
      %cond3A_350 = arith.constant 0 : i32
      %cond3A_351 = arith.cmpi ne, %convert_element_type3A_349, %cond3A_350 : i32
      scf.if %cond3A_351 {
        %add3A_387 = arith.constant 6 : i32
        %add3A_388 = arith.addi %add3A_318, %add3A_387 : i32
        %mul3A_389 = arith.constant 128 : i32
        %mul3A_390 = arith.muli %add3A_388, %mul3A_389 : i32
        %dma_start3A_391 = arith.constant 4 : i32
        %dma_start3A_392 = arith.constant 0 : i32
        %dma_start3A_393 = arith.constant 0 : i32
        %dma_start3A_394 = tpu.memref_slice %arg10[%dma_start3A_391, %dma_start3A_392, %dma_start3A_393] : memref<8x128x32xf32, #tpu.memory_space<vmem>> -> memref<1x128x32xf32, #tpu.memory_space<vmem>>
        %dma_start3A_395 = tpu.memref_squeeze %dma_start3A_394 : memref<1x128x32xf32, #tpu.memory_space<vmem>> -> memref<128x32xf32, #tpu.memory_space<vmem>>
        %dma_start3A_396 = tpu.memref_slice %arg8[%mul3A_390] : memref<10240xi32, #tpu.memory_space<vmem>> -> memref<128xi32, #tpu.memory_space<vmem>>
        %dma_start3A_397 = arith.constant 0 : i32
        %dma_start3A_398 = arith.constant 0 : i32
        %dma_start3A_399 = tpu.memref_slice %arg12[%dma_start3A_397, %dma_start3A_398] : memref<10240x32xf32, #tpu.memory_space<vmem_shared>> -> memref<10240x32xf32, #tpu.memory_space<vmem_shared>>
        tpu.enqueue_indirect_dma source(%dma_start3A_399 : memref<10240x32xf32, #tpu.memory_space<vmem_shared>>) target(%dma_start3A_395 : memref<128x32xf32, #tpu.memory_space<vmem>>) offsets(%dma_start3A_396 : memref<128xi32, #tpu.memory_space<vmem>>) semaphore(%arg13 : memref<!tpu.dma_semaphore, #tpu.memory_space<semaphore_mem>>)
      } else {
      }
      %add3A_352 = arith.constant 7 : i32
      %add3A_353 = arith.addi %mul3A_107, %add3A_352 : i32
      %dma_wait3A_354 = arith.constant 7 : i32
      %dma_wait3A_355 = arith.constant 0 : i32
      %dma_wait3A_356 = arith.constant 0 : i32
      %dma_wait3A_357 = tpu.memref_slice %arg10[%dma_wait3A_354, %dma_wait3A_355, %dma_wait3A_356] : memref<8x128x32xf32, #tpu.memory_space<vmem>> -> memref<1x128x32xf32, #tpu.memory_space<vmem>>
      %dma_wait3A_358 = tpu.memref_squeeze %dma_wait3A_357 : memref<1x128x32xf32, #tpu.memory_space<vmem>> -> memref<128x32xf32, #tpu.memory_space<vmem>>
      %dma_wait3A_359 = arith.constant 0 : i32
      %dma_wait3A_360 = tpu.memref_slice %arg8[%dma_wait3A_359] : memref<10240xi32, #tpu.memory_space<vmem>> -> memref<128xi32, #tpu.memory_space<vmem>>
      %dma_wait3A_361 = arith.constant 0 : i32
      %dma_wait3A_362 = arith.constant 0 : i32
      %dma_wait3A_363 = tpu.memref_slice %arg12[%dma_wait3A_361, %dma_wait3A_362] : memref<10240x32xf32, #tpu.memory_space<vmem_shared>> -> memref<10240x32xf32, #tpu.memory_space<vmem_shared>>
      tpu.wait_indirect_dma semaphore(%arg13 : memref<!tpu.dma_semaphore, #tpu.memory_space<semaphore_mem>>) src(%dma_wait3A_363 : memref<10240x32xf32, #tpu.memory_space<vmem_shared>>) dst(%dma_wait3A_358 : memref<128x32xf32, #tpu.memory_space<vmem>>)
      %dma_start3A_364 = arith.constant 7 : i32
      %dma_start3A_365 = arith.constant 0 : i32
      %dma_start3A_366 = arith.constant 0 : i32
      %dma_start3A_367 = tpu.memref_slice %arg10[%dma_start3A_364, %dma_start3A_365, %dma_start3A_366] : memref<8x128x32xf32, #tpu.memory_space<vmem>> -> memref<1x128x32xf32, #tpu.memory_space<vmem>>
      %dma_start3A_368 = tpu.memref_squeeze %dma_start3A_367 : memref<1x128x32xf32, #tpu.memory_space<vmem>> -> memref<128x32xf32, #tpu.memory_space<vmem>>
      %dma_start3A_369 = arith.constant 0 : i32
      %dma_start3A_370 = tpu.memref_slice %arg9[%add3A_353, %dma_start3A_369] : memref<80x128xi32, #tpu.memory_space<vmem>> -> memref<1x128xi32, #tpu.memory_space<vmem>>
      %dma_start3A_371 = tpu.memref_squeeze %dma_start3A_370 : memref<1x128xi32, #tpu.memory_space<vmem>> -> memref<128xi32, #tpu.memory_space<vmem>>
      %dma_start3A_372 = arith.constant 0 : i32
      %dma_start3A_373 = arith.constant 0 : i32
      %dma_start3A_374 = tpu.memref_slice %arg11[%dma_start3A_372, %dma_start3A_373] : memref<10240x32xf32, #tpu.memory_space<vmem_shared>> -> memref<10240x32xf32, #tpu.memory_space<vmem_shared>>
      tpu.enqueue_indirect_dma source(%dma_start3A_368 : memref<128x32xf32, #tpu.memory_space<vmem>>) target(%dma_start3A_374 : memref<10240x32xf32, #tpu.memory_space<vmem_shared>>) offsets(%dma_start3A_371 : memref<128xi32, #tpu.memory_space<vmem>>) semaphore(%arg14 : memref<!tpu.dma_semaphore, #tpu.memory_space<semaphore_mem>>) {add = true}
      %ge3A_375 = arith.constant 2 : i32
      %ge3A_376 = arith.cmpi sge, %add3A_353, %ge3A_375 : i32
      %convert_element_type3A_377 = arith.extui %ge3A_376 : i1 to i32
      %cond3A_378 = arith.constant 0 : i32
      %cond3A_379 = arith.cmpi ne, %convert_element_type3A_377, %cond3A_378 : i32
      scf.if %cond3A_379 {
        %dma_wait3A_387 = arith.constant 7 : i32
        %dma_wait3A_388 = arith.constant 0 : i32
        %dma_wait3A_389 = arith.constant 0 : i32
        %dma_wait3A_390 = arith.constant 0 : i32
        %dma_wait3A_391 = tpu.memref_slice %arg10[%dma_wait3A_387, %dma_wait3A_389, %dma_wait3A_390] : memref<8x128x32xf32, #tpu.memory_space<vmem>> -> memref<1x128x32xf32, #tpu.memory_space<vmem>>
        %dma_wait3A_392 = tpu.memref_squeeze %dma_wait3A_391 : memref<1x128x32xf32, #tpu.memory_space<vmem>> -> memref<128x32xf32, #tpu.memory_space<vmem>>
        %dma_wait3A_393 = arith.constant 0 : i32
        %dma_wait3A_394 = tpu.memref_slice %arg9[%dma_wait3A_388, %dma_wait3A_393] : memref<80x128xi32, #tpu.memory_space<vmem>> -> memref<1x128xi32, #tpu.memory_space<vmem>>
        %dma_wait3A_395 = tpu.memref_squeeze %dma_wait3A_394 : memref<1x128xi32, #tpu.memory_space<vmem>> -> memref<128xi32, #tpu.memory_space<vmem>>
        %dma_wait3A_396 = arith.constant 0 : i32
        %dma_wait3A_397 = arith.constant 0 : i32
        %dma_wait3A_398 = tpu.memref_slice %arg11[%dma_wait3A_396, %dma_wait3A_397] : memref<10240x32xf32, #tpu.memory_space<vmem_shared>> -> memref<10240x32xf32, #tpu.memory_space<vmem_shared>>
        tpu.wait_indirect_dma semaphore(%arg14 : memref<!tpu.dma_semaphore, #tpu.memory_space<semaphore_mem>>) src(%dma_wait3A_392 : memref<128x32xf32, #tpu.memory_space<vmem>>) dst(%dma_wait3A_398 : memref<10240x32xf32, #tpu.memory_space<vmem_shared>>)
      } else {
      }
      %add3A_380 = arith.constant 6 : i32
      %add3A_381 = arith.addi %add3A_353, %add3A_380 : i32
      %lt3A_382 = arith.constant 80 : i32
      %lt3A_383 = arith.cmpi slt, %add3A_381, %lt3A_382 : i32
      %convert_element_type3A_384 = arith.extui %lt3A_383 : i1 to i32
      %cond3A_385 = arith.constant 0 : i32
      %cond3A_386 = arith.cmpi ne, %convert_element_type3A_384, %cond3A_385 : i32
      scf.if %cond3A_386 {
        %add3A_387 = arith.constant 6 : i32
        %add3A_388 = arith.addi %add3A_353, %add3A_387 : i32
        %mul3A_389 = arith.constant 128 : i32
        %mul3A_390 = arith.muli %add3A_388, %mul3A_389 : i32
        %dma_start3A_391 = arith.constant 5 : i32
        %dma_start3A_392 = arith.constant 0 : i32
        %dma_start3A_393 = arith.constant 0 : i32
        %dma_start3A_394 = tpu.memref_slice %arg10[%dma_start3A_391, %dma_start3A_392, %dma_start3A_393] : memref<8x128x32xf32, #tpu.memory_space<vmem>> -> memref<1x128x32xf32, #tpu.memory_space<vmem>>
        %dma_start3A_395 = tpu.memref_squeeze %dma_start3A_394 : memref<1x128x32xf32, #tpu.memory_space<vmem>> -> memref<128x32xf32, #tpu.memory_space<vmem>>
        %dma_start3A_396 = tpu.memref_slice %arg8[%mul3A_390] : memref<10240xi32, #tpu.memory_space<vmem>> -> memref<128xi32, #tpu.memory_space<vmem>>
        %dma_start3A_397 = arith.constant 0 : i32
        %dma_start3A_398 = arith.constant 0 : i32
        %dma_start3A_399 = tpu.memref_slice %arg12[%dma_start3A_397, %dma_start3A_398] : memref<10240x32xf32, #tpu.memory_space<vmem_shared>> -> memref<10240x32xf32, #tpu.memory_space<vmem_shared>>
        tpu.enqueue_indirect_dma source(%dma_start3A_399 : memref<10240x32xf32, #tpu.memory_space<vmem_shared>>) target(%dma_start3A_395 : memref<128x32xf32, #tpu.memory_space<vmem>>) offsets(%dma_start3A_396 : memref<128xi32, #tpu.memory_space<vmem>>) semaphore(%arg13 : memref<!tpu.dma_semaphore, #tpu.memory_space<semaphore_mem>>)
      } else {
      }
    }
    %scan3A_76 = arith.constant 10 : i32
    %dma_wait3A = arith.constant 0 : i32
    %dma_wait3A_77 = arith.constant 0 : i32
    %dma_wait3A_78 = arith.constant 0 : i32
    %dma_wait3A_79 = arith.constant 0 : i32
    %dma_wait3A_80 = tpu.memref_slice %arg10[%dma_wait3A, %dma_wait3A_78, %dma_wait3A_79] : memref<8x128x32xf32, #tpu.memory_space<vmem>> -> memref<1x128x32xf32, #tpu.memory_space<vmem>>
    %dma_wait3A_81 = tpu.memref_squeeze %dma_wait3A_80 : memref<1x128x32xf32, #tpu.memory_space<vmem>> -> memref<128x32xf32, #tpu.memory_space<vmem>>
    %dma_wait3A_82 = arith.constant 0 : i32
    %dma_wait3A_83 = tpu.memref_slice %arg9[%dma_wait3A_77, %dma_wait3A_82] : memref<80x128xi32, #tpu.memory_space<vmem>> -> memref<1x128xi32, #tpu.memory_space<vmem>>
    %dma_wait3A_84 = tpu.memref_squeeze %dma_wait3A_83 : memref<1x128xi32, #tpu.memory_space<vmem>> -> memref<128xi32, #tpu.memory_space<vmem>>
    %dma_wait3A_85 = arith.constant 0 : i32
    %dma_wait3A_86 = arith.constant 0 : i32
    %dma_wait3A_87 = tpu.memref_slice %arg11[%dma_wait3A_85, %dma_wait3A_86] : memref<10240x32xf32, #tpu.memory_space<vmem_shared>> -> memref<10240x32xf32, #tpu.memory_space<vmem_shared>>
    tpu.wait_indirect_dma semaphore(%arg14 : memref<!tpu.dma_semaphore, #tpu.memory_space<semaphore_mem>>) src(%dma_wait3A_81 : memref<128x32xf32, #tpu.memory_space<vmem>>) dst(%dma_wait3A_87 : memref<10240x32xf32, #tpu.memory_space<vmem_shared>>)
    %dma_wait3A_88 = arith.constant 1 : i32
    %dma_wait3A_89 = arith.constant 0 : i32
    %dma_wait3A_90 = arith.constant 0 : i32
    %dma_wait3A_91 = arith.constant 0 : i32
    %dma_wait3A_92 = tpu.memref_slice %arg10[%dma_wait3A_88, %dma_wait3A_90, %dma_wait3A_91] : memref<8x128x32xf32, #tpu.memory_space<vmem>> -> memref<1x128x32xf32, #tpu.memory_space<vmem>>
    %dma_wait3A_93 = tpu.memref_squeeze %dma_wait3A_92 : memref<1x128x32xf32, #tpu.memory_space<vmem>> -> memref<128x32xf32, #tpu.memory_space<vmem>>
    %dma_wait3A_94 = arith.constant 0 : i32
    %dma_wait3A_95 = tpu.memref_slice %arg9[%dma_wait3A_89, %dma_wait3A_94] : memref<80x128xi32, #tpu.memory_space<vmem>> -> memref<1x128xi32, #tpu.memory_space<vmem>>
    %dma_wait3A_96 = tpu.memref_squeeze %dma_wait3A_95 : memref<1x128xi32, #tpu.memory_space<vmem>> -> memref<128xi32, #tpu.memory_space<vmem>>
    %dma_wait3A_97 = arith.constant 0 : i32
    %dma_wait3A_98 = arith.constant 0 : i32
    %dma_wait3A_99 = tpu.memref_slice %arg11[%dma_wait3A_97, %dma_wait3A_98] : memref<10240x32xf32, #tpu.memory_space<vmem_shared>> -> memref<10240x32xf32, #tpu.memory_space<vmem_shared>>
    tpu.wait_indirect_dma semaphore(%arg14 : memref<!tpu.dma_semaphore, #tpu.memory_space<semaphore_mem>>) src(%dma_wait3A_93 : memref<128x32xf32, #tpu.memory_space<vmem>>) dst(%dma_wait3A_99 : memref<10240x32xf32, #tpu.memory_space<vmem_shared>>)
    %barrier3A_100 = arith.constant 0 : index
    tpu.barrier barrier_id(%barrier3A_100)
    %mul3A_101 = arith.constant 640 : i32
    %mul3A_102 = arith.muli %arg1, %mul3A_101 : i32
    %mul3A_103 = arith.constant 640 : i32
    %mul3A_104 = arith.muli %arg1, %mul3A_103 : i32
    "tpu.region"() ({
      %run_scoped3A = tpu.sem_alloc : memref<!tpu.dma_semaphore, #tpu.memory_space<semaphore_mem>>
      %dma_start3A_105 = arith.constant 0 : i32
      %dma_start3A_106 = tpu.memref_slice %arg7[%arg0, %mul3A_104, %dma_start3A_105] : memref<2x10240x32xf32, #tpu.memory_space<hbm>> -> memref<1x640x32xf32, #tpu.memory_space<hbm>>
      %dma_start3A_107 = tpu.memref_squeeze %dma_start3A_106 : memref<1x640x32xf32, #tpu.memory_space<hbm>> -> memref<640x32xf32, #tpu.memory_space<hbm>>
      %dma_start3A_108 = arith.constant 0 : i32
      %dma_start3A_109 = tpu.memref_slice %arg11[%mul3A_102, %dma_start3A_108] : memref<10240x32xf32, #tpu.memory_space<vmem_shared>> -> memref<640x32xf32, #tpu.memory_space<vmem_shared>>
      tpu.enqueue_dma source(%dma_start3A_109 : memref<640x32xf32, #tpu.memory_space<vmem_shared>>) target(%dma_start3A_107 : memref<640x32xf32, #tpu.memory_space<hbm>>) target_semaphore(%run_scoped3A : memref<!tpu.dma_semaphore, #tpu.memory_space<semaphore_mem>>)
      %dma_wait3A_110 = arith.constant 0 : i32
      %dma_wait3A_111 = tpu.memref_slice %arg7[%arg0, %mul3A_104, %dma_wait3A_110] : memref<2x10240x32xf32, #tpu.memory_space<hbm>> -> memref<1x640x32xf32, #tpu.memory_space<hbm>>
      %dma_wait3A_112 = tpu.memref_squeeze %dma_wait3A_111 : memref<1x640x32xf32, #tpu.memory_space<hbm>> -> memref<640x32xf32, #tpu.memory_space<hbm>>
      %dma_wait3A_113 = arith.constant 0 : i32
      %dma_wait3A_114 = tpu.memref_slice %arg11[%mul3A_102, %dma_wait3A_113] : memref<10240x32xf32, #tpu.memory_space<vmem_shared>> -> memref<640x32xf32, #tpu.memory_space<vmem_shared>>
      tpu.wait_dma2 semaphore(%run_scoped3A : memref<!tpu.dma_semaphore, #tpu.memory_space<semaphore_mem>>) src(%dma_wait3A_114 : memref<640x32xf32, #tpu.memory_space<vmem_shared>>) dst(%dma_wait3A_112 : memref<640x32xf32, #tpu.memory_space<hbm>>)
      tpu.yield
    }) : () -> ()
    return
  }
}

#map = affine_map<(d0, d1) -> (0, 0)>
#map1 = affine_map<(d0, d1) -> (0, 0, 0)>
module attributes {stable_mosaic.version = 14 : i64} {
  func.func @k(%arg0: i32, %arg1: i32, %arg2: memref<128x32xf32, #tpu.memory_space<hbm>>, %arg3: memref<32x80x128xi32, #tpu.memory_space<hbm>>, %arg4: memref<640x32xf32, #tpu.memory_space<hbm>>, %arg5: memref<2x10240x32xf32, #tpu.memory_space<hbm>>, %arg6: memref<80x128xi32, #tpu.memory_space<vmem>>, %arg7: memref<128x32xf32, #tpu.memory_space<vmem>>, %arg8: memref<10240x32xf32, #tpu.memory_space<vmem_shared>>, %arg9: memref<!tpu.dma_semaphore, #tpu.memory_space<semaphore_mem>>) attributes {dimension_semantics = [#tpu.dimension_semantics<core_parallel>, #tpu.dimension_semantics<subcore_parallel>], iteration_bounds = array<i64: 2, 16>, scalar_prefetch = 0 : i64, scratch_operands = 4 : i64, tpu.core_type = #tpu.core_type<sc_vector_subcore>, window_params = [{transform_indices = #map}, {transform_indices = #map1}, {transform_indices = #map}, {transform_indices = #map1}]} {
    %mul3A = arith.constant 16 : i32
    %mul3A_0 = arith.muli %arg0, %mul3A : i32
    %add3A = arith.addi %mul3A_0, %arg1 : i32
    %mul3A_1 = arith.constant 640 : i32
    %mul3A_2 = arith.muli %arg1, %mul3A_1 : i32
    "tpu.region"() ({
      %run_scoped3A = tpu.sem_alloc : memref<!tpu.dma_semaphore, #tpu.memory_space<semaphore_mem>>
      %dma_start3A = arith.constant 0 : i32
      %dma_start3A_19 = tpu.memref_slice %arg8[%mul3A_2, %dma_start3A] : memref<10240x32xf32, #tpu.memory_space<vmem_shared>> -> memref<640x32xf32, #tpu.memory_space<vmem_shared>>
      tpu.enqueue_dma source(%arg4 : memref<640x32xf32, #tpu.memory_space<hbm>>) target(%dma_start3A_19 : memref<640x32xf32, #tpu.memory_space<vmem_shared>>) target_semaphore(%run_scoped3A : memref<!tpu.dma_semaphore, #tpu.memory_space<semaphore_mem>>)
      %dma_wait3A = arith.constant 0 : i32
      %dma_wait3A_20 = tpu.memref_slice %arg8[%mul3A_2, %dma_wait3A] : memref<10240x32xf32, #tpu.memory_space<vmem_shared>> -> memref<640x32xf32, #tpu.memory_space<vmem_shared>>
      tpu.wait_dma2 semaphore(%run_scoped3A : memref<!tpu.dma_semaphore, #tpu.memory_space<semaphore_mem>>) src(%arg4 : memref<640x32xf32, #tpu.memory_space<hbm>>) dst(%dma_wait3A_20 : memref<640x32xf32, #tpu.memory_space<vmem_shared>>)
      tpu.yield
    }) : () -> ()
    "tpu.region"() ({
      %run_scoped3A = tpu.sem_alloc : memref<!tpu.dma_semaphore, #tpu.memory_space<semaphore_mem>>
      %dma_start3A = arith.constant 0 : i32
      %dma_start3A_19 = arith.constant 0 : i32
      %dma_start3A_20 = tpu.memref_slice %arg3[%add3A, %dma_start3A, %dma_start3A_19] : memref<32x80x128xi32, #tpu.memory_space<hbm>> -> memref<1x80x128xi32, #tpu.memory_space<hbm>>
      %dma_start3A_21 = tpu.memref_squeeze %dma_start3A_20 : memref<1x80x128xi32, #tpu.memory_space<hbm>> -> memref<80x128xi32, #tpu.memory_space<hbm>>
      %dma_start3A_22 = arith.constant 0 : i32
      %dma_start3A_23 = arith.constant 0 : i32
      %dma_start3A_24 = tpu.memref_slice %arg3[%add3A, %dma_start3A_22, %dma_start3A_23] : memref<32x80x128xi32, #tpu.memory_space<hbm>> -> memref<1x80x128xi32, #tpu.memory_space<hbm>>
      %dma_start3A_25 = tpu.memref_squeeze %dma_start3A_24 : memref<1x80x128xi32, #tpu.memory_space<hbm>> -> memref<80x128xi32, #tpu.memory_space<hbm>>
      tpu.enqueue_dma source(%dma_start3A_25 : memref<80x128xi32, #tpu.memory_space<hbm>>) target(%arg6 : memref<80x128xi32, #tpu.memory_space<vmem>>) target_semaphore(%run_scoped3A : memref<!tpu.dma_semaphore, #tpu.memory_space<semaphore_mem>>)
      %dma_wait3A = arith.constant 0 : i32
      %dma_wait3A_26 = arith.constant 0 : i32
      %dma_wait3A_27 = tpu.memref_slice %arg3[%add3A, %dma_wait3A, %dma_wait3A_26] : memref<32x80x128xi32, #tpu.memory_space<hbm>> -> memref<1x80x128xi32, #tpu.memory_space<hbm>>
      %dma_wait3A_28 = tpu.memref_squeeze %dma_wait3A_27 : memref<1x80x128xi32, #tpu.memory_space<hbm>> -> memref<80x128xi32, #tpu.memory_space<hbm>>
      %dma_wait3A_29 = arith.constant 0 : i32
      %dma_wait3A_30 = arith.constant 0 : i32
      %dma_wait3A_31 = tpu.memref_slice %arg3[%add3A, %dma_wait3A_29, %dma_wait3A_30] : memref<32x80x128xi32, #tpu.memory_space<hbm>> -> memref<1x80x128xi32, #tpu.memory_space<hbm>>
      %dma_wait3A_32 = tpu.memref_squeeze %dma_wait3A_31 : memref<1x80x128xi32, #tpu.memory_space<hbm>> -> memref<80x128xi32, #tpu.memory_space<hbm>>
      tpu.wait_dma2 semaphore(%run_scoped3A : memref<!tpu.dma_semaphore, #tpu.memory_space<semaphore_mem>>) src(%dma_wait3A_32 : memref<80x128xi32, #tpu.memory_space<hbm>>) dst(%arg6 : memref<80x128xi32, #tpu.memory_space<vmem>>)
      tpu.yield
    }) : () -> ()
    "tpu.region"() ({
      %run_scoped3A = tpu.sem_alloc : memref<!tpu.dma_semaphore, #tpu.memory_space<semaphore_mem>>
      tpu.enqueue_dma source(%arg2 : memref<128x32xf32, #tpu.memory_space<hbm>>) target(%arg7 : memref<128x32xf32, #tpu.memory_space<vmem>>) target_semaphore(%run_scoped3A : memref<!tpu.dma_semaphore, #tpu.memory_space<semaphore_mem>>)
      tpu.wait_dma2 semaphore(%run_scoped3A : memref<!tpu.dma_semaphore, #tpu.memory_space<semaphore_mem>>) src(%arg2 : memref<128x32xf32, #tpu.memory_space<hbm>>) dst(%arg7 : memref<128x32xf32, #tpu.memory_space<vmem>>)
      tpu.yield
    }) : () -> ()
    %barrier3A = arith.constant 0 : index
    tpu.barrier barrier_id(%barrier3A)
    %scan3A = arith.constant 0 : i32
    %scan3A_3 = arith.constant 0 : i32
    %scan3A_4 = arith.constant 80 : i32
    %scan3A_5 = arith.addi %scan3A_3, %scan3A_4 : i32
    %scan3A_6 = arith.constant 1 : i32
    scf.for %scan3A_19 = %scan3A_3 to %scan3A_5 step %scan3A_6  : i32 {
      %ge3A = arith.constant 8 : i32
      %ge3A_20 = arith.cmpi sge, %scan3A_19, %ge3A : i32
      %convert_element_type3A = arith.extui %ge3A_20 : i1 to i32
      %cond3A = arith.constant 0 : i32
      %cond3A_21 = arith.cmpi ne, %convert_element_type3A, %cond3A : i32
      scf.if %cond3A_21 {
        %dma_wait3A = arith.constant 0 : i32
        %dma_wait3A_27 = arith.constant 0 : i32
        %dma_wait3A_28 = tpu.memref_slice %arg6[%dma_wait3A, %dma_wait3A_27] : memref<80x128xi32, #tpu.memory_space<vmem>> -> memref<1x128xi32, #tpu.memory_space<vmem>>
        %dma_wait3A_29 = tpu.memref_squeeze %dma_wait3A_28 : memref<1x128xi32, #tpu.memory_space<vmem>> -> memref<128xi32, #tpu.memory_space<vmem>>
        %dma_wait3A_30 = arith.constant 0 : i32
        %dma_wait3A_31 = arith.constant 0 : i32
        %dma_wait3A_32 = tpu.memref_slice %arg8[%dma_wait3A_30, %dma_wait3A_31] : memref<10240x32xf32, #tpu.memory_space<vmem_shared>> -> memref<10240x32xf32, #tpu.memory_space<vmem_shared>>
        tpu.wait_indirect_dma semaphore(%arg9 : memref<!tpu.dma_semaphore, #tpu.memory_space<semaphore_mem>>) src(%arg7 : memref<128x32xf32, #tpu.memory_space<vmem>>) dst(%dma_wait3A_32 : memref<10240x32xf32, #tpu.memory_space<vmem_shared>>)
      } else {
      }
      %dma_start3A = arith.constant 0 : i32
      %dma_start3A_22 = tpu.memref_slice %arg6[%scan3A_19, %dma_start3A] : memref<80x128xi32, #tpu.memory_space<vmem>> -> memref<1x128xi32, #tpu.memory_space<vmem>>
      %dma_start3A_23 = tpu.memref_squeeze %dma_start3A_22 : memref<1x128xi32, #tpu.memory_space<vmem>> -> memref<128xi32, #tpu.memory_space<vmem>>
      %dma_start3A_24 = arith.constant 0 : i32
      %dma_start3A_25 = arith.constant 0 : i32
      %dma_start3A_26 = tpu.memref_slice %arg8[%dma_start3A_24, %dma_start3A_25] : memref<10240x32xf32, #tpu.memory_space<vmem_shared>> -> memref<10240x32xf32, #tpu.memory_space<vmem_shared>>
      tpu.enqueue_indirect_dma source(%arg7 : memref<128x32xf32, #tpu.memory_space<vmem>>) target(%dma_start3A_26 : memref<10240x32xf32, #tpu.memory_space<vmem_shared>>) offsets(%dma_start3A_23 : memref<128xi32, #tpu.memory_space<vmem>>) semaphore(%arg9 : memref<!tpu.dma_semaphore, #tpu.memory_space<semaphore_mem>>) {add = true}
    }
    %scan3A_7 = arith.constant 80 : i32
    %scan3A_8 = arith.constant 0 : i32
    %scan3A_9 = arith.constant 0 : i32
    %scan3A_10 = arith.constant 8 : i32
    %scan3A_11 = arith.addi %scan3A_9, %scan3A_10 : i32
    %scan3A_12 = arith.constant 1 : i32
    scf.for %scan3A_19 = %scan3A_9 to %scan3A_11 step %scan3A_12  : i32 {
      %dma_wait3A = arith.constant 0 : i32
      %dma_wait3A_20 = arith.constant 0 : i32
      %dma_wait3A_21 = tpu.memref_slice %arg6[%dma_wait3A, %dma_wait3A_20] : memref<80x128xi32, #tpu.memory_space<vmem>> -> memref<1x128xi32, #tpu.memory_space<vmem>>
      %dma_wait3A_22 = tpu.memref_squeeze %dma_wait3A_21 : memref<1x128xi32, #tpu.memory_space<vmem>> -> memref<128xi32, #tpu.memory_space<vmem>>
      %dma_wait3A_23 = arith.constant 0 : i32
      %dma_wait3A_24 = arith.constant 0 : i32
      %dma_wait3A_25 = tpu.memref_slice %arg8[%dma_wait3A_23, %dma_wait3A_24] : memref<10240x32xf32, #tpu.memory_space<vmem_shared>> -> memref<10240x32xf32, #tpu.memory_space<vmem_shared>>
      tpu.wait_indirect_dma semaphore(%arg9 : memref<!tpu.dma_semaphore, #tpu.memory_space<semaphore_mem>>) src(%arg7 : memref<128x32xf32, #tpu.memory_space<vmem>>) dst(%dma_wait3A_25 : memref<10240x32xf32, #tpu.memory_space<vmem_shared>>)
    }
    %scan3A_13 = arith.constant 8 : i32
    %barrier3A_14 = arith.constant 0 : index
    tpu.barrier barrier_id(%barrier3A_14)
    %mul3A_15 = arith.constant 640 : i32
    %mul3A_16 = arith.muli %arg1, %mul3A_15 : i32
    %mul3A_17 = arith.constant 640 : i32
    %mul3A_18 = arith.muli %arg1, %mul3A_17 : i32
    "tpu.region"() ({
      %run_scoped3A = tpu.sem_alloc : memref<!tpu.dma_semaphore, #tpu.memory_space<semaphore_mem>>
      %dma_start3A = arith.constant 0 : i32
      %dma_start3A_19 = tpu.memref_slice %arg5[%arg0, %mul3A_18, %dma_start3A] : memref<2x10240x32xf32, #tpu.memory_space<hbm>> -> memref<1x640x32xf32, #tpu.memory_space<hbm>>
      %dma_start3A_20 = tpu.memref_squeeze %dma_start3A_19 : memref<1x640x32xf32, #tpu.memory_space<hbm>> -> memref<640x32xf32, #tpu.memory_space<hbm>>
      %dma_start3A_21 = arith.constant 0 : i32
      %dma_start3A_22 = tpu.memref_slice %arg8[%mul3A_16, %dma_start3A_21] : memref<10240x32xf32, #tpu.memory_space<vmem_shared>> -> memref<640x32xf32, #tpu.memory_space<vmem_shared>>
      tpu.enqueue_dma source(%dma_start3A_22 : memref<640x32xf32, #tpu.memory_space<vmem_shared>>) target(%dma_start3A_20 : memref<640x32xf32, #tpu.memory_space<hbm>>) target_semaphore(%run_scoped3A : memref<!tpu.dma_semaphore, #tpu.memory_space<semaphore_mem>>)
      %dma_wait3A = arith.constant 0 : i32
      %dma_wait3A_23 = tpu.memref_slice %arg5[%arg0, %mul3A_18, %dma_wait3A] : memref<2x10240x32xf32, #tpu.memory_space<hbm>> -> memref<1x640x32xf32, #tpu.memory_space<hbm>>
      %dma_wait3A_24 = tpu.memref_squeeze %dma_wait3A_23 : memref<1x640x32xf32, #tpu.memory_space<hbm>> -> memref<640x32xf32, #tpu.memory_space<hbm>>
      %dma_wait3A_25 = arith.constant 0 : i32
      %dma_wait3A_26 = tpu.memref_slice %arg8[%mul3A_16, %dma_wait3A_25] : memref<10240x32xf32, #tpu.memory_space<vmem_shared>> -> memref<640x32xf32, #tpu.memory_space<vmem_shared>>
      tpu.wait_dma2 semaphore(%run_scoped3A : memref<!tpu.dma_semaphore, #tpu.memory_space<semaphore_mem>>) src(%dma_wait3A_26 : memref<640x32xf32, #tpu.memory_space<vmem_shared>>) dst(%dma_wait3A_24 : memref<640x32xf32, #tpu.memory_space<hbm>>)
      tpu.yield
    }) : () -> ()
    return
  }
}

#map = affine_map<(d0, d1) -> (0, 0)>
#map1 = affine_map<(d0, d1) -> (0, 0, 0)>
#map2 = affine_map<(d0, d1) -> (0)>
module attributes {stable_mosaic.version = 14 : i64} {
  func.func @k(%arg0: i32, %arg1: i32, %arg2: memref<10240x32xf32, #tpu.memory_space<hbm>>, %arg3: memref<2x320000xi32, #tpu.memory_space<hbm>>, %arg4: memref<32x80x128xi32, #tpu.memory_space<hbm>>, %arg5: memref<7680xi32, #tpu.memory_space<hbm>>, %arg6: memref<640x32xf32, #tpu.memory_space<hbm>>, %arg7: memref<2x10240x32xf32, #tpu.memory_space<hbm>>, %arg8: memref<10240xi32, #tpu.memory_space<vmem>>, %arg9: memref<80x128xi32, #tpu.memory_space<vmem>>, %arg10: memref<8x128x32xf32, #tpu.memory_space<vmem>>, %arg11: memref<10240x32xf32, #tpu.memory_space<vmem_shared>>, %arg12: memref<10240x32xf32, #tpu.memory_space<vmem_shared>>, %arg13: memref<!tpu.dma_semaphore, #tpu.memory_space<semaphore_mem>>, %arg14: memref<!tpu.dma_semaphore, #tpu.memory_space<semaphore_mem>>) attributes {dimension_semantics = [#tpu.dimension_semantics<core_parallel>, #tpu.dimension_semantics<subcore_parallel>], iteration_bounds = array<i64: 2, 16>, scalar_prefetch = 0 : i64, scratch_operands = 7 : i64, tpu.core_type = #tpu.core_type<sc_vector_subcore>, window_params = [{transform_indices = #map}, {transform_indices = #map}, {transform_indices = #map1}, {transform_indices = #map2}, {transform_indices = #map}, {transform_indices = #map1}]} {
    %mul3A = arith.constant 16 : i32
    %mul3A_0 = arith.muli %arg0, %mul3A : i32
    %add3A = arith.addi %mul3A_0, %arg1 : i32
    %mul3A_1 = arith.constant 640 : i32
    %mul3A_2 = arith.muli %arg1, %mul3A_1 : i32
    %mul3A_3 = arith.constant 640 : i32
    %mul3A_4 = arith.muli %arg1, %mul3A_3 : i32
    "tpu.region"() ({
      %run_scoped3A = tpu.sem_alloc : memref<!tpu.dma_semaphore, #tpu.memory_space<semaphore_mem>>
      %dma_start3A_105 = arith.constant 0 : i32
      %dma_start3A_106 = tpu.memref_slice %arg12[%mul3A_4, %dma_start3A_105] : memref<10240x32xf32, #tpu.memory_space<vmem_shared>> -> memref<640x32xf32, #tpu.memory_space<vmem_shared>>
      %dma_start3A_107 = arith.constant 0 : i32
      %dma_start3A_108 = tpu.memref_slice %arg2[%mul3A_2, %dma_start3A_107] : memref<10240x32xf32, #tpu.memory_space<hbm>> -> memref<640x32xf32, #tpu.memory_space<hbm>>
      tpu.enqueue_dma source(%dma_start3A_108 : memref<640x32xf32, #tpu.memory_space<hbm>>) target(%dma_start3A_106 : memref<640x32xf32, #tpu.memory_space<vmem_shared>>) target_semaphore(%run_scoped3A : memref<!tpu.dma_semaphore, #tpu.memory_space<semaphore_mem>>)
      %dma_wait3A_109 = arith.constant 0 : i32
      %dma_wait3A_110 = tpu.memref_slice %arg12[%mul3A_4, %dma_wait3A_109] : memref<10240x32xf32, #tpu.memory_space<vmem_shared>> -> memref<640x32xf32, #tpu.memory_space<vmem_shared>>
      %dma_wait3A_111 = arith.constant 0 : i32
      %dma_wait3A_112 = tpu.memref_slice %arg2[%mul3A_2, %dma_wait3A_111] : memref<10240x32xf32, #tpu.memory_space<hbm>> -> memref<640x32xf32, #tpu.memory_space<hbm>>
      tpu.wait_dma2 semaphore(%run_scoped3A : memref<!tpu.dma_semaphore, #tpu.memory_space<semaphore_mem>>) src(%dma_wait3A_112 : memref<640x32xf32, #tpu.memory_space<hbm>>) dst(%dma_wait3A_110 : memref<640x32xf32, #tpu.memory_space<vmem_shared>>)
      tpu.yield
    }) : () -> ()
    %mul3A_5 = arith.constant 640 : i32
    %mul3A_6 = arith.muli %arg1, %mul3A_5 : i32
    "tpu.region"() ({
      %run_scoped3A = tpu.sem_alloc : memref<!tpu.dma_semaphore, #tpu.memory_space<semaphore_mem>>
      %dma_start3A_105 = arith.constant 0 : i32
      %dma_start3A_106 = tpu.memref_slice %arg11[%mul3A_6, %dma_start3A_105] : memref<10240x32xf32, #tpu.memory_space<vmem_shared>> -> memref<640x32xf32, #tpu.memory_space<vmem_shared>>
      tpu.enqueue_dma source(%arg6 : memref<640x32xf32, #tpu.memory_space<hbm>>) target(%dma_start3A_106 : memref<640x32xf32, #tpu.memory_space<vmem_shared>>) target_semaphore(%run_scoped3A : memref<!tpu.dma_semaphore, #tpu.memory_space<semaphore_mem>>)
      %dma_wait3A_107 = arith.constant 0 : i32
      %dma_wait3A_108 = tpu.memref_slice %arg11[%mul3A_6, %dma_wait3A_107] : memref<10240x32xf32, #tpu.memory_space<vmem_shared>> -> memref<640x32xf32, #tpu.memory_space<vmem_shared>>
      tpu.wait_dma2 semaphore(%run_scoped3A : memref<!tpu.dma_semaphore, #tpu.memory_space<semaphore_mem>>) src(%arg6 : memref<640x32xf32, #tpu.memory_space<hbm>>) dst(%dma_wait3A_108 : memref<640x32xf32, #tpu.memory_space<vmem_shared>>)
      tpu.yield
    }) : () -> ()
    %lt3A = arith.constant 31 : i32
    %lt3A_7 = arith.cmpi slt, %add3A, %lt3A : i32
    %convert_element_type3A = arith.extui %lt3A_7 : i1 to i32
    %cond3A = arith.constant 0 : i32
    %cond3A_8 = arith.cmpi ne, %convert_element_type3A, %cond3A : i32
    scf.if %cond3A_8 {
      %mul3A_105 = arith.constant 10240 : i32
      %mul3A_106 = arith.muli %add3A, %mul3A_105 : i32
      %run_scoped3A = arith.constant 0 : i32
      "tpu.region"() ({
        %run_scoped3A_107 = tpu.sem_alloc : memref<!tpu.dma_semaphore, #tpu.memory_space<semaphore_mem>>
        %dma_start3A_108 = tpu.memref_slice %arg3[%run_scoped3A, %mul3A_106] : memref<2x320000xi32, #tpu.memory_space<hbm>> -> memref<1x10240xi32, #tpu.memory_space<hbm>>
        %dma_start3A_109 = tpu.memref_squeeze %dma_start3A_108 : memref<1x10240xi32, #tpu.memory_space<hbm>> -> memref<10240xi32, #tpu.memory_space<hbm>>
        %dma_start3A_110 = tpu.memref_slice %arg3[%run_scoped3A, %mul3A_106] : memref<2x320000xi32, #tpu.memory_space<hbm>> -> memref<1x10240xi32, #tpu.memory_space<hbm>>
        %dma_start3A_111 = tpu.memref_squeeze %dma_start3A_110 : memref<1x10240xi32, #tpu.memory_space<hbm>> -> memref<10240xi32, #tpu.memory_space<hbm>>
        tpu.enqueue_dma source(%dma_start3A_111 : memref<10240xi32, #tpu.memory_space<hbm>>) target(%arg8 : memref<10240xi32, #tpu.memory_space<vmem>>) target_semaphore(%run_scoped3A_107 : memref<!tpu.dma_semaphore, #tpu.memory_space<semaphore_mem>>)
        %dma_wait3A_112 = tpu.memref_slice %arg3[%run_scoped3A, %mul3A_106] : memref<2x320000xi32, #tpu.memory_space<hbm>> -> memref<1x10240xi32, #tpu.memory_space<hbm>>
        %dma_wait3A_113 = tpu.memref_squeeze %dma_wait3A_112 : memref<1x10240xi32, #tpu.memory_space<hbm>> -> memref<10240xi32, #tpu.memory_space<hbm>>
        %dma_wait3A_114 = tpu.memref_slice %arg3[%run_scoped3A, %mul3A_106] : memref<2x320000xi32, #tpu.memory_space<hbm>> -> memref<1x10240xi32, #tpu.memory_space<hbm>>
        %dma_wait3A_115 = tpu.memref_squeeze %dma_wait3A_114 : memref<1x10240xi32, #tpu.memory_space<hbm>> -> memref<10240xi32, #tpu.memory_space<hbm>>
        tpu.wait_dma2 semaphore(%run_scoped3A_107 : memref<!tpu.dma_semaphore, #tpu.memory_space<semaphore_mem>>) src(%dma_wait3A_115 : memref<10240xi32, #tpu.memory_space<hbm>>) dst(%arg8 : memref<10240xi32, #tpu.memory_space<vmem>>)
        tpu.yield
      }) : () -> ()
    } else {
    }
    %eq3A = arith.constant 31 : i32
    %eq3A_9 = arith.cmpi eq, %add3A, %eq3A : i32
    %convert_element_type3A_10 = arith.extui %eq3A_9 : i1 to i32
    %cond3A_11 = arith.constant 0 : i32
    %cond3A_12 = arith.cmpi ne, %convert_element_type3A_10, %cond3A_11 : i32
    scf.if %cond3A_12 {
      %run_scoped3A = arith.constant 0 : i32
      "tpu.region"() ({
        %run_scoped3A_105 = tpu.sem_alloc : memref<!tpu.dma_semaphore, #tpu.memory_space<semaphore_mem>>
        %dma_start3A_106 = arith.constant 0 : i32
        %dma_start3A_107 = tpu.memref_slice %arg8[%dma_start3A_106] : memref<10240xi32, #tpu.memory_space<vmem>> -> memref<2560xi32, #tpu.memory_space<vmem>>
        %dma_start3A_108 = arith.constant 317440 : i32
        %dma_start3A_109 = tpu.memref_slice %arg3[%run_scoped3A, %dma_start3A_108] : memref<2x320000xi32, #tpu.memory_space<hbm>> -> memref<1x2560xi32, #tpu.memory_space<hbm>>
        %dma_start3A_110 = tpu.memref_squeeze %dma_start3A_109 : memref<1x2560xi32, #tpu.memory_space<hbm>> -> memref<2560xi32, #tpu.memory_space<hbm>>
        %dma_start3A_111 = arith.constant 0 : i32
        %dma_start3A_112 = tpu.memref_slice %arg8[%dma_start3A_111] : memref<10240xi32, #tpu.memory_space<vmem>> -> memref<2560xi32, #tpu.memory_space<vmem>>
        %dma_start3A_113 = arith.constant 317440 : i32
        %dma_start3A_114 = tpu.memref_slice %arg3[%run_scoped3A, %dma_start3A_113] : memref<2x320000xi32, #tpu.memory_space<hbm>> -> memref<1x2560xi32, #tpu.memory_space<hbm>>
        %dma_start3A_115 = tpu.memref_squeeze %dma_start3A_114 : memref<1x2560xi32, #tpu.memory_space<hbm>> -> memref<2560xi32, #tpu.memory_space<hbm>>
        tpu.enqueue_dma source(%dma_start3A_115 : memref<2560xi32, #tpu.memory_space<hbm>>) target(%dma_start3A_112 : memref<2560xi32, #tpu.memory_space<vmem>>) target_semaphore(%run_scoped3A_105 : memref<!tpu.dma_semaphore, #tpu.memory_space<semaphore_mem>>)
        %dma_wait3A_116 = arith.constant 0 : i32
        %dma_wait3A_117 = tpu.memref_slice %arg8[%dma_wait3A_116] : memref<10240xi32, #tpu.memory_space<vmem>> -> memref<2560xi32, #tpu.memory_space<vmem>>
        %dma_wait3A_118 = arith.constant 317440 : i32
        %dma_wait3A_119 = tpu.memref_slice %arg3[%run_scoped3A, %dma_wait3A_118] : memref<2x320000xi32, #tpu.memory_space<hbm>> -> memref<1x2560xi32, #tpu.memory_space<hbm>>
        %dma_wait3A_120 = tpu.memref_squeeze %dma_wait3A_119 : memref<1x2560xi32, #tpu.memory_space<hbm>> -> memref<2560xi32, #tpu.memory_space<hbm>>
        %dma_wait3A_121 = arith.constant 0 : i32
        %dma_wait3A_122 = tpu.memref_slice %arg8[%dma_wait3A_121] : memref<10240xi32, #tpu.memory_space<vmem>> -> memref<2560xi32, #tpu.memory_space<vmem>>
        %dma_wait3A_123 = arith.constant 317440 : i32
        %dma_wait3A_124 = tpu.memref_slice %arg3[%run_scoped3A, %dma_wait3A_123] : memref<2x320000xi32, #tpu.memory_space<hbm>> -> memref<1x2560xi32, #tpu.memory_space<hbm>>
        %dma_wait3A_125 = tpu.memref_squeeze %dma_wait3A_124 : memref<1x2560xi32, #tpu.memory_space<hbm>> -> memref<2560xi32, #tpu.memory_space<hbm>>
        tpu.wait_dma2 semaphore(%run_scoped3A_105 : memref<!tpu.dma_semaphore, #tpu.memory_space<semaphore_mem>>) src(%dma_wait3A_125 : memref<2560xi32, #tpu.memory_space<hbm>>) dst(%dma_wait3A_122 : memref<2560xi32, #tpu.memory_space<vmem>>)
        tpu.yield
      }) : () -> ()
      "tpu.region"() ({
        %run_scoped3A_105 = tpu.sem_alloc : memref<!tpu.dma_semaphore, #tpu.memory_space<semaphore_mem>>
        %dma_start3A_106 = arith.constant 2560 : i32
        %dma_start3A_107 = tpu.memref_slice %arg8[%dma_start3A_106] : memref<10240xi32, #tpu.memory_space<vmem>> -> memref<7680xi32, #tpu.memory_space<vmem>>
        %dma_start3A_108 = arith.constant 2560 : i32
        %dma_start3A_109 = tpu.memref_slice %arg8[%dma_start3A_108] : memref<10240xi32, #tpu.memory_space<vmem>> -> memref<7680xi32, #tpu.memory_space<vmem>>
        tpu.enqueue_dma source(%arg5 : memref<7680xi32, #tpu.memory_space<hbm>>) target(%dma_start3A_109 : memref<7680xi32, #tpu.memory_space<vmem>>) target_semaphore(%run_scoped3A_105 : memref<!tpu.dma_semaphore, #tpu.memory_space<semaphore_mem>>)
        %dma_wait3A_110 = arith.constant 2560 : i32
        %dma_wait3A_111 = tpu.memref_slice %arg8[%dma_wait3A_110] : memref<10240xi32, #tpu.memory_space<vmem>> -> memref<7680xi32, #tpu.memory_space<vmem>>
        %dma_wait3A_112 = arith.constant 2560 : i32
        %dma_wait3A_113 = tpu.memref_slice %arg8[%dma_wait3A_112] : memref<10240xi32, #tpu.memory_space<vmem>> -> memref<7680xi32, #tpu.memory_space<vmem>>
        tpu.wait_dma2 semaphore(%run_scoped3A_105 : memref<!tpu.dma_semaphore, #tpu.memory_space<semaphore_mem>>) src(%arg5 : memref<7680xi32, #tpu.memory_space<hbm>>) dst(%dma_wait3A_113 : memref<7680xi32, #tpu.memory_space<vmem>>)
        tpu.yield
      }) : () -> ()
    } else {
    }
    "tpu.region"() ({
      %run_scoped3A = tpu.sem_alloc : memref<!tpu.dma_semaphore, #tpu.memory_space<semaphore_mem>>
      %dma_start3A_105 = arith.constant 0 : i32
      %dma_start3A_106 = arith.constant 0 : i32
      %dma_start3A_107 = tpu.memref_slice %arg4[%add3A, %dma_start3A_105, %dma_start3A_106] : memref<32x80x128xi32, #tpu.memory_space<hbm>> -> memref<1x80x128xi32, #tpu.memory_space<hbm>>
      %dma_start3A_108 = tpu.memref_squeeze %dma_start3A_107 : memref<1x80x128xi32, #tpu.memory_space<hbm>> -> memref<80x128xi32, #tpu.memory_space<hbm>>
      %dma_start3A_109 = arith.constant 0 : i32
      %dma_start3A_110 = arith.constant 0 : i32
      %dma_start3A_111 = tpu.memref_slice %arg4[%add3A, %dma_start3A_109, %dma_start3A_110] : memref<32x80x128xi32, #tpu.memory_space<hbm>> -> memref<1x80x128xi32, #tpu.memory_space<hbm>>
      %dma_start3A_112 = tpu.memref_squeeze %dma_start3A_111 : memref<1x80x128xi32, #tpu.memory_space<hbm>> -> memref<80x128xi32, #tpu.memory_space<hbm>>
      tpu.enqueue_dma source(%dma_start3A_112 : memref<80x128xi32, #tpu.memory_space<hbm>>) target(%arg9 : memref<80x128xi32, #tpu.memory_space<vmem>>) target_semaphore(%run_scoped3A : memref<!tpu.dma_semaphore, #tpu.memory_space<semaphore_mem>>)
      %dma_wait3A_113 = arith.constant 0 : i32
      %dma_wait3A_114 = arith.constant 0 : i32
      %dma_wait3A_115 = tpu.memref_slice %arg4[%add3A, %dma_wait3A_113, %dma_wait3A_114] : memref<32x80x128xi32, #tpu.memory_space<hbm>> -> memref<1x80x128xi32, #tpu.memory_space<hbm>>
      %dma_wait3A_116 = tpu.memref_squeeze %dma_wait3A_115 : memref<1x80x128xi32, #tpu.memory_space<hbm>> -> memref<80x128xi32, #tpu.memory_space<hbm>>
      %dma_wait3A_117 = arith.constant 0 : i32
      %dma_wait3A_118 = arith.constant 0 : i32
      %dma_wait3A_119 = tpu.memref_slice %arg4[%add3A, %dma_wait3A_117, %dma_wait3A_118] : memref<32x80x128xi32, #tpu.memory_space<hbm>> -> memref<1x80x128xi32, #tpu.memory_space<hbm>>
      %dma_wait3A_120 = tpu.memref_squeeze %dma_wait3A_119 : memref<1x80x128xi32, #tpu.memory_space<hbm>> -> memref<80x128xi32, #tpu.memory_space<hbm>>
      tpu.wait_dma2 semaphore(%run_scoped3A : memref<!tpu.dma_semaphore, #tpu.memory_space<semaphore_mem>>) src(%dma_wait3A_120 : memref<80x128xi32, #tpu.memory_space<hbm>>) dst(%arg9 : memref<80x128xi32, #tpu.memory_space<vmem>>)
      tpu.yield
    }) : () -> ()
    %barrier3A = arith.constant 0 : index
    tpu.barrier barrier_id(%barrier3A)
    %dma_start3A = arith.constant 0 : i32
    %dma_start3A_13 = arith.constant 0 : i32
    %dma_start3A_14 = arith.constant 0 : i32
    %dma_start3A_15 = tpu.memref_slice %arg10[%dma_start3A, %dma_start3A_13, %dma_start3A_14] : memref<8x128x32xf32, #tpu.memory_space<vmem>> -> memref<1x128x32xf32, #tpu.memory_space<vmem>>
    %dma_start3A_16 = tpu.memref_squeeze %dma_start3A_15 : memref<1x128x32xf32, #tpu.memory_space<vmem>> -> memref<128x32xf32, #tpu.memory_space<vmem>>
    %dma_start3A_17 = arith.constant 0 : i32
    %dma_start3A_18 = tpu.memref_slice %arg8[%dma_start3A_17] : memref<10240xi32, #tpu.memory_space<vmem>> -> memref<128xi32, #tpu.memory_space<vmem>>
    %dma_start3A_19 = arith.constant 0 : i32
    %dma_start3A_20 = arith.constant 0 : i32
    %dma_start3A_21 = tpu.memref_slice %arg12[%dma_start3A_19, %dma_start3A_20] : memref<10240x32xf32, #tpu.memory_space<vmem_shared>> -> memref<10240x32xf32, #tpu.memory_space<vmem_shared>>
    tpu.enqueue_indirect_dma source(%dma_start3A_21 : memref<10240x32xf32, #tpu.memory_space<vmem_shared>>) target(%dma_start3A_16 : memref<128x32xf32, #tpu.memory_space<vmem>>) offsets(%dma_start3A_18 : memref<128xi32, #tpu.memory_space<vmem>>) semaphore(%arg13 : memref<!tpu.dma_semaphore, #tpu.memory_space<semaphore_mem>>)
    %dma_start3A_22 = arith.constant 1 : i32
    %dma_start3A_23 = arith.constant 0 : i32
    %dma_start3A_24 = arith.constant 0 : i32
    %dma_start3A_25 = tpu.memref_slice %arg10[%dma_start3A_22, %dma_start3A_23, %dma_start3A_24] : memref<8x128x32xf32, #tpu.memory_space<vmem>> -> memref<1x128x32xf32, #tpu.memory_space<vmem>>
    %dma_start3A_26 = tpu.memref_squeeze %dma_start3A_25 : memref<1x128x32xf32, #tpu.memory_space<vmem>> -> memref<128x32xf32, #tpu.memory_space<vmem>>
    %dma_start3A_27 = arith.constant 128 : i32
    %dma_start3A_28 = tpu.memref_slice %arg8[%dma_start3A_27] : memref<10240xi32, #tpu.memory_space<vmem>> -> memref<128xi32, #tpu.memory_space<vmem>>
    %dma_start3A_29 = arith.constant 0 : i32
    %dma_start3A_30 = arith.constant 0 : i32
    %dma_start3A_31 = tpu.memref_slice %arg12[%dma_start3A_29, %dma_start3A_30] : memref<10240x32xf32, #tpu.memory_space<vmem_shared>> -> memref<10240x32xf32, #tpu.memory_space<vmem_shared>>
    tpu.enqueue_indirect_dma source(%dma_start3A_31 : memref<10240x32xf32, #tpu.memory_space<vmem_shared>>) target(%dma_start3A_26 : memref<128x32xf32, #tpu.memory_space<vmem>>) offsets(%dma_start3A_28 : memref<128xi32, #tpu.memory_space<vmem>>) semaphore(%arg13 : memref<!tpu.dma_semaphore, #tpu.memory_space<semaphore_mem>>)
    %dma_start3A_32 = arith.constant 2 : i32
    %dma_start3A_33 = arith.constant 0 : i32
    %dma_start3A_34 = arith.constant 0 : i32
    %dma_start3A_35 = tpu.memref_slice %arg10[%dma_start3A_32, %dma_start3A_33, %dma_start3A_34] : memref<8x128x32xf32, #tpu.memory_space<vmem>> -> memref<1x128x32xf32, #tpu.memory_space<vmem>>
    %dma_start3A_36 = tpu.memref_squeeze %dma_start3A_35 : memref<1x128x32xf32, #tpu.memory_space<vmem>> -> memref<128x32xf32, #tpu.memory_space<vmem>>
    %dma_start3A_37 = arith.constant 256 : i32
    %dma_start3A_38 = tpu.memref_slice %arg8[%dma_start3A_37] : memref<10240xi32, #tpu.memory_space<vmem>> -> memref<128xi32, #tpu.memory_space<vmem>>
    %dma_start3A_39 = arith.constant 0 : i32
    %dma_start3A_40 = arith.constant 0 : i32
    %dma_start3A_41 = tpu.memref_slice %arg12[%dma_start3A_39, %dma_start3A_40] : memref<10240x32xf32, #tpu.memory_space<vmem_shared>> -> memref<10240x32xf32, #tpu.memory_space<vmem_shared>>
    tpu.enqueue_indirect_dma source(%dma_start3A_41 : memref<10240x32xf32, #tpu.memory_space<vmem_shared>>) target(%dma_start3A_36 : memref<128x32xf32, #tpu.memory_space<vmem>>) offsets(%dma_start3A_38 : memref<128xi32, #tpu.memory_space<vmem>>) semaphore(%arg13 : memref<!tpu.dma_semaphore, #tpu.memory_space<semaphore_mem>>)
    %dma_start3A_42 = arith.constant 3 : i32
    %dma_start3A_43 = arith.constant 0 : i32
    %dma_start3A_44 = arith.constant 0 : i32
    %dma_start3A_45 = tpu.memref_slice %arg10[%dma_start3A_42, %dma_start3A_43, %dma_start3A_44] : memref<8x128x32xf32, #tpu.memory_space<vmem>> -> memref<1x128x32xf32, #tpu.memory_space<vmem>>
    %dma_start3A_46 = tpu.memref_squeeze %dma_start3A_45 : memref<1x128x32xf32, #tpu.memory_space<vmem>> -> memref<128x32xf32, #tpu.memory_space<vmem>>
    %dma_start3A_47 = arith.constant 384 : i32
    %dma_start3A_48 = tpu.memref_slice %arg8[%dma_start3A_47] : memref<10240xi32, #tpu.memory_space<vmem>> -> memref<128xi32, #tpu.memory_space<vmem>>
    %dma_start3A_49 = arith.constant 0 : i32
    %dma_start3A_50 = arith.constant 0 : i32
    %dma_start3A_51 = tpu.memref_slice %arg12[%dma_start3A_49, %dma_start3A_50] : memref<10240x32xf32, #tpu.memory_space<vmem_shared>> -> memref<10240x32xf32, #tpu.memory_space<vmem_shared>>
    tpu.enqueue_indirect_dma source(%dma_start3A_51 : memref<10240x32xf32, #tpu.memory_space<vmem_shared>>) target(%dma_start3A_46 : memref<128x32xf32, #tpu.memory_space<vmem>>) offsets(%dma_start3A_48 : memref<128xi32, #tpu.memory_space<vmem>>) semaphore(%arg13 : memref<!tpu.dma_semaphore, #tpu.memory_space<semaphore_mem>>)
    %dma_start3A_52 = arith.constant 4 : i32
    %dma_start3A_53 = arith.constant 0 : i32
    %dma_start3A_54 = arith.constant 0 : i32
    %dma_start3A_55 = tpu.memref_slice %arg10[%dma_start3A_52, %dma_start3A_53, %dma_start3A_54] : memref<8x128x32xf32, #tpu.memory_space<vmem>> -> memref<1x128x32xf32, #tpu.memory_space<vmem>>
    %dma_start3A_56 = tpu.memref_squeeze %dma_start3A_55 : memref<1x128x32xf32, #tpu.memory_space<vmem>> -> memref<128x32xf32, #tpu.memory_space<vmem>>
    %dma_start3A_57 = arith.constant 512 : i32
    %dma_start3A_58 = tpu.memref_slice %arg8[%dma_start3A_57] : memref<10240xi32, #tpu.memory_space<vmem>> -> memref<128xi32, #tpu.memory_space<vmem>>
    %dma_start3A_59 = arith.constant 0 : i32
    %dma_start3A_60 = arith.constant 0 : i32
    %dma_start3A_61 = tpu.memref_slice %arg12[%dma_start3A_59, %dma_start3A_60] : memref<10240x32xf32, #tpu.memory_space<vmem_shared>> -> memref<10240x32xf32, #tpu.memory_space<vmem_shared>>
    tpu.enqueue_indirect_dma source(%dma_start3A_61 : memref<10240x32xf32, #tpu.memory_space<vmem_shared>>) target(%dma_start3A_56 : memref<128x32xf32, #tpu.memory_space<vmem>>) offsets(%dma_start3A_58 : memref<128xi32, #tpu.memory_space<vmem>>) semaphore(%arg13 : memref<!tpu.dma_semaphore, #tpu.memory_space<semaphore_mem>>)
    %dma_start3A_62 = arith.constant 5 : i32
    %dma_start3A_63 = arith.constant 0 : i32
    %dma_start3A_64 = arith.constant 0 : i32
    %dma_start3A_65 = tpu.memref_slice %arg10[%dma_start3A_62, %dma_start3A_63, %dma_start3A_64] : memref<8x128x32xf32, #tpu.memory_space<vmem>> -> memref<1x128x32xf32, #tpu.memory_space<vmem>>
    %dma_start3A_66 = tpu.memref_squeeze %dma_start3A_65 : memref<1x128x32xf32, #tpu.memory_space<vmem>> -> memref<128x32xf32, #tpu.memory_space<vmem>>
    %dma_start3A_67 = arith.constant 640 : i32
    %dma_start3A_68 = tpu.memref_slice %arg8[%dma_start3A_67] : memref<10240xi32, #tpu.memory_space<vmem>> -> memref<128xi32, #tpu.memory_space<vmem>>
    %dma_start3A_69 = arith.constant 0 : i32
    %dma_start3A_70 = arith.constant 0 : i32
    %dma_start3A_71 = tpu.memref_slice %arg12[%dma_start3A_69, %dma_start3A_70] : memref<10240x32xf32, #tpu.memory_space<vmem_shared>> -> memref<10240x32xf32, #tpu.memory_space<vmem_shared>>
    tpu.enqueue_indirect_dma source(%dma_start3A_71 : memref<10240x32xf32, #tpu.memory_space<vmem_shared>>) target(%dma_start3A_66 : memref<128x32xf32, #tpu.memory_space<vmem>>) offsets(%dma_start3A_68 : memref<128xi32, #tpu.memory_space<vmem>>) semaphore(%arg13 : memref<!tpu.dma_semaphore, #tpu.memory_space<semaphore_mem>>)
    %scan3A = arith.constant 0 : i32
    %scan3A_72 = arith.constant 0 : i32
    %scan3A_73 = arith.constant 10 : i32
    %scan3A_74 = arith.addi %scan3A_72, %scan3A_73 : i32
    %scan3A_75 = arith.constant 1 : i32
    scf.for %scan3A_105 = %scan3A_72 to %scan3A_74 step %scan3A_75  : i32 {
      %mul3A_106 = arith.constant 8 : i32
      %mul3A_107 = arith.muli %mul3A_106, %scan3A_105 : i32
      %add3A_108 = arith.constant 0 : i32
      %add3A_109 = arith.addi %mul3A_107, %add3A_108 : i32
      %dma_wait3A_110 = arith.constant 0 : i32
      %dma_wait3A_111 = arith.constant 0 : i32
      %dma_wait3A_112 = arith.constant 0 : i32
      %dma_wait3A_113 = tpu.memref_slice %arg10[%dma_wait3A_110, %dma_wait3A_111, %dma_wait3A_112] : memref<8x128x32xf32, #tpu.memory_space<vmem>> -> memref<1x128x32xf32, #tpu.memory_space<vmem>>
      %dma_wait3A_114 = tpu.memref_squeeze %dma_wait3A_113 : memref<1x128x32xf32, #tpu.memory_space<vmem>> -> memref<128x32xf32, #tpu.memory_space<vmem>>
      %dma_wait3A_115 = arith.constant 0 : i32
      %dma_wait3A_116 = tpu.memref_slice %arg8[%dma_wait3A_115] : memref<10240xi32, #tpu.memory_space<vmem>> -> memref<128xi32, #tpu.memory_space<vmem>>
      %dma_wait3A_117 = arith.constant 0 : i32
      %dma_wait3A_118 = arith.constant 0 : i32
      %dma_wait3A_119 = tpu.memref_slice %arg12[%dma_wait3A_117, %dma_wait3A_118] : memref<10240x32xf32, #tpu.memory_space<vmem_shared>> -> memref<10240x32xf32, #tpu.memory_space<vmem_shared>>
      tpu.wait_indirect_dma semaphore(%arg13 : memref<!tpu.dma_semaphore, #tpu.memory_space<semaphore_mem>>) src(%dma_wait3A_119 : memref<10240x32xf32, #tpu.memory_space<vmem_shared>>) dst(%dma_wait3A_114 : memref<128x32xf32, #tpu.memory_space<vmem>>)
      %dma_start3A_120 = arith.constant 0 : i32
      %dma_start3A_121 = arith.constant 0 : i32
      %dma_start3A_122 = arith.constant 0 : i32
      %dma_start3A_123 = tpu.memref_slice %arg10[%dma_start3A_120, %dma_start3A_121, %dma_start3A_122] : memref<8x128x32xf32, #tpu.memory_space<vmem>> -> memref<1x128x32xf32, #tpu.memory_space<vmem>>
      %dma_start3A_124 = tpu.memref_squeeze %dma_start3A_123 : memref<1x128x32xf32, #tpu.memory_space<vmem>> -> memref<128x32xf32, #tpu.memory_space<vmem>>
      %dma_start3A_125 = arith.constant 0 : i32
      %dma_start3A_126 = tpu.memref_slice %arg9[%add3A_109, %dma_start3A_125] : memref<80x128xi32, #tpu.memory_space<vmem>> -> memref<1x128xi32, #tpu.memory_space<vmem>>
      %dma_start3A_127 = tpu.memref_squeeze %dma_start3A_126 : memref<1x128xi32, #tpu.memory_space<vmem>> -> memref<128xi32, #tpu.memory_space<vmem>>
      %dma_start3A_128 = arith.constant 0 : i32
      %dma_start3A_129 = arith.constant 0 : i32
      %dma_start3A_130 = tpu.memref_slice %arg11[%dma_start3A_128, %dma_start3A_129] : memref<10240x32xf32, #tpu.memory_space<vmem_shared>> -> memref<10240x32xf32, #tpu.memory_space<vmem_shared>>
      tpu.enqueue_indirect_dma source(%dma_start3A_124 : memref<128x32xf32, #tpu.memory_space<vmem>>) target(%dma_start3A_130 : memref<10240x32xf32, #tpu.memory_space<vmem_shared>>) offsets(%dma_start3A_127 : memref<128xi32, #tpu.memory_space<vmem>>) semaphore(%arg14 : memref<!tpu.dma_semaphore, #tpu.memory_space<semaphore_mem>>) {add = true}
      %ge3A = arith.constant 2 : i32
      %ge3A_131 = arith.cmpi sge, %add3A_109, %ge3A : i32
      %convert_element_type3A_132 = arith.extui %ge3A_131 : i1 to i32
      %cond3A_133 = arith.constant 0 : i32
      %cond3A_134 = arith.cmpi ne, %convert_element_type3A_132, %cond3A_133 : i32
      scf.if %cond3A_134 {
        %dma_wait3A_387 = arith.constant 0 : i32
        %dma_wait3A_388 = arith.constant 0 : i32
        %dma_wait3A_389 = arith.constant 0 : i32
        %dma_wait3A_390 = arith.constant 0 : i32
        %dma_wait3A_391 = tpu.memref_slice %arg10[%dma_wait3A_387, %dma_wait3A_389, %dma_wait3A_390] : memref<8x128x32xf32, #tpu.memory_space<vmem>> -> memref<1x128x32xf32, #tpu.memory_space<vmem>>
        %dma_wait3A_392 = tpu.memref_squeeze %dma_wait3A_391 : memref<1x128x32xf32, #tpu.memory_space<vmem>> -> memref<128x32xf32, #tpu.memory_space<vmem>>
        %dma_wait3A_393 = arith.constant 0 : i32
        %dma_wait3A_394 = tpu.memref_slice %arg9[%dma_wait3A_388, %dma_wait3A_393] : memref<80x128xi32, #tpu.memory_space<vmem>> -> memref<1x128xi32, #tpu.memory_space<vmem>>
        %dma_wait3A_395 = tpu.memref_squeeze %dma_wait3A_394 : memref<1x128xi32, #tpu.memory_space<vmem>> -> memref<128xi32, #tpu.memory_space<vmem>>
        %dma_wait3A_396 = arith.constant 0 : i32
        %dma_wait3A_397 = arith.constant 0 : i32
        %dma_wait3A_398 = tpu.memref_slice %arg11[%dma_wait3A_396, %dma_wait3A_397] : memref<10240x32xf32, #tpu.memory_space<vmem_shared>> -> memref<10240x32xf32, #tpu.memory_space<vmem_shared>>
        tpu.wait_indirect_dma semaphore(%arg14 : memref<!tpu.dma_semaphore, #tpu.memory_space<semaphore_mem>>) src(%dma_wait3A_392 : memref<128x32xf32, #tpu.memory_space<vmem>>) dst(%dma_wait3A_398 : memref<10240x32xf32, #tpu.memory_space<vmem_shared>>)
      } else {
      }
      %add3A_135 = arith.constant 6 : i32
      %add3A_136 = arith.addi %add3A_109, %add3A_135 : i32
      %lt3A_137 = arith.constant 80 : i32
      %lt3A_138 = arith.cmpi slt, %add3A_136, %lt3A_137 : i32
      %convert_element_type3A_139 = arith.extui %lt3A_138 : i1 to i32
      %cond3A_140 = arith.constant 0 : i32
      %cond3A_141 = arith.cmpi ne, %convert_element_type3A_139, %cond3A_140 : i32
      scf.if %cond3A_141 {
        %add3A_387 = arith.constant 6 : i32
        %add3A_388 = arith.addi %add3A_109, %add3A_387 : i32
        %mul3A_389 = arith.constant 128 : i32
        %mul3A_390 = arith.muli %add3A_388, %mul3A_389 : i32
        %dma_start3A_391 = arith.constant 6 : i32
        %dma_start3A_392 = arith.constant 0 : i32
        %dma_start3A_393 = arith.constant 0 : i32
        %dma_start3A_394 = tpu.memref_slice %arg10[%dma_start3A_391, %dma_start3A_392, %dma_start3A_393] : memref<8x128x32xf32, #tpu.memory_space<vmem>> -> memref<1x128x32xf32, #tpu.memory_space<vmem>>
        %dma_start3A_395 = tpu.memref_squeeze %dma_start3A_394 : memref<1x128x32xf32, #tpu.memory_space<vmem>> -> memref<128x32xf32, #tpu.memory_space<vmem>>
        %dma_start3A_396 = tpu.memref_slice %arg8[%mul3A_390] : memref<10240xi32, #tpu.memory_space<vmem>> -> memref<128xi32, #tpu.memory_space<vmem>>
        %dma_start3A_397 = arith.constant 0 : i32
        %dma_start3A_398 = arith.constant 0 : i32
        %dma_start3A_399 = tpu.memref_slice %arg12[%dma_start3A_397, %dma_start3A_398] : memref<10240x32xf32, #tpu.memory_space<vmem_shared>> -> memref<10240x32xf32, #tpu.memory_space<vmem_shared>>
        tpu.enqueue_indirect_dma source(%dma_start3A_399 : memref<10240x32xf32, #tpu.memory_space<vmem_shared>>) target(%dma_start3A_395 : memref<128x32xf32, #tpu.memory_space<vmem>>) offsets(%dma_start3A_396 : memref<128xi32, #tpu.memory_space<vmem>>) semaphore(%arg13 : memref<!tpu.dma_semaphore, #tpu.memory_space<semaphore_mem>>)
      } else {
      }
      %add3A_142 = arith.constant 1 : i32
      %add3A_143 = arith.addi %mul3A_107, %add3A_142 : i32
      %dma_wait3A_144 = arith.constant 1 : i32
      %dma_wait3A_145 = arith.constant 0 : i32
      %dma_wait3A_146 = arith.constant 0 : i32
      %dma_wait3A_147 = tpu.memref_slice %arg10[%dma_wait3A_144, %dma_wait3A_145, %dma_wait3A_146] : memref<8x128x32xf32, #tpu.memory_space<vmem>> -> memref<1x128x32xf32, #tpu.memory_space<vmem>>
      %dma_wait3A_148 = tpu.memref_squeeze %dma_wait3A_147 : memref<1x128x32xf32, #tpu.memory_space<vmem>> -> memref<128x32xf32, #tpu.memory_space<vmem>>
      %dma_wait3A_149 = arith.constant 0 : i32
      %dma_wait3A_150 = tpu.memref_slice %arg8[%dma_wait3A_149] : memref<10240xi32, #tpu.memory_space<vmem>> -> memref<128xi32, #tpu.memory_space<vmem>>
      %dma_wait3A_151 = arith.constant 0 : i32
      %dma_wait3A_152 = arith.constant 0 : i32
      %dma_wait3A_153 = tpu.memref_slice %arg12[%dma_wait3A_151, %dma_wait3A_152] : memref<10240x32xf32, #tpu.memory_space<vmem_shared>> -> memref<10240x32xf32, #tpu.memory_space<vmem_shared>>
      tpu.wait_indirect_dma semaphore(%arg13 : memref<!tpu.dma_semaphore, #tpu.memory_space<semaphore_mem>>) src(%dma_wait3A_153 : memref<10240x32xf32, #tpu.memory_space<vmem_shared>>) dst(%dma_wait3A_148 : memref<128x32xf32, #tpu.memory_space<vmem>>)
      %dma_start3A_154 = arith.constant 1 : i32
      %dma_start3A_155 = arith.constant 0 : i32
      %dma_start3A_156 = arith.constant 0 : i32
      %dma_start3A_157 = tpu.memref_slice %arg10[%dma_start3A_154, %dma_start3A_155, %dma_start3A_156] : memref<8x128x32xf32, #tpu.memory_space<vmem>> -> memref<1x128x32xf32, #tpu.memory_space<vmem>>
      %dma_start3A_158 = tpu.memref_squeeze %dma_start3A_157 : memref<1x128x32xf32, #tpu.memory_space<vmem>> -> memref<128x32xf32, #tpu.memory_space<vmem>>
      %dma_start3A_159 = arith.constant 0 : i32
      %dma_start3A_160 = tpu.memref_slice %arg9[%add3A_143, %dma_start3A_159] : memref<80x128xi32, #tpu.memory_space<vmem>> -> memref<1x128xi32, #tpu.memory_space<vmem>>
      %dma_start3A_161 = tpu.memref_squeeze %dma_start3A_160 : memref<1x128xi32, #tpu.memory_space<vmem>> -> memref<128xi32, #tpu.memory_space<vmem>>
      %dma_start3A_162 = arith.constant 0 : i32
      %dma_start3A_163 = arith.constant 0 : i32
      %dma_start3A_164 = tpu.memref_slice %arg11[%dma_start3A_162, %dma_start3A_163] : memref<10240x32xf32, #tpu.memory_space<vmem_shared>> -> memref<10240x32xf32, #tpu.memory_space<vmem_shared>>
      tpu.enqueue_indirect_dma source(%dma_start3A_158 : memref<128x32xf32, #tpu.memory_space<vmem>>) target(%dma_start3A_164 : memref<10240x32xf32, #tpu.memory_space<vmem_shared>>) offsets(%dma_start3A_161 : memref<128xi32, #tpu.memory_space<vmem>>) semaphore(%arg14 : memref<!tpu.dma_semaphore, #tpu.memory_space<semaphore_mem>>) {add = true}
      %ge3A_165 = arith.constant 2 : i32
      %ge3A_166 = arith.cmpi sge, %add3A_143, %ge3A_165 : i32
      %convert_element_type3A_167 = arith.extui %ge3A_166 : i1 to i32
      %cond3A_168 = arith.constant 0 : i32
      %cond3A_169 = arith.cmpi ne, %convert_element_type3A_167, %cond3A_168 : i32
      scf.if %cond3A_169 {
        %dma_wait3A_387 = arith.constant 1 : i32
        %dma_wait3A_388 = arith.constant 0 : i32
        %dma_wait3A_389 = arith.constant 0 : i32
        %dma_wait3A_390 = arith.constant 0 : i32
        %dma_wait3A_391 = tpu.memref_slice %arg10[%dma_wait3A_387, %dma_wait3A_389, %dma_wait3A_390] : memref<8x128x32xf32, #tpu.memory_space<vmem>> -> memref<1x128x32xf32, #tpu.memory_space<vmem>>
        %dma_wait3A_392 = tpu.memref_squeeze %dma_wait3A_391 : memref<1x128x32xf32, #tpu.memory_space<vmem>> -> memref<128x32xf32, #tpu.memory_space<vmem>>
        %dma_wait3A_393 = arith.constant 0 : i32
        %dma_wait3A_394 = tpu.memref_slice %arg9[%dma_wait3A_388, %dma_wait3A_393] : memref<80x128xi32, #tpu.memory_space<vmem>> -> memref<1x128xi32, #tpu.memory_space<vmem>>
        %dma_wait3A_395 = tpu.memref_squeeze %dma_wait3A_394 : memref<1x128xi32, #tpu.memory_space<vmem>> -> memref<128xi32, #tpu.memory_space<vmem>>
        %dma_wait3A_396 = arith.constant 0 : i32
        %dma_wait3A_397 = arith.constant 0 : i32
        %dma_wait3A_398 = tpu.memref_slice %arg11[%dma_wait3A_396, %dma_wait3A_397] : memref<10240x32xf32, #tpu.memory_space<vmem_shared>> -> memref<10240x32xf32, #tpu.memory_space<vmem_shared>>
        tpu.wait_indirect_dma semaphore(%arg14 : memref<!tpu.dma_semaphore, #tpu.memory_space<semaphore_mem>>) src(%dma_wait3A_392 : memref<128x32xf32, #tpu.memory_space<vmem>>) dst(%dma_wait3A_398 : memref<10240x32xf32, #tpu.memory_space<vmem_shared>>)
      } else {
      }
      %add3A_170 = arith.constant 6 : i32
      %add3A_171 = arith.addi %add3A_143, %add3A_170 : i32
      %lt3A_172 = arith.constant 80 : i32
      %lt3A_173 = arith.cmpi slt, %add3A_171, %lt3A_172 : i32
      %convert_element_type3A_174 = arith.extui %lt3A_173 : i1 to i32
      %cond3A_175 = arith.constant 0 : i32
      %cond3A_176 = arith.cmpi ne, %convert_element_type3A_174, %cond3A_175 : i32
      scf.if %cond3A_176 {
        %add3A_387 = arith.constant 6 : i32
        %add3A_388 = arith.addi %add3A_143, %add3A_387 : i32
        %mul3A_389 = arith.constant 128 : i32
        %mul3A_390 = arith.muli %add3A_388, %mul3A_389 : i32
        %dma_start3A_391 = arith.constant 7 : i32
        %dma_start3A_392 = arith.constant 0 : i32
        %dma_start3A_393 = arith.constant 0 : i32
        %dma_start3A_394 = tpu.memref_slice %arg10[%dma_start3A_391, %dma_start3A_392, %dma_start3A_393] : memref<8x128x32xf32, #tpu.memory_space<vmem>> -> memref<1x128x32xf32, #tpu.memory_space<vmem>>
        %dma_start3A_395 = tpu.memref_squeeze %dma_start3A_394 : memref<1x128x32xf32, #tpu.memory_space<vmem>> -> memref<128x32xf32, #tpu.memory_space<vmem>>
        %dma_start3A_396 = tpu.memref_slice %arg8[%mul3A_390] : memref<10240xi32, #tpu.memory_space<vmem>> -> memref<128xi32, #tpu.memory_space<vmem>>
        %dma_start3A_397 = arith.constant 0 : i32
        %dma_start3A_398 = arith.constant 0 : i32
        %dma_start3A_399 = tpu.memref_slice %arg12[%dma_start3A_397, %dma_start3A_398] : memref<10240x32xf32, #tpu.memory_space<vmem_shared>> -> memref<10240x32xf32, #tpu.memory_space<vmem_shared>>
        tpu.enqueue_indirect_dma source(%dma_start3A_399 : memref<10240x32xf32, #tpu.memory_space<vmem_shared>>) target(%dma_start3A_395 : memref<128x32xf32, #tpu.memory_space<vmem>>) offsets(%dma_start3A_396 : memref<128xi32, #tpu.memory_space<vmem>>) semaphore(%arg13 : memref<!tpu.dma_semaphore, #tpu.memory_space<semaphore_mem>>)
      } else {
      }
      %add3A_177 = arith.constant 2 : i32
      %add3A_178 = arith.addi %mul3A_107, %add3A_177 : i32
      %dma_wait3A_179 = arith.constant 2 : i32
      %dma_wait3A_180 = arith.constant 0 : i32
      %dma_wait3A_181 = arith.constant 0 : i32
      %dma_wait3A_182 = tpu.memref_slice %arg10[%dma_wait3A_179, %dma_wait3A_180, %dma_wait3A_181] : memref<8x128x32xf32, #tpu.memory_space<vmem>> -> memref<1x128x32xf32, #tpu.memory_space<vmem>>
      %dma_wait3A_183 = tpu.memref_squeeze %dma_wait3A_182 : memref<1x128x32xf32, #tpu.memory_space<vmem>> -> memref<128x32xf32, #tpu.memory_space<vmem>>
      %dma_wait3A_184 = arith.constant 0 : i32
      %dma_wait3A_185 = tpu.memref_slice %arg8[%dma_wait3A_184] : memref<10240xi32, #tpu.memory_space<vmem>> -> memref<128xi32, #tpu.memory_space<vmem>>
      %dma_wait3A_186 = arith.constant 0 : i32
      %dma_wait3A_187 = arith.constant 0 : i32
      %dma_wait3A_188 = tpu.memref_slice %arg12[%dma_wait3A_186, %dma_wait3A_187] : memref<10240x32xf32, #tpu.memory_space<vmem_shared>> -> memref<10240x32xf32, #tpu.memory_space<vmem_shared>>
      tpu.wait_indirect_dma semaphore(%arg13 : memref<!tpu.dma_semaphore, #tpu.memory_space<semaphore_mem>>) src(%dma_wait3A_188 : memref<10240x32xf32, #tpu.memory_space<vmem_shared>>) dst(%dma_wait3A_183 : memref<128x32xf32, #tpu.memory_space<vmem>>)
      %dma_start3A_189 = arith.constant 2 : i32
      %dma_start3A_190 = arith.constant 0 : i32
      %dma_start3A_191 = arith.constant 0 : i32
      %dma_start3A_192 = tpu.memref_slice %arg10[%dma_start3A_189, %dma_start3A_190, %dma_start3A_191] : memref<8x128x32xf32, #tpu.memory_space<vmem>> -> memref<1x128x32xf32, #tpu.memory_space<vmem>>
      %dma_start3A_193 = tpu.memref_squeeze %dma_start3A_192 : memref<1x128x32xf32, #tpu.memory_space<vmem>> -> memref<128x32xf32, #tpu.memory_space<vmem>>
      %dma_start3A_194 = arith.constant 0 : i32
      %dma_start3A_195 = tpu.memref_slice %arg9[%add3A_178, %dma_start3A_194] : memref<80x128xi32, #tpu.memory_space<vmem>> -> memref<1x128xi32, #tpu.memory_space<vmem>>
      %dma_start3A_196 = tpu.memref_squeeze %dma_start3A_195 : memref<1x128xi32, #tpu.memory_space<vmem>> -> memref<128xi32, #tpu.memory_space<vmem>>
      %dma_start3A_197 = arith.constant 0 : i32
      %dma_start3A_198 = arith.constant 0 : i32
      %dma_start3A_199 = tpu.memref_slice %arg11[%dma_start3A_197, %dma_start3A_198] : memref<10240x32xf32, #tpu.memory_space<vmem_shared>> -> memref<10240x32xf32, #tpu.memory_space<vmem_shared>>
      tpu.enqueue_indirect_dma source(%dma_start3A_193 : memref<128x32xf32, #tpu.memory_space<vmem>>) target(%dma_start3A_199 : memref<10240x32xf32, #tpu.memory_space<vmem_shared>>) offsets(%dma_start3A_196 : memref<128xi32, #tpu.memory_space<vmem>>) semaphore(%arg14 : memref<!tpu.dma_semaphore, #tpu.memory_space<semaphore_mem>>) {add = true}
      %ge3A_200 = arith.constant 2 : i32
      %ge3A_201 = arith.cmpi sge, %add3A_178, %ge3A_200 : i32
      %convert_element_type3A_202 = arith.extui %ge3A_201 : i1 to i32
      %cond3A_203 = arith.constant 0 : i32
      %cond3A_204 = arith.cmpi ne, %convert_element_type3A_202, %cond3A_203 : i32
      scf.if %cond3A_204 {
        %dma_wait3A_387 = arith.constant 2 : i32
        %dma_wait3A_388 = arith.constant 0 : i32
        %dma_wait3A_389 = arith.constant 0 : i32
        %dma_wait3A_390 = arith.constant 0 : i32
        %dma_wait3A_391 = tpu.memref_slice %arg10[%dma_wait3A_387, %dma_wait3A_389, %dma_wait3A_390] : memref<8x128x32xf32, #tpu.memory_space<vmem>> -> memref<1x128x32xf32, #tpu.memory_space<vmem>>
        %dma_wait3A_392 = tpu.memref_squeeze %dma_wait3A_391 : memref<1x128x32xf32, #tpu.memory_space<vmem>> -> memref<128x32xf32, #tpu.memory_space<vmem>>
        %dma_wait3A_393 = arith.constant 0 : i32
        %dma_wait3A_394 = tpu.memref_slice %arg9[%dma_wait3A_388, %dma_wait3A_393] : memref<80x128xi32, #tpu.memory_space<vmem>> -> memref<1x128xi32, #tpu.memory_space<vmem>>
        %dma_wait3A_395 = tpu.memref_squeeze %dma_wait3A_394 : memref<1x128xi32, #tpu.memory_space<vmem>> -> memref<128xi32, #tpu.memory_space<vmem>>
        %dma_wait3A_396 = arith.constant 0 : i32
        %dma_wait3A_397 = arith.constant 0 : i32
        %dma_wait3A_398 = tpu.memref_slice %arg11[%dma_wait3A_396, %dma_wait3A_397] : memref<10240x32xf32, #tpu.memory_space<vmem_shared>> -> memref<10240x32xf32, #tpu.memory_space<vmem_shared>>
        tpu.wait_indirect_dma semaphore(%arg14 : memref<!tpu.dma_semaphore, #tpu.memory_space<semaphore_mem>>) src(%dma_wait3A_392 : memref<128x32xf32, #tpu.memory_space<vmem>>) dst(%dma_wait3A_398 : memref<10240x32xf32, #tpu.memory_space<vmem_shared>>)
      } else {
      }
      %add3A_205 = arith.constant 6 : i32
      %add3A_206 = arith.addi %add3A_178, %add3A_205 : i32
      %lt3A_207 = arith.constant 80 : i32
      %lt3A_208 = arith.cmpi slt, %add3A_206, %lt3A_207 : i32
      %convert_element_type3A_209 = arith.extui %lt3A_208 : i1 to i32
      %cond3A_210 = arith.constant 0 : i32
      %cond3A_211 = arith.cmpi ne, %convert_element_type3A_209, %cond3A_210 : i32
      scf.if %cond3A_211 {
        %add3A_387 = arith.constant 6 : i32
        %add3A_388 = arith.addi %add3A_178, %add3A_387 : i32
        %mul3A_389 = arith.constant 128 : i32
        %mul3A_390 = arith.muli %add3A_388, %mul3A_389 : i32
        %dma_start3A_391 = arith.constant 0 : i32
        %dma_start3A_392 = arith.constant 0 : i32
        %dma_start3A_393 = arith.constant 0 : i32
        %dma_start3A_394 = tpu.memref_slice %arg10[%dma_start3A_391, %dma_start3A_392, %dma_start3A_393] : memref<8x128x32xf32, #tpu.memory_space<vmem>> -> memref<1x128x32xf32, #tpu.memory_space<vmem>>
        %dma_start3A_395 = tpu.memref_squeeze %dma_start3A_394 : memref<1x128x32xf32, #tpu.memory_space<vmem>> -> memref<128x32xf32, #tpu.memory_space<vmem>>
        %dma_start3A_396 = tpu.memref_slice %arg8[%mul3A_390] : memref<10240xi32, #tpu.memory_space<vmem>> -> memref<128xi32, #tpu.memory_space<vmem>>
        %dma_start3A_397 = arith.constant 0 : i32
        %dma_start3A_398 = arith.constant 0 : i32
        %dma_start3A_399 = tpu.memref_slice %arg12[%dma_start3A_397, %dma_start3A_398] : memref<10240x32xf32, #tpu.memory_space<vmem_shared>> -> memref<10240x32xf32, #tpu.memory_space<vmem_shared>>
        tpu.enqueue_indirect_dma source(%dma_start3A_399 : memref<10240x32xf32, #tpu.memory_space<vmem_shared>>) target(%dma_start3A_395 : memref<128x32xf32, #tpu.memory_space<vmem>>) offsets(%dma_start3A_396 : memref<128xi32, #tpu.memory_space<vmem>>) semaphore(%arg13 : memref<!tpu.dma_semaphore, #tpu.memory_space<semaphore_mem>>)
      } else {
      }
      %add3A_212 = arith.constant 3 : i32
      %add3A_213 = arith.addi %mul3A_107, %add3A_212 : i32
      %dma_wait3A_214 = arith.constant 3 : i32
      %dma_wait3A_215 = arith.constant 0 : i32
      %dma_wait3A_216 = arith.constant 0 : i32
      %dma_wait3A_217 = tpu.memref_slice %arg10[%dma_wait3A_214, %dma_wait3A_215, %dma_wait3A_216] : memref<8x128x32xf32, #tpu.memory_space<vmem>> -> memref<1x128x32xf32, #tpu.memory_space<vmem>>
      %dma_wait3A_218 = tpu.memref_squeeze %dma_wait3A_217 : memref<1x128x32xf32, #tpu.memory_space<vmem>> -> memref<128x32xf32, #tpu.memory_space<vmem>>
      %dma_wait3A_219 = arith.constant 0 : i32
      %dma_wait3A_220 = tpu.memref_slice %arg8[%dma_wait3A_219] : memref<10240xi32, #tpu.memory_space<vmem>> -> memref<128xi32, #tpu.memory_space<vmem>>
      %dma_wait3A_221 = arith.constant 0 : i32
      %dma_wait3A_222 = arith.constant 0 : i32
      %dma_wait3A_223 = tpu.memref_slice %arg12[%dma_wait3A_221, %dma_wait3A_222] : memref<10240x32xf32, #tpu.memory_space<vmem_shared>> -> memref<10240x32xf32, #tpu.memory_space<vmem_shared>>
      tpu.wait_indirect_dma semaphore(%arg13 : memref<!tpu.dma_semaphore, #tpu.memory_space<semaphore_mem>>) src(%dma_wait3A_223 : memref<10240x32xf32, #tpu.memory_space<vmem_shared>>) dst(%dma_wait3A_218 : memref<128x32xf32, #tpu.memory_space<vmem>>)
      %dma_start3A_224 = arith.constant 3 : i32
      %dma_start3A_225 = arith.constant 0 : i32
      %dma_start3A_226 = arith.constant 0 : i32
      %dma_start3A_227 = tpu.memref_slice %arg10[%dma_start3A_224, %dma_start3A_225, %dma_start3A_226] : memref<8x128x32xf32, #tpu.memory_space<vmem>> -> memref<1x128x32xf32, #tpu.memory_space<vmem>>
      %dma_start3A_228 = tpu.memref_squeeze %dma_start3A_227 : memref<1x128x32xf32, #tpu.memory_space<vmem>> -> memref<128x32xf32, #tpu.memory_space<vmem>>
      %dma_start3A_229 = arith.constant 0 : i32
      %dma_start3A_230 = tpu.memref_slice %arg9[%add3A_213, %dma_start3A_229] : memref<80x128xi32, #tpu.memory_space<vmem>> -> memref<1x128xi32, #tpu.memory_space<vmem>>
      %dma_start3A_231 = tpu.memref_squeeze %dma_start3A_230 : memref<1x128xi32, #tpu.memory_space<vmem>> -> memref<128xi32, #tpu.memory_space<vmem>>
      %dma_start3A_232 = arith.constant 0 : i32
      %dma_start3A_233 = arith.constant 0 : i32
      %dma_start3A_234 = tpu.memref_slice %arg11[%dma_start3A_232, %dma_start3A_233] : memref<10240x32xf32, #tpu.memory_space<vmem_shared>> -> memref<10240x32xf32, #tpu.memory_space<vmem_shared>>
      tpu.enqueue_indirect_dma source(%dma_start3A_228 : memref<128x32xf32, #tpu.memory_space<vmem>>) target(%dma_start3A_234 : memref<10240x32xf32, #tpu.memory_space<vmem_shared>>) offsets(%dma_start3A_231 : memref<128xi32, #tpu.memory_space<vmem>>) semaphore(%arg14 : memref<!tpu.dma_semaphore, #tpu.memory_space<semaphore_mem>>) {add = true}
      %ge3A_235 = arith.constant 2 : i32
      %ge3A_236 = arith.cmpi sge, %add3A_213, %ge3A_235 : i32
      %convert_element_type3A_237 = arith.extui %ge3A_236 : i1 to i32
      %cond3A_238 = arith.constant 0 : i32
      %cond3A_239 = arith.cmpi ne, %convert_element_type3A_237, %cond3A_238 : i32
      scf.if %cond3A_239 {
        %dma_wait3A_387 = arith.constant 3 : i32
        %dma_wait3A_388 = arith.constant 0 : i32
        %dma_wait3A_389 = arith.constant 0 : i32
        %dma_wait3A_390 = arith.constant 0 : i32
        %dma_wait3A_391 = tpu.memref_slice %arg10[%dma_wait3A_387, %dma_wait3A_389, %dma_wait3A_390] : memref<8x128x32xf32, #tpu.memory_space<vmem>> -> memref<1x128x32xf32, #tpu.memory_space<vmem>>
        %dma_wait3A_392 = tpu.memref_squeeze %dma_wait3A_391 : memref<1x128x32xf32, #tpu.memory_space<vmem>> -> memref<128x32xf32, #tpu.memory_space<vmem>>
        %dma_wait3A_393 = arith.constant 0 : i32
        %dma_wait3A_394 = tpu.memref_slice %arg9[%dma_wait3A_388, %dma_wait3A_393] : memref<80x128xi32, #tpu.memory_space<vmem>> -> memref<1x128xi32, #tpu.memory_space<vmem>>
        %dma_wait3A_395 = tpu.memref_squeeze %dma_wait3A_394 : memref<1x128xi32, #tpu.memory_space<vmem>> -> memref<128xi32, #tpu.memory_space<vmem>>
        %dma_wait3A_396 = arith.constant 0 : i32
        %dma_wait3A_397 = arith.constant 0 : i32
        %dma_wait3A_398 = tpu.memref_slice %arg11[%dma_wait3A_396, %dma_wait3A_397] : memref<10240x32xf32, #tpu.memory_space<vmem_shared>> -> memref<10240x32xf32, #tpu.memory_space<vmem_shared>>
        tpu.wait_indirect_dma semaphore(%arg14 : memref<!tpu.dma_semaphore, #tpu.memory_space<semaphore_mem>>) src(%dma_wait3A_392 : memref<128x32xf32, #tpu.memory_space<vmem>>) dst(%dma_wait3A_398 : memref<10240x32xf32, #tpu.memory_space<vmem_shared>>)
      } else {
      }
      %add3A_240 = arith.constant 6 : i32
      %add3A_241 = arith.addi %add3A_213, %add3A_240 : i32
      %lt3A_242 = arith.constant 80 : i32
      %lt3A_243 = arith.cmpi slt, %add3A_241, %lt3A_242 : i32
      %convert_element_type3A_244 = arith.extui %lt3A_243 : i1 to i32
      %cond3A_245 = arith.constant 0 : i32
      %cond3A_246 = arith.cmpi ne, %convert_element_type3A_244, %cond3A_245 : i32
      scf.if %cond3A_246 {
        %add3A_387 = arith.constant 6 : i32
        %add3A_388 = arith.addi %add3A_213, %add3A_387 : i32
        %mul3A_389 = arith.constant 128 : i32
        %mul3A_390 = arith.muli %add3A_388, %mul3A_389 : i32
        %dma_start3A_391 = arith.constant 1 : i32
        %dma_start3A_392 = arith.constant 0 : i32
        %dma_start3A_393 = arith.constant 0 : i32
        %dma_start3A_394 = tpu.memref_slice %arg10[%dma_start3A_391, %dma_start3A_392, %dma_start3A_393] : memref<8x128x32xf32, #tpu.memory_space<vmem>> -> memref<1x128x32xf32, #tpu.memory_space<vmem>>
        %dma_start3A_395 = tpu.memref_squeeze %dma_start3A_394 : memref<1x128x32xf32, #tpu.memory_space<vmem>> -> memref<128x32xf32, #tpu.memory_space<vmem>>
        %dma_start3A_396 = tpu.memref_slice %arg8[%mul3A_390] : memref<10240xi32, #tpu.memory_space<vmem>> -> memref<128xi32, #tpu.memory_space<vmem>>
        %dma_start3A_397 = arith.constant 0 : i32
        %dma_start3A_398 = arith.constant 0 : i32
        %dma_start3A_399 = tpu.memref_slice %arg12[%dma_start3A_397, %dma_start3A_398] : memref<10240x32xf32, #tpu.memory_space<vmem_shared>> -> memref<10240x32xf32, #tpu.memory_space<vmem_shared>>
        tpu.enqueue_indirect_dma source(%dma_start3A_399 : memref<10240x32xf32, #tpu.memory_space<vmem_shared>>) target(%dma_start3A_395 : memref<128x32xf32, #tpu.memory_space<vmem>>) offsets(%dma_start3A_396 : memref<128xi32, #tpu.memory_space<vmem>>) semaphore(%arg13 : memref<!tpu.dma_semaphore, #tpu.memory_space<semaphore_mem>>)
      } else {
      }
      %add3A_247 = arith.constant 4 : i32
      %add3A_248 = arith.addi %mul3A_107, %add3A_247 : i32
      %dma_wait3A_249 = arith.constant 4 : i32
      %dma_wait3A_250 = arith.constant 0 : i32
      %dma_wait3A_251 = arith.constant 0 : i32
      %dma_wait3A_252 = tpu.memref_slice %arg10[%dma_wait3A_249, %dma_wait3A_250, %dma_wait3A_251] : memref<8x128x32xf32, #tpu.memory_space<vmem>> -> memref<1x128x32xf32, #tpu.memory_space<vmem>>
      %dma_wait3A_253 = tpu.memref_squeeze %dma_wait3A_252 : memref<1x128x32xf32, #tpu.memory_space<vmem>> -> memref<128x32xf32, #tpu.memory_space<vmem>>
      %dma_wait3A_254 = arith.constant 0 : i32
      %dma_wait3A_255 = tpu.memref_slice %arg8[%dma_wait3A_254] : memref<10240xi32, #tpu.memory_space<vmem>> -> memref<128xi32, #tpu.memory_space<vmem>>
      %dma_wait3A_256 = arith.constant 0 : i32
      %dma_wait3A_257 = arith.constant 0 : i32
      %dma_wait3A_258 = tpu.memref_slice %arg12[%dma_wait3A_256, %dma_wait3A_257] : memref<10240x32xf32, #tpu.memory_space<vmem_shared>> -> memref<10240x32xf32, #tpu.memory_space<vmem_shared>>
      tpu.wait_indirect_dma semaphore(%arg13 : memref<!tpu.dma_semaphore, #tpu.memory_space<semaphore_mem>>) src(%dma_wait3A_258 : memref<10240x32xf32, #tpu.memory_space<vmem_shared>>) dst(%dma_wait3A_253 : memref<128x32xf32, #tpu.memory_space<vmem>>)
      %dma_start3A_259 = arith.constant 4 : i32
      %dma_start3A_260 = arith.constant 0 : i32
      %dma_start3A_261 = arith.constant 0 : i32
      %dma_start3A_262 = tpu.memref_slice %arg10[%dma_start3A_259, %dma_start3A_260, %dma_start3A_261] : memref<8x128x32xf32, #tpu.memory_space<vmem>> -> memref<1x128x32xf32, #tpu.memory_space<vmem>>
      %dma_start3A_263 = tpu.memref_squeeze %dma_start3A_262 : memref<1x128x32xf32, #tpu.memory_space<vmem>> -> memref<128x32xf32, #tpu.memory_space<vmem>>
      %dma_start3A_264 = arith.constant 0 : i32
      %dma_start3A_265 = tpu.memref_slice %arg9[%add3A_248, %dma_start3A_264] : memref<80x128xi32, #tpu.memory_space<vmem>> -> memref<1x128xi32, #tpu.memory_space<vmem>>
      %dma_start3A_266 = tpu.memref_squeeze %dma_start3A_265 : memref<1x128xi32, #tpu.memory_space<vmem>> -> memref<128xi32, #tpu.memory_space<vmem>>
      %dma_start3A_267 = arith.constant 0 : i32
      %dma_start3A_268 = arith.constant 0 : i32
      %dma_start3A_269 = tpu.memref_slice %arg11[%dma_start3A_267, %dma_start3A_268] : memref<10240x32xf32, #tpu.memory_space<vmem_shared>> -> memref<10240x32xf32, #tpu.memory_space<vmem_shared>>
      tpu.enqueue_indirect_dma source(%dma_start3A_263 : memref<128x32xf32, #tpu.memory_space<vmem>>) target(%dma_start3A_269 : memref<10240x32xf32, #tpu.memory_space<vmem_shared>>) offsets(%dma_start3A_266 : memref<128xi32, #tpu.memory_space<vmem>>) semaphore(%arg14 : memref<!tpu.dma_semaphore, #tpu.memory_space<semaphore_mem>>) {add = true}
      %ge3A_270 = arith.constant 2 : i32
      %ge3A_271 = arith.cmpi sge, %add3A_248, %ge3A_270 : i32
      %convert_element_type3A_272 = arith.extui %ge3A_271 : i1 to i32
      %cond3A_273 = arith.constant 0 : i32
      %cond3A_274 = arith.cmpi ne, %convert_element_type3A_272, %cond3A_273 : i32
      scf.if %cond3A_274 {
        %dma_wait3A_387 = arith.constant 4 : i32
        %dma_wait3A_388 = arith.constant 0 : i32
        %dma_wait3A_389 = arith.constant 0 : i32
        %dma_wait3A_390 = arith.constant 0 : i32
        %dma_wait3A_391 = tpu.memref_slice %arg10[%dma_wait3A_387, %dma_wait3A_389, %dma_wait3A_390] : memref<8x128x32xf32, #tpu.memory_space<vmem>> -> memref<1x128x32xf32, #tpu.memory_space<vmem>>
        %dma_wait3A_392 = tpu.memref_squeeze %dma_wait3A_391 : memref<1x128x32xf32, #tpu.memory_space<vmem>> -> memref<128x32xf32, #tpu.memory_space<vmem>>
        %dma_wait3A_393 = arith.constant 0 : i32
        %dma_wait3A_394 = tpu.memref_slice %arg9[%dma_wait3A_388, %dma_wait3A_393] : memref<80x128xi32, #tpu.memory_space<vmem>> -> memref<1x128xi32, #tpu.memory_space<vmem>>
        %dma_wait3A_395 = tpu.memref_squeeze %dma_wait3A_394 : memref<1x128xi32, #tpu.memory_space<vmem>> -> memref<128xi32, #tpu.memory_space<vmem>>
        %dma_wait3A_396 = arith.constant 0 : i32
        %dma_wait3A_397 = arith.constant 0 : i32
        %dma_wait3A_398 = tpu.memref_slice %arg11[%dma_wait3A_396, %dma_wait3A_397] : memref<10240x32xf32, #tpu.memory_space<vmem_shared>> -> memref<10240x32xf32, #tpu.memory_space<vmem_shared>>
        tpu.wait_indirect_dma semaphore(%arg14 : memref<!tpu.dma_semaphore, #tpu.memory_space<semaphore_mem>>) src(%dma_wait3A_392 : memref<128x32xf32, #tpu.memory_space<vmem>>) dst(%dma_wait3A_398 : memref<10240x32xf32, #tpu.memory_space<vmem_shared>>)
      } else {
      }
      %add3A_275 = arith.constant 6 : i32
      %add3A_276 = arith.addi %add3A_248, %add3A_275 : i32
      %lt3A_277 = arith.constant 80 : i32
      %lt3A_278 = arith.cmpi slt, %add3A_276, %lt3A_277 : i32
      %convert_element_type3A_279 = arith.extui %lt3A_278 : i1 to i32
      %cond3A_280 = arith.constant 0 : i32
      %cond3A_281 = arith.cmpi ne, %convert_element_type3A_279, %cond3A_280 : i32
      scf.if %cond3A_281 {
        %add3A_387 = arith.constant 6 : i32
        %add3A_388 = arith.addi %add3A_248, %add3A_387 : i32
        %mul3A_389 = arith.constant 128 : i32
        %mul3A_390 = arith.muli %add3A_388, %mul3A_389 : i32
        %dma_start3A_391 = arith.constant 2 : i32
        %dma_start3A_392 = arith.constant 0 : i32
        %dma_start3A_393 = arith.constant 0 : i32
        %dma_start3A_394 = tpu.memref_slice %arg10[%dma_start3A_391, %dma_start3A_392, %dma_start3A_393] : memref<8x128x32xf32, #tpu.memory_space<vmem>> -> memref<1x128x32xf32, #tpu.memory_space<vmem>>
        %dma_start3A_395 = tpu.memref_squeeze %dma_start3A_394 : memref<1x128x32xf32, #tpu.memory_space<vmem>> -> memref<128x32xf32, #tpu.memory_space<vmem>>
        %dma_start3A_396 = tpu.memref_slice %arg8[%mul3A_390] : memref<10240xi32, #tpu.memory_space<vmem>> -> memref<128xi32, #tpu.memory_space<vmem>>
        %dma_start3A_397 = arith.constant 0 : i32
        %dma_start3A_398 = arith.constant 0 : i32
        %dma_start3A_399 = tpu.memref_slice %arg12[%dma_start3A_397, %dma_start3A_398] : memref<10240x32xf32, #tpu.memory_space<vmem_shared>> -> memref<10240x32xf32, #tpu.memory_space<vmem_shared>>
        tpu.enqueue_indirect_dma source(%dma_start3A_399 : memref<10240x32xf32, #tpu.memory_space<vmem_shared>>) target(%dma_start3A_395 : memref<128x32xf32, #tpu.memory_space<vmem>>) offsets(%dma_start3A_396 : memref<128xi32, #tpu.memory_space<vmem>>) semaphore(%arg13 : memref<!tpu.dma_semaphore, #tpu.memory_space<semaphore_mem>>)
      } else {
      }
      %add3A_282 = arith.constant 5 : i32
      %add3A_283 = arith.addi %mul3A_107, %add3A_282 : i32
      %dma_wait3A_284 = arith.constant 5 : i32
      %dma_wait3A_285 = arith.constant 0 : i32
      %dma_wait3A_286 = arith.constant 0 : i32
      %dma_wait3A_287 = tpu.memref_slice %arg10[%dma_wait3A_284, %dma_wait3A_285, %dma_wait3A_286] : memref<8x128x32xf32, #tpu.memory_space<vmem>> -> memref<1x128x32xf32, #tpu.memory_space<vmem>>
      %dma_wait3A_288 = tpu.memref_squeeze %dma_wait3A_287 : memref<1x128x32xf32, #tpu.memory_space<vmem>> -> memref<128x32xf32, #tpu.memory_space<vmem>>
      %dma_wait3A_289 = arith.constant 0 : i32
      %dma_wait3A_290 = tpu.memref_slice %arg8[%dma_wait3A_289] : memref<10240xi32, #tpu.memory_space<vmem>> -> memref<128xi32, #tpu.memory_space<vmem>>
      %dma_wait3A_291 = arith.constant 0 : i32
      %dma_wait3A_292 = arith.constant 0 : i32
      %dma_wait3A_293 = tpu.memref_slice %arg12[%dma_wait3A_291, %dma_wait3A_292] : memref<10240x32xf32, #tpu.memory_space<vmem_shared>> -> memref<10240x32xf32, #tpu.memory_space<vmem_shared>>
      tpu.wait_indirect_dma semaphore(%arg13 : memref<!tpu.dma_semaphore, #tpu.memory_space<semaphore_mem>>) src(%dma_wait3A_293 : memref<10240x32xf32, #tpu.memory_space<vmem_shared>>) dst(%dma_wait3A_288 : memref<128x32xf32, #tpu.memory_space<vmem>>)
      %dma_start3A_294 = arith.constant 5 : i32
      %dma_start3A_295 = arith.constant 0 : i32
      %dma_start3A_296 = arith.constant 0 : i32
      %dma_start3A_297 = tpu.memref_slice %arg10[%dma_start3A_294, %dma_start3A_295, %dma_start3A_296] : memref<8x128x32xf32, #tpu.memory_space<vmem>> -> memref<1x128x32xf32, #tpu.memory_space<vmem>>
      %dma_start3A_298 = tpu.memref_squeeze %dma_start3A_297 : memref<1x128x32xf32, #tpu.memory_space<vmem>> -> memref<128x32xf32, #tpu.memory_space<vmem>>
      %dma_start3A_299 = arith.constant 0 : i32
      %dma_start3A_300 = tpu.memref_slice %arg9[%add3A_283, %dma_start3A_299] : memref<80x128xi32, #tpu.memory_space<vmem>> -> memref<1x128xi32, #tpu.memory_space<vmem>>
      %dma_start3A_301 = tpu.memref_squeeze %dma_start3A_300 : memref<1x128xi32, #tpu.memory_space<vmem>> -> memref<128xi32, #tpu.memory_space<vmem>>
      %dma_start3A_302 = arith.constant 0 : i32
      %dma_start3A_303 = arith.constant 0 : i32
      %dma_start3A_304 = tpu.memref_slice %arg11[%dma_start3A_302, %dma_start3A_303] : memref<10240x32xf32, #tpu.memory_space<vmem_shared>> -> memref<10240x32xf32, #tpu.memory_space<vmem_shared>>
      tpu.enqueue_indirect_dma source(%dma_start3A_298 : memref<128x32xf32, #tpu.memory_space<vmem>>) target(%dma_start3A_304 : memref<10240x32xf32, #tpu.memory_space<vmem_shared>>) offsets(%dma_start3A_301 : memref<128xi32, #tpu.memory_space<vmem>>) semaphore(%arg14 : memref<!tpu.dma_semaphore, #tpu.memory_space<semaphore_mem>>) {add = true}
      %ge3A_305 = arith.constant 2 : i32
      %ge3A_306 = arith.cmpi sge, %add3A_283, %ge3A_305 : i32
      %convert_element_type3A_307 = arith.extui %ge3A_306 : i1 to i32
      %cond3A_308 = arith.constant 0 : i32
      %cond3A_309 = arith.cmpi ne, %convert_element_type3A_307, %cond3A_308 : i32
      scf.if %cond3A_309 {
        %dma_wait3A_387 = arith.constant 5 : i32
        %dma_wait3A_388 = arith.constant 0 : i32
        %dma_wait3A_389 = arith.constant 0 : i32
        %dma_wait3A_390 = arith.constant 0 : i32
        %dma_wait3A_391 = tpu.memref_slice %arg10[%dma_wait3A_387, %dma_wait3A_389, %dma_wait3A_390] : memref<8x128x32xf32, #tpu.memory_space<vmem>> -> memref<1x128x32xf32, #tpu.memory_space<vmem>>
        %dma_wait3A_392 = tpu.memref_squeeze %dma_wait3A_391 : memref<1x128x32xf32, #tpu.memory_space<vmem>> -> memref<128x32xf32, #tpu.memory_space<vmem>>
        %dma_wait3A_393 = arith.constant 0 : i32
        %dma_wait3A_394 = tpu.memref_slice %arg9[%dma_wait3A_388, %dma_wait3A_393] : memref<80x128xi32, #tpu.memory_space<vmem>> -> memref<1x128xi32, #tpu.memory_space<vmem>>
        %dma_wait3A_395 = tpu.memref_squeeze %dma_wait3A_394 : memref<1x128xi32, #tpu.memory_space<vmem>> -> memref<128xi32, #tpu.memory_space<vmem>>
        %dma_wait3A_396 = arith.constant 0 : i32
        %dma_wait3A_397 = arith.constant 0 : i32
        %dma_wait3A_398 = tpu.memref_slice %arg11[%dma_wait3A_396, %dma_wait3A_397] : memref<10240x32xf32, #tpu.memory_space<vmem_shared>> -> memref<10240x32xf32, #tpu.memory_space<vmem_shared>>
        tpu.wait_indirect_dma semaphore(%arg14 : memref<!tpu.dma_semaphore, #tpu.memory_space<semaphore_mem>>) src(%dma_wait3A_392 : memref<128x32xf32, #tpu.memory_space<vmem>>) dst(%dma_wait3A_398 : memref<10240x32xf32, #tpu.memory_space<vmem_shared>>)
      } else {
      }
      %add3A_310 = arith.constant 6 : i32
      %add3A_311 = arith.addi %add3A_283, %add3A_310 : i32
      %lt3A_312 = arith.constant 80 : i32
      %lt3A_313 = arith.cmpi slt, %add3A_311, %lt3A_312 : i32
      %convert_element_type3A_314 = arith.extui %lt3A_313 : i1 to i32
      %cond3A_315 = arith.constant 0 : i32
      %cond3A_316 = arith.cmpi ne, %convert_element_type3A_314, %cond3A_315 : i32
      scf.if %cond3A_316 {
        %add3A_387 = arith.constant 6 : i32
        %add3A_388 = arith.addi %add3A_283, %add3A_387 : i32
        %mul3A_389 = arith.constant 128 : i32
        %mul3A_390 = arith.muli %add3A_388, %mul3A_389 : i32
        %dma_start3A_391 = arith.constant 3 : i32
        %dma_start3A_392 = arith.constant 0 : i32
        %dma_start3A_393 = arith.constant 0 : i32
        %dma_start3A_394 = tpu.memref_slice %arg10[%dma_start3A_391, %dma_start3A_392, %dma_start3A_393] : memref<8x128x32xf32, #tpu.memory_space<vmem>> -> memref<1x128x32xf32, #tpu.memory_space<vmem>>
        %dma_start3A_395 = tpu.memref_squeeze %dma_start3A_394 : memref<1x128x32xf32, #tpu.memory_space<vmem>> -> memref<128x32xf32, #tpu.memory_space<vmem>>
        %dma_start3A_396 = tpu.memref_slice %arg8[%mul3A_390] : memref<10240xi32, #tpu.memory_space<vmem>> -> memref<128xi32, #tpu.memory_space<vmem>>
        %dma_start3A_397 = arith.constant 0 : i32
        %dma_start3A_398 = arith.constant 0 : i32
        %dma_start3A_399 = tpu.memref_slice %arg12[%dma_start3A_397, %dma_start3A_398] : memref<10240x32xf32, #tpu.memory_space<vmem_shared>> -> memref<10240x32xf32, #tpu.memory_space<vmem_shared>>
        tpu.enqueue_indirect_dma source(%dma_start3A_399 : memref<10240x32xf32, #tpu.memory_space<vmem_shared>>) target(%dma_start3A_395 : memref<128x32xf32, #tpu.memory_space<vmem>>) offsets(%dma_start3A_396 : memref<128xi32, #tpu.memory_space<vmem>>) semaphore(%arg13 : memref<!tpu.dma_semaphore, #tpu.memory_space<semaphore_mem>>)
      } else {
      }
      %add3A_317 = arith.constant 6 : i32
      %add3A_318 = arith.addi %mul3A_107, %add3A_317 : i32
      %dma_wait3A_319 = arith.constant 6 : i32
      %dma_wait3A_320 = arith.constant 0 : i32
      %dma_wait3A_321 = arith.constant 0 : i32
      %dma_wait3A_322 = tpu.memref_slice %arg10[%dma_wait3A_319, %dma_wait3A_320, %dma_wait3A_321] : memref<8x128x32xf32, #tpu.memory_space<vmem>> -> memref<1x128x32xf32, #tpu.memory_space<vmem>>
      %dma_wait3A_323 = tpu.memref_squeeze %dma_wait3A_322 : memref<1x128x32xf32, #tpu.memory_space<vmem>> -> memref<128x32xf32, #tpu.memory_space<vmem>>
      %dma_wait3A_324 = arith.constant 0 : i32
      %dma_wait3A_325 = tpu.memref_slice %arg8[%dma_wait3A_324] : memref<10240xi32, #tpu.memory_space<vmem>> -> memref<128xi32, #tpu.memory_space<vmem>>
      %dma_wait3A_326 = arith.constant 0 : i32
      %dma_wait3A_327 = arith.constant 0 : i32
      %dma_wait3A_328 = tpu.memref_slice %arg12[%dma_wait3A_326, %dma_wait3A_327] : memref<10240x32xf32, #tpu.memory_space<vmem_shared>> -> memref<10240x32xf32, #tpu.memory_space<vmem_shared>>
      tpu.wait_indirect_dma semaphore(%arg13 : memref<!tpu.dma_semaphore, #tpu.memory_space<semaphore_mem>>) src(%dma_wait3A_328 : memref<10240x32xf32, #tpu.memory_space<vmem_shared>>) dst(%dma_wait3A_323 : memref<128x32xf32, #tpu.memory_space<vmem>>)
      %dma_start3A_329 = arith.constant 6 : i32
      %dma_start3A_330 = arith.constant 0 : i32
      %dma_start3A_331 = arith.constant 0 : i32
      %dma_start3A_332 = tpu.memref_slice %arg10[%dma_start3A_329, %dma_start3A_330, %dma_start3A_331] : memref<8x128x32xf32, #tpu.memory_space<vmem>> -> memref<1x128x32xf32, #tpu.memory_space<vmem>>
      %dma_start3A_333 = tpu.memref_squeeze %dma_start3A_332 : memref<1x128x32xf32, #tpu.memory_space<vmem>> -> memref<128x32xf32, #tpu.memory_space<vmem>>
      %dma_start3A_334 = arith.constant 0 : i32
      %dma_start3A_335 = tpu.memref_slice %arg9[%add3A_318, %dma_start3A_334] : memref<80x128xi32, #tpu.memory_space<vmem>> -> memref<1x128xi32, #tpu.memory_space<vmem>>
      %dma_start3A_336 = tpu.memref_squeeze %dma_start3A_335 : memref<1x128xi32, #tpu.memory_space<vmem>> -> memref<128xi32, #tpu.memory_space<vmem>>
      %dma_start3A_337 = arith.constant 0 : i32
      %dma_start3A_338 = arith.constant 0 : i32
      %dma_start3A_339 = tpu.memref_slice %arg11[%dma_start3A_337, %dma_start3A_338] : memref<10240x32xf32, #tpu.memory_space<vmem_shared>> -> memref<10240x32xf32, #tpu.memory_space<vmem_shared>>
      tpu.enqueue_indirect_dma source(%dma_start3A_333 : memref<128x32xf32, #tpu.memory_space<vmem>>) target(%dma_start3A_339 : memref<10240x32xf32, #tpu.memory_space<vmem_shared>>) offsets(%dma_start3A_336 : memref<128xi32, #tpu.memory_space<vmem>>) semaphore(%arg14 : memref<!tpu.dma_semaphore, #tpu.memory_space<semaphore_mem>>) {add = true}
      %ge3A_340 = arith.constant 2 : i32
      %ge3A_341 = arith.cmpi sge, %add3A_318, %ge3A_340 : i32
      %convert_element_type3A_342 = arith.extui %ge3A_341 : i1 to i32
      %cond3A_343 = arith.constant 0 : i32
      %cond3A_344 = arith.cmpi ne, %convert_element_type3A_342, %cond3A_343 : i32
      scf.if %cond3A_344 {
        %dma_wait3A_387 = arith.constant 6 : i32
        %dma_wait3A_388 = arith.constant 0 : i32
        %dma_wait3A_389 = arith.constant 0 : i32
        %dma_wait3A_390 = arith.constant 0 : i32
        %dma_wait3A_391 = tpu.memref_slice %arg10[%dma_wait3A_387, %dma_wait3A_389, %dma_wait3A_390] : memref<8x128x32xf32, #tpu.memory_space<vmem>> -> memref<1x128x32xf32, #tpu.memory_space<vmem>>
        %dma_wait3A_392 = tpu.memref_squeeze %dma_wait3A_391 : memref<1x128x32xf32, #tpu.memory_space<vmem>> -> memref<128x32xf32, #tpu.memory_space<vmem>>
        %dma_wait3A_393 = arith.constant 0 : i32
        %dma_wait3A_394 = tpu.memref_slice %arg9[%dma_wait3A_388, %dma_wait3A_393] : memref<80x128xi32, #tpu.memory_space<vmem>> -> memref<1x128xi32, #tpu.memory_space<vmem>>
        %dma_wait3A_395 = tpu.memref_squeeze %dma_wait3A_394 : memref<1x128xi32, #tpu.memory_space<vmem>> -> memref<128xi32, #tpu.memory_space<vmem>>
        %dma_wait3A_396 = arith.constant 0 : i32
        %dma_wait3A_397 = arith.constant 0 : i32
        %dma_wait3A_398 = tpu.memref_slice %arg11[%dma_wait3A_396, %dma_wait3A_397] : memref<10240x32xf32, #tpu.memory_space<vmem_shared>> -> memref<10240x32xf32, #tpu.memory_space<vmem_shared>>
        tpu.wait_indirect_dma semaphore(%arg14 : memref<!tpu.dma_semaphore, #tpu.memory_space<semaphore_mem>>) src(%dma_wait3A_392 : memref<128x32xf32, #tpu.memory_space<vmem>>) dst(%dma_wait3A_398 : memref<10240x32xf32, #tpu.memory_space<vmem_shared>>)
      } else {
      }
      %add3A_345 = arith.constant 6 : i32
      %add3A_346 = arith.addi %add3A_318, %add3A_345 : i32
      %lt3A_347 = arith.constant 80 : i32
      %lt3A_348 = arith.cmpi slt, %add3A_346, %lt3A_347 : i32
      %convert_element_type3A_349 = arith.extui %lt3A_348 : i1 to i32
      %cond3A_350 = arith.constant 0 : i32
      %cond3A_351 = arith.cmpi ne, %convert_element_type3A_349, %cond3A_350 : i32
      scf.if %cond3A_351 {
        %add3A_387 = arith.constant 6 : i32
        %add3A_388 = arith.addi %add3A_318, %add3A_387 : i32
        %mul3A_389 = arith.constant 128 : i32
        %mul3A_390 = arith.muli %add3A_388, %mul3A_389 : i32
        %dma_start3A_391 = arith.constant 4 : i32
        %dma_start3A_392 = arith.constant 0 : i32
        %dma_start3A_393 = arith.constant 0 : i32
        %dma_start3A_394 = tpu.memref_slice %arg10[%dma_start3A_391, %dma_start3A_392, %dma_start3A_393] : memref<8x128x32xf32, #tpu.memory_space<vmem>> -> memref<1x128x32xf32, #tpu.memory_space<vmem>>
        %dma_start3A_395 = tpu.memref_squeeze %dma_start3A_394 : memref<1x128x32xf32, #tpu.memory_space<vmem>> -> memref<128x32xf32, #tpu.memory_space<vmem>>
        %dma_start3A_396 = tpu.memref_slice %arg8[%mul3A_390] : memref<10240xi32, #tpu.memory_space<vmem>> -> memref<128xi32, #tpu.memory_space<vmem>>
        %dma_start3A_397 = arith.constant 0 : i32
        %dma_start3A_398 = arith.constant 0 : i32
        %dma_start3A_399 = tpu.memref_slice %arg12[%dma_start3A_397, %dma_start3A_398] : memref<10240x32xf32, #tpu.memory_space<vmem_shared>> -> memref<10240x32xf32, #tpu.memory_space<vmem_shared>>
        tpu.enqueue_indirect_dma source(%dma_start3A_399 : memref<10240x32xf32, #tpu.memory_space<vmem_shared>>) target(%dma_start3A_395 : memref<128x32xf32, #tpu.memory_space<vmem>>) offsets(%dma_start3A_396 : memref<128xi32, #tpu.memory_space<vmem>>) semaphore(%arg13 : memref<!tpu.dma_semaphore, #tpu.memory_space<semaphore_mem>>)
      } else {
      }
      %add3A_352 = arith.constant 7 : i32
      %add3A_353 = arith.addi %mul3A_107, %add3A_352 : i32
      %dma_wait3A_354 = arith.constant 7 : i32
      %dma_wait3A_355 = arith.constant 0 : i32
      %dma_wait3A_356 = arith.constant 0 : i32
      %dma_wait3A_357 = tpu.memref_slice %arg10[%dma_wait3A_354, %dma_wait3A_355, %dma_wait3A_356] : memref<8x128x32xf32, #tpu.memory_space<vmem>> -> memref<1x128x32xf32, #tpu.memory_space<vmem>>
      %dma_wait3A_358 = tpu.memref_squeeze %dma_wait3A_357 : memref<1x128x32xf32, #tpu.memory_space<vmem>> -> memref<128x32xf32, #tpu.memory_space<vmem>>
      %dma_wait3A_359 = arith.constant 0 : i32
      %dma_wait3A_360 = tpu.memref_slice %arg8[%dma_wait3A_359] : memref<10240xi32, #tpu.memory_space<vmem>> -> memref<128xi32, #tpu.memory_space<vmem>>
      %dma_wait3A_361 = arith.constant 0 : i32
      %dma_wait3A_362 = arith.constant 0 : i32
      %dma_wait3A_363 = tpu.memref_slice %arg12[%dma_wait3A_361, %dma_wait3A_362] : memref<10240x32xf32, #tpu.memory_space<vmem_shared>> -> memref<10240x32xf32, #tpu.memory_space<vmem_shared>>
      tpu.wait_indirect_dma semaphore(%arg13 : memref<!tpu.dma_semaphore, #tpu.memory_space<semaphore_mem>>) src(%dma_wait3A_363 : memref<10240x32xf32, #tpu.memory_space<vmem_shared>>) dst(%dma_wait3A_358 : memref<128x32xf32, #tpu.memory_space<vmem>>)
      %dma_start3A_364 = arith.constant 7 : i32
      %dma_start3A_365 = arith.constant 0 : i32
      %dma_start3A_366 = arith.constant 0 : i32
      %dma_start3A_367 = tpu.memref_slice %arg10[%dma_start3A_364, %dma_start3A_365, %dma_start3A_366] : memref<8x128x32xf32, #tpu.memory_space<vmem>> -> memref<1x128x32xf32, #tpu.memory_space<vmem>>
      %dma_start3A_368 = tpu.memref_squeeze %dma_start3A_367 : memref<1x128x32xf32, #tpu.memory_space<vmem>> -> memref<128x32xf32, #tpu.memory_space<vmem>>
      %dma_start3A_369 = arith.constant 0 : i32
      %dma_start3A_370 = tpu.memref_slice %arg9[%add3A_353, %dma_start3A_369] : memref<80x128xi32, #tpu.memory_space<vmem>> -> memref<1x128xi32, #tpu.memory_space<vmem>>
      %dma_start3A_371 = tpu.memref_squeeze %dma_start3A_370 : memref<1x128xi32, #tpu.memory_space<vmem>> -> memref<128xi32, #tpu.memory_space<vmem>>
      %dma_start3A_372 = arith.constant 0 : i32
      %dma_start3A_373 = arith.constant 0 : i32
      %dma_start3A_374 = tpu.memref_slice %arg11[%dma_start3A_372, %dma_start3A_373] : memref<10240x32xf32, #tpu.memory_space<vmem_shared>> -> memref<10240x32xf32, #tpu.memory_space<vmem_shared>>
      tpu.enqueue_indirect_dma source(%dma_start3A_368 : memref<128x32xf32, #tpu.memory_space<vmem>>) target(%dma_start3A_374 : memref<10240x32xf32, #tpu.memory_space<vmem_shared>>) offsets(%dma_start3A_371 : memref<128xi32, #tpu.memory_space<vmem>>) semaphore(%arg14 : memref<!tpu.dma_semaphore, #tpu.memory_space<semaphore_mem>>) {add = true}
      %ge3A_375 = arith.constant 2 : i32
      %ge3A_376 = arith.cmpi sge, %add3A_353, %ge3A_375 : i32
      %convert_element_type3A_377 = arith.extui %ge3A_376 : i1 to i32
      %cond3A_378 = arith.constant 0 : i32
      %cond3A_379 = arith.cmpi ne, %convert_element_type3A_377, %cond3A_378 : i32
      scf.if %cond3A_379 {
        %dma_wait3A_387 = arith.constant 7 : i32
        %dma_wait3A_388 = arith.constant 0 : i32
        %dma_wait3A_389 = arith.constant 0 : i32
        %dma_wait3A_390 = arith.constant 0 : i32
        %dma_wait3A_391 = tpu.memref_slice %arg10[%dma_wait3A_387, %dma_wait3A_389, %dma_wait3A_390] : memref<8x128x32xf32, #tpu.memory_space<vmem>> -> memref<1x128x32xf32, #tpu.memory_space<vmem>>
        %dma_wait3A_392 = tpu.memref_squeeze %dma_wait3A_391 : memref<1x128x32xf32, #tpu.memory_space<vmem>> -> memref<128x32xf32, #tpu.memory_space<vmem>>
        %dma_wait3A_393 = arith.constant 0 : i32
        %dma_wait3A_394 = tpu.memref_slice %arg9[%dma_wait3A_388, %dma_wait3A_393] : memref<80x128xi32, #tpu.memory_space<vmem>> -> memref<1x128xi32, #tpu.memory_space<vmem>>
        %dma_wait3A_395 = tpu.memref_squeeze %dma_wait3A_394 : memref<1x128xi32, #tpu.memory_space<vmem>> -> memref<128xi32, #tpu.memory_space<vmem>>
        %dma_wait3A_396 = arith.constant 0 : i32
        %dma_wait3A_397 = arith.constant 0 : i32
        %dma_wait3A_398 = tpu.memref_slice %arg11[%dma_wait3A_396, %dma_wait3A_397] : memref<10240x32xf32, #tpu.memory_space<vmem_shared>> -> memref<10240x32xf32, #tpu.memory_space<vmem_shared>>
        tpu.wait_indirect_dma semaphore(%arg14 : memref<!tpu.dma_semaphore, #tpu.memory_space<semaphore_mem>>) src(%dma_wait3A_392 : memref<128x32xf32, #tpu.memory_space<vmem>>) dst(%dma_wait3A_398 : memref<10240x32xf32, #tpu.memory_space<vmem_shared>>)
      } else {
      }
      %add3A_380 = arith.constant 6 : i32
      %add3A_381 = arith.addi %add3A_353, %add3A_380 : i32
      %lt3A_382 = arith.constant 80 : i32
      %lt3A_383 = arith.cmpi slt, %add3A_381, %lt3A_382 : i32
      %convert_element_type3A_384 = arith.extui %lt3A_383 : i1 to i32
      %cond3A_385 = arith.constant 0 : i32
      %cond3A_386 = arith.cmpi ne, %convert_element_type3A_384, %cond3A_385 : i32
      scf.if %cond3A_386 {
        %add3A_387 = arith.constant 6 : i32
        %add3A_388 = arith.addi %add3A_353, %add3A_387 : i32
        %mul3A_389 = arith.constant 128 : i32
        %mul3A_390 = arith.muli %add3A_388, %mul3A_389 : i32
        %dma_start3A_391 = arith.constant 5 : i32
        %dma_start3A_392 = arith.constant 0 : i32
        %dma_start3A_393 = arith.constant 0 : i32
        %dma_start3A_394 = tpu.memref_slice %arg10[%dma_start3A_391, %dma_start3A_392, %dma_start3A_393] : memref<8x128x32xf32, #tpu.memory_space<vmem>> -> memref<1x128x32xf32, #tpu.memory_space<vmem>>
        %dma_start3A_395 = tpu.memref_squeeze %dma_start3A_394 : memref<1x128x32xf32, #tpu.memory_space<vmem>> -> memref<128x32xf32, #tpu.memory_space<vmem>>
        %dma_start3A_396 = tpu.memref_slice %arg8[%mul3A_390] : memref<10240xi32, #tpu.memory_space<vmem>> -> memref<128xi32, #tpu.memory_space<vmem>>
        %dma_start3A_397 = arith.constant 0 : i32
        %dma_start3A_398 = arith.constant 0 : i32
        %dma_start3A_399 = tpu.memref_slice %arg12[%dma_start3A_397, %dma_start3A_398] : memref<10240x32xf32, #tpu.memory_space<vmem_shared>> -> memref<10240x32xf32, #tpu.memory_space<vmem_shared>>
        tpu.enqueue_indirect_dma source(%dma_start3A_399 : memref<10240x32xf32, #tpu.memory_space<vmem_shared>>) target(%dma_start3A_395 : memref<128x32xf32, #tpu.memory_space<vmem>>) offsets(%dma_start3A_396 : memref<128xi32, #tpu.memory_space<vmem>>) semaphore(%arg13 : memref<!tpu.dma_semaphore, #tpu.memory_space<semaphore_mem>>)
      } else {
      }
    }
    %scan3A_76 = arith.constant 10 : i32
    %dma_wait3A = arith.constant 0 : i32
    %dma_wait3A_77 = arith.constant 0 : i32
    %dma_wait3A_78 = arith.constant 0 : i32
    %dma_wait3A_79 = arith.constant 0 : i32
    %dma_wait3A_80 = tpu.memref_slice %arg10[%dma_wait3A, %dma_wait3A_78, %dma_wait3A_79] : memref<8x128x32xf32, #tpu.memory_space<vmem>> -> memref<1x128x32xf32, #tpu.memory_space<vmem>>
    %dma_wait3A_81 = tpu.memref_squeeze %dma_wait3A_80 : memref<1x128x32xf32, #tpu.memory_space<vmem>> -> memref<128x32xf32, #tpu.memory_space<vmem>>
    %dma_wait3A_82 = arith.constant 0 : i32
    %dma_wait3A_83 = tpu.memref_slice %arg9[%dma_wait3A_77, %dma_wait3A_82] : memref<80x128xi32, #tpu.memory_space<vmem>> -> memref<1x128xi32, #tpu.memory_space<vmem>>
    %dma_wait3A_84 = tpu.memref_squeeze %dma_wait3A_83 : memref<1x128xi32, #tpu.memory_space<vmem>> -> memref<128xi32, #tpu.memory_space<vmem>>
    %dma_wait3A_85 = arith.constant 0 : i32
    %dma_wait3A_86 = arith.constant 0 : i32
    %dma_wait3A_87 = tpu.memref_slice %arg11[%dma_wait3A_85, %dma_wait3A_86] : memref<10240x32xf32, #tpu.memory_space<vmem_shared>> -> memref<10240x32xf32, #tpu.memory_space<vmem_shared>>
    tpu.wait_indirect_dma semaphore(%arg14 : memref<!tpu.dma_semaphore, #tpu.memory_space<semaphore_mem>>) src(%dma_wait3A_81 : memref<128x32xf32, #tpu.memory_space<vmem>>) dst(%dma_wait3A_87 : memref<10240x32xf32, #tpu.memory_space<vmem_shared>>)
    %dma_wait3A_88 = arith.constant 1 : i32
    %dma_wait3A_89 = arith.constant 0 : i32
    %dma_wait3A_90 = arith.constant 0 : i32
    %dma_wait3A_91 = arith.constant 0 : i32
    %dma_wait3A_92 = tpu.memref_slice %arg10[%dma_wait3A_88, %dma_wait3A_90, %dma_wait3A_91] : memref<8x128x32xf32, #tpu.memory_space<vmem>> -> memref<1x128x32xf32, #tpu.memory_space<vmem>>
    %dma_wait3A_93 = tpu.memref_squeeze %dma_wait3A_92 : memref<1x128x32xf32, #tpu.memory_space<vmem>> -> memref<128x32xf32, #tpu.memory_space<vmem>>
    %dma_wait3A_94 = arith.constant 0 : i32
    %dma_wait3A_95 = tpu.memref_slice %arg9[%dma_wait3A_89, %dma_wait3A_94] : memref<80x128xi32, #tpu.memory_space<vmem>> -> memref<1x128xi32, #tpu.memory_space<vmem>>
    %dma_wait3A_96 = tpu.memref_squeeze %dma_wait3A_95 : memref<1x128xi32, #tpu.memory_space<vmem>> -> memref<128xi32, #tpu.memory_space<vmem>>
    %dma_wait3A_97 = arith.constant 0 : i32
    %dma_wait3A_98 = arith.constant 0 : i32
    %dma_wait3A_99 = tpu.memref_slice %arg11[%dma_wait3A_97, %dma_wait3A_98] : memref<10240x32xf32, #tpu.memory_space<vmem_shared>> -> memref<10240x32xf32, #tpu.memory_space<vmem_shared>>
    tpu.wait_indirect_dma semaphore(%arg14 : memref<!tpu.dma_semaphore, #tpu.memory_space<semaphore_mem>>) src(%dma_wait3A_93 : memref<128x32xf32, #tpu.memory_space<vmem>>) dst(%dma_wait3A_99 : memref<10240x32xf32, #tpu.memory_space<vmem_shared>>)
    %barrier3A_100 = arith.constant 0 : index
    tpu.barrier barrier_id(%barrier3A_100)
    %mul3A_101 = arith.constant 640 : i32
    %mul3A_102 = arith.muli %arg1, %mul3A_101 : i32
    %mul3A_103 = arith.constant 640 : i32
    %mul3A_104 = arith.muli %arg1, %mul3A_103 : i32
    "tpu.region"() ({
      %run_scoped3A = tpu.sem_alloc : memref<!tpu.dma_semaphore, #tpu.memory_space<semaphore_mem>>
      %dma_start3A_105 = arith.constant 0 : i32
      %dma_start3A_106 = tpu.memref_slice %arg7[%arg0, %mul3A_104, %dma_start3A_105] : memref<2x10240x32xf32, #tpu.memory_space<hbm>> -> memref<1x640x32xf32, #tpu.memory_space<hbm>>
      %dma_start3A_107 = tpu.memref_squeeze %dma_start3A_106 : memref<1x640x32xf32, #tpu.memory_space<hbm>> -> memref<640x32xf32, #tpu.memory_space<hbm>>
      %dma_start3A_108 = arith.constant 0 : i32
      %dma_start3A_109 = tpu.memref_slice %arg11[%mul3A_102, %dma_start3A_108] : memref<10240x32xf32, #tpu.memory_space<vmem_shared>> -> memref<640x32xf32, #tpu.memory_space<vmem_shared>>
      tpu.enqueue_dma source(%dma_start3A_109 : memref<640x32xf32, #tpu.memory_space<vmem_shared>>) target(%dma_start3A_107 : memref<640x32xf32, #tpu.memory_space<hbm>>) target_semaphore(%run_scoped3A : memref<!tpu.dma_semaphore, #tpu.memory_space<semaphore_mem>>)
      %dma_wait3A_110 = arith.constant 0 : i32
      %dma_wait3A_111 = tpu.memref_slice %arg7[%arg0, %mul3A_104, %dma_wait3A_110] : memref<2x10240x32xf32, #tpu.memory_space<hbm>> -> memref<1x640x32xf32, #tpu.memory_space<hbm>>
      %dma_wait3A_112 = tpu.memref_squeeze %dma_wait3A_111 : memref<1x640x32xf32, #tpu.memory_space<hbm>> -> memref<640x32xf32, #tpu.memory_space<hbm>>
      %dma_wait3A_113 = arith.constant 0 : i32
      %dma_wait3A_114 = tpu.memref_slice %arg11[%mul3A_102, %dma_wait3A_113] : memref<10240x32xf32, #tpu.memory_space<vmem_shared>> -> memref<640x32xf32, #tpu.memory_space<vmem_shared>>
      tpu.wait_dma2 semaphore(%run_scoped3A : memref<!tpu.dma_semaphore, #tpu.memory_space<semaphore_mem>>) src(%dma_wait3A_114 : memref<640x32xf32, #tpu.memory_space<vmem_shared>>) dst(%dma_wait3A_112 : memref<640x32xf32, #tpu.memory_space<hbm>>)
      tpu.yield
    }) : () -> ()
    return
  }
}

#map = affine_map<(d0, d1) -> (0, 0)>
#map1 = affine_map<(d0, d1) -> (0, 0, 0)>
#map2 = affine_map<(d0, d1) -> (0)>
module attributes {stable_mosaic.version = 14 : i64} {
  func.func @k(%arg0: i32, %arg1: i32, %arg2: memref<10240x32xf32, #tpu.memory_space<hbm>>, %arg3: memref<2x320000xi32, #tpu.memory_space<hbm>>, %arg4: memref<32x80x128xi32, #tpu.memory_space<hbm>>, %arg5: memref<7680xi32, #tpu.memory_space<hbm>>, %arg6: memref<640x32xf32, #tpu.memory_space<hbm>>, %arg7: memref<2x10240x32xf32, #tpu.memory_space<hbm>>, %arg8: memref<10240xi32, #tpu.memory_space<vmem>>, %arg9: memref<80x128xi32, #tpu.memory_space<vmem>>, %arg10: memref<8x128x32xf32, #tpu.memory_space<vmem>>, %arg11: memref<10240x32xf32, #tpu.memory_space<vmem_shared>>, %arg12: memref<10240x32xf32, #tpu.memory_space<vmem_shared>>, %arg13: memref<!tpu.dma_semaphore, #tpu.memory_space<semaphore_mem>>, %arg14: memref<!tpu.dma_semaphore, #tpu.memory_space<semaphore_mem>>) attributes {dimension_semantics = [#tpu.dimension_semantics<core_parallel>, #tpu.dimension_semantics<subcore_parallel>], iteration_bounds = array<i64: 2, 16>, scalar_prefetch = 0 : i64, scratch_operands = 7 : i64, tpu.core_type = #tpu.core_type<sc_vector_subcore>, window_params = [{transform_indices = #map}, {transform_indices = #map}, {transform_indices = #map1}, {transform_indices = #map2}, {transform_indices = #map}, {transform_indices = #map1}]} {
    %mul3A = arith.constant 16 : i32
    %mul3A_0 = arith.muli %arg0, %mul3A : i32
    %add3A = arith.addi %mul3A_0, %arg1 : i32
    %mul3A_1 = arith.constant 640 : i32
    %mul3A_2 = arith.muli %arg1, %mul3A_1 : i32
    %mul3A_3 = arith.constant 640 : i32
    %mul3A_4 = arith.muli %arg1, %mul3A_3 : i32
    "tpu.region"() ({
      %run_scoped3A = tpu.sem_alloc : memref<!tpu.dma_semaphore, #tpu.memory_space<semaphore_mem>>
      %dma_start3A_105 = arith.constant 0 : i32
      %dma_start3A_106 = tpu.memref_slice %arg12[%mul3A_4, %dma_start3A_105] : memref<10240x32xf32, #tpu.memory_space<vmem_shared>> -> memref<640x32xf32, #tpu.memory_space<vmem_shared>>
      %dma_start3A_107 = arith.constant 0 : i32
      %dma_start3A_108 = tpu.memref_slice %arg2[%mul3A_2, %dma_start3A_107] : memref<10240x32xf32, #tpu.memory_space<hbm>> -> memref<640x32xf32, #tpu.memory_space<hbm>>
      tpu.enqueue_dma source(%dma_start3A_108 : memref<640x32xf32, #tpu.memory_space<hbm>>) target(%dma_start3A_106 : memref<640x32xf32, #tpu.memory_space<vmem_shared>>) target_semaphore(%run_scoped3A : memref<!tpu.dma_semaphore, #tpu.memory_space<semaphore_mem>>)
      %dma_wait3A_109 = arith.constant 0 : i32
      %dma_wait3A_110 = tpu.memref_slice %arg12[%mul3A_4, %dma_wait3A_109] : memref<10240x32xf32, #tpu.memory_space<vmem_shared>> -> memref<640x32xf32, #tpu.memory_space<vmem_shared>>
      %dma_wait3A_111 = arith.constant 0 : i32
      %dma_wait3A_112 = tpu.memref_slice %arg2[%mul3A_2, %dma_wait3A_111] : memref<10240x32xf32, #tpu.memory_space<hbm>> -> memref<640x32xf32, #tpu.memory_space<hbm>>
      tpu.wait_dma2 semaphore(%run_scoped3A : memref<!tpu.dma_semaphore, #tpu.memory_space<semaphore_mem>>) src(%dma_wait3A_112 : memref<640x32xf32, #tpu.memory_space<hbm>>) dst(%dma_wait3A_110 : memref<640x32xf32, #tpu.memory_space<vmem_shared>>)
      tpu.yield
    }) : () -> ()
    %mul3A_5 = arith.constant 640 : i32
    %mul3A_6 = arith.muli %arg1, %mul3A_5 : i32
    "tpu.region"() ({
      %run_scoped3A = tpu.sem_alloc : memref<!tpu.dma_semaphore, #tpu.memory_space<semaphore_mem>>
      %dma_start3A_105 = arith.constant 0 : i32
      %dma_start3A_106 = tpu.memref_slice %arg11[%mul3A_6, %dma_start3A_105] : memref<10240x32xf32, #tpu.memory_space<vmem_shared>> -> memref<640x32xf32, #tpu.memory_space<vmem_shared>>
      tpu.enqueue_dma source(%arg6 : memref<640x32xf32, #tpu.memory_space<hbm>>) target(%dma_start3A_106 : memref<640x32xf32, #tpu.memory_space<vmem_shared>>) target_semaphore(%run_scoped3A : memref<!tpu.dma_semaphore, #tpu.memory_space<semaphore_mem>>)
      %dma_wait3A_107 = arith.constant 0 : i32
      %dma_wait3A_108 = tpu.memref_slice %arg11[%mul3A_6, %dma_wait3A_107] : memref<10240x32xf32, #tpu.memory_space<vmem_shared>> -> memref<640x32xf32, #tpu.memory_space<vmem_shared>>
      tpu.wait_dma2 semaphore(%run_scoped3A : memref<!tpu.dma_semaphore, #tpu.memory_space<semaphore_mem>>) src(%arg6 : memref<640x32xf32, #tpu.memory_space<hbm>>) dst(%dma_wait3A_108 : memref<640x32xf32, #tpu.memory_space<vmem_shared>>)
      tpu.yield
    }) : () -> ()
    %lt3A = arith.constant 31 : i32
    %lt3A_7 = arith.cmpi slt, %add3A, %lt3A : i32
    %convert_element_type3A = arith.extui %lt3A_7 : i1 to i32
    %cond3A = arith.constant 0 : i32
    %cond3A_8 = arith.cmpi ne, %convert_element_type3A, %cond3A : i32
    scf.if %cond3A_8 {
      %mul3A_105 = arith.constant 10240 : i32
      %mul3A_106 = arith.muli %add3A, %mul3A_105 : i32
      %run_scoped3A = arith.constant 0 : i32
      "tpu.region"() ({
        %run_scoped3A_107 = tpu.sem_alloc : memref<!tpu.dma_semaphore, #tpu.memory_space<semaphore_mem>>
        %dma_start3A_108 = tpu.memref_slice %arg3[%run_scoped3A, %mul3A_106] : memref<2x320000xi32, #tpu.memory_space<hbm>> -> memref<1x10240xi32, #tpu.memory_space<hbm>>
        %dma_start3A_109 = tpu.memref_squeeze %dma_start3A_108 : memref<1x10240xi32, #tpu.memory_space<hbm>> -> memref<10240xi32, #tpu.memory_space<hbm>>
        %dma_start3A_110 = tpu.memref_slice %arg3[%run_scoped3A, %mul3A_106] : memref<2x320000xi32, #tpu.memory_space<hbm>> -> memref<1x10240xi32, #tpu.memory_space<hbm>>
        %dma_start3A_111 = tpu.memref_squeeze %dma_start3A_110 : memref<1x10240xi32, #tpu.memory_space<hbm>> -> memref<10240xi32, #tpu.memory_space<hbm>>
        tpu.enqueue_dma source(%dma_start3A_111 : memref<10240xi32, #tpu.memory_space<hbm>>) target(%arg8 : memref<10240xi32, #tpu.memory_space<vmem>>) target_semaphore(%run_scoped3A_107 : memref<!tpu.dma_semaphore, #tpu.memory_space<semaphore_mem>>)
        %dma_wait3A_112 = tpu.memref_slice %arg3[%run_scoped3A, %mul3A_106] : memref<2x320000xi32, #tpu.memory_space<hbm>> -> memref<1x10240xi32, #tpu.memory_space<hbm>>
        %dma_wait3A_113 = tpu.memref_squeeze %dma_wait3A_112 : memref<1x10240xi32, #tpu.memory_space<hbm>> -> memref<10240xi32, #tpu.memory_space<hbm>>
        %dma_wait3A_114 = tpu.memref_slice %arg3[%run_scoped3A, %mul3A_106] : memref<2x320000xi32, #tpu.memory_space<hbm>> -> memref<1x10240xi32, #tpu.memory_space<hbm>>
        %dma_wait3A_115 = tpu.memref_squeeze %dma_wait3A_114 : memref<1x10240xi32, #tpu.memory_space<hbm>> -> memref<10240xi32, #tpu.memory_space<hbm>>
        tpu.wait_dma2 semaphore(%run_scoped3A_107 : memref<!tpu.dma_semaphore, #tpu.memory_space<semaphore_mem>>) src(%dma_wait3A_115 : memref<10240xi32, #tpu.memory_space<hbm>>) dst(%arg8 : memref<10240xi32, #tpu.memory_space<vmem>>)
        tpu.yield
      }) : () -> ()
    } else {
    }
    %eq3A = arith.constant 31 : i32
    %eq3A_9 = arith.cmpi eq, %add3A, %eq3A : i32
    %convert_element_type3A_10 = arith.extui %eq3A_9 : i1 to i32
    %cond3A_11 = arith.constant 0 : i32
    %cond3A_12 = arith.cmpi ne, %convert_element_type3A_10, %cond3A_11 : i32
    scf.if %cond3A_12 {
      %run_scoped3A = arith.constant 0 : i32
      "tpu.region"() ({
        %run_scoped3A_105 = tpu.sem_alloc : memref<!tpu.dma_semaphore, #tpu.memory_space<semaphore_mem>>
        %dma_start3A_106 = arith.constant 0 : i32
        %dma_start3A_107 = tpu.memref_slice %arg8[%dma_start3A_106] : memref<10240xi32, #tpu.memory_space<vmem>> -> memref<2560xi32, #tpu.memory_space<vmem>>
        %dma_start3A_108 = arith.constant 317440 : i32
        %dma_start3A_109 = tpu.memref_slice %arg3[%run_scoped3A, %dma_start3A_108] : memref<2x320000xi32, #tpu.memory_space<hbm>> -> memref<1x2560xi32, #tpu.memory_space<hbm>>
        %dma_start3A_110 = tpu.memref_squeeze %dma_start3A_109 : memref<1x2560xi32, #tpu.memory_space<hbm>> -> memref<2560xi32, #tpu.memory_space<hbm>>
        %dma_start3A_111 = arith.constant 0 : i32
        %dma_start3A_112 = tpu.memref_slice %arg8[%dma_start3A_111] : memref<10240xi32, #tpu.memory_space<vmem>> -> memref<2560xi32, #tpu.memory_space<vmem>>
        %dma_start3A_113 = arith.constant 317440 : i32
        %dma_start3A_114 = tpu.memref_slice %arg3[%run_scoped3A, %dma_start3A_113] : memref<2x320000xi32, #tpu.memory_space<hbm>> -> memref<1x2560xi32, #tpu.memory_space<hbm>>
        %dma_start3A_115 = tpu.memref_squeeze %dma_start3A_114 : memref<1x2560xi32, #tpu.memory_space<hbm>> -> memref<2560xi32, #tpu.memory_space<hbm>>
        tpu.enqueue_dma source(%dma_start3A_115 : memref<2560xi32, #tpu.memory_space<hbm>>) target(%dma_start3A_112 : memref<2560xi32, #tpu.memory_space<vmem>>) target_semaphore(%run_scoped3A_105 : memref<!tpu.dma_semaphore, #tpu.memory_space<semaphore_mem>>)
        %dma_wait3A_116 = arith.constant 0 : i32
        %dma_wait3A_117 = tpu.memref_slice %arg8[%dma_wait3A_116] : memref<10240xi32, #tpu.memory_space<vmem>> -> memref<2560xi32, #tpu.memory_space<vmem>>
        %dma_wait3A_118 = arith.constant 317440 : i32
        %dma_wait3A_119 = tpu.memref_slice %arg3[%run_scoped3A, %dma_wait3A_118] : memref<2x320000xi32, #tpu.memory_space<hbm>> -> memref<1x2560xi32, #tpu.memory_space<hbm>>
        %dma_wait3A_120 = tpu.memref_squeeze %dma_wait3A_119 : memref<1x2560xi32, #tpu.memory_space<hbm>> -> memref<2560xi32, #tpu.memory_space<hbm>>
        %dma_wait3A_121 = arith.constant 0 : i32
        %dma_wait3A_122 = tpu.memref_slice %arg8[%dma_wait3A_121] : memref<10240xi32, #tpu.memory_space<vmem>> -> memref<2560xi32, #tpu.memory_space<vmem>>
        %dma_wait3A_123 = arith.constant 317440 : i32
        %dma_wait3A_124 = tpu.memref_slice %arg3[%run_scoped3A, %dma_wait3A_123] : memref<2x320000xi32, #tpu.memory_space<hbm>> -> memref<1x2560xi32, #tpu.memory_space<hbm>>
        %dma_wait3A_125 = tpu.memref_squeeze %dma_wait3A_124 : memref<1x2560xi32, #tpu.memory_space<hbm>> -> memref<2560xi32, #tpu.memory_space<hbm>>
        tpu.wait_dma2 semaphore(%run_scoped3A_105 : memref<!tpu.dma_semaphore, #tpu.memory_space<semaphore_mem>>) src(%dma_wait3A_125 : memref<2560xi32, #tpu.memory_space<hbm>>) dst(%dma_wait3A_122 : memref<2560xi32, #tpu.memory_space<vmem>>)
        tpu.yield
      }) : () -> ()
      "tpu.region"() ({
        %run_scoped3A_105 = tpu.sem_alloc : memref<!tpu.dma_semaphore, #tpu.memory_space<semaphore_mem>>
        %dma_start3A_106 = arith.constant 2560 : i32
        %dma_start3A_107 = tpu.memref_slice %arg8[%dma_start3A_106] : memref<10240xi32, #tpu.memory_space<vmem>> -> memref<7680xi32, #tpu.memory_space<vmem>>
        %dma_start3A_108 = arith.constant 2560 : i32
        %dma_start3A_109 = tpu.memref_slice %arg8[%dma_start3A_108] : memref<10240xi32, #tpu.memory_space<vmem>> -> memref<7680xi32, #tpu.memory_space<vmem>>
        tpu.enqueue_dma source(%arg5 : memref<7680xi32, #tpu.memory_space<hbm>>) target(%dma_start3A_109 : memref<7680xi32, #tpu.memory_space<vmem>>) target_semaphore(%run_scoped3A_105 : memref<!tpu.dma_semaphore, #tpu.memory_space<semaphore_mem>>)
        %dma_wait3A_110 = arith.constant 2560 : i32
        %dma_wait3A_111 = tpu.memref_slice %arg8[%dma_wait3A_110] : memref<10240xi32, #tpu.memory_space<vmem>> -> memref<7680xi32, #tpu.memory_space<vmem>>
        %dma_wait3A_112 = arith.constant 2560 : i32
        %dma_wait3A_113 = tpu.memref_slice %arg8[%dma_wait3A_112] : memref<10240xi32, #tpu.memory_space<vmem>> -> memref<7680xi32, #tpu.memory_space<vmem>>
        tpu.wait_dma2 semaphore(%run_scoped3A_105 : memref<!tpu.dma_semaphore, #tpu.memory_space<semaphore_mem>>) src(%arg5 : memref<7680xi32, #tpu.memory_space<hbm>>) dst(%dma_wait3A_113 : memref<7680xi32, #tpu.memory_space<vmem>>)
        tpu.yield
      }) : () -> ()
    } else {
    }
    "tpu.region"() ({
      %run_scoped3A = tpu.sem_alloc : memref<!tpu.dma_semaphore, #tpu.memory_space<semaphore_mem>>
      %dma_start3A_105 = arith.constant 0 : i32
      %dma_start3A_106 = arith.constant 0 : i32
      %dma_start3A_107 = tpu.memref_slice %arg4[%add3A, %dma_start3A_105, %dma_start3A_106] : memref<32x80x128xi32, #tpu.memory_space<hbm>> -> memref<1x80x128xi32, #tpu.memory_space<hbm>>
      %dma_start3A_108 = tpu.memref_squeeze %dma_start3A_107 : memref<1x80x128xi32, #tpu.memory_space<hbm>> -> memref<80x128xi32, #tpu.memory_space<hbm>>
      %dma_start3A_109 = arith.constant 0 : i32
      %dma_start3A_110 = arith.constant 0 : i32
      %dma_start3A_111 = tpu.memref_slice %arg4[%add3A, %dma_start3A_109, %dma_start3A_110] : memref<32x80x128xi32, #tpu.memory_space<hbm>> -> memref<1x80x128xi32, #tpu.memory_space<hbm>>
      %dma_start3A_112 = tpu.memref_squeeze %dma_start3A_111 : memref<1x80x128xi32, #tpu.memory_space<hbm>> -> memref<80x128xi32, #tpu.memory_space<hbm>>
      tpu.enqueue_dma source(%dma_start3A_112 : memref<80x128xi32, #tpu.memory_space<hbm>>) target(%arg9 : memref<80x128xi32, #tpu.memory_space<vmem>>) target_semaphore(%run_scoped3A : memref<!tpu.dma_semaphore, #tpu.memory_space<semaphore_mem>>)
      %dma_wait3A_113 = arith.constant 0 : i32
      %dma_wait3A_114 = arith.constant 0 : i32
      %dma_wait3A_115 = tpu.memref_slice %arg4[%add3A, %dma_wait3A_113, %dma_wait3A_114] : memref<32x80x128xi32, #tpu.memory_space<hbm>> -> memref<1x80x128xi32, #tpu.memory_space<hbm>>
      %dma_wait3A_116 = tpu.memref_squeeze %dma_wait3A_115 : memref<1x80x128xi32, #tpu.memory_space<hbm>> -> memref<80x128xi32, #tpu.memory_space<hbm>>
      %dma_wait3A_117 = arith.constant 0 : i32
      %dma_wait3A_118 = arith.constant 0 : i32
      %dma_wait3A_119 = tpu.memref_slice %arg4[%add3A, %dma_wait3A_117, %dma_wait3A_118] : memref<32x80x128xi32, #tpu.memory_space<hbm>> -> memref<1x80x128xi32, #tpu.memory_space<hbm>>
      %dma_wait3A_120 = tpu.memref_squeeze %dma_wait3A_119 : memref<1x80x128xi32, #tpu.memory_space<hbm>> -> memref<80x128xi32, #tpu.memory_space<hbm>>
      tpu.wait_dma2 semaphore(%run_scoped3A : memref<!tpu.dma_semaphore, #tpu.memory_space<semaphore_mem>>) src(%dma_wait3A_120 : memref<80x128xi32, #tpu.memory_space<hbm>>) dst(%arg9 : memref<80x128xi32, #tpu.memory_space<vmem>>)
      tpu.yield
    }) : () -> ()
    %barrier3A = arith.constant 0 : index
    tpu.barrier barrier_id(%barrier3A)
    %dma_start3A = arith.constant 0 : i32
    %dma_start3A_13 = arith.constant 0 : i32
    %dma_start3A_14 = arith.constant 0 : i32
    %dma_start3A_15 = tpu.memref_slice %arg10[%dma_start3A, %dma_start3A_13, %dma_start3A_14] : memref<8x128x32xf32, #tpu.memory_space<vmem>> -> memref<1x128x32xf32, #tpu.memory_space<vmem>>
    %dma_start3A_16 = tpu.memref_squeeze %dma_start3A_15 : memref<1x128x32xf32, #tpu.memory_space<vmem>> -> memref<128x32xf32, #tpu.memory_space<vmem>>
    %dma_start3A_17 = arith.constant 0 : i32
    %dma_start3A_18 = tpu.memref_slice %arg8[%dma_start3A_17] : memref<10240xi32, #tpu.memory_space<vmem>> -> memref<128xi32, #tpu.memory_space<vmem>>
    %dma_start3A_19 = arith.constant 0 : i32
    %dma_start3A_20 = arith.constant 0 : i32
    %dma_start3A_21 = tpu.memref_slice %arg12[%dma_start3A_19, %dma_start3A_20] : memref<10240x32xf32, #tpu.memory_space<vmem_shared>> -> memref<10240x32xf32, #tpu.memory_space<vmem_shared>>
    tpu.enqueue_indirect_dma source(%dma_start3A_21 : memref<10240x32xf32, #tpu.memory_space<vmem_shared>>) target(%dma_start3A_16 : memref<128x32xf32, #tpu.memory_space<vmem>>) offsets(%dma_start3A_18 : memref<128xi32, #tpu.memory_space<vmem>>) semaphore(%arg13 : memref<!tpu.dma_semaphore, #tpu.memory_space<semaphore_mem>>)
    %dma_start3A_22 = arith.constant 1 : i32
    %dma_start3A_23 = arith.constant 0 : i32
    %dma_start3A_24 = arith.constant 0 : i32
    %dma_start3A_25 = tpu.memref_slice %arg10[%dma_start3A_22, %dma_start3A_23, %dma_start3A_24] : memref<8x128x32xf32, #tpu.memory_space<vmem>> -> memref<1x128x32xf32, #tpu.memory_space<vmem>>
    %dma_start3A_26 = tpu.memref_squeeze %dma_start3A_25 : memref<1x128x32xf32, #tpu.memory_space<vmem>> -> memref<128x32xf32, #tpu.memory_space<vmem>>
    %dma_start3A_27 = arith.constant 128 : i32
    %dma_start3A_28 = tpu.memref_slice %arg8[%dma_start3A_27] : memref<10240xi32, #tpu.memory_space<vmem>> -> memref<128xi32, #tpu.memory_space<vmem>>
    %dma_start3A_29 = arith.constant 0 : i32
    %dma_start3A_30 = arith.constant 0 : i32
    %dma_start3A_31 = tpu.memref_slice %arg12[%dma_start3A_29, %dma_start3A_30] : memref<10240x32xf32, #tpu.memory_space<vmem_shared>> -> memref<10240x32xf32, #tpu.memory_space<vmem_shared>>
    tpu.enqueue_indirect_dma source(%dma_start3A_31 : memref<10240x32xf32, #tpu.memory_space<vmem_shared>>) target(%dma_start3A_26 : memref<128x32xf32, #tpu.memory_space<vmem>>) offsets(%dma_start3A_28 : memref<128xi32, #tpu.memory_space<vmem>>) semaphore(%arg13 : memref<!tpu.dma_semaphore, #tpu.memory_space<semaphore_mem>>)
    %dma_start3A_32 = arith.constant 2 : i32
    %dma_start3A_33 = arith.constant 0 : i32
    %dma_start3A_34 = arith.constant 0 : i32
    %dma_start3A_35 = tpu.memref_slice %arg10[%dma_start3A_32, %dma_start3A_33, %dma_start3A_34] : memref<8x128x32xf32, #tpu.memory_space<vmem>> -> memref<1x128x32xf32, #tpu.memory_space<vmem>>
    %dma_start3A_36 = tpu.memref_squeeze %dma_start3A_35 : memref<1x128x32xf32, #tpu.memory_space<vmem>> -> memref<128x32xf32, #tpu.memory_space<vmem>>
    %dma_start3A_37 = arith.constant 256 : i32
    %dma_start3A_38 = tpu.memref_slice %arg8[%dma_start3A_37] : memref<10240xi32, #tpu.memory_space<vmem>> -> memref<128xi32, #tpu.memory_space<vmem>>
    %dma_start3A_39 = arith.constant 0 : i32
    %dma_start3A_40 = arith.constant 0 : i32
    %dma_start3A_41 = tpu.memref_slice %arg12[%dma_start3A_39, %dma_start3A_40] : memref<10240x32xf32, #tpu.memory_space<vmem_shared>> -> memref<10240x32xf32, #tpu.memory_space<vmem_shared>>
    tpu.enqueue_indirect_dma source(%dma_start3A_41 : memref<10240x32xf32, #tpu.memory_space<vmem_shared>>) target(%dma_start3A_36 : memref<128x32xf32, #tpu.memory_space<vmem>>) offsets(%dma_start3A_38 : memref<128xi32, #tpu.memory_space<vmem>>) semaphore(%arg13 : memref<!tpu.dma_semaphore, #tpu.memory_space<semaphore_mem>>)
    %dma_start3A_42 = arith.constant 3 : i32
    %dma_start3A_43 = arith.constant 0 : i32
    %dma_start3A_44 = arith.constant 0 : i32
    %dma_start3A_45 = tpu.memref_slice %arg10[%dma_start3A_42, %dma_start3A_43, %dma_start3A_44] : memref<8x128x32xf32, #tpu.memory_space<vmem>> -> memref<1x128x32xf32, #tpu.memory_space<vmem>>
    %dma_start3A_46 = tpu.memref_squeeze %dma_start3A_45 : memref<1x128x32xf32, #tpu.memory_space<vmem>> -> memref<128x32xf32, #tpu.memory_space<vmem>>
    %dma_start3A_47 = arith.constant 384 : i32
    %dma_start3A_48 = tpu.memref_slice %arg8[%dma_start3A_47] : memref<10240xi32, #tpu.memory_space<vmem>> -> memref<128xi32, #tpu.memory_space<vmem>>
    %dma_start3A_49 = arith.constant 0 : i32
    %dma_start3A_50 = arith.constant 0 : i32
    %dma_start3A_51 = tpu.memref_slice %arg12[%dma_start3A_49, %dma_start3A_50] : memref<10240x32xf32, #tpu.memory_space<vmem_shared>> -> memref<10240x32xf32, #tpu.memory_space<vmem_shared>>
    tpu.enqueue_indirect_dma source(%dma_start3A_51 : memref<10240x32xf32, #tpu.memory_space<vmem_shared>>) target(%dma_start3A_46 : memref<128x32xf32, #tpu.memory_space<vmem>>) offsets(%dma_start3A_48 : memref<128xi32, #tpu.memory_space<vmem>>) semaphore(%arg13 : memref<!tpu.dma_semaphore, #tpu.memory_space<semaphore_mem>>)
    %dma_start3A_52 = arith.constant 4 : i32
    %dma_start3A_53 = arith.constant 0 : i32
    %dma_start3A_54 = arith.constant 0 : i32
    %dma_start3A_55 = tpu.memref_slice %arg10[%dma_start3A_52, %dma_start3A_53, %dma_start3A_54] : memref<8x128x32xf32, #tpu.memory_space<vmem>> -> memref<1x128x32xf32, #tpu.memory_space<vmem>>
    %dma_start3A_56 = tpu.memref_squeeze %dma_start3A_55 : memref<1x128x32xf32, #tpu.memory_space<vmem>> -> memref<128x32xf32, #tpu.memory_space<vmem>>
    %dma_start3A_57 = arith.constant 512 : i32
    %dma_start3A_58 = tpu.memref_slice %arg8[%dma_start3A_57] : memref<10240xi32, #tpu.memory_space<vmem>> -> memref<128xi32, #tpu.memory_space<vmem>>
    %dma_start3A_59 = arith.constant 0 : i32
    %dma_start3A_60 = arith.constant 0 : i32
    %dma_start3A_61 = tpu.memref_slice %arg12[%dma_start3A_59, %dma_start3A_60] : memref<10240x32xf32, #tpu.memory_space<vmem_shared>> -> memref<10240x32xf32, #tpu.memory_space<vmem_shared>>
    tpu.enqueue_indirect_dma source(%dma_start3A_61 : memref<10240x32xf32, #tpu.memory_space<vmem_shared>>) target(%dma_start3A_56 : memref<128x32xf32, #tpu.memory_space<vmem>>) offsets(%dma_start3A_58 : memref<128xi32, #tpu.memory_space<vmem>>) semaphore(%arg13 : memref<!tpu.dma_semaphore, #tpu.memory_space<semaphore_mem>>)
    %dma_start3A_62 = arith.constant 5 : i32
    %dma_start3A_63 = arith.constant 0 : i32
    %dma_start3A_64 = arith.constant 0 : i32
    %dma_start3A_65 = tpu.memref_slice %arg10[%dma_start3A_62, %dma_start3A_63, %dma_start3A_64] : memref<8x128x32xf32, #tpu.memory_space<vmem>> -> memref<1x128x32xf32, #tpu.memory_space<vmem>>
    %dma_start3A_66 = tpu.memref_squeeze %dma_start3A_65 : memref<1x128x32xf32, #tpu.memory_space<vmem>> -> memref<128x32xf32, #tpu.memory_space<vmem>>
    %dma_start3A_67 = arith.constant 640 : i32
    %dma_start3A_68 = tpu.memref_slice %arg8[%dma_start3A_67] : memref<10240xi32, #tpu.memory_space<vmem>> -> memref<128xi32, #tpu.memory_space<vmem>>
    %dma_start3A_69 = arith.constant 0 : i32
    %dma_start3A_70 = arith.constant 0 : i32
    %dma_start3A_71 = tpu.memref_slice %arg12[%dma_start3A_69, %dma_start3A_70] : memref<10240x32xf32, #tpu.memory_space<vmem_shared>> -> memref<10240x32xf32, #tpu.memory_space<vmem_shared>>
    tpu.enqueue_indirect_dma source(%dma_start3A_71 : memref<10240x32xf32, #tpu.memory_space<vmem_shared>>) target(%dma_start3A_66 : memref<128x32xf32, #tpu.memory_space<vmem>>) offsets(%dma_start3A_68 : memref<128xi32, #tpu.memory_space<vmem>>) semaphore(%arg13 : memref<!tpu.dma_semaphore, #tpu.memory_space<semaphore_mem>>)
    %scan3A = arith.constant 0 : i32
    %scan3A_72 = arith.constant 0 : i32
    %scan3A_73 = arith.constant 10 : i32
    %scan3A_74 = arith.addi %scan3A_72, %scan3A_73 : i32
    %scan3A_75 = arith.constant 1 : i32
    scf.for %scan3A_105 = %scan3A_72 to %scan3A_74 step %scan3A_75  : i32 {
      %mul3A_106 = arith.constant 8 : i32
      %mul3A_107 = arith.muli %mul3A_106, %scan3A_105 : i32
      %add3A_108 = arith.constant 0 : i32
      %add3A_109 = arith.addi %mul3A_107, %add3A_108 : i32
      %dma_wait3A_110 = arith.constant 0 : i32
      %dma_wait3A_111 = arith.constant 0 : i32
      %dma_wait3A_112 = arith.constant 0 : i32
      %dma_wait3A_113 = tpu.memref_slice %arg10[%dma_wait3A_110, %dma_wait3A_111, %dma_wait3A_112] : memref<8x128x32xf32, #tpu.memory_space<vmem>> -> memref<1x128x32xf32, #tpu.memory_space<vmem>>
      %dma_wait3A_114 = tpu.memref_squeeze %dma_wait3A_113 : memref<1x128x32xf32, #tpu.memory_space<vmem>> -> memref<128x32xf32, #tpu.memory_space<vmem>>
      %dma_wait3A_115 = arith.constant 0 : i32
      %dma_wait3A_116 = tpu.memref_slice %arg8[%dma_wait3A_115] : memref<10240xi32, #tpu.memory_space<vmem>> -> memref<128xi32, #tpu.memory_space<vmem>>
      %dma_wait3A_117 = arith.constant 0 : i32
      %dma_wait3A_118 = arith.constant 0 : i32
      %dma_wait3A_119 = tpu.memref_slice %arg12[%dma_wait3A_117, %dma_wait3A_118] : memref<10240x32xf32, #tpu.memory_space<vmem_shared>> -> memref<10240x32xf32, #tpu.memory_space<vmem_shared>>
      tpu.wait_indirect_dma semaphore(%arg13 : memref<!tpu.dma_semaphore, #tpu.memory_space<semaphore_mem>>) src(%dma_wait3A_119 : memref<10240x32xf32, #tpu.memory_space<vmem_shared>>) dst(%dma_wait3A_114 : memref<128x32xf32, #tpu.memory_space<vmem>>)
      %dma_start3A_120 = arith.constant 0 : i32
      %dma_start3A_121 = arith.constant 0 : i32
      %dma_start3A_122 = arith.constant 0 : i32
      %dma_start3A_123 = tpu.memref_slice %arg10[%dma_start3A_120, %dma_start3A_121, %dma_start3A_122] : memref<8x128x32xf32, #tpu.memory_space<vmem>> -> memref<1x128x32xf32, #tpu.memory_space<vmem>>
      %dma_start3A_124 = tpu.memref_squeeze %dma_start3A_123 : memref<1x128x32xf32, #tpu.memory_space<vmem>> -> memref<128x32xf32, #tpu.memory_space<vmem>>
      %dma_start3A_125 = arith.constant 0 : i32
      %dma_start3A_126 = tpu.memref_slice %arg9[%add3A_109, %dma_start3A_125] : memref<80x128xi32, #tpu.memory_space<vmem>> -> memref<1x128xi32, #tpu.memory_space<vmem>>
      %dma_start3A_127 = tpu.memref_squeeze %dma_start3A_126 : memref<1x128xi32, #tpu.memory_space<vmem>> -> memref<128xi32, #tpu.memory_space<vmem>>
      %dma_start3A_128 = arith.constant 0 : i32
      %dma_start3A_129 = arith.constant 0 : i32
      %dma_start3A_130 = tpu.memref_slice %arg11[%dma_start3A_128, %dma_start3A_129] : memref<10240x32xf32, #tpu.memory_space<vmem_shared>> -> memref<10240x32xf32, #tpu.memory_space<vmem_shared>>
      tpu.enqueue_indirect_dma source(%dma_start3A_124 : memref<128x32xf32, #tpu.memory_space<vmem>>) target(%dma_start3A_130 : memref<10240x32xf32, #tpu.memory_space<vmem_shared>>) offsets(%dma_start3A_127 : memref<128xi32, #tpu.memory_space<vmem>>) semaphore(%arg14 : memref<!tpu.dma_semaphore, #tpu.memory_space<semaphore_mem>>) {add = true}
      %ge3A = arith.constant 2 : i32
      %ge3A_131 = arith.cmpi sge, %add3A_109, %ge3A : i32
      %convert_element_type3A_132 = arith.extui %ge3A_131 : i1 to i32
      %cond3A_133 = arith.constant 0 : i32
      %cond3A_134 = arith.cmpi ne, %convert_element_type3A_132, %cond3A_133 : i32
      scf.if %cond3A_134 {
        %dma_wait3A_387 = arith.constant 0 : i32
        %dma_wait3A_388 = arith.constant 0 : i32
        %dma_wait3A_389 = arith.constant 0 : i32
        %dma_wait3A_390 = arith.constant 0 : i32
        %dma_wait3A_391 = tpu.memref_slice %arg10[%dma_wait3A_387, %dma_wait3A_389, %dma_wait3A_390] : memref<8x128x32xf32, #tpu.memory_space<vmem>> -> memref<1x128x32xf32, #tpu.memory_space<vmem>>
        %dma_wait3A_392 = tpu.memref_squeeze %dma_wait3A_391 : memref<1x128x32xf32, #tpu.memory_space<vmem>> -> memref<128x32xf32, #tpu.memory_space<vmem>>
        %dma_wait3A_393 = arith.constant 0 : i32
        %dma_wait3A_394 = tpu.memref_slice %arg9[%dma_wait3A_388, %dma_wait3A_393] : memref<80x128xi32, #tpu.memory_space<vmem>> -> memref<1x128xi32, #tpu.memory_space<vmem>>
        %dma_wait3A_395 = tpu.memref_squeeze %dma_wait3A_394 : memref<1x128xi32, #tpu.memory_space<vmem>> -> memref<128xi32, #tpu.memory_space<vmem>>
        %dma_wait3A_396 = arith.constant 0 : i32
        %dma_wait3A_397 = arith.constant 0 : i32
        %dma_wait3A_398 = tpu.memref_slice %arg11[%dma_wait3A_396, %dma_wait3A_397] : memref<10240x32xf32, #tpu.memory_space<vmem_shared>> -> memref<10240x32xf32, #tpu.memory_space<vmem_shared>>
        tpu.wait_indirect_dma semaphore(%arg14 : memref<!tpu.dma_semaphore, #tpu.memory_space<semaphore_mem>>) src(%dma_wait3A_392 : memref<128x32xf32, #tpu.memory_space<vmem>>) dst(%dma_wait3A_398 : memref<10240x32xf32, #tpu.memory_space<vmem_shared>>)
      } else {
      }
      %add3A_135 = arith.constant 6 : i32
      %add3A_136 = arith.addi %add3A_109, %add3A_135 : i32
      %lt3A_137 = arith.constant 80 : i32
      %lt3A_138 = arith.cmpi slt, %add3A_136, %lt3A_137 : i32
      %convert_element_type3A_139 = arith.extui %lt3A_138 : i1 to i32
      %cond3A_140 = arith.constant 0 : i32
      %cond3A_141 = arith.cmpi ne, %convert_element_type3A_139, %cond3A_140 : i32
      scf.if %cond3A_141 {
        %add3A_387 = arith.constant 6 : i32
        %add3A_388 = arith.addi %add3A_109, %add3A_387 : i32
        %mul3A_389 = arith.constant 128 : i32
        %mul3A_390 = arith.muli %add3A_388, %mul3A_389 : i32
        %dma_start3A_391 = arith.constant 6 : i32
        %dma_start3A_392 = arith.constant 0 : i32
        %dma_start3A_393 = arith.constant 0 : i32
        %dma_start3A_394 = tpu.memref_slice %arg10[%dma_start3A_391, %dma_start3A_392, %dma_start3A_393] : memref<8x128x32xf32, #tpu.memory_space<vmem>> -> memref<1x128x32xf32, #tpu.memory_space<vmem>>
        %dma_start3A_395 = tpu.memref_squeeze %dma_start3A_394 : memref<1x128x32xf32, #tpu.memory_space<vmem>> -> memref<128x32xf32, #tpu.memory_space<vmem>>
        %dma_start3A_396 = tpu.memref_slice %arg8[%mul3A_390] : memref<10240xi32, #tpu.memory_space<vmem>> -> memref<128xi32, #tpu.memory_space<vmem>>
        %dma_start3A_397 = arith.constant 0 : i32
        %dma_start3A_398 = arith.constant 0 : i32
        %dma_start3A_399 = tpu.memref_slice %arg12[%dma_start3A_397, %dma_start3A_398] : memref<10240x32xf32, #tpu.memory_space<vmem_shared>> -> memref<10240x32xf32, #tpu.memory_space<vmem_shared>>
        tpu.enqueue_indirect_dma source(%dma_start3A_399 : memref<10240x32xf32, #tpu.memory_space<vmem_shared>>) target(%dma_start3A_395 : memref<128x32xf32, #tpu.memory_space<vmem>>) offsets(%dma_start3A_396 : memref<128xi32, #tpu.memory_space<vmem>>) semaphore(%arg13 : memref<!tpu.dma_semaphore, #tpu.memory_space<semaphore_mem>>)
      } else {
      }
      %add3A_142 = arith.constant 1 : i32
      %add3A_143 = arith.addi %mul3A_107, %add3A_142 : i32
      %dma_wait3A_144 = arith.constant 1 : i32
      %dma_wait3A_145 = arith.constant 0 : i32
      %dma_wait3A_146 = arith.constant 0 : i32
      %dma_wait3A_147 = tpu.memref_slice %arg10[%dma_wait3A_144, %dma_wait3A_145, %dma_wait3A_146] : memref<8x128x32xf32, #tpu.memory_space<vmem>> -> memref<1x128x32xf32, #tpu.memory_space<vmem>>
      %dma_wait3A_148 = tpu.memref_squeeze %dma_wait3A_147 : memref<1x128x32xf32, #tpu.memory_space<vmem>> -> memref<128x32xf32, #tpu.memory_space<vmem>>
      %dma_wait3A_149 = arith.constant 0 : i32
      %dma_wait3A_150 = tpu.memref_slice %arg8[%dma_wait3A_149] : memref<10240xi32, #tpu.memory_space<vmem>> -> memref<128xi32, #tpu.memory_space<vmem>>
      %dma_wait3A_151 = arith.constant 0 : i32
      %dma_wait3A_152 = arith.constant 0 : i32
      %dma_wait3A_153 = tpu.memref_slice %arg12[%dma_wait3A_151, %dma_wait3A_152] : memref<10240x32xf32, #tpu.memory_space<vmem_shared>> -> memref<10240x32xf32, #tpu.memory_space<vmem_shared>>
      tpu.wait_indirect_dma semaphore(%arg13 : memref<!tpu.dma_semaphore, #tpu.memory_space<semaphore_mem>>) src(%dma_wait3A_153 : memref<10240x32xf32, #tpu.memory_space<vmem_shared>>) dst(%dma_wait3A_148 : memref<128x32xf32, #tpu.memory_space<vmem>>)
      %dma_start3A_154 = arith.constant 1 : i32
      %dma_start3A_155 = arith.constant 0 : i32
      %dma_start3A_156 = arith.constant 0 : i32
      %dma_start3A_157 = tpu.memref_slice %arg10[%dma_start3A_154, %dma_start3A_155, %dma_start3A_156] : memref<8x128x32xf32, #tpu.memory_space<vmem>> -> memref<1x128x32xf32, #tpu.memory_space<vmem>>
      %dma_start3A_158 = tpu.memref_squeeze %dma_start3A_157 : memref<1x128x32xf32, #tpu.memory_space<vmem>> -> memref<128x32xf32, #tpu.memory_space<vmem>>
      %dma_start3A_159 = arith.constant 0 : i32
      %dma_start3A_160 = tpu.memref_slice %arg9[%add3A_143, %dma_start3A_159] : memref<80x128xi32, #tpu.memory_space<vmem>> -> memref<1x128xi32, #tpu.memory_space<vmem>>
      %dma_start3A_161 = tpu.memref_squeeze %dma_start3A_160 : memref<1x128xi32, #tpu.memory_space<vmem>> -> memref<128xi32, #tpu.memory_space<vmem>>
      %dma_start3A_162 = arith.constant 0 : i32
      %dma_start3A_163 = arith.constant 0 : i32
      %dma_start3A_164 = tpu.memref_slice %arg11[%dma_start3A_162, %dma_start3A_163] : memref<10240x32xf32, #tpu.memory_space<vmem_shared>> -> memref<10240x32xf32, #tpu.memory_space<vmem_shared>>
      tpu.enqueue_indirect_dma source(%dma_start3A_158 : memref<128x32xf32, #tpu.memory_space<vmem>>) target(%dma_start3A_164 : memref<10240x32xf32, #tpu.memory_space<vmem_shared>>) offsets(%dma_start3A_161 : memref<128xi32, #tpu.memory_space<vmem>>) semaphore(%arg14 : memref<!tpu.dma_semaphore, #tpu.memory_space<semaphore_mem>>) {add = true}
      %ge3A_165 = arith.constant 2 : i32
      %ge3A_166 = arith.cmpi sge, %add3A_143, %ge3A_165 : i32
      %convert_element_type3A_167 = arith.extui %ge3A_166 : i1 to i32
      %cond3A_168 = arith.constant 0 : i32
      %cond3A_169 = arith.cmpi ne, %convert_element_type3A_167, %cond3A_168 : i32
      scf.if %cond3A_169 {
        %dma_wait3A_387 = arith.constant 1 : i32
        %dma_wait3A_388 = arith.constant 0 : i32
        %dma_wait3A_389 = arith.constant 0 : i32
        %dma_wait3A_390 = arith.constant 0 : i32
        %dma_wait3A_391 = tpu.memref_slice %arg10[%dma_wait3A_387, %dma_wait3A_389, %dma_wait3A_390] : memref<8x128x32xf32, #tpu.memory_space<vmem>> -> memref<1x128x32xf32, #tpu.memory_space<vmem>>
        %dma_wait3A_392 = tpu.memref_squeeze %dma_wait3A_391 : memref<1x128x32xf32, #tpu.memory_space<vmem>> -> memref<128x32xf32, #tpu.memory_space<vmem>>
        %dma_wait3A_393 = arith.constant 0 : i32
        %dma_wait3A_394 = tpu.memref_slice %arg9[%dma_wait3A_388, %dma_wait3A_393] : memref<80x128xi32, #tpu.memory_space<vmem>> -> memref<1x128xi32, #tpu.memory_space<vmem>>
        %dma_wait3A_395 = tpu.memref_squeeze %dma_wait3A_394 : memref<1x128xi32, #tpu.memory_space<vmem>> -> memref<128xi32, #tpu.memory_space<vmem>>
        %dma_wait3A_396 = arith.constant 0 : i32
        %dma_wait3A_397 = arith.constant 0 : i32
        %dma_wait3A_398 = tpu.memref_slice %arg11[%dma_wait3A_396, %dma_wait3A_397] : memref<10240x32xf32, #tpu.memory_space<vmem_shared>> -> memref<10240x32xf32, #tpu.memory_space<vmem_shared>>
        tpu.wait_indirect_dma semaphore(%arg14 : memref<!tpu.dma_semaphore, #tpu.memory_space<semaphore_mem>>) src(%dma_wait3A_392 : memref<128x32xf32, #tpu.memory_space<vmem>>) dst(%dma_wait3A_398 : memref<10240x32xf32, #tpu.memory_space<vmem_shared>>)
      } else {
      }
      %add3A_170 = arith.constant 6 : i32
      %add3A_171 = arith.addi %add3A_143, %add3A_170 : i32
      %lt3A_172 = arith.constant 80 : i32
      %lt3A_173 = arith.cmpi slt, %add3A_171, %lt3A_172 : i32
      %convert_element_type3A_174 = arith.extui %lt3A_173 : i1 to i32
      %cond3A_175 = arith.constant 0 : i32
      %cond3A_176 = arith.cmpi ne, %convert_element_type3A_174, %cond3A_175 : i32
      scf.if %cond3A_176 {
        %add3A_387 = arith.constant 6 : i32
        %add3A_388 = arith.addi %add3A_143, %add3A_387 : i32
        %mul3A_389 = arith.constant 128 : i32
        %mul3A_390 = arith.muli %add3A_388, %mul3A_389 : i32
        %dma_start3A_391 = arith.constant 7 : i32
        %dma_start3A_392 = arith.constant 0 : i32
        %dma_start3A_393 = arith.constant 0 : i32
        %dma_start3A_394 = tpu.memref_slice %arg10[%dma_start3A_391, %dma_start3A_392, %dma_start3A_393] : memref<8x128x32xf32, #tpu.memory_space<vmem>> -> memref<1x128x32xf32, #tpu.memory_space<vmem>>
        %dma_start3A_395 = tpu.memref_squeeze %dma_start3A_394 : memref<1x128x32xf32, #tpu.memory_space<vmem>> -> memref<128x32xf32, #tpu.memory_space<vmem>>
        %dma_start3A_396 = tpu.memref_slice %arg8[%mul3A_390] : memref<10240xi32, #tpu.memory_space<vmem>> -> memref<128xi32, #tpu.memory_space<vmem>>
        %dma_start3A_397 = arith.constant 0 : i32
        %dma_start3A_398 = arith.constant 0 : i32
        %dma_start3A_399 = tpu.memref_slice %arg12[%dma_start3A_397, %dma_start3A_398] : memref<10240x32xf32, #tpu.memory_space<vmem_shared>> -> memref<10240x32xf32, #tpu.memory_space<vmem_shared>>
        tpu.enqueue_indirect_dma source(%dma_start3A_399 : memref<10240x32xf32, #tpu.memory_space<vmem_shared>>) target(%dma_start3A_395 : memref<128x32xf32, #tpu.memory_space<vmem>>) offsets(%dma_start3A_396 : memref<128xi32, #tpu.memory_space<vmem>>) semaphore(%arg13 : memref<!tpu.dma_semaphore, #tpu.memory_space<semaphore_mem>>)
      } else {
      }
      %add3A_177 = arith.constant 2 : i32
      %add3A_178 = arith.addi %mul3A_107, %add3A_177 : i32
      %dma_wait3A_179 = arith.constant 2 : i32
      %dma_wait3A_180 = arith.constant 0 : i32
      %dma_wait3A_181 = arith.constant 0 : i32
      %dma_wait3A_182 = tpu.memref_slice %arg10[%dma_wait3A_179, %dma_wait3A_180, %dma_wait3A_181] : memref<8x128x32xf32, #tpu.memory_space<vmem>> -> memref<1x128x32xf32, #tpu.memory_space<vmem>>
      %dma_wait3A_183 = tpu.memref_squeeze %dma_wait3A_182 : memref<1x128x32xf32, #tpu.memory_space<vmem>> -> memref<128x32xf32, #tpu.memory_space<vmem>>
      %dma_wait3A_184 = arith.constant 0 : i32
      %dma_wait3A_185 = tpu.memref_slice %arg8[%dma_wait3A_184] : memref<10240xi32, #tpu.memory_space<vmem>> -> memref<128xi32, #tpu.memory_space<vmem>>
      %dma_wait3A_186 = arith.constant 0 : i32
      %dma_wait3A_187 = arith.constant 0 : i32
      %dma_wait3A_188 = tpu.memref_slice %arg12[%dma_wait3A_186, %dma_wait3A_187] : memref<10240x32xf32, #tpu.memory_space<vmem_shared>> -> memref<10240x32xf32, #tpu.memory_space<vmem_shared>>
      tpu.wait_indirect_dma semaphore(%arg13 : memref<!tpu.dma_semaphore, #tpu.memory_space<semaphore_mem>>) src(%dma_wait3A_188 : memref<10240x32xf32, #tpu.memory_space<vmem_shared>>) dst(%dma_wait3A_183 : memref<128x32xf32, #tpu.memory_space<vmem>>)
      %dma_start3A_189 = arith.constant 2 : i32
      %dma_start3A_190 = arith.constant 0 : i32
      %dma_start3A_191 = arith.constant 0 : i32
      %dma_start3A_192 = tpu.memref_slice %arg10[%dma_start3A_189, %dma_start3A_190, %dma_start3A_191] : memref<8x128x32xf32, #tpu.memory_space<vmem>> -> memref<1x128x32xf32, #tpu.memory_space<vmem>>
      %dma_start3A_193 = tpu.memref_squeeze %dma_start3A_192 : memref<1x128x32xf32, #tpu.memory_space<vmem>> -> memref<128x32xf32, #tpu.memory_space<vmem>>
      %dma_start3A_194 = arith.constant 0 : i32
      %dma_start3A_195 = tpu.memref_slice %arg9[%add3A_178, %dma_start3A_194] : memref<80x128xi32, #tpu.memory_space<vmem>> -> memref<1x128xi32, #tpu.memory_space<vmem>>
      %dma_start3A_196 = tpu.memref_squeeze %dma_start3A_195 : memref<1x128xi32, #tpu.memory_space<vmem>> -> memref<128xi32, #tpu.memory_space<vmem>>
      %dma_start3A_197 = arith.constant 0 : i32
      %dma_start3A_198 = arith.constant 0 : i32
      %dma_start3A_199 = tpu.memref_slice %arg11[%dma_start3A_197, %dma_start3A_198] : memref<10240x32xf32, #tpu.memory_space<vmem_shared>> -> memref<10240x32xf32, #tpu.memory_space<vmem_shared>>
      tpu.enqueue_indirect_dma source(%dma_start3A_193 : memref<128x32xf32, #tpu.memory_space<vmem>>) target(%dma_start3A_199 : memref<10240x32xf32, #tpu.memory_space<vmem_shared>>) offsets(%dma_start3A_196 : memref<128xi32, #tpu.memory_space<vmem>>) semaphore(%arg14 : memref<!tpu.dma_semaphore, #tpu.memory_space<semaphore_mem>>) {add = true}
      %ge3A_200 = arith.constant 2 : i32
      %ge3A_201 = arith.cmpi sge, %add3A_178, %ge3A_200 : i32
      %convert_element_type3A_202 = arith.extui %ge3A_201 : i1 to i32
      %cond3A_203 = arith.constant 0 : i32
      %cond3A_204 = arith.cmpi ne, %convert_element_type3A_202, %cond3A_203 : i32
      scf.if %cond3A_204 {
        %dma_wait3A_387 = arith.constant 2 : i32
        %dma_wait3A_388 = arith.constant 0 : i32
        %dma_wait3A_389 = arith.constant 0 : i32
        %dma_wait3A_390 = arith.constant 0 : i32
        %dma_wait3A_391 = tpu.memref_slice %arg10[%dma_wait3A_387, %dma_wait3A_389, %dma_wait3A_390] : memref<8x128x32xf32, #tpu.memory_space<vmem>> -> memref<1x128x32xf32, #tpu.memory_space<vmem>>
        %dma_wait3A_392 = tpu.memref_squeeze %dma_wait3A_391 : memref<1x128x32xf32, #tpu.memory_space<vmem>> -> memref<128x32xf32, #tpu.memory_space<vmem>>
        %dma_wait3A_393 = arith.constant 0 : i32
        %dma_wait3A_394 = tpu.memref_slice %arg9[%dma_wait3A_388, %dma_wait3A_393] : memref<80x128xi32, #tpu.memory_space<vmem>> -> memref<1x128xi32, #tpu.memory_space<vmem>>
        %dma_wait3A_395 = tpu.memref_squeeze %dma_wait3A_394 : memref<1x128xi32, #tpu.memory_space<vmem>> -> memref<128xi32, #tpu.memory_space<vmem>>
        %dma_wait3A_396 = arith.constant 0 : i32
        %dma_wait3A_397 = arith.constant 0 : i32
        %dma_wait3A_398 = tpu.memref_slice %arg11[%dma_wait3A_396, %dma_wait3A_397] : memref<10240x32xf32, #tpu.memory_space<vmem_shared>> -> memref<10240x32xf32, #tpu.memory_space<vmem_shared>>
        tpu.wait_indirect_dma semaphore(%arg14 : memref<!tpu.dma_semaphore, #tpu.memory_space<semaphore_mem>>) src(%dma_wait3A_392 : memref<128x32xf32, #tpu.memory_space<vmem>>) dst(%dma_wait3A_398 : memref<10240x32xf32, #tpu.memory_space<vmem_shared>>)
      } else {
      }
      %add3A_205 = arith.constant 6 : i32
      %add3A_206 = arith.addi %add3A_178, %add3A_205 : i32
      %lt3A_207 = arith.constant 80 : i32
      %lt3A_208 = arith.cmpi slt, %add3A_206, %lt3A_207 : i32
      %convert_element_type3A_209 = arith.extui %lt3A_208 : i1 to i32
      %cond3A_210 = arith.constant 0 : i32
      %cond3A_211 = arith.cmpi ne, %convert_element_type3A_209, %cond3A_210 : i32
      scf.if %cond3A_211 {
        %add3A_387 = arith.constant 6 : i32
        %add3A_388 = arith.addi %add3A_178, %add3A_387 : i32
        %mul3A_389 = arith.constant 128 : i32
        %mul3A_390 = arith.muli %add3A_388, %mul3A_389 : i32
        %dma_start3A_391 = arith.constant 0 : i32
        %dma_start3A_392 = arith.constant 0 : i32
        %dma_start3A_393 = arith.constant 0 : i32
        %dma_start3A_394 = tpu.memref_slice %arg10[%dma_start3A_391, %dma_start3A_392, %dma_start3A_393] : memref<8x128x32xf32, #tpu.memory_space<vmem>> -> memref<1x128x32xf32, #tpu.memory_space<vmem>>
        %dma_start3A_395 = tpu.memref_squeeze %dma_start3A_394 : memref<1x128x32xf32, #tpu.memory_space<vmem>> -> memref<128x32xf32, #tpu.memory_space<vmem>>
        %dma_start3A_396 = tpu.memref_slice %arg8[%mul3A_390] : memref<10240xi32, #tpu.memory_space<vmem>> -> memref<128xi32, #tpu.memory_space<vmem>>
        %dma_start3A_397 = arith.constant 0 : i32
        %dma_start3A_398 = arith.constant 0 : i32
        %dma_start3A_399 = tpu.memref_slice %arg12[%dma_start3A_397, %dma_start3A_398] : memref<10240x32xf32, #tpu.memory_space<vmem_shared>> -> memref<10240x32xf32, #tpu.memory_space<vmem_shared>>
        tpu.enqueue_indirect_dma source(%dma_start3A_399 : memref<10240x32xf32, #tpu.memory_space<vmem_shared>>) target(%dma_start3A_395 : memref<128x32xf32, #tpu.memory_space<vmem>>) offsets(%dma_start3A_396 : memref<128xi32, #tpu.memory_space<vmem>>) semaphore(%arg13 : memref<!tpu.dma_semaphore, #tpu.memory_space<semaphore_mem>>)
      } else {
      }
      %add3A_212 = arith.constant 3 : i32
      %add3A_213 = arith.addi %mul3A_107, %add3A_212 : i32
      %dma_wait3A_214 = arith.constant 3 : i32
      %dma_wait3A_215 = arith.constant 0 : i32
      %dma_wait3A_216 = arith.constant 0 : i32
      %dma_wait3A_217 = tpu.memref_slice %arg10[%dma_wait3A_214, %dma_wait3A_215, %dma_wait3A_216] : memref<8x128x32xf32, #tpu.memory_space<vmem>> -> memref<1x128x32xf32, #tpu.memory_space<vmem>>
      %dma_wait3A_218 = tpu.memref_squeeze %dma_wait3A_217 : memref<1x128x32xf32, #tpu.memory_space<vmem>> -> memref<128x32xf32, #tpu.memory_space<vmem>>
      %dma_wait3A_219 = arith.constant 0 : i32
      %dma_wait3A_220 = tpu.memref_slice %arg8[%dma_wait3A_219] : memref<10240xi32, #tpu.memory_space<vmem>> -> memref<128xi32, #tpu.memory_space<vmem>>
      %dma_wait3A_221 = arith.constant 0 : i32
      %dma_wait3A_222 = arith.constant 0 : i32
      %dma_wait3A_223 = tpu.memref_slice %arg12[%dma_wait3A_221, %dma_wait3A_222] : memref<10240x32xf32, #tpu.memory_space<vmem_shared>> -> memref<10240x32xf32, #tpu.memory_space<vmem_shared>>
      tpu.wait_indirect_dma semaphore(%arg13 : memref<!tpu.dma_semaphore, #tpu.memory_space<semaphore_mem>>) src(%dma_wait3A_223 : memref<10240x32xf32, #tpu.memory_space<vmem_shared>>) dst(%dma_wait3A_218 : memref<128x32xf32, #tpu.memory_space<vmem>>)
      %dma_start3A_224 = arith.constant 3 : i32
      %dma_start3A_225 = arith.constant 0 : i32
      %dma_start3A_226 = arith.constant 0 : i32
      %dma_start3A_227 = tpu.memref_slice %arg10[%dma_start3A_224, %dma_start3A_225, %dma_start3A_226] : memref<8x128x32xf32, #tpu.memory_space<vmem>> -> memref<1x128x32xf32, #tpu.memory_space<vmem>>
      %dma_start3A_228 = tpu.memref_squeeze %dma_start3A_227 : memref<1x128x32xf32, #tpu.memory_space<vmem>> -> memref<128x32xf32, #tpu.memory_space<vmem>>
      %dma_start3A_229 = arith.constant 0 : i32
      %dma_start3A_230 = tpu.memref_slice %arg9[%add3A_213, %dma_start3A_229] : memref<80x128xi32, #tpu.memory_space<vmem>> -> memref<1x128xi32, #tpu.memory_space<vmem>>
      %dma_start3A_231 = tpu.memref_squeeze %dma_start3A_230 : memref<1x128xi32, #tpu.memory_space<vmem>> -> memref<128xi32, #tpu.memory_space<vmem>>
      %dma_start3A_232 = arith.constant 0 : i32
      %dma_start3A_233 = arith.constant 0 : i32
      %dma_start3A_234 = tpu.memref_slice %arg11[%dma_start3A_232, %dma_start3A_233] : memref<10240x32xf32, #tpu.memory_space<vmem_shared>> -> memref<10240x32xf32, #tpu.memory_space<vmem_shared>>
      tpu.enqueue_indirect_dma source(%dma_start3A_228 : memref<128x32xf32, #tpu.memory_space<vmem>>) target(%dma_start3A_234 : memref<10240x32xf32, #tpu.memory_space<vmem_shared>>) offsets(%dma_start3A_231 : memref<128xi32, #tpu.memory_space<vmem>>) semaphore(%arg14 : memref<!tpu.dma_semaphore, #tpu.memory_space<semaphore_mem>>) {add = true}
      %ge3A_235 = arith.constant 2 : i32
      %ge3A_236 = arith.cmpi sge, %add3A_213, %ge3A_235 : i32
      %convert_element_type3A_237 = arith.extui %ge3A_236 : i1 to i32
      %cond3A_238 = arith.constant 0 : i32
      %cond3A_239 = arith.cmpi ne, %convert_element_type3A_237, %cond3A_238 : i32
      scf.if %cond3A_239 {
        %dma_wait3A_387 = arith.constant 3 : i32
        %dma_wait3A_388 = arith.constant 0 : i32
        %dma_wait3A_389 = arith.constant 0 : i32
        %dma_wait3A_390 = arith.constant 0 : i32
        %dma_wait3A_391 = tpu.memref_slice %arg10[%dma_wait3A_387, %dma_wait3A_389, %dma_wait3A_390] : memref<8x128x32xf32, #tpu.memory_space<vmem>> -> memref<1x128x32xf32, #tpu.memory_space<vmem>>
        %dma_wait3A_392 = tpu.memref_squeeze %dma_wait3A_391 : memref<1x128x32xf32, #tpu.memory_space<vmem>> -> memref<128x32xf32, #tpu.memory_space<vmem>>
        %dma_wait3A_393 = arith.constant 0 : i32
        %dma_wait3A_394 = tpu.memref_slice %arg9[%dma_wait3A_388, %dma_wait3A_393] : memref<80x128xi32, #tpu.memory_space<vmem>> -> memref<1x128xi32, #tpu.memory_space<vmem>>
        %dma_wait3A_395 = tpu.memref_squeeze %dma_wait3A_394 : memref<1x128xi32, #tpu.memory_space<vmem>> -> memref<128xi32, #tpu.memory_space<vmem>>
        %dma_wait3A_396 = arith.constant 0 : i32
        %dma_wait3A_397 = arith.constant 0 : i32
        %dma_wait3A_398 = tpu.memref_slice %arg11[%dma_wait3A_396, %dma_wait3A_397] : memref<10240x32xf32, #tpu.memory_space<vmem_shared>> -> memref<10240x32xf32, #tpu.memory_space<vmem_shared>>
        tpu.wait_indirect_dma semaphore(%arg14 : memref<!tpu.dma_semaphore, #tpu.memory_space<semaphore_mem>>) src(%dma_wait3A_392 : memref<128x32xf32, #tpu.memory_space<vmem>>) dst(%dma_wait3A_398 : memref<10240x32xf32, #tpu.memory_space<vmem_shared>>)
      } else {
      }
      %add3A_240 = arith.constant 6 : i32
      %add3A_241 = arith.addi %add3A_213, %add3A_240 : i32
      %lt3A_242 = arith.constant 80 : i32
      %lt3A_243 = arith.cmpi slt, %add3A_241, %lt3A_242 : i32
      %convert_element_type3A_244 = arith.extui %lt3A_243 : i1 to i32
      %cond3A_245 = arith.constant 0 : i32
      %cond3A_246 = arith.cmpi ne, %convert_element_type3A_244, %cond3A_245 : i32
      scf.if %cond3A_246 {
        %add3A_387 = arith.constant 6 : i32
        %add3A_388 = arith.addi %add3A_213, %add3A_387 : i32
        %mul3A_389 = arith.constant 128 : i32
        %mul3A_390 = arith.muli %add3A_388, %mul3A_389 : i32
        %dma_start3A_391 = arith.constant 1 : i32
        %dma_start3A_392 = arith.constant 0 : i32
        %dma_start3A_393 = arith.constant 0 : i32
        %dma_start3A_394 = tpu.memref_slice %arg10[%dma_start3A_391, %dma_start3A_392, %dma_start3A_393] : memref<8x128x32xf32, #tpu.memory_space<vmem>> -> memref<1x128x32xf32, #tpu.memory_space<vmem>>
        %dma_start3A_395 = tpu.memref_squeeze %dma_start3A_394 : memref<1x128x32xf32, #tpu.memory_space<vmem>> -> memref<128x32xf32, #tpu.memory_space<vmem>>
        %dma_start3A_396 = tpu.memref_slice %arg8[%mul3A_390] : memref<10240xi32, #tpu.memory_space<vmem>> -> memref<128xi32, #tpu.memory_space<vmem>>
        %dma_start3A_397 = arith.constant 0 : i32
        %dma_start3A_398 = arith.constant 0 : i32
        %dma_start3A_399 = tpu.memref_slice %arg12[%dma_start3A_397, %dma_start3A_398] : memref<10240x32xf32, #tpu.memory_space<vmem_shared>> -> memref<10240x32xf32, #tpu.memory_space<vmem_shared>>
        tpu.enqueue_indirect_dma source(%dma_start3A_399 : memref<10240x32xf32, #tpu.memory_space<vmem_shared>>) target(%dma_start3A_395 : memref<128x32xf32, #tpu.memory_space<vmem>>) offsets(%dma_start3A_396 : memref<128xi32, #tpu.memory_space<vmem>>) semaphore(%arg13 : memref<!tpu.dma_semaphore, #tpu.memory_space<semaphore_mem>>)
      } else {
      }
      %add3A_247 = arith.constant 4 : i32
      %add3A_248 = arith.addi %mul3A_107, %add3A_247 : i32
      %dma_wait3A_249 = arith.constant 4 : i32
      %dma_wait3A_250 = arith.constant 0 : i32
      %dma_wait3A_251 = arith.constant 0 : i32
      %dma_wait3A_252 = tpu.memref_slice %arg10[%dma_wait3A_249, %dma_wait3A_250, %dma_wait3A_251] : memref<8x128x32xf32, #tpu.memory_space<vmem>> -> memref<1x128x32xf32, #tpu.memory_space<vmem>>
      %dma_wait3A_253 = tpu.memref_squeeze %dma_wait3A_252 : memref<1x128x32xf32, #tpu.memory_space<vmem>> -> memref<128x32xf32, #tpu.memory_space<vmem>>
      %dma_wait3A_254 = arith.constant 0 : i32
      %dma_wait3A_255 = tpu.memref_slice %arg8[%dma_wait3A_254] : memref<10240xi32, #tpu.memory_space<vmem>> -> memref<128xi32, #tpu.memory_space<vmem>>
      %dma_wait3A_256 = arith.constant 0 : i32
      %dma_wait3A_257 = arith.constant 0 : i32
      %dma_wait3A_258 = tpu.memref_slice %arg12[%dma_wait3A_256, %dma_wait3A_257] : memref<10240x32xf32, #tpu.memory_space<vmem_shared>> -> memref<10240x32xf32, #tpu.memory_space<vmem_shared>>
      tpu.wait_indirect_dma semaphore(%arg13 : memref<!tpu.dma_semaphore, #tpu.memory_space<semaphore_mem>>) src(%dma_wait3A_258 : memref<10240x32xf32, #tpu.memory_space<vmem_shared>>) dst(%dma_wait3A_253 : memref<128x32xf32, #tpu.memory_space<vmem>>)
      %dma_start3A_259 = arith.constant 4 : i32
      %dma_start3A_260 = arith.constant 0 : i32
      %dma_start3A_261 = arith.constant 0 : i32
      %dma_start3A_262 = tpu.memref_slice %arg10[%dma_start3A_259, %dma_start3A_260, %dma_start3A_261] : memref<8x128x32xf32, #tpu.memory_space<vmem>> -> memref<1x128x32xf32, #tpu.memory_space<vmem>>
      %dma_start3A_263 = tpu.memref_squeeze %dma_start3A_262 : memref<1x128x32xf32, #tpu.memory_space<vmem>> -> memref<128x32xf32, #tpu.memory_space<vmem>>
      %dma_start3A_264 = arith.constant 0 : i32
      %dma_start3A_265 = tpu.memref_slice %arg9[%add3A_248, %dma_start3A_264] : memref<80x128xi32, #tpu.memory_space<vmem>> -> memref<1x128xi32, #tpu.memory_space<vmem>>
      %dma_start3A_266 = tpu.memref_squeeze %dma_start3A_265 : memref<1x128xi32, #tpu.memory_space<vmem>> -> memref<128xi32, #tpu.memory_space<vmem>>
      %dma_start3A_267 = arith.constant 0 : i32
      %dma_start3A_268 = arith.constant 0 : i32
      %dma_start3A_269 = tpu.memref_slice %arg11[%dma_start3A_267, %dma_start3A_268] : memref<10240x32xf32, #tpu.memory_space<vmem_shared>> -> memref<10240x32xf32, #tpu.memory_space<vmem_shared>>
      tpu.enqueue_indirect_dma source(%dma_start3A_263 : memref<128x32xf32, #tpu.memory_space<vmem>>) target(%dma_start3A_269 : memref<10240x32xf32, #tpu.memory_space<vmem_shared>>) offsets(%dma_start3A_266 : memref<128xi32, #tpu.memory_space<vmem>>) semaphore(%arg14 : memref<!tpu.dma_semaphore, #tpu.memory_space<semaphore_mem>>) {add = true}
      %ge3A_270 = arith.constant 2 : i32
      %ge3A_271 = arith.cmpi sge, %add3A_248, %ge3A_270 : i32
      %convert_element_type3A_272 = arith.extui %ge3A_271 : i1 to i32
      %cond3A_273 = arith.constant 0 : i32
      %cond3A_274 = arith.cmpi ne, %convert_element_type3A_272, %cond3A_273 : i32
      scf.if %cond3A_274 {
        %dma_wait3A_387 = arith.constant 4 : i32
        %dma_wait3A_388 = arith.constant 0 : i32
        %dma_wait3A_389 = arith.constant 0 : i32
        %dma_wait3A_390 = arith.constant 0 : i32
        %dma_wait3A_391 = tpu.memref_slice %arg10[%dma_wait3A_387, %dma_wait3A_389, %dma_wait3A_390] : memref<8x128x32xf32, #tpu.memory_space<vmem>> -> memref<1x128x32xf32, #tpu.memory_space<vmem>>
        %dma_wait3A_392 = tpu.memref_squeeze %dma_wait3A_391 : memref<1x128x32xf32, #tpu.memory_space<vmem>> -> memref<128x32xf32, #tpu.memory_space<vmem>>
        %dma_wait3A_393 = arith.constant 0 : i32
        %dma_wait3A_394 = tpu.memref_slice %arg9[%dma_wait3A_388, %dma_wait3A_393] : memref<80x128xi32, #tpu.memory_space<vmem>> -> memref<1x128xi32, #tpu.memory_space<vmem>>
        %dma_wait3A_395 = tpu.memref_squeeze %dma_wait3A_394 : memref<1x128xi32, #tpu.memory_space<vmem>> -> memref<128xi32, #tpu.memory_space<vmem>>
        %dma_wait3A_396 = arith.constant 0 : i32
        %dma_wait3A_397 = arith.constant 0 : i32
        %dma_wait3A_398 = tpu.memref_slice %arg11[%dma_wait3A_396, %dma_wait3A_397] : memref<10240x32xf32, #tpu.memory_space<vmem_shared>> -> memref<10240x32xf32, #tpu.memory_space<vmem_shared>>
        tpu.wait_indirect_dma semaphore(%arg14 : memref<!tpu.dma_semaphore, #tpu.memory_space<semaphore_mem>>) src(%dma_wait3A_392 : memref<128x32xf32, #tpu.memory_space<vmem>>) dst(%dma_wait3A_398 : memref<10240x32xf32, #tpu.memory_space<vmem_shared>>)
      } else {
      }
      %add3A_275 = arith.constant 6 : i32
      %add3A_276 = arith.addi %add3A_248, %add3A_275 : i32
      %lt3A_277 = arith.constant 80 : i32
      %lt3A_278 = arith.cmpi slt, %add3A_276, %lt3A_277 : i32
      %convert_element_type3A_279 = arith.extui %lt3A_278 : i1 to i32
      %cond3A_280 = arith.constant 0 : i32
      %cond3A_281 = arith.cmpi ne, %convert_element_type3A_279, %cond3A_280 : i32
      scf.if %cond3A_281 {
        %add3A_387 = arith.constant 6 : i32
        %add3A_388 = arith.addi %add3A_248, %add3A_387 : i32
        %mul3A_389 = arith.constant 128 : i32
        %mul3A_390 = arith.muli %add3A_388, %mul3A_389 : i32
        %dma_start3A_391 = arith.constant 2 : i32
        %dma_start3A_392 = arith.constant 0 : i32
        %dma_start3A_393 = arith.constant 0 : i32
        %dma_start3A_394 = tpu.memref_slice %arg10[%dma_start3A_391, %dma_start3A_392, %dma_start3A_393] : memref<8x128x32xf32, #tpu.memory_space<vmem>> -> memref<1x128x32xf32, #tpu.memory_space<vmem>>
        %dma_start3A_395 = tpu.memref_squeeze %dma_start3A_394 : memref<1x128x32xf32, #tpu.memory_space<vmem>> -> memref<128x32xf32, #tpu.memory_space<vmem>>
        %dma_start3A_396 = tpu.memref_slice %arg8[%mul3A_390] : memref<10240xi32, #tpu.memory_space<vmem>> -> memref<128xi32, #tpu.memory_space<vmem>>
        %dma_start3A_397 = arith.constant 0 : i32
        %dma_start3A_398 = arith.constant 0 : i32
        %dma_start3A_399 = tpu.memref_slice %arg12[%dma_start3A_397, %dma_start3A_398] : memref<10240x32xf32, #tpu.memory_space<vmem_shared>> -> memref<10240x32xf32, #tpu.memory_space<vmem_shared>>
        tpu.enqueue_indirect_dma source(%dma_start3A_399 : memref<10240x32xf32, #tpu.memory_space<vmem_shared>>) target(%dma_start3A_395 : memref<128x32xf32, #tpu.memory_space<vmem>>) offsets(%dma_start3A_396 : memref<128xi32, #tpu.memory_space<vmem>>) semaphore(%arg13 : memref<!tpu.dma_semaphore, #tpu.memory_space<semaphore_mem>>)
      } else {
      }
      %add3A_282 = arith.constant 5 : i32
      %add3A_283 = arith.addi %mul3A_107, %add3A_282 : i32
      %dma_wait3A_284 = arith.constant 5 : i32
      %dma_wait3A_285 = arith.constant 0 : i32
      %dma_wait3A_286 = arith.constant 0 : i32
      %dma_wait3A_287 = tpu.memref_slice %arg10[%dma_wait3A_284, %dma_wait3A_285, %dma_wait3A_286] : memref<8x128x32xf32, #tpu.memory_space<vmem>> -> memref<1x128x32xf32, #tpu.memory_space<vmem>>
      %dma_wait3A_288 = tpu.memref_squeeze %dma_wait3A_287 : memref<1x128x32xf32, #tpu.memory_space<vmem>> -> memref<128x32xf32, #tpu.memory_space<vmem>>
      %dma_wait3A_289 = arith.constant 0 : i32
      %dma_wait3A_290 = tpu.memref_slice %arg8[%dma_wait3A_289] : memref<10240xi32, #tpu.memory_space<vmem>> -> memref<128xi32, #tpu.memory_space<vmem>>
      %dma_wait3A_291 = arith.constant 0 : i32
      %dma_wait3A_292 = arith.constant 0 : i32
      %dma_wait3A_293 = tpu.memref_slice %arg12[%dma_wait3A_291, %dma_wait3A_292] : memref<10240x32xf32, #tpu.memory_space<vmem_shared>> -> memref<10240x32xf32, #tpu.memory_space<vmem_shared>>
      tpu.wait_indirect_dma semaphore(%arg13 : memref<!tpu.dma_semaphore, #tpu.memory_space<semaphore_mem>>) src(%dma_wait3A_293 : memref<10240x32xf32, #tpu.memory_space<vmem_shared>>) dst(%dma_wait3A_288 : memref<128x32xf32, #tpu.memory_space<vmem>>)
      %dma_start3A_294 = arith.constant 5 : i32
      %dma_start3A_295 = arith.constant 0 : i32
      %dma_start3A_296 = arith.constant 0 : i32
      %dma_start3A_297 = tpu.memref_slice %arg10[%dma_start3A_294, %dma_start3A_295, %dma_start3A_296] : memref<8x128x32xf32, #tpu.memory_space<vmem>> -> memref<1x128x32xf32, #tpu.memory_space<vmem>>
      %dma_start3A_298 = tpu.memref_squeeze %dma_start3A_297 : memref<1x128x32xf32, #tpu.memory_space<vmem>> -> memref<128x32xf32, #tpu.memory_space<vmem>>
      %dma_start3A_299 = arith.constant 0 : i32
      %dma_start3A_300 = tpu.memref_slice %arg9[%add3A_283, %dma_start3A_299] : memref<80x128xi32, #tpu.memory_space<vmem>> -> memref<1x128xi32, #tpu.memory_space<vmem>>
      %dma_start3A_301 = tpu.memref_squeeze %dma_start3A_300 : memref<1x128xi32, #tpu.memory_space<vmem>> -> memref<128xi32, #tpu.memory_space<vmem>>
      %dma_start3A_302 = arith.constant 0 : i32
      %dma_start3A_303 = arith.constant 0 : i32
      %dma_start3A_304 = tpu.memref_slice %arg11[%dma_start3A_302, %dma_start3A_303] : memref<10240x32xf32, #tpu.memory_space<vmem_shared>> -> memref<10240x32xf32, #tpu.memory_space<vmem_shared>>
      tpu.enqueue_indirect_dma source(%dma_start3A_298 : memref<128x32xf32, #tpu.memory_space<vmem>>) target(%dma_start3A_304 : memref<10240x32xf32, #tpu.memory_space<vmem_shared>>) offsets(%dma_start3A_301 : memref<128xi32, #tpu.memory_space<vmem>>) semaphore(%arg14 : memref<!tpu.dma_semaphore, #tpu.memory_space<semaphore_mem>>) {add = true}
      %ge3A_305 = arith.constant 2 : i32
      %ge3A_306 = arith.cmpi sge, %add3A_283, %ge3A_305 : i32
      %convert_element_type3A_307 = arith.extui %ge3A_306 : i1 to i32
      %cond3A_308 = arith.constant 0 : i32
      %cond3A_309 = arith.cmpi ne, %convert_element_type3A_307, %cond3A_308 : i32
      scf.if %cond3A_309 {
        %dma_wait3A_387 = arith.constant 5 : i32
        %dma_wait3A_388 = arith.constant 0 : i32
        %dma_wait3A_389 = arith.constant 0 : i32
        %dma_wait3A_390 = arith.constant 0 : i32
        %dma_wait3A_391 = tpu.memref_slice %arg10[%dma_wait3A_387, %dma_wait3A_389, %dma_wait3A_390] : memref<8x128x32xf32, #tpu.memory_space<vmem>> -> memref<1x128x32xf32, #tpu.memory_space<vmem>>
        %dma_wait3A_392 = tpu.memref_squeeze %dma_wait3A_391 : memref<1x128x32xf32, #tpu.memory_space<vmem>> -> memref<128x32xf32, #tpu.memory_space<vmem>>
        %dma_wait3A_393 = arith.constant 0 : i32
        %dma_wait3A_394 = tpu.memref_slice %arg9[%dma_wait3A_388, %dma_wait3A_393] : memref<80x128xi32, #tpu.memory_space<vmem>> -> memref<1x128xi32, #tpu.memory_space<vmem>>
        %dma_wait3A_395 = tpu.memref_squeeze %dma_wait3A_394 : memref<1x128xi32, #tpu.memory_space<vmem>> -> memref<128xi32, #tpu.memory_space<vmem>>
        %dma_wait3A_396 = arith.constant 0 : i32
        %dma_wait3A_397 = arith.constant 0 : i32
        %dma_wait3A_398 = tpu.memref_slice %arg11[%dma_wait3A_396, %dma_wait3A_397] : memref<10240x32xf32, #tpu.memory_space<vmem_shared>> -> memref<10240x32xf32, #tpu.memory_space<vmem_shared>>
        tpu.wait_indirect_dma semaphore(%arg14 : memref<!tpu.dma_semaphore, #tpu.memory_space<semaphore_mem>>) src(%dma_wait3A_392 : memref<128x32xf32, #tpu.memory_space<vmem>>) dst(%dma_wait3A_398 : memref<10240x32xf32, #tpu.memory_space<vmem_shared>>)
      } else {
      }
      %add3A_310 = arith.constant 6 : i32
      %add3A_311 = arith.addi %add3A_283, %add3A_310 : i32
      %lt3A_312 = arith.constant 80 : i32
      %lt3A_313 = arith.cmpi slt, %add3A_311, %lt3A_312 : i32
      %convert_element_type3A_314 = arith.extui %lt3A_313 : i1 to i32
      %cond3A_315 = arith.constant 0 : i32
      %cond3A_316 = arith.cmpi ne, %convert_element_type3A_314, %cond3A_315 : i32
      scf.if %cond3A_316 {
        %add3A_387 = arith.constant 6 : i32
        %add3A_388 = arith.addi %add3A_283, %add3A_387 : i32
        %mul3A_389 = arith.constant 128 : i32
        %mul3A_390 = arith.muli %add3A_388, %mul3A_389 : i32
        %dma_start3A_391 = arith.constant 3 : i32
        %dma_start3A_392 = arith.constant 0 : i32
        %dma_start3A_393 = arith.constant 0 : i32
        %dma_start3A_394 = tpu.memref_slice %arg10[%dma_start3A_391, %dma_start3A_392, %dma_start3A_393] : memref<8x128x32xf32, #tpu.memory_space<vmem>> -> memref<1x128x32xf32, #tpu.memory_space<vmem>>
        %dma_start3A_395 = tpu.memref_squeeze %dma_start3A_394 : memref<1x128x32xf32, #tpu.memory_space<vmem>> -> memref<128x32xf32, #tpu.memory_space<vmem>>
        %dma_start3A_396 = tpu.memref_slice %arg8[%mul3A_390] : memref<10240xi32, #tpu.memory_space<vmem>> -> memref<128xi32, #tpu.memory_space<vmem>>
        %dma_start3A_397 = arith.constant 0 : i32
        %dma_start3A_398 = arith.constant 0 : i32
        %dma_start3A_399 = tpu.memref_slice %arg12[%dma_start3A_397, %dma_start3A_398] : memref<10240x32xf32, #tpu.memory_space<vmem_shared>> -> memref<10240x32xf32, #tpu.memory_space<vmem_shared>>
        tpu.enqueue_indirect_dma source(%dma_start3A_399 : memref<10240x32xf32, #tpu.memory_space<vmem_shared>>) target(%dma_start3A_395 : memref<128x32xf32, #tpu.memory_space<vmem>>) offsets(%dma_start3A_396 : memref<128xi32, #tpu.memory_space<vmem>>) semaphore(%arg13 : memref<!tpu.dma_semaphore, #tpu.memory_space<semaphore_mem>>)
      } else {
      }
      %add3A_317 = arith.constant 6 : i32
      %add3A_318 = arith.addi %mul3A_107, %add3A_317 : i32
      %dma_wait3A_319 = arith.constant 6 : i32
      %dma_wait3A_320 = arith.constant 0 : i32
      %dma_wait3A_321 = arith.constant 0 : i32
      %dma_wait3A_322 = tpu.memref_slice %arg10[%dma_wait3A_319, %dma_wait3A_320, %dma_wait3A_321] : memref<8x128x32xf32, #tpu.memory_space<vmem>> -> memref<1x128x32xf32, #tpu.memory_space<vmem>>
      %dma_wait3A_323 = tpu.memref_squeeze %dma_wait3A_322 : memref<1x128x32xf32, #tpu.memory_space<vmem>> -> memref<128x32xf32, #tpu.memory_space<vmem>>
      %dma_wait3A_324 = arith.constant 0 : i32
      %dma_wait3A_325 = tpu.memref_slice %arg8[%dma_wait3A_324] : memref<10240xi32, #tpu.memory_space<vmem>> -> memref<128xi32, #tpu.memory_space<vmem>>
      %dma_wait3A_326 = arith.constant 0 : i32
      %dma_wait3A_327 = arith.constant 0 : i32
      %dma_wait3A_328 = tpu.memref_slice %arg12[%dma_wait3A_326, %dma_wait3A_327] : memref<10240x32xf32, #tpu.memory_space<vmem_shared>> -> memref<10240x32xf32, #tpu.memory_space<vmem_shared>>
      tpu.wait_indirect_dma semaphore(%arg13 : memref<!tpu.dma_semaphore, #tpu.memory_space<semaphore_mem>>) src(%dma_wait3A_328 : memref<10240x32xf32, #tpu.memory_space<vmem_shared>>) dst(%dma_wait3A_323 : memref<128x32xf32, #tpu.memory_space<vmem>>)
      %dma_start3A_329 = arith.constant 6 : i32
      %dma_start3A_330 = arith.constant 0 : i32
      %dma_start3A_331 = arith.constant 0 : i32
      %dma_start3A_332 = tpu.memref_slice %arg10[%dma_start3A_329, %dma_start3A_330, %dma_start3A_331] : memref<8x128x32xf32, #tpu.memory_space<vmem>> -> memref<1x128x32xf32, #tpu.memory_space<vmem>>
      %dma_start3A_333 = tpu.memref_squeeze %dma_start3A_332 : memref<1x128x32xf32, #tpu.memory_space<vmem>> -> memref<128x32xf32, #tpu.memory_space<vmem>>
      %dma_start3A_334 = arith.constant 0 : i32
      %dma_start3A_335 = tpu.memref_slice %arg9[%add3A_318, %dma_start3A_334] : memref<80x128xi32, #tpu.memory_space<vmem>> -> memref<1x128xi32, #tpu.memory_space<vmem>>
      %dma_start3A_336 = tpu.memref_squeeze %dma_start3A_335 : memref<1x128xi32, #tpu.memory_space<vmem>> -> memref<128xi32, #tpu.memory_space<vmem>>
      %dma_start3A_337 = arith.constant 0 : i32
      %dma_start3A_338 = arith.constant 0 : i32
      %dma_start3A_339 = tpu.memref_slice %arg11[%dma_start3A_337, %dma_start3A_338] : memref<10240x32xf32, #tpu.memory_space<vmem_shared>> -> memref<10240x32xf32, #tpu.memory_space<vmem_shared>>
      tpu.enqueue_indirect_dma source(%dma_start3A_333 : memref<128x32xf32, #tpu.memory_space<vmem>>) target(%dma_start3A_339 : memref<10240x32xf32, #tpu.memory_space<vmem_shared>>) offsets(%dma_start3A_336 : memref<128xi32, #tpu.memory_space<vmem>>) semaphore(%arg14 : memref<!tpu.dma_semaphore, #tpu.memory_space<semaphore_mem>>) {add = true}
      %ge3A_340 = arith.constant 2 : i32
      %ge3A_341 = arith.cmpi sge, %add3A_318, %ge3A_340 : i32
      %convert_element_type3A_342 = arith.extui %ge3A_341 : i1 to i32
      %cond3A_343 = arith.constant 0 : i32
      %cond3A_344 = arith.cmpi ne, %convert_element_type3A_342, %cond3A_343 : i32
      scf.if %cond3A_344 {
        %dma_wait3A_387 = arith.constant 6 : i32
        %dma_wait3A_388 = arith.constant 0 : i32
        %dma_wait3A_389 = arith.constant 0 : i32
        %dma_wait3A_390 = arith.constant 0 : i32
        %dma_wait3A_391 = tpu.memref_slice %arg10[%dma_wait3A_387, %dma_wait3A_389, %dma_wait3A_390] : memref<8x128x32xf32, #tpu.memory_space<vmem>> -> memref<1x128x32xf32, #tpu.memory_space<vmem>>
        %dma_wait3A_392 = tpu.memref_squeeze %dma_wait3A_391 : memref<1x128x32xf32, #tpu.memory_space<vmem>> -> memref<128x32xf32, #tpu.memory_space<vmem>>
        %dma_wait3A_393 = arith.constant 0 : i32
        %dma_wait3A_394 = tpu.memref_slice %arg9[%dma_wait3A_388, %dma_wait3A_393] : memref<80x128xi32, #tpu.memory_space<vmem>> -> memref<1x128xi32, #tpu.memory_space<vmem>>
        %dma_wait3A_395 = tpu.memref_squeeze %dma_wait3A_394 : memref<1x128xi32, #tpu.memory_space<vmem>> -> memref<128xi32, #tpu.memory_space<vmem>>
        %dma_wait3A_396 = arith.constant 0 : i32
        %dma_wait3A_397 = arith.constant 0 : i32
        %dma_wait3A_398 = tpu.memref_slice %arg11[%dma_wait3A_396, %dma_wait3A_397] : memref<10240x32xf32, #tpu.memory_space<vmem_shared>> -> memref<10240x32xf32, #tpu.memory_space<vmem_shared>>
        tpu.wait_indirect_dma semaphore(%arg14 : memref<!tpu.dma_semaphore, #tpu.memory_space<semaphore_mem>>) src(%dma_wait3A_392 : memref<128x32xf32, #tpu.memory_space<vmem>>) dst(%dma_wait3A_398 : memref<10240x32xf32, #tpu.memory_space<vmem_shared>>)
      } else {
      }
      %add3A_345 = arith.constant 6 : i32
      %add3A_346 = arith.addi %add3A_318, %add3A_345 : i32
      %lt3A_347 = arith.constant 80 : i32
      %lt3A_348 = arith.cmpi slt, %add3A_346, %lt3A_347 : i32
      %convert_element_type3A_349 = arith.extui %lt3A_348 : i1 to i32
      %cond3A_350 = arith.constant 0 : i32
      %cond3A_351 = arith.cmpi ne, %convert_element_type3A_349, %cond3A_350 : i32
      scf.if %cond3A_351 {
        %add3A_387 = arith.constant 6 : i32
        %add3A_388 = arith.addi %add3A_318, %add3A_387 : i32
        %mul3A_389 = arith.constant 128 : i32
        %mul3A_390 = arith.muli %add3A_388, %mul3A_389 : i32
        %dma_start3A_391 = arith.constant 4 : i32
        %dma_start3A_392 = arith.constant 0 : i32
        %dma_start3A_393 = arith.constant 0 : i32
        %dma_start3A_394 = tpu.memref_slice %arg10[%dma_start3A_391, %dma_start3A_392, %dma_start3A_393] : memref<8x128x32xf32, #tpu.memory_space<vmem>> -> memref<1x128x32xf32, #tpu.memory_space<vmem>>
        %dma_start3A_395 = tpu.memref_squeeze %dma_start3A_394 : memref<1x128x32xf32, #tpu.memory_space<vmem>> -> memref<128x32xf32, #tpu.memory_space<vmem>>
        %dma_start3A_396 = tpu.memref_slice %arg8[%mul3A_390] : memref<10240xi32, #tpu.memory_space<vmem>> -> memref<128xi32, #tpu.memory_space<vmem>>
        %dma_start3A_397 = arith.constant 0 : i32
        %dma_start3A_398 = arith.constant 0 : i32
        %dma_start3A_399 = tpu.memref_slice %arg12[%dma_start3A_397, %dma_start3A_398] : memref<10240x32xf32, #tpu.memory_space<vmem_shared>> -> memref<10240x32xf32, #tpu.memory_space<vmem_shared>>
        tpu.enqueue_indirect_dma source(%dma_start3A_399 : memref<10240x32xf32, #tpu.memory_space<vmem_shared>>) target(%dma_start3A_395 : memref<128x32xf32, #tpu.memory_space<vmem>>) offsets(%dma_start3A_396 : memref<128xi32, #tpu.memory_space<vmem>>) semaphore(%arg13 : memref<!tpu.dma_semaphore, #tpu.memory_space<semaphore_mem>>)
      } else {
      }
      %add3A_352 = arith.constant 7 : i32
      %add3A_353 = arith.addi %mul3A_107, %add3A_352 : i32
      %dma_wait3A_354 = arith.constant 7 : i32
      %dma_wait3A_355 = arith.constant 0 : i32
      %dma_wait3A_356 = arith.constant 0 : i32
      %dma_wait3A_357 = tpu.memref_slice %arg10[%dma_wait3A_354, %dma_wait3A_355, %dma_wait3A_356] : memref<8x128x32xf32, #tpu.memory_space<vmem>> -> memref<1x128x32xf32, #tpu.memory_space<vmem>>
      %dma_wait3A_358 = tpu.memref_squeeze %dma_wait3A_357 : memref<1x128x32xf32, #tpu.memory_space<vmem>> -> memref<128x32xf32, #tpu.memory_space<vmem>>
      %dma_wait3A_359 = arith.constant 0 : i32
      %dma_wait3A_360 = tpu.memref_slice %arg8[%dma_wait3A_359] : memref<10240xi32, #tpu.memory_space<vmem>> -> memref<128xi32, #tpu.memory_space<vmem>>
      %dma_wait3A_361 = arith.constant 0 : i32
      %dma_wait3A_362 = arith.constant 0 : i32
      %dma_wait3A_363 = tpu.memref_slice %arg12[%dma_wait3A_361, %dma_wait3A_362] : memref<10240x32xf32, #tpu.memory_space<vmem_shared>> -> memref<10240x32xf32, #tpu.memory_space<vmem_shared>>
      tpu.wait_indirect_dma semaphore(%arg13 : memref<!tpu.dma_semaphore, #tpu.memory_space<semaphore_mem>>) src(%dma_wait3A_363 : memref<10240x32xf32, #tpu.memory_space<vmem_shared>>) dst(%dma_wait3A_358 : memref<128x32xf32, #tpu.memory_space<vmem>>)
      %dma_start3A_364 = arith.constant 7 : i32
      %dma_start3A_365 = arith.constant 0 : i32
      %dma_start3A_366 = arith.constant 0 : i32
      %dma_start3A_367 = tpu.memref_slice %arg10[%dma_start3A_364, %dma_start3A_365, %dma_start3A_366] : memref<8x128x32xf32, #tpu.memory_space<vmem>> -> memref<1x128x32xf32, #tpu.memory_space<vmem>>
      %dma_start3A_368 = tpu.memref_squeeze %dma_start3A_367 : memref<1x128x32xf32, #tpu.memory_space<vmem>> -> memref<128x32xf32, #tpu.memory_space<vmem>>
      %dma_start3A_369 = arith.constant 0 : i32
      %dma_start3A_370 = tpu.memref_slice %arg9[%add3A_353, %dma_start3A_369] : memref<80x128xi32, #tpu.memory_space<vmem>> -> memref<1x128xi32, #tpu.memory_space<vmem>>
      %dma_start3A_371 = tpu.memref_squeeze %dma_start3A_370 : memref<1x128xi32, #tpu.memory_space<vmem>> -> memref<128xi32, #tpu.memory_space<vmem>>
      %dma_start3A_372 = arith.constant 0 : i32
      %dma_start3A_373 = arith.constant 0 : i32
      %dma_start3A_374 = tpu.memref_slice %arg11[%dma_start3A_372, %dma_start3A_373] : memref<10240x32xf32, #tpu.memory_space<vmem_shared>> -> memref<10240x32xf32, #tpu.memory_space<vmem_shared>>
      tpu.enqueue_indirect_dma source(%dma_start3A_368 : memref<128x32xf32, #tpu.memory_space<vmem>>) target(%dma_start3A_374 : memref<10240x32xf32, #tpu.memory_space<vmem_shared>>) offsets(%dma_start3A_371 : memref<128xi32, #tpu.memory_space<vmem>>) semaphore(%arg14 : memref<!tpu.dma_semaphore, #tpu.memory_space<semaphore_mem>>) {add = true}
      %ge3A_375 = arith.constant 2 : i32
      %ge3A_376 = arith.cmpi sge, %add3A_353, %ge3A_375 : i32
      %convert_element_type3A_377 = arith.extui %ge3A_376 : i1 to i32
      %cond3A_378 = arith.constant 0 : i32
      %cond3A_379 = arith.cmpi ne, %convert_element_type3A_377, %cond3A_378 : i32
      scf.if %cond3A_379 {
        %dma_wait3A_387 = arith.constant 7 : i32
        %dma_wait3A_388 = arith.constant 0 : i32
        %dma_wait3A_389 = arith.constant 0 : i32
        %dma_wait3A_390 = arith.constant 0 : i32
        %dma_wait3A_391 = tpu.memref_slice %arg10[%dma_wait3A_387, %dma_wait3A_389, %dma_wait3A_390] : memref<8x128x32xf32, #tpu.memory_space<vmem>> -> memref<1x128x32xf32, #tpu.memory_space<vmem>>
        %dma_wait3A_392 = tpu.memref_squeeze %dma_wait3A_391 : memref<1x128x32xf32, #tpu.memory_space<vmem>> -> memref<128x32xf32, #tpu.memory_space<vmem>>
        %dma_wait3A_393 = arith.constant 0 : i32
        %dma_wait3A_394 = tpu.memref_slice %arg9[%dma_wait3A_388, %dma_wait3A_393] : memref<80x128xi32, #tpu.memory_space<vmem>> -> memref<1x128xi32, #tpu.memory_space<vmem>>
        %dma_wait3A_395 = tpu.memref_squeeze %dma_wait3A_394 : memref<1x128xi32, #tpu.memory_space<vmem>> -> memref<128xi32, #tpu.memory_space<vmem>>
        %dma_wait3A_396 = arith.constant 0 : i32
        %dma_wait3A_397 = arith.constant 0 : i32
        %dma_wait3A_398 = tpu.memref_slice %arg11[%dma_wait3A_396, %dma_wait3A_397] : memref<10240x32xf32, #tpu.memory_space<vmem_shared>> -> memref<10240x32xf32, #tpu.memory_space<vmem_shared>>
        tpu.wait_indirect_dma semaphore(%arg14 : memref<!tpu.dma_semaphore, #tpu.memory_space<semaphore_mem>>) src(%dma_wait3A_392 : memref<128x32xf32, #tpu.memory_space<vmem>>) dst(%dma_wait3A_398 : memref<10240x32xf32, #tpu.memory_space<vmem_shared>>)
      } else {
      }
      %add3A_380 = arith.constant 6 : i32
      %add3A_381 = arith.addi %add3A_353, %add3A_380 : i32
      %lt3A_382 = arith.constant 80 : i32
      %lt3A_383 = arith.cmpi slt, %add3A_381, %lt3A_382 : i32
      %convert_element_type3A_384 = arith.extui %lt3A_383 : i1 to i32
      %cond3A_385 = arith.constant 0 : i32
      %cond3A_386 = arith.cmpi ne, %convert_element_type3A_384, %cond3A_385 : i32
      scf.if %cond3A_386 {
        %add3A_387 = arith.constant 6 : i32
        %add3A_388 = arith.addi %add3A_353, %add3A_387 : i32
        %mul3A_389 = arith.constant 128 : i32
        %mul3A_390 = arith.muli %add3A_388, %mul3A_389 : i32
        %dma_start3A_391 = arith.constant 5 : i32
        %dma_start3A_392 = arith.constant 0 : i32
        %dma_start3A_393 = arith.constant 0 : i32
        %dma_start3A_394 = tpu.memref_slice %arg10[%dma_start3A_391, %dma_start3A_392, %dma_start3A_393] : memref<8x128x32xf32, #tpu.memory_space<vmem>> -> memref<1x128x32xf32, #tpu.memory_space<vmem>>
        %dma_start3A_395 = tpu.memref_squeeze %dma_start3A_394 : memref<1x128x32xf32, #tpu.memory_space<vmem>> -> memref<128x32xf32, #tpu.memory_space<vmem>>
        %dma_start3A_396 = tpu.memref_slice %arg8[%mul3A_390] : memref<10240xi32, #tpu.memory_space<vmem>> -> memref<128xi32, #tpu.memory_space<vmem>>
        %dma_start3A_397 = arith.constant 0 : i32
        %dma_start3A_398 = arith.constant 0 : i32
        %dma_start3A_399 = tpu.memref_slice %arg12[%dma_start3A_397, %dma_start3A_398] : memref<10240x32xf32, #tpu.memory_space<vmem_shared>> -> memref<10240x32xf32, #tpu.memory_space<vmem_shared>>
        tpu.enqueue_indirect_dma source(%dma_start3A_399 : memref<10240x32xf32, #tpu.memory_space<vmem_shared>>) target(%dma_start3A_395 : memref<128x32xf32, #tpu.memory_space<vmem>>) offsets(%dma_start3A_396 : memref<128xi32, #tpu.memory_space<vmem>>) semaphore(%arg13 : memref<!tpu.dma_semaphore, #tpu.memory_space<semaphore_mem>>)
      } else {
      }
    }
    %scan3A_76 = arith.constant 10 : i32
    %dma_wait3A = arith.constant 0 : i32
    %dma_wait3A_77 = arith.constant 0 : i32
    %dma_wait3A_78 = arith.constant 0 : i32
    %dma_wait3A_79 = arith.constant 0 : i32
    %dma_wait3A_80 = tpu.memref_slice %arg10[%dma_wait3A, %dma_wait3A_78, %dma_wait3A_79] : memref<8x128x32xf32, #tpu.memory_space<vmem>> -> memref<1x128x32xf32, #tpu.memory_space<vmem>>
    %dma_wait3A_81 = tpu.memref_squeeze %dma_wait3A_80 : memref<1x128x32xf32, #tpu.memory_space<vmem>> -> memref<128x32xf32, #tpu.memory_space<vmem>>
    %dma_wait3A_82 = arith.constant 0 : i32
    %dma_wait3A_83 = tpu.memref_slice %arg9[%dma_wait3A_77, %dma_wait3A_82] : memref<80x128xi32, #tpu.memory_space<vmem>> -> memref<1x128xi32, #tpu.memory_space<vmem>>
    %dma_wait3A_84 = tpu.memref_squeeze %dma_wait3A_83 : memref<1x128xi32, #tpu.memory_space<vmem>> -> memref<128xi32, #tpu.memory_space<vmem>>
    %dma_wait3A_85 = arith.constant 0 : i32
    %dma_wait3A_86 = arith.constant 0 : i32
    %dma_wait3A_87 = tpu.memref_slice %arg11[%dma_wait3A_85, %dma_wait3A_86] : memref<10240x32xf32, #tpu.memory_space<vmem_shared>> -> memref<10240x32xf32, #tpu.memory_space<vmem_shared>>
    tpu.wait_indirect_dma semaphore(%arg14 : memref<!tpu.dma_semaphore, #tpu.memory_space<semaphore_mem>>) src(%dma_wait3A_81 : memref<128x32xf32, #tpu.memory_space<vmem>>) dst(%dma_wait3A_87 : memref<10240x32xf32, #tpu.memory_space<vmem_shared>>)
    %dma_wait3A_88 = arith.constant 1 : i32
    %dma_wait3A_89 = arith.constant 0 : i32
    %dma_wait3A_90 = arith.constant 0 : i32
    %dma_wait3A_91 = arith.constant 0 : i32
    %dma_wait3A_92 = tpu.memref_slice %arg10[%dma_wait3A_88, %dma_wait3A_90, %dma_wait3A_91] : memref<8x128x32xf32, #tpu.memory_space<vmem>> -> memref<1x128x32xf32, #tpu.memory_space<vmem>>
    %dma_wait3A_93 = tpu.memref_squeeze %dma_wait3A_92 : memref<1x128x32xf32, #tpu.memory_space<vmem>> -> memref<128x32xf32, #tpu.memory_space<vmem>>
    %dma_wait3A_94 = arith.constant 0 : i32
    %dma_wait3A_95 = tpu.memref_slice %arg9[%dma_wait3A_89, %dma_wait3A_94] : memref<80x128xi32, #tpu.memory_space<vmem>> -> memref<1x128xi32, #tpu.memory_space<vmem>>
    %dma_wait3A_96 = tpu.memref_squeeze %dma_wait3A_95 : memref<1x128xi32, #tpu.memory_space<vmem>> -> memref<128xi32, #tpu.memory_space<vmem>>
    %dma_wait3A_97 = arith.constant 0 : i32
    %dma_wait3A_98 = arith.constant 0 : i32
    %dma_wait3A_99 = tpu.memref_slice %arg11[%dma_wait3A_97, %dma_wait3A_98] : memref<10240x32xf32, #tpu.memory_space<vmem_shared>> -> memref<10240x32xf32, #tpu.memory_space<vmem_shared>>
    tpu.wait_indirect_dma semaphore(%arg14 : memref<!tpu.dma_semaphore, #tpu.memory_space<semaphore_mem>>) src(%dma_wait3A_93 : memref<128x32xf32, #tpu.memory_space<vmem>>) dst(%dma_wait3A_99 : memref<10240x32xf32, #tpu.memory_space<vmem_shared>>)
    %barrier3A_100 = arith.constant 0 : index
    tpu.barrier barrier_id(%barrier3A_100)
    %mul3A_101 = arith.constant 640 : i32
    %mul3A_102 = arith.muli %arg1, %mul3A_101 : i32
    %mul3A_103 = arith.constant 640 : i32
    %mul3A_104 = arith.muli %arg1, %mul3A_103 : i32
    "tpu.region"() ({
      %run_scoped3A = tpu.sem_alloc : memref<!tpu.dma_semaphore, #tpu.memory_space<semaphore_mem>>
      %dma_start3A_105 = arith.constant 0 : i32
      %dma_start3A_106 = tpu.memref_slice %arg7[%arg0, %mul3A_104, %dma_start3A_105] : memref<2x10240x32xf32, #tpu.memory_space<hbm>> -> memref<1x640x32xf32, #tpu.memory_space<hbm>>
      %dma_start3A_107 = tpu.memref_squeeze %dma_start3A_106 : memref<1x640x32xf32, #tpu.memory_space<hbm>> -> memref<640x32xf32, #tpu.memory_space<hbm>>
      %dma_start3A_108 = arith.constant 0 : i32
      %dma_start3A_109 = tpu.memref_slice %arg11[%mul3A_102, %dma_start3A_108] : memref<10240x32xf32, #tpu.memory_space<vmem_shared>> -> memref<640x32xf32, #tpu.memory_space<vmem_shared>>
      tpu.enqueue_dma source(%dma_start3A_109 : memref<640x32xf32, #tpu.memory_space<vmem_shared>>) target(%dma_start3A_107 : memref<640x32xf32, #tpu.memory_space<hbm>>) target_semaphore(%run_scoped3A : memref<!tpu.dma_semaphore, #tpu.memory_space<semaphore_mem>>)
      %dma_wait3A_110 = arith.constant 0 : i32
      %dma_wait3A_111 = tpu.memref_slice %arg7[%arg0, %mul3A_104, %dma_wait3A_110] : memref<2x10240x32xf32, #tpu.memory_space<hbm>> -> memref<1x640x32xf32, #tpu.memory_space<hbm>>
      %dma_wait3A_112 = tpu.memref_squeeze %dma_wait3A_111 : memref<1x640x32xf32, #tpu.memory_space<hbm>> -> memref<640x32xf32, #tpu.memory_space<hbm>>
      %dma_wait3A_113 = arith.constant 0 : i32
      %dma_wait3A_114 = tpu.memref_slice %arg11[%mul3A_102, %dma_wait3A_113] : memref<10240x32xf32, #tpu.memory_space<vmem_shared>> -> memref<640x32xf32, #tpu.memory_space<vmem_shared>>
      tpu.wait_dma2 semaphore(%run_scoped3A : memref<!tpu.dma_semaphore, #tpu.memory_space<semaphore_mem>>) src(%dma_wait3A_114 : memref<640x32xf32, #tpu.memory_space<vmem_shared>>) dst(%dma_wait3A_112 : memref<640x32xf32, #tpu.memory_space<hbm>>)
      tpu.yield
    }) : () -> ()
    return
  }
}

module attributes {stable_mosaic.version = 14 : i64} {
  func.func @body(%arg0: i32, %arg1: memref<1280x128xf32, #tpu.memory_space<vmem>>, %arg2: memref<128x32xf32, #tpu.memory_space<vmem>>, %arg3: memref<1280x32xf32, #tpu.memory_space<vmem>>) attributes {dimension_semantics = [#tpu.dimension_semantics<arbitrary>], iteration_bounds = array<i64: 8>, scalar_prefetch = 0 : i64, scratch_operands = 0 : i64, tpu.core_type = #tpu.core_type<tc>, window_params = [{transform_indices = @transform_0, window_bounds = array<i64: 1280, 128>}, {pipeline_mode = #tpu.pipeline_mode<synchronous>, transform_indices = @transform_1, window_bounds = array<i64: 128, 32>}, {transform_indices = @transform_2, window_bounds = array<i64: 1280, 32>}]} {
    %get3A = arith.constant 0 : index
    %get3A_0 = arith.constant 0 : index
    %get3A_1 = vector.load %arg1[%get3A, %get3A_0] : memref<1280x128xf32, #tpu.memory_space<vmem>>, vector<1280x128xf32>
    %get3A_2 = arith.constant 0 : index
    %get3A_3 = arith.constant 0 : index
    %get3A_4 = vector.load %arg2[%get3A_2, %get3A_3] : memref<128x32xf32, #tpu.memory_space<vmem>>, vector<128x32xf32>
    %dot_general3A = arith.constant dense<0.000000e+00> : vector<1280x32xf32>
    %dot_general3A_5 = tpu.matmul %get3A_1, %get3A_4, %dot_general3A {dimension_numbers = #tpu.dot_dimension_numbers<[1], [0], [0], [1], [0, 0, 1, 1], [], []>, transpose_lhs_hint = false} : vector<1280x128xf32>, vector<128x32xf32>, vector<1280x32xf32> -> vector<1280x32xf32>
    %swap3A = arith.constant 0 : index
    %swap3A_6 = arith.constant 0 : index
    %swap3A_7 = vector.load %arg3[%swap3A, %swap3A_6] : memref<1280x32xf32, #tpu.memory_space<vmem>>, vector<1280x32xf32>
    tpu.vector_store %arg3[%swap3A, %swap3A_6], %dot_general3A_5 {strides = array<i32>} : memref<1280x32xf32, #tpu.memory_space<vmem>>, vector<1280x32xf32>,
    return
  }
  func.func @transform_0(%arg0: i32) -> (i32, i32) {
    %c0_i32 = arith.constant 0 : i32
    %c0_i32_0 = arith.constant 0 : i32
    return %arg0, %c0_i32 : i32, i32
  }
  func.func @transform_1(%arg0: i32) -> (i32, i32) {
    %c0_i32 = arith.constant 0 : i32
    %c0_i32_0 = arith.constant 0 : i32
    %c0_i32_1 = arith.constant 0 : i32
    return %c0_i32, %c0_i32_0 : i32, i32
  }
  func.func @transform_2(%arg0: i32) -> (i32, i32) {
    %c0_i32 = arith.constant 0 : i32
    %c0_i32_0 = arith.constant 0 : i32
    return %arg0, %c0_i32 : i32, i32
  }
}

module attributes {stable_mosaic.version = 14 : i64} {
  func.func @body(%arg0: i32, %arg1: memref<2x1280x32xf32, #tpu.memory_space<vmem>>, %arg2: memref<1280x32xf32, #tpu.memory_space<vmem>>, %arg3: memref<1280x32xf32, #tpu.memory_space<vmem>>, %arg4: memref<1280x32xf32, #tpu.memory_space<vmem>>) attributes {dimension_semantics = [#tpu.dimension_semantics<arbitrary>], iteration_bounds = array<i64: 8>, scalar_prefetch = 0 : i64, scratch_operands = 0 : i64, tpu.core_type = #tpu.core_type<tc>, window_params = [{transform_indices = @transform_0, window_bounds = array<i64: 2, 1280, 32>}, {transform_indices = @transform_1, window_bounds = array<i64: 1280, 32>}, {transform_indices = @transform_2, window_bounds = array<i64: 1280, 32>}, {transform_indices = @transform_3, window_bounds = array<i64: 1280, 32>}]} {
    %get3A = arith.constant 0 : index
    %get3A_0 = arith.constant 0 : index
    %get3A_1 = arith.constant 0 : index
    %get3A_2 = vector.load %arg1[%get3A, %get3A_0, %get3A_1] : memref<2x1280x32xf32, #tpu.memory_space<vmem>>, vector<1x1280x32xf32>
    %get3A_3 = vector.shape_cast %get3A_2 : vector<1x1280x32xf32> to vector<1280x32xf32>
    %get3A_4 = arith.constant 1 : index
    %get3A_5 = arith.constant 0 : index
    %get3A_6 = arith.constant 0 : index
    %get3A_7 = vector.load %arg1[%get3A_4, %get3A_5, %get3A_6] : memref<2x1280x32xf32, #tpu.memory_space<vmem>>, vector<1x1280x32xf32>
    %get3A_8 = vector.shape_cast %get3A_7 : vector<1x1280x32xf32> to vector<1280x32xf32>
    %add3A = arith.addf %get3A_3, %get3A_8 : vector<1280x32xf32>
    %add3A_9 = arith.constant 1.000000e+00 : f32
    %add3A_10 = vector.broadcast %add3A_9 : f32 to vector<1280x32xf32>
    %add3A_11 = arith.addf %add3A, %add3A_10 : vector<1280x32xf32>
    %rsqrt3A = math.rsqrt %add3A_11 : vector<1280x32xf32>
    %swap3A = arith.constant 0 : index
    %swap3A_12 = arith.constant 0 : index
    %swap3A_13 = vector.load %arg3[%swap3A, %swap3A_12] : memref<1280x32xf32, #tpu.memory_space<vmem>>, vector<1280x32xf32>
    tpu.vector_store %arg3[%swap3A, %swap3A_12], %rsqrt3A {strides = array<i32>} : memref<1280x32xf32, #tpu.memory_space<vmem>>, vector<1280x32xf32>,
    %get3A_14 = arith.constant 0 : index
    %get3A_15 = arith.constant 0 : index
    %get3A_16 = vector.load %arg2[%get3A_14, %get3A_15] : memref<1280x32xf32, #tpu.memory_space<vmem>>, vector<1280x32xf32>
    %mul3A = arith.mulf %rsqrt3A, %get3A_16 : vector<1280x32xf32>
    %swap3A_17 = arith.constant 0 : index
    %swap3A_18 = arith.constant 0 : index
    %swap3A_19 = vector.load %arg4[%swap3A_17, %swap3A_18] : memref<1280x32xf32, #tpu.memory_space<vmem>>, vector<1280x32xf32>
    tpu.vector_store %arg4[%swap3A_17, %swap3A_18], %mul3A {strides = array<i32>} : memref<1280x32xf32, #tpu.memory_space<vmem>>, vector<1280x32xf32>,
    return
  }
  func.func @transform_0(%arg0: i32) -> (i32, i32, i32) {
    %c0_i32 = arith.constant 0 : i32
    %c0_i32_0 = arith.constant 0 : i32
    %c0_i32_1 = arith.constant 0 : i32
    return %c0_i32, %arg0, %c0_i32_0 : i32, i32, i32
  }
  func.func @transform_1(%arg0: i32) -> (i32, i32) {
    %c0_i32 = arith.constant 0 : i32
    %c0_i32_0 = arith.constant 0 : i32
    return %arg0, %c0_i32 : i32, i32
  }
  func.func @transform_2(%arg0: i32) -> (i32, i32) {
    %c0_i32 = arith.constant 0 : i32
    %c0_i32_0 = arith.constant 0 : i32
    return %arg0, %c0_i32 : i32, i32
  }
  func.func @transform_3(%arg0: i32) -> (i32, i32) {
    %c0_i32 = arith.constant 0 : i32
    %c0_i32_0 = arith.constant 0 : i32
    return %arg0, %c0_i32 : i32, i32
  }
}

module attributes {stable_mosaic.version = 14 : i64} {
  func.func @body(%arg0: i32, %arg1: memref<2x1280x32xf32, #tpu.memory_space<vmem>>, %arg2: memref<1280x32xf32, #tpu.memory_space<vmem>>, %arg3: memref<1280x32xf32, #tpu.memory_space<vmem>>, %arg4: memref<1x32xf32, #tpu.memory_space<vmem>>, %arg5: memref<32x32xf32, #tpu.memory_space<vmem>>, %arg6: memref<1280x32xf32, #tpu.memory_space<vmem>>) attributes {dimension_semantics = [#tpu.dimension_semantics<arbitrary>], iteration_bounds = array<i64: 8>, scalar_prefetch = 0 : i64, scratch_operands = 0 : i64, tpu.core_type = #tpu.core_type<tc>, window_params = [{transform_indices = @transform_0, window_bounds = array<i64: 2, 1280, 32>}, {transform_indices = @transform_1, window_bounds = array<i64: 1280, 32>}, {transform_indices = @transform_2, window_bounds = array<i64: 1280, 32>}, {pipeline_mode = #tpu.pipeline_mode<synchronous>, transform_indices = @transform_3, window_bounds = array<i64: 1, 32>}, {pipeline_mode = #tpu.pipeline_mode<synchronous>, transform_indices = @transform_4, window_bounds = array<i64: 32, 32>}, {transform_indices = @transform_5, window_bounds = array<i64: 1280, 32>}]} {
    %get3A = arith.constant 0 : index
    %get3A_0 = arith.constant 0 : index
    %get3A_1 = vector.load %arg3[%get3A, %get3A_0] : memref<1280x32xf32, #tpu.memory_space<vmem>>, vector<1280x32xf32>
    %get3A_2 = arith.constant 0 : index
    %get3A_3 = arith.constant 0 : index
    %get3A_4 = arith.constant 0 : index
    %get3A_5 = vector.load %arg1[%get3A_2, %get3A_3, %get3A_4] : memref<2x1280x32xf32, #tpu.memory_space<vmem>>, vector<1x1280x32xf32>
    %get3A_6 = vector.shape_cast %get3A_5 : vector<1x1280x32xf32> to vector<1280x32xf32>
    %get3A_7 = arith.constant 1 : index
    %get3A_8 = arith.constant 0 : index
    %get3A_9 = arith.constant 0 : index
    %get3A_10 = vector.load %arg1[%get3A_7, %get3A_8, %get3A_9] : memref<2x1280x32xf32, #tpu.memory_space<vmem>>, vector<1x1280x32xf32>
    %get3A_11 = vector.shape_cast %get3A_10 : vector<1x1280x32xf32> to vector<1280x32xf32>
    %add3A = arith.addf %get3A_6, %get3A_11 : vector<1280x32xf32>
    %get3A_12 = arith.constant 0 : index
    %get3A_13 = arith.constant 0 : index
    %get3A_14 = vector.load %arg2[%get3A_12, %get3A_13] : memref<1280x32xf32, #tpu.memory_space<vmem>>, vector<1280x32xf32>
    %add3A_15 = arith.addf %add3A, %get3A_14 : vector<1280x32xf32>
    %mul3A = arith.mulf %get3A_1, %add3A_15 : vector<1280x32xf32>
    %get3A_16 = arith.constant 0 : index
    %get3A_17 = arith.constant 0 : index
    %get3A_18 = vector.load %arg4[%get3A_16, %get3A_17] : memref<1x32xf32, #tpu.memory_space<vmem>>, vector<1x32xf32>
    %add3A_19 = vector.broadcast %get3A_18 : vector<1x32xf32> to vector<1280x32xf32>
    %add3A_20 = arith.addf %mul3A, %add3A_19 : vector<1280x32xf32>
    %max3A = arith.constant 0.000000e+00 : f32
    %max3A_21 = vector.broadcast %max3A : f32 to vector<1280x32xf32>
    %max3A_22 = arith.maximumf %add3A_20, %max3A_21 : vector<1280x32xf32>
    %get3A_23 = arith.constant 0 : index
    %get3A_24 = arith.constant 0 : index
    %get3A_25 = vector.load %arg3[%get3A_23, %get3A_24] : memref<1280x32xf32, #tpu.memory_space<vmem>>, vector<1280x32xf32>
    %get3A_26 = arith.constant 0 : index
    %get3A_27 = arith.constant 0 : index
    %get3A_28 = vector.load %arg5[%get3A_26, %get3A_27] : memref<32x32xf32, #tpu.memory_space<vmem>>, vector<32x32xf32>
    %dot_general3A = arith.constant dense<0.000000e+00> : vector<1280x32xf32>
    %dot_general3A_29 = tpu.matmul %max3A_22, %get3A_28, %dot_general3A {dimension_numbers = #tpu.dot_dimension_numbers<[1], [0], [0], [1], [0, 0, 1, 1], [], []>, transpose_lhs_hint = false} : vector<1280x32xf32>, vector<32x32xf32>, vector<1280x32xf32> -> vector<1280x32xf32>
    %mul3A_30 = arith.mulf %get3A_25, %dot_general3A_29 : vector<1280x32xf32>
    %swap3A = arith.constant 0 : index
    %swap3A_31 = arith.constant 0 : index
    %swap3A_32 = vector.load %arg6[%swap3A, %swap3A_31] : memref<1280x32xf32, #tpu.memory_space<vmem>>, vector<1280x32xf32>
    tpu.vector_store %arg6[%swap3A, %swap3A_31], %mul3A_30 {strides = array<i32>} : memref<1280x32xf32, #tpu.memory_space<vmem>>, vector<1280x32xf32>,
    return
  }
  func.func @transform_0(%arg0: i32) -> (i32, i32, i32) {
    %c0_i32 = arith.constant 0 : i32
    %c0_i32_0 = arith.constant 0 : i32
    %c0_i32_1 = arith.constant 0 : i32
    return %c0_i32, %arg0, %c0_i32_0 : i32, i32, i32
  }
  func.func @transform_1(%arg0: i32) -> (i32, i32) {
    %c0_i32 = arith.constant 0 : i32
    %c0_i32_0 = arith.constant 0 : i32
    return %arg0, %c0_i32 : i32, i32
  }
  func.func @transform_2(%arg0: i32) -> (i32, i32) {
    %c0_i32 = arith.constant 0 : i32
    %c0_i32_0 = arith.constant 0 : i32
    return %arg0, %c0_i32 : i32, i32
  }
  func.func @transform_3(%arg0: i32) -> (i32, i32) {
    %c0_i32 = arith.constant 0 : i32
    %c0_i32_0 = arith.constant 0 : i32
    %c0_i32_1 = arith.constant 0 : i32
    return %c0_i32, %c0_i32_0 : i32, i32
  }
  func.func @transform_4(%arg0: i32) -> (i32, i32) {
    %c0_i32 = arith.constant 0 : i32
    %c0_i32_0 = arith.constant 0 : i32
    %c0_i32_1 = arith.constant 0 : i32
    return %c0_i32, %c0_i32_0 : i32, i32
  }
  func.func @transform_5(%arg0: i32) -> (i32, i32) {
    %c0_i32 = arith.constant 0 : i32
    %c0_i32_0 = arith.constant 0 : i32
    return %arg0, %c0_i32 : i32, i32
  }
}

module attributes {stable_mosaic.version = 14 : i64} {
  func.func @body(%arg0: i32, %arg1: memref<2x1280x32xf32, #tpu.memory_space<vmem>>, %arg2: memref<1280x32xf32, #tpu.memory_space<vmem>>, %arg3: memref<1280x32xf32, #tpu.memory_space<vmem>>, %arg4: memref<1x32xf32, #tpu.memory_space<vmem>>, %arg5: memref<1280x1xi32, #tpu.memory_space<vmem>>, %arg6: memref<32x10xf32, #tpu.memory_space<vmem>>, %arg7: memref<1x10xf32, #tpu.memory_space<vmem>>, %arg8: memref<128x10xf32, #tpu.memory_space<vmem>>, %arg9: memref<128x32xf32, #tpu.memory_space<vmem>>, %arg10: memref<128x1xf32, #tpu.memory_space<vmem>>) attributes {dimension_semantics = [#tpu.dimension_semantics<arbitrary>], iteration_bounds = array<i64: 8>, scalar_prefetch = 0 : i64, scratch_operands = 2 : i64, tpu.core_type = #tpu.core_type<tc>, window_params = [{transform_indices = @transform_0, window_bounds = array<i64: 2, 1280, 32>}, {transform_indices = @transform_1, window_bounds = array<i64: 1280, 32>}, {transform_indices = @transform_2, window_bounds = array<i64: 1280, 32>}, {pipeline_mode = #tpu.pipeline_mode<synchronous>, transform_indices = @transform_3, window_bounds = array<i64: 1, 32>}, {transform_indices = @transform_4, window_bounds = array<i64: 1280, 1>}, {pipeline_mode = #tpu.pipeline_mode<synchronous>, transform_indices = @transform_5, window_bounds = array<i64: 32, 10>}, {pipeline_mode = #tpu.pipeline_mode<synchronous>, transform_indices = @transform_6, window_bounds = array<i64: 1, 10>}, {pipeline_mode = #tpu.pipeline_mode<synchronous>, transform_indices = @transform_7, window_bounds = array<i64: 128, 10>}]} {
    %eq3A = arith.constant 0 : i32
    %eq3A_0 = arith.cmpi eq, %arg0, %eq3A : i32
    %convert_element_type3A = arith.extui %eq3A_0 : i1 to i32
    %cond3A = arith.constant 0 : i32
    %cond3A_1 = arith.cmpi ne, %convert_element_type3A, %cond3A : i32
    scf.if %cond3A_1 {
      %broadcast_in_dim3A_62 = arith.constant 0.000000e+00 : f32
      %broadcast_in_dim3A_63 = vector.broadcast %broadcast_in_dim3A_62 : f32 to vector<128x32xf32>
      %swap3A_64 = arith.constant 0 : index
      %swap3A_65 = arith.constant 0 : index
      %swap3A_66 = vector.load %arg9[%swap3A_64, %swap3A_65] : memref<128x32xf32, #tpu.memory_space<vmem>>, vector<128x32xf32>
      tpu.vector_store %arg9[%swap3A_64, %swap3A_65], %broadcast_in_dim3A_63 {strides = array<i32>} : memref<128x32xf32, #tpu.memory_space<vmem>>, vector<128x32xf32>,
      %broadcast_in_dim3A_67 = arith.constant 0.000000e+00 : f32
      %broadcast_in_dim3A_68 = vector.broadcast %broadcast_in_dim3A_67 : f32 to vector<128x1xf32>
      %swap3A_69 = arith.constant 0 : index
      %swap3A_70 = arith.constant 0 : index
      %swap3A_71 = vector.load %arg10[%swap3A_69, %swap3A_70] : memref<128x1xf32, #tpu.memory_space<vmem>>, vector<128x1xf32>
      tpu.vector_store %arg10[%swap3A_69, %swap3A_70], %broadcast_in_dim3A_68 {strides = array<i32>} : memref<128x1xf32, #tpu.memory_space<vmem>>, vector<128x1xf32>,
    } else {
    }
    %get3A = arith.constant 0 : index
    %get3A_2 = arith.constant 0 : index
    %get3A_3 = vector.load %arg3[%get3A, %get3A_2] : memref<1280x32xf32, #tpu.memory_space<vmem>>, vector<1280x32xf32>
    %get3A_4 = arith.constant 0 : index
    %get3A_5 = arith.constant 0 : index
    %get3A_6 = arith.constant 0 : index
    %get3A_7 = vector.load %arg1[%get3A_4, %get3A_5, %get3A_6] : memref<2x1280x32xf32, #tpu.memory_space<vmem>>, vector<1x1280x32xf32>
    %get3A_8 = vector.shape_cast %get3A_7 : vector<1x1280x32xf32> to vector<1280x32xf32>
    %get3A_9 = arith.constant 1 : index
    %get3A_10 = arith.constant 0 : index
    %get3A_11 = arith.constant 0 : index
    %get3A_12 = vector.load %arg1[%get3A_9, %get3A_10, %get3A_11] : memref<2x1280x32xf32, #tpu.memory_space<vmem>>, vector<1x1280x32xf32>
    %get3A_13 = vector.shape_cast %get3A_12 : vector<1x1280x32xf32> to vector<1280x32xf32>
    %add3A = arith.addf %get3A_8, %get3A_13 : vector<1280x32xf32>
    %get3A_14 = arith.constant 0 : index
    %get3A_15 = arith.constant 0 : index
    %get3A_16 = vector.load %arg2[%get3A_14, %get3A_15] : memref<1280x32xf32, #tpu.memory_space<vmem>>, vector<1280x32xf32>
    %add3A_17 = arith.addf %add3A, %get3A_16 : vector<1280x32xf32>
    %mul3A = arith.mulf %get3A_3, %add3A_17 : vector<1280x32xf32>
    %get3A_18 = arith.constant 0 : index
    %get3A_19 = arith.constant 0 : index
    %get3A_20 = vector.load %arg4[%get3A_18, %get3A_19] : memref<1x32xf32, #tpu.memory_space<vmem>>, vector<1x32xf32>
    %add3A_21 = vector.broadcast %get3A_20 : vector<1x32xf32> to vector<1280x32xf32>
    %add3A_22 = arith.addf %mul3A, %add3A_21 : vector<1280x32xf32>
    %max3A = arith.constant 0.000000e+00 : f32
    %max3A_23 = vector.broadcast %max3A : f32 to vector<1280x32xf32>
    %max3A_24 = arith.maximumf %add3A_22, %max3A_23 : vector<1280x32xf32>
    %iota3A = tpu.iota {dimensions = array<i32: 0>} : vector<1280x128xi32>
    %mul3A_25 = arith.constant 1280 : i32
    %mul3A_26 = arith.muli %arg0, %mul3A_25 : i32
    %add3A_27 = vector.broadcast %mul3A_26 : i32 to vector<1280x128xi32>
    %add3A_28 = arith.addi %iota3A, %add3A_27 : vector<1280x128xi32>
    %iota3A_29 = tpu.iota {dimensions = array<i32: 1>} : vector<1280x128xi32>
    %get3A_30 = arith.constant 0 : index
    %get3A_31 = arith.constant 0 : index
    %get3A_32 = vector.load %arg5[%get3A_30, %get3A_31] : memref<1280x1xi32, #tpu.memory_space<vmem>>, vector<1280x1xi32>
    %eq3A_33 = vector.broadcast %get3A_32 : vector<1280x1xi32> to vector<1280x128xi32>
    %eq3A_34 = arith.cmpi eq, %eq3A_33, %iota3A_29 : vector<1280x128xi32>
    %lt3A = arith.constant 10000 : i32
    %lt3A_35 = vector.broadcast %lt3A : i32 to vector<1280x128xi32>
    %lt3A_36 = arith.cmpi slt, %add3A_28, %lt3A_35 : vector<1280x128xi32>
    %and3A = arith.andi %eq3A_34, %lt3A_36 : vector<1280x128xi1>
    %jit3A = arith.constant 1.000000e+00 : f32
    %jit3A_37 = arith.constant 0.000000e+00 : f32
    %broadcast_in_dim3A = vector.broadcast %jit3A : f32 to vector<1280x128xf32>
    %broadcast_in_dim3A_38 = vector.broadcast %jit3A_37 : f32 to vector<1280x128xf32>
    %select_n3A = arith.select %and3A, %broadcast_in_dim3A, %broadcast_in_dim3A_38 : vector<1280x128xi1>, vector<1280x128xf32>
    %get3A_39 = arith.constant 0 : index
    %get3A_40 = arith.constant 0 : index
    %get3A_41 = vector.load %arg9[%get3A_39, %get3A_40] : memref<128x32xf32, #tpu.memory_space<vmem>>, vector<128x32xf32>
    %dot_general3A = arith.constant dense<0.000000e+00> : vector<128x32xf32>
    %dot_general3A_42 = tpu.matmul %select_n3A, %max3A_24, %dot_general3A {dimension_numbers = #tpu.dot_dimension_numbers<[0], [0], [1], [1], [0, 1, 1, 1], [], []>, transpose_lhs_hint = false} : vector<1280x128xf32>, vector<1280x32xf32>, vector<128x32xf32> -> vector<128x32xf32>
    %add3A_43 = arith.addf %get3A_41, %dot_general3A_42 : vector<128x32xf32>
    %swap3A = arith.constant 0 : index
    %swap3A_44 = arith.constant 0 : index
    %swap3A_45 = vector.load %arg9[%swap3A, %swap3A_44] : memref<128x32xf32, #tpu.memory_space<vmem>>, vector<128x32xf32>
    tpu.vector_store %arg9[%swap3A, %swap3A_44], %add3A_43 {strides = array<i32>} : memref<128x32xf32, #tpu.memory_space<vmem>>, vector<128x32xf32>,
    %get3A_46 = arith.constant 0 : index
    %get3A_47 = arith.constant 0 : index
    %get3A_48 = vector.load %arg10[%get3A_46, %get3A_47] : memref<128x1xf32, #tpu.memory_space<vmem>>, vector<128x1xf32>
    %broadcast_in_dim3A_49 = arith.constant 1.000000e+00 : f32
    %broadcast_in_dim3A_50 = vector.broadcast %broadcast_in_dim3A_49 : f32 to vector<1280x1xf32>
    %dot_general3A_51 = arith.constant dense<0.000000e+00> : vector<128x1xf32>
    %dot_general3A_52 = tpu.matmul %select_n3A, %broadcast_in_dim3A_50, %dot_general3A_51 {dimension_numbers = #tpu.dot_dimension_numbers<[0], [0], [1], [1], [0, 1, 1, 1], [], []>, transpose_lhs_hint = false} : vector<1280x128xf32>, vector<1280x1xf32>, vector<128x1xf32> -> vector<128x1xf32>
    %add3A_53 = arith.addf %get3A_48, %dot_general3A_52 : vector<128x1xf32>
    %swap3A_54 = arith.constant 0 : index
    %swap3A_55 = arith.constant 0 : index
    %swap3A_56 = vector.load %arg10[%swap3A_54, %swap3A_55] : memref<128x1xf32, #tpu.memory_space<vmem>>, vector<128x1xf32>
    tpu.vector_store %arg10[%swap3A_54, %swap3A_55], %add3A_53 {strides = array<i32>} : memref<128x1xf32, #tpu.memory_space<vmem>>, vector<128x1xf32>,
    %eq3A_57 = arith.constant 7 : i32
    %eq3A_58 = arith.cmpi eq, %arg0, %eq3A_57 : i32
    %convert_element_type3A_59 = arith.extui %eq3A_58 : i1 to i32
    %cond3A_60 = arith.constant 0 : i32
    %cond3A_61 = arith.cmpi ne, %convert_element_type3A_59, %cond3A_60 : i32
    scf.if %cond3A_61 {
      %get3A_62 = arith.constant 0 : index
      %get3A_63 = arith.constant 0 : index
      %get3A_64 = vector.load %arg9[%get3A_62, %get3A_63] : memref<128x32xf32, #tpu.memory_space<vmem>>, vector<128x32xf32>
      %get3A_65 = arith.constant 0 : index
      %get3A_66 = arith.constant 0 : index
      %get3A_67 = vector.load %arg10[%get3A_65, %get3A_66] : memref<128x1xf32, #tpu.memory_space<vmem>>, vector<128x1xf32>
      %max3A_68 = arith.constant 1.000000e+00 : f32
      %max3A_69 = vector.broadcast %max3A_68 : f32 to vector<128x1xf32>
      %max3A_70 = arith.maximumf %get3A_67, %max3A_69 : vector<128x1xf32>
      %div3A = vector.broadcast %max3A_70 : vector<128x1xf32> to vector<128x32xf32>
      %div3A_71 = arith.divf %get3A_64, %div3A : vector<128x32xf32>
      %get3A_72 = arith.constant 0 : index
      %get3A_73 = arith.constant 0 : index
      %get3A_74 = vector.load %arg6[%get3A_72, %get3A_73] : memref<32x10xf32, #tpu.memory_space<vmem>>, vector<32x10xf32>
      %dot_general3A_75 = arith.constant dense<0.000000e+00> : vector<128x10xf32>
      %dot_general3A_76 = tpu.matmul %div3A_71, %get3A_74, %dot_general3A_75 {dimension_numbers = #tpu.dot_dimension_numbers<[1], [0], [0], [1], [0, 0, 1, 1], [], []>, transpose_lhs_hint = false} : vector<128x32xf32>, vector<32x10xf32>, vector<128x10xf32> -> vector<128x10xf32>
      %get3A_77 = arith.constant 0 : index
      %get3A_78 = arith.constant 0 : index
      %get3A_79 = vector.load %arg7[%get3A_77, %get3A_78] : memref<1x10xf32, #tpu.memory_space<vmem>>, vector<1x10xf32>
      %add3A_80 = vector.broadcast %get3A_79 : vector<1x10xf32> to vector<128x10xf32>
      %add3A_81 = arith.addf %dot_general3A_76, %add3A_80 : vector<128x10xf32>
      %max3A_82 = arith.constant 0.000000e+00 : f32
      %max3A_83 = vector.broadcast %max3A_82 : f32 to vector<128x10xf32>
      %max3A_84 = arith.maximumf %add3A_81, %max3A_83 : vector<128x10xf32>
      %reduce_max3A = arith.constant dense<0xFF800000> : vector<128xf32>
      %reduce_max3A_85 = vector.multi_reduction <maximumf>, %max3A_84, %reduce_max3A [1] : vector<128x10xf32> to vector<128xf32>
      %broadcast_in_dim3A_86 = vector.shape_cast %reduce_max3A_85 : vector<128xf32> to vector<128x1xf32>
      %sub3A = vector.broadcast %broadcast_in_dim3A_86 : vector<128x1xf32> to vector<128x10xf32>
      %sub3A_87 = arith.subf %max3A_84, %sub3A : vector<128x10xf32>
      %exp3A = math.exp %sub3A_87 : vector<128x10xf32>
      %reduce_sum3A = arith.constant dense<0.000000e+00> : vector<128xf32>
      %reduce_sum3A_88 = vector.multi_reduction <add>, %exp3A, %reduce_sum3A [1] : vector<128x10xf32> to vector<128xf32>
      %broadcast_in_dim3A_89 = vector.shape_cast %reduce_sum3A_88 : vector<128xf32> to vector<128x1xf32>
      %log3A = math.log %broadcast_in_dim3A_89 : vector<128x1xf32>
      %add3A_90 = arith.addf %log3A, %broadcast_in_dim3A_86 : vector<128x1xf32>
      %sub3A_91 = vector.broadcast %add3A_90 : vector<128x1xf32> to vector<128x10xf32>
      %sub3A_92 = arith.subf %max3A_84, %sub3A_91 : vector<128x10xf32>
      %swap3A_93 = arith.constant 0 : index
      %swap3A_94 = arith.constant 0 : index
      %swap3A_95 = vector.load %arg8[%swap3A_93, %swap3A_94] : memref<128x10xf32, #tpu.memory_space<vmem>>, vector<128x10xf32>
      tpu.vector_store %arg8[%swap3A_93, %swap3A_94], %sub3A_92 {strides = array<i32>} : memref<128x10xf32, #tpu.memory_space<vmem>>, vector<128x10xf32>,
    } else {
    }
    return
  }
  func.func @transform_0(%arg0: i32) -> (i32, i32, i32) {
    %c0_i32 = arith.constant 0 : i32
    %c0_i32_0 = arith.constant 0 : i32
    %c0_i32_1 = arith.constant 0 : i32
    return %c0_i32, %arg0, %c0_i32_0 : i32, i32, i32
  }
  func.func @transform_1(%arg0: i32) -> (i32, i32) {
    %c0_i32 = arith.constant 0 : i32
    %c0_i32_0 = arith.constant 0 : i32
    return %arg0, %c0_i32 : i32, i32
  }
  func.func @transform_2(%arg0: i32) -> (i32, i32) {
    %c0_i32 = arith.constant 0 : i32
    %c0_i32_0 = arith.constant 0 : i32
    return %arg0, %c0_i32 : i32, i32
  }
  func.func @transform_3(%arg0: i32) -> (i32, i32) {
    %c0_i32 = arith.constant 0 : i32
    %c0_i32_0 = arith.constant 0 : i32
    %c0_i32_1 = arith.constant 0 : i32
    return %c0_i32, %c0_i32_0 : i32, i32
  }
  func.func @transform_4(%arg0: i32) -> (i32, i32) {
    %c0_i32 = arith.constant 0 : i32
    %c0_i32_0 = arith.constant 0 : i32
    return %arg0, %c0_i32 : i32, i32
  }
  func.func @transform_5(%arg0: i32) -> (i32, i32) {
    %c0_i32 = arith.constant 0 : i32
    %c0_i32_0 = arith.constant 0 : i32
    %c0_i32_1 = arith.constant 0 : i32
    return %c0_i32, %c0_i32_0 : i32, i32
  }
  func.func @transform_6(%arg0: i32) -> (i32, i32) {
    %c0_i32 = arith.constant 0 : i32
    %c0_i32_0 = arith.constant 0 : i32
    %c0_i32_1 = arith.constant 0 : i32
    return %c0_i32, %c0_i32_0 : i32, i32
  }
  func.func @transform_7(%arg0: i32) -> (i32, i32) {
    %c0_i32 = arith.constant 0 : i32
    %c0_i32_0 = arith.constant 0 : i32
    %c0_i32_1 = arith.constant 0 : i32
    return %c0_i32, %c0_i32_0 : i32, i32
  }
}

</mosaic_0001>

<sc_bundles>
// kernel: kernel.11.cloned.1.call-start
scs
__scs_entry_jumppad:
0x0: {  	(pc) =	sbr.rel $0x88, $3  }
0x1: {  	(tag) =	ssettag $0x0;
	lr =	simm.s32 $0x1  }
0x2: {  	[smem:$0x3F96] =	sst lr;
	_ =	strace $0xD0000000  }
0x3: {  	_ = 	snop  }
0x4: {  	_ = 	snop  }
0x5: {  	_ = 	snop  }
0x6: {  	_ = 	snop  }
0x7: {  	_ = 	snop  }
__scs_overlays_trampoline_lowered:
0x8: {  	[smem:$0x3FA5] =	sst s0  }
0x9: {  	[smem:$0x3FA6] =	sst s1  }
0xa: {  	[smem:$0x3FA7] =	sst s2  }
0xb: {  	[smem:$0x3FA8] =	sst s3  }
0xc: {  	[smem:$0x3FA9] =	sst s4  }
0xd: {  	[smem:$0x3FAA] =	sst s5  }
0xe: {  	[smem:$0x3FAB] =	sst s6  }
0xf: {  	[smem:$0x3FAC] =	sst s7  }
0x10: {  	[smem:$0x3FAD] =	sst s8  }
0x11: {  	[smem:$0x3FAE] =	sst s9;
	s0 =	simm.s32 @!p0 $0x0  }
0x12: {  	s1 =	sld [smem:$0x3F94];
	s0 =	simm.s32 @p0 $0x1  }
0x13: {  	[smem:$0x3FAF] =	sst s0;
	s0 =	simm.s32 @!p1 $0x0  }
0x14: {  	s2 =	sld [smem:$0x3F93];
	s0 =	simm.s32 @p1 $0x1  }
0x15: {  	[smem:$0x3FB0] =	sst s0;
	s0 =	simm.s32 @!p2 $0x0  }
0x16: {  	s3 =	sld [smem:$0x3FDB];
	s0 =	simm.s32 @p2 $0x1  }
0x17: {  	s4 =	simm.s32 $0x1BF5;
	[smem:$0x3FB2] =	sst s0  }
0x18: {  	s0 =	sld [smem:$0x3F95];
	_ =	swait.ge [sflag:s4], $0x0  }
0x19: {  	s7 =	sld [smem:$0x3F96]  }
0x1a: {  	s8 =	sadd.s32 $0xFFFFE003, lr  }
0x1b: {  	s9 =	sadd.s32 $0xFFFFFEF7, lr;
	s5 =	simm.s32 $0xFFFFFFFF;
	p2 =	slt.u32 s8, $0xFFFFF086  }
0x1c: {  	p1 =	slt.u32 s9, $0xF7A;
	s5 =	simm.s32 @!p2 $0x0  }
0x1d: {  	s5 =	simm.s32 @p1 $0x1;
	p0 =	seq.s32 s7, s2  }
0x1e: {  	s7 =	smul.u32 @!p0 $0xF7A, s2;
	p2 =	seq.s32 @!p0 s5, $0x0  }
0x1f: {  	s9 =	smul.u32 $0xF7A, s1;
	s8 =	simm.s32 @!p0 $0x1BF5;
	p2 =	por !p2, p0  }
0x20: {  	[sflag:s8] =	ssyncset.s32 @!p0 $0xFFFFF086;
	s6 =	sadd.s32 @!p0 s3, s7;
	s7 =	simm.s32 @!p0 $0x108  }
0x21: {  	s3 =	sadd.s32 s3, s9;
	s6 =	sadd.s32 @!p0 $0x88, s6;
	s7 =	simm.s32 @p2 $0x1082  }
0x22: {  	[simem:s7], [sflag:s8] =	dma.local @!p0 [hbm:s6], $0xF7A  }
0x23: {  	s9 =	sor.u32 $0xD0000000, s2;
	s6 =	simm.s32 $0x108;
	_ =	swait.ge @!p0 [sflag:s8], $0x0  }
0x24: {  	s3 =	sadd.s32 $0x88, s3;
	s6 =	simm.s32 @!p1 $0x1082;
	[sflag:s4] =	ssyncset.s32 $0xFFFFF086  }
0x25: {  	[simem:s6], [sflag:s4] =	dma.local [hbm:s3], $0xF7A  }
0x26: {  	[smem:$0x3F96] =	sst s1;
	(tag) =	ssettag s2;
	_ =	strace s9  }
0x27: {  	s1 =	sld [smem:$0x3FA6]  }
0x28: {  	s2 =	sld [smem:$0x3FA7]  }
0x29: {  	s4 =	sld [smem:$0x3FA9]  }
0x2a: {  	p0 =	seq.s32 s5, $0x0;
	s5 =	sld [smem:$0x3FAA]  }
0x2b: {  	s6 =	sld [smem:$0x3FAB]  }
0x2c: {  	s7 =	sld [smem:$0x3FAC]  }
0x2d: {  	s3 =	simm.s32 $0x108;
	s8 =	sld [smem:$0x3FAD]  }
0x2e: {  	s3 =	simm.s32 @!p0 $0x1082;
	s9 =	sld [smem:$0x3FAE]  }
0x2f: {  	lr =	sadd.s32 s0, s3;
	s0 =	sld [smem:$0x3FA5]  }
0x30: {  	s3 =	sld [smem:$0x3FA8]  }
0x31: {  	[smem:$0x3FB1] =	sst s10  }
0x32: {  	s10 =	sld [smem:$0x3FAF];
	_ =	sdelay $0x3  }
0x33: {  	p0 =	seq.s32 s10, $0x1;
	s10 =	sld [smem:$0x3FB1];
	_ =	sdelay $0x3  }
0x34: {  	[smem:$0x3FB1] =	sst s10  }
0x35: {  	s10 =	sld [smem:$0x3FB0];
	_ =	sdelay $0x3  }
0x36: {  	p1 =	seq.s32 s10, $0x1;
	s10 =	sld [smem:$0x3FB1];
	_ =	sdelay $0x3  }
0x37: {  	[smem:$0x3FB1] =	sst s10  }
0x38: {  	s10 =	sld [smem:$0x3FB2]  }
0x39: {  	_ = 	snop;
	(pc) =	sbr.ind lr, $3  }
0x3a: {  	_ = 	snop  }
0x3b: {  	_ = 	snop  }
0x3c: {  	p2 =	seq.s32 s10, $0x1;
	s10 =	sld [smem:$0x3FB1]  }
0x3d: {  	_ =	shalt  }
0x3e: {  	_ =	shalt  }
0x3f: {  	_ =	shalt  }
0x40: {  	_ =	shalt  }
0x41: {  	_ =	shalt  }
0x42: {  	_ =	shalt  }
0x43: {  	_ =	shalt  }
0x44: {  	_ =	shalt  }
0x45: {  	_ =	shalt  }
0x46: {  	_ =	shalt  }
0x47: {  	_ =	shalt  }
0x48: {  	_ =	shalt  }
0x49: {  	_ =	shalt  }
0x4a: {  	_ =	shalt  }
0x4b: {  	_ =	shalt  }
0x4c: {  	_ =	shalt  }
0x4d: {  	_ =	shalt  }
0x4e: {  	_ =	shalt  }
0x4f: {  	_ =	shalt  }
0x50: {  	_ =	shalt  }
0x51: {  	_ =	shalt  }
0x52: {  	_ =	shalt  }
0x53: {  	_ =	shalt  }
0x54: {  	_ =	shalt  }
0x55: {  	_ =	shalt  }
0x56: {  	_ =	shalt  }
0x57: {  	_ =	shalt  }
0x58: {  	_ =	shalt  }
0x59: {  	_ =	shalt  }
0x5a: {  	_ =	shalt  }
0x5b: {  	_ =	shalt  }
0x5c: {  	_ =	shalt  }
0x5d: {  	_ =	shalt  }
0x5e: {  	_ =	shalt  }
0x5f: {  	_ =	shalt  }
0x60: {  	_ =	shalt  }
0x61: {  	_ =	shalt  }
0x62: {  	_ =	shalt  }
0x63: {  	_ =	shalt  }
0x64: {  	_ =	shalt  }
0x65: {  	_ =	shalt  }
0x66: {  	_ =	shalt  }
0x67: {  	_ =	shalt  }
0x68: {  	_ =	shalt  }
0x69: {  	_ =	shalt  }
0x6a: {  	_ =	shalt  }
0x6b: {  	_ =	shalt  }
0x6c: {  	_ =	shalt  }
0x6d: {  	_ =	shalt  }
0x6e: {  	_ =	shalt  }
0x6f: {  	_ =	shalt  }
0x70: {  	_ =	shalt  }
0x71: {  	_ =	shalt  }
0x72: {  	_ =	shalt  }
0x73: {  	_ =	shalt  }
0x74: {  	_ =	shalt  }
0x75: {  	_ =	shalt  }
0x76: {  	_ =	shalt  }
0x77: {  	_ =	shalt  }
0x78: {  	_ =	shalt  }
0x79: {  	_ =	shalt  }
0x7a: {  	_ =	shalt  }
0x7b: {  	_ =	shalt  }
0x7c: {  	_ =	shalt  }
0x7d: {  	_ =	shalt  }
0x7e: {  	_ =	shalt  }
0x7f: {  	_ =	shalt  }
0x80: {  	_ =	shalt  }
0x81: {  	_ =	shalt  }
0x82: {  	_ =	shalt  }
0x83: {  	_ =	shalt  }
0x84: {  	_ =	shalt  }
0x85: {  	_ =	shalt  }
0x86: {  	_ =	shalt  }
0x87: {  	_ =	shalt  }
.Lfunc_end0:
.L_simem_size_0:
called_computation_lowered:
.L_overlay_start_0:
0x88: {  	s2 =	sld [smem:$0x3FD9]  }
0x89: {  	s3 =	sld [smem:$0x3FFE];
	_ =	sdelay $0x1  }
0x8a: {  	s1 =	srdreg.scid  }
0x8b: {  	s0 =	sand.u32 $0x1, s1  }
0x8c: {  	s16 =	sshll.u32 s0, $0xA;
	s2 =	sadd.s32 s3, s2  }
0x8d: {  	s2 =	sadd.s32 s2, s16  }
0x8e: {  	[smem:$0x3FBD] =	sst s2  }
0x8f: {  	_ = 	snop  }
0x90: {  	(tm) =	ssettm $0x1  }
0x91: {  	s17 =	sld [smem:$0x3FFB];
	_ =	sdelay $0x3  }
0x92: {  	_ =	strace s17  }
0x93: {  	s2 =	sld [smem:$0x3FFC];
	_ =	sdelay $0x3  }
0x94: {  	_ =	strace s2  }
0x95: {  	s2 =	sld [smem:$0x3FFD];
	_ =	sdelay $0x3  }
0x96: {  	_ =	strace s2  }
0x97: {  	_ =	strace $0x8FFFFFFF  }
0x98: {  	s18 =	sld [smem:$0x3FDB];
	_ =	sdelay $0x1  }
0x99: {  	s19 =	simm.s32 $_scs_section_size  }
0x9a: {  	s4 =	simm.s32 $_size__tile_overlayer_lowered;
	s5 =	simm.s32 $_tile_overlayer_lowered  }
0x9b: {  	s22 =	simm.s32 $0x1BFF;
	s21 =	sshll.u32 s5, $0x1;
	s2 =	sadd.s32 s19, s18  }
0x9c: {  	s6 =	simm.s32 $0x0;
	s20 =	sshll.u32 s4, $0x1;
	s4 =	sadd.s32 s21, s2  }
0x9d: {  	[timem:s6], [sflag:s22] =	dma.local [hbm:s4], s20  }
0x9e: {  	_ =	swait.ge [sflag:s22], s20  }
0x9f: {  	s3 =	ssub.s32 $0x0, s20;
	[sflag:s22] =	ssyncset.done $0x0  }
0xa0: {  	[sflag:s22] =	ssyncadd.s32 s3;
	_ =	sdelay $0x1  }
0xa1: {  	s23 =	simm.s32 $0x1B8B  }
0xa2: {  	_ =	swait.ge [sflag:s23], $0x1  }
0xa3: {  	[sflag:s23] =	ssyncset.done $0x0  }
0xa4: {  	s25 =	simm.s32 $0x1B8E;
	s24 =	sld [smem:$0x3FFE];
	[sflag:s23] =	ssyncadd.s32 $0xFFFFFFFF  }
0xa5: {  	s26 =	simm.s32 $execute0_lowered;
	[smem:$0x3FD2] =	sst s25  }
0xa6: {  	s4 =	sshll.u32 s26, $0x1;
	_ =	strace $0x80000046;
	[dreg:$0x1] =	wrdreg $0xFFFFFFFF  }
0xa7: {  	s28 =	simm.s32 $_size_execute0_lowered;
	s2 =	sadd.s32 s2, s4;
	[dreg:$0x0] =	wrdreg $0x0  }
0xa8: {  	s4 =	sshll.u32 s28, $0x1;
	[dreg:$0x2] =	wrdreg s2  }
0xa9: {  	[dreg:$0x3] =	wrdreg s4  }
0xaa: {  	[dreg:$0x4] =	wrdreg $0xC0  }
0xab: {  	_ =	task [dreg:s6], $0x5FFFF  }
0xac: {  	[dreg:$0x1] =	wrdreg $0xFFFFFFFF  }
0xad: {  	[dreg:$0x0] =	wrdreg $0x60  }
0xae: {  	[dreg:$0x2] =	wrdreg s24  }
0xaf: {  	[dreg:$0x3] =	wrdreg $0x38000  }
0xb0: {  	[dreg:$0x4] =	wrdreg $0x9  }
0xb1: {  	_ =	task.clear_ibuf [dreg:s6], $0x5FFFF;
	_ =	strace $0x90000046  }
0xb2: {  	s29 =	simm.s32 $0x9;
	_ =	strace $0x80000048  }
0xb3: {  	_ =	swait.ge [sflag:s29], $0x1  }
0xb4: {  	[sflag:s29] =	ssyncadd.s32 $0xFFFFFFFF  }
0xb5: {  	_ =	strace $0x90000048  }
0xb6: {  	_ =	sfence  }
0xb7: {  	s30 =	sld [smem:$0x0];
	_ =	sdelay $0x2  }
0xb8: {  	s31 =	sshll.u32 s1, $0xD;
	s1 =	sshrl.u32 s1, $0x2  }
0xb9: {  	s3 =	sand.u32 $0x4000, s31;
	s1 =	sadd.s32 s1, s30  }
0xba: {  	s0 =	sor.u32 s3, s0;
	s1 =	sshll.u32 s1, $0x11  }
0xbb: {  	s0 =	sor.u32 s1, s0  }
0xbc: {  	s0 =	sadd.s32 $0x8F2B, s0  }
0xbd: {  	[sflag:s0] =	ssyncadd.remote.s32 $0x1  }
0xbe: {  	_ =	sfence.sel $0xFFFF  }
0xbf: {  	[dreg:$0x0] =	wrdreg $0xFFFFFFFF;
	(pc) =	sbr.abs _section_cstart, $3  }
0xc0: {  	[dreg:$0x1] =	wrdreg $0xFFFFFFFF  }
0xc1: {  	_ =	task.clear_ibuf [dreg:s6], $0x2FFFF;
	_ =	strace $0x9FFFFFFF  }
0xc2: {  	(tm) =	ssettm $0x7FFFFFFF  }
0xc3: {  	_ =	shalt  }
tec
execute0_lowered:
.L_overlay_start_1:
0x0: {  	(tag) =	ssettag $0x1  }
0x1: {  	s0 =	srdreg.scid;
	s7 =	rddreg [dreg:$0x0]  }
0x2: {  	s2 =	rddreg [dreg:$0x1];
	s3 =	simm.s32 $0x0;
	s14 =	simm.s32 $0x1  }
0x3: {  	s15 =	simm.s32 $0x0;
	s6 =	sand.u32 $0x1, s0;
	s0 =	stileid.u32  }
0x4: {  	[smem:$0x7FF] =	sst s3;
	s4 =	sadd.s32 $0xD400, s7;
	s8 =	smul.u32 $0x5000, s0  }
0x5: {  	s1 =	sshll.u32 s6, $0x4;
	s9 =	smul.u32 $0x50000, s6;
	s6 =	ssub.s32 $0x2, s6  }
0x6: {  	s11 =	sshll.u32 s0, $0x6;
	s1 =	sor.u32 s0, s1;
	s31 =	sshrl.u32 s6, $0x1  }
0x7: {  	s5 =	smul.u32 $0x500, s1;
	s1 =	rddreg [dreg:$0x2];
	_ =	strace $0x80000047  }
0x8: {  	s9 =	sadd.s32 s8, s9;
	s12 =	ssub.s32 s6, s31;
	s13 =	sadd.s32 s8, s2  }
0x9: {  	s6 =	sor.u32 $0x1C02, s11;
	s11 =	simm.s32 $0x2;
	s9 =	sshrl.u32 s9, $0x3  }
0xa: {  	s10 =	sadd.s32 s5, s7;
	s5 =	sadd.s32 $0xCA00, s7;
	s9 =	sadd.s32 s9, s7  }
0xb: {  	s7 =	sadd.s32 $0x2A00, s10;
	s8 =	sadd.s32 $0xD600, s9;
	s9 =	smax.u32 s12, $0x1  }
0xc: {  	s10 =	sshrl.u32 s13, $0x3;
	s12 =	simm.s32 $0x2800;
	s13 =	simm.s32 $0x80  }
.LBB2_1:
0xd: {  	[spmem:s10], [sflag:s6] =	dma.local [hbm:s5], $0xA00  }
0xe: {  	_ =	swait.ge [sflag:s11], $0xA00  }
0xf: {  	[sflag:s11] =	ssyncset.done $0x0  }
0x10: {  	[sflag:s11] =	ssyncadd.s32 $0xFFFFF600  }
0x11: {  	[tilespmem:s3], [sflag:$0x2] =	stream.linear.gather [hbm4b:s7+s3], $0x2800, $0x38;
	[tilespmem:$0x8800] =	vst v63  }
0x12: {  	_ =	swait.ge [sflag:s11], $0x2800  }
0x13: {  	[sflag:s11] =	ssyncset.done $0x0  }
0x14: {  	[sflag:s11] =	ssyncadd.s32 $0xFFFFD800  }
0x15: {  	[tilespmem:s12], [sflag:$0x2] =	stream.linear.gather [hbm4b:s4+s3], $0x1000, $0x38;
	[tilespmem:$0x8800] =	vst v63  }
0x16: {  	_ =	swait.ge [sflag:s11], $0x1000  }
0x17: {  	[sflag:s11] =	ssyncset.done $0x0  }
0x18: {  	p0 =	por $0x1, $0x1;
	[sflag:s11] =	ssyncadd.s32 $0xFFFFF000  }
0x19: {  	s17 =	simm.s32 @!p0 $0x1;
	[bflag:$0x0] =	sbarrier.arrive $0xFFFF  }
0x1a: {  	_ =	swait.ge @!p0 [sflag:s17], $0x1000  }
0x1b: {  	s16 =	simm.s32 $0x1;
	[sflag:s17] =	ssyncset.done @!p0 $0x0  }
0x1c: {  	s18 =	simm.s32 $0x0;
	[sflag:s17] =	ssyncadd.s32 @!p0 $0xFFFFF000;
	s17 =	simm.s32 $0x80  }
.LBB2_2:
0x1d: {  	[spmem:s2] =	stream.indirect.scatter.add.f32 [tilespmem:s12], [sflag:$0x1], $0x20, s18, s13, $0xb8;
	[tilespmem:$0x8800] =	vst v63  }
0x1e: {  	p0 =	slt.u32 s16, $0x8;
	s16 =	sadd.s32 $0x1, s16  }
0x1f: {  	p1 =	sne.s32 s16, $0x50  }
.Ltmp0:
0x20: {  	(pc) =	sbr.rel @p1 .LBB2_2-.Ltmp0, $4  }
0x21: {  	s18 =	smov.u32 s17;
	s19 =	simm.s32 @!p0 $0x1  }
0x22: {  	_ =	swait.ge @!p0 [sflag:s19], $0x1000  }
0x23: {  	[sflag:s19] =	ssyncset.done @!p0 $0x0  }
0x24: {  	s17 =	sadd.s32 $0x80, s17;
	[sflag:s19] =	ssyncadd.s32 @!p0 $0xFFFFF000  }
0x25: {  	[spmem:s2] =	stream.indirect.scatter.add.f32 [tilespmem:s12], [sflag:$0x1], $0x20, s18, s13, $0xb8;
	[tilespmem:$0x8800] =	vst v63  }
0x26: {  	_ =	swait.ge [sflag:s14], $0x1000  }
0x27: {  	[sflag:s14] =	ssyncset.done $0x0  }
0x28: {  	[sflag:s14] =	ssyncadd.s32 $0xFFFFF000  }
0x29: {  	_ =	swait.ge [sflag:s14], $0x1000  }
0x2a: {  	[sflag:s14] =	ssyncset.done $0x0  }
0x2b: {  	[sflag:s14] =	ssyncadd.s32 $0xFFFFF000  }
0x2c: {  	_ =	swait.ge [sflag:s14], $0x1000  }
0x2d: {  	[sflag:s14] =	ssyncset.done $0x0  }
0x2e: {  	[sflag:s14] =	ssyncadd.s32 $0xFFFFF000  }
0x2f: {  	_ =	swait.ge [sflag:s14], $0x1000  }
0x30: {  	[sflag:s14] =	ssyncset.done $0x0  }
0x31: {  	[sflag:s14] =	ssyncadd.s32 $0xFFFFF000  }
0x32: {  	_ =	swait.ge [sflag:s14], $0x1000  }
0x33: {  	[sflag:s14] =	ssyncset.done $0x0  }
0x34: {  	[sflag:s14] =	ssyncadd.s32 $0xFFFFF000  }
0x35: {  	_ =	swait.ge [sflag:s14], $0x1000  }
0x36: {  	[sflag:s14] =	ssyncset.done $0x0  }
0x37: {  	[sflag:s14] =	ssyncadd.s32 $0xFFFFF000  }
0x38: {  	_ =	swait.ge [sflag:s14], $0x1000  }
0x39: {  	[sflag:s14] =	ssyncset.done $0x0  }
0x3a: {  	[sflag:s14] =	ssyncadd.s32 $0xFFFFF000  }
0x3b: {  	_ =	swait.ge [sflag:s14], $0x1000  }
0x3c: {  	s15 =	sadd.s32 $0x1, s15;
	[sflag:s14] =	ssyncset.done $0x0  }
0x3d: {  	p0 =	sne.s32 s15, s9;
	[sflag:s14] =	ssyncadd.s32 $0xFFFFF000  }
.Ltmp1:
0x3e: {  	[bflag:$0x0] =	sbarrier.arrive $0xFFFF;
	(pc) =	sbr.rel @p0 .LBB2_1-.Ltmp1, $4  }
0x3f: {  	[hbm:s8], [sflag:s6] =	dma.local [spmem:s10], $0xA00  }
0x40: {  	_ =	swait.ge [sflag:s11], $0xA00  }
0x41: {  	[sflag:s11] =	ssyncset.done $0x0  }
0x42: {  	[sflag:s11] =	ssyncadd.s32 $0xFFFFF600  }
0x43: {  	_ =	sfence.sel $0x180000  }
0x44: {  	[bflag:$0x0] =	sbarrier.arrive $0xFFFF  }
0x45: {  	p0 =	sne.s32 s0, $0x0;
	_ =	strace $0x90000047  }
0x46: {  	s0 =	sadd.s32 @!p0 $0x100000, s1;
	[bflag:$0x2] =	sbarrier.arrive $0xFFFF  }
0x47: {  	[sflag:s0] =	ssyncadd.tile.s32 @!p0 $0x1;
	_ =	shalt  }
.Lfunc_end2:
_tile_overlayer_lowered:
.L_overlay_start_2:
0x48: {  	(tag) =	ssettag $0x2  }
0x49: {  	s0 =	rddreg [dreg:$0x0];
	s2 =	stileid.u32  }
0x4a: {  	s1 =	rddreg [dreg:$0x1];
	p0 =	sne.s32 s2, $0x0  }
0x4b: {  	s3 =	rddreg [dreg:$0x2];
	[bflag:$0x3] =	sbarrier.arrive $0xFFFF;
	s2 =	simm.s32 @!p0 $0x1C02  }
0x4c: {  	[timem:s3], [sflag:s2] =	dma.local @!p0 [hbm:s0], s1  }
0x4d: {  	s0 =	simm.s32 @!p0 $0x2  }
0x4e: {  	_ =	swait.ge @!p0 [sflag:s0], s1  }
0x4f: {  	s1 =	ssub.s32 @!p0 $0x0, s1;
	[sflag:s0] =	ssyncset.done @!p0 $0x0  }
0x50: {  	[sflag:s0] =	ssyncadd.s32 @!p0 s1  }
0x51: {  	[bflag:$0x3] =	sbarrier.arrive $0xFFFF  }
0x52: {  	_ =	shalt  }

// kernel: kernel.14.cloned.1.call-start
scs
__scs_entry_jumppad:
0x0: {  	(pc) =	sbr.rel $0x88, $3  }
0x1: {  	(tag) =	ssettag $0x0;
	lr =	simm.s32 $0x1  }
0x2: {  	[smem:$0x3F96] =	sst lr;
	_ =	strace $0xD0000000  }
0x3: {  	_ = 	snop  }
0x4: {  	_ = 	snop  }
0x5: {  	_ = 	snop  }
0x6: {  	_ = 	snop  }
0x7: {  	_ = 	snop  }
__scs_overlays_trampoline_lowered:
0x8: {  	[smem:$0x3FA5] =	sst s0  }
0x9: {  	[smem:$0x3FA6] =	sst s1  }
0xa: {  	[smem:$0x3FA7] =	sst s2  }
0xb: {  	[smem:$0x3FA8] =	sst s3  }
0xc: {  	[smem:$0x3FA9] =	sst s4  }
0xd: {  	[smem:$0x3FAA] =	sst s5  }
0xe: {  	[smem:$0x3FAB] =	sst s6  }
0xf: {  	[smem:$0x3FAC] =	sst s7  }
0x10: {  	[smem:$0x3FAD] =	sst s8  }
0x11: {  	[smem:$0x3FAE] =	sst s9;
	s0 =	simm.s32 @!p0 $0x0  }
0x12: {  	s1 =	sld [smem:$0x3F94];
	s0 =	simm.s32 @p0 $0x1  }
0x13: {  	[smem:$0x3FAF] =	sst s0;
	s0 =	simm.s32 @!p1 $0x0  }
0x14: {  	s2 =	sld [smem:$0x3F93];
	s0 =	simm.s32 @p1 $0x1  }
0x15: {  	[smem:$0x3FB0] =	sst s0;
	s0 =	simm.s32 @!p2 $0x0  }
0x16: {  	s3 =	sld [smem:$0x3FDB];
	s0 =	simm.s32 @p2 $0x1  }
0x17: {  	s4 =	simm.s32 $0x1BF5;
	[smem:$0x3FB2] =	sst s0  }
0x18: {  	s0 =	sld [smem:$0x3F95];
	_ =	swait.ge [sflag:s4], $0x0  }
0x19: {  	s7 =	sld [smem:$0x3F96]  }
0x1a: {  	s8 =	sadd.s32 $0xFFFFE003, lr  }
0x1b: {  	s9 =	sadd.s32 $0xFFFFFEF7, lr;
	s5 =	simm.s32 $0xFFFFFFFF;
	p2 =	slt.u32 s8, $0xFFFFF086  }
0x1c: {  	p1 =	slt.u32 s9, $0xF7A;
	s5 =	simm.s32 @!p2 $0x0  }
0x1d: {  	s5 =	simm.s32 @p1 $0x1;
	p0 =	seq.s32 s7, s2  }
0x1e: {  	s7 =	smul.u32 @!p0 $0xF7A, s2;
	p2 =	seq.s32 @!p0 s5, $0x0  }
0x1f: {  	s9 =	smul.u32 $0xF7A, s1;
	s8 =	simm.s32 @!p0 $0x1BF5;
	p2 =	por !p2, p0  }
0x20: {  	[sflag:s8] =	ssyncset.s32 @!p0 $0xFFFFF086;
	s6 =	sadd.s32 @!p0 s3, s7;
	s7 =	simm.s32 @!p0 $0x108  }
0x21: {  	s3 =	sadd.s32 s3, s9;
	s6 =	sadd.s32 @!p0 $0x88, s6;
	s7 =	simm.s32 @p2 $0x1082  }
0x22: {  	[simem:s7], [sflag:s8] =	dma.local @!p0 [hbm:s6], $0xF7A  }
0x23: {  	s9 =	sor.u32 $0xD0000000, s2;
	s6 =	simm.s32 $0x108;
	_ =	swait.ge @!p0 [sflag:s8], $0x0  }
0x24: {  	s3 =	sadd.s32 $0x88, s3;
	s6 =	simm.s32 @!p1 $0x1082;
	[sflag:s4] =	ssyncset.s32 $0xFFFFF086  }
0x25: {  	[simem:s6], [sflag:s4] =	dma.local [hbm:s3], $0xF7A  }
0x26: {  	[smem:$0x3F96] =	sst s1;
	(tag) =	ssettag s2;
	_ =	strace s9  }
0x27: {  	s1 =	sld [smem:$0x3FA6]  }
0x28: {  	s2 =	sld [smem:$0x3FA7]  }
0x29: {  	s4 =	sld [smem:$0x3FA9]  }
0x2a: {  	p0 =	seq.s32 s5, $0x0;
	s5 =	sld [smem:$0x3FAA]  }
0x2b: {  	s6 =	sld [smem:$0x3FAB]  }
0x2c: {  	s7 =	sld [smem:$0x3FAC]  }
0x2d: {  	s3 =	simm.s32 $0x108;
	s8 =	sld [smem:$0x3FAD]  }
0x2e: {  	s3 =	simm.s32 @!p0 $0x1082;
	s9 =	sld [smem:$0x3FAE]  }
0x2f: {  	lr =	sadd.s32 s0, s3;
	s0 =	sld [smem:$0x3FA5]  }
0x30: {  	s3 =	sld [smem:$0x3FA8]  }
0x31: {  	[smem:$0x3FB1] =	sst s10  }
0x32: {  	s10 =	sld [smem:$0x3FAF];
	_ =	sdelay $0x3  }
0x33: {  	p0 =	seq.s32 s10, $0x1;
	s10 =	sld [smem:$0x3FB1];
	_ =	sdelay $0x3  }
0x34: {  	[smem:$0x3FB1] =	sst s10  }
0x35: {  	s10 =	sld [smem:$0x3FB0];
	_ =	sdelay $0x3  }
0x36: {  	p1 =	seq.s32 s10, $0x1;
	s10 =	sld [smem:$0x3FB1];
	_ =	sdelay $0x3  }
0x37: {  	[smem:$0x3FB1] =	sst s10  }
0x38: {  	s10 =	sld [smem:$0x3FB2]  }
0x39: {  	_ = 	snop;
	(pc) =	sbr.ind lr, $3  }
0x3a: {  	_ = 	snop  }
0x3b: {  	_ = 	snop  }
0x3c: {  	p2 =	seq.s32 s10, $0x1;
	s10 =	sld [smem:$0x3FB1]  }
0x3d: {  	_ =	shalt  }
0x3e: {  	_ =	shalt  }
0x3f: {  	_ =	shalt  }
0x40: {  	_ =	shalt  }
0x41: {  	_ =	shalt  }
0x42: {  	_ =	shalt  }
0x43: {  	_ =	shalt  }
0x44: {  	_ =	shalt  }
0x45: {  	_ =	shalt  }
0x46: {  	_ =	shalt  }
0x47: {  	_ =	shalt  }
0x48: {  	_ =	shalt  }
0x49: {  	_ =	shalt  }
0x4a: {  	_ =	shalt  }
0x4b: {  	_ =	shalt  }
0x4c: {  	_ =	shalt  }
0x4d: {  	_ =	shalt  }
0x4e: {  	_ =	shalt  }
0x4f: {  	_ =	shalt  }
0x50: {  	_ =	shalt  }
0x51: {  	_ =	shalt  }
0x52: {  	_ =	shalt  }
0x53: {  	_ =	shalt  }
0x54: {  	_ =	shalt  }
0x55: {  	_ =	shalt  }
0x56: {  	_ =	shalt  }
0x57: {  	_ =	shalt  }
0x58: {  	_ =	shalt  }
0x59: {  	_ =	shalt  }
0x5a: {  	_ =	shalt  }
0x5b: {  	_ =	shalt  }
0x5c: {  	_ =	shalt  }
0x5d: {  	_ =	shalt  }
0x5e: {  	_ =	shalt  }
0x5f: {  	_ =	shalt  }
0x60: {  	_ =	shalt  }
0x61: {  	_ =	shalt  }
0x62: {  	_ =	shalt  }
0x63: {  	_ =	shalt  }
0x64: {  	_ =	shalt  }
0x65: {  	_ =	shalt  }
0x66: {  	_ =	shalt  }
0x67: {  	_ =	shalt  }
0x68: {  	_ =	shalt  }
0x69: {  	_ =	shalt  }
0x6a: {  	_ =	shalt  }
0x6b: {  	_ =	shalt  }
0x6c: {  	_ =	shalt  }
0x6d: {  	_ =	shalt  }
0x6e: {  	_ =	shalt  }
0x6f: {  	_ =	shalt  }
0x70: {  	_ =	shalt  }
0x71: {  	_ =	shalt  }
0x72: {  	_ =	shalt  }
0x73: {  	_ =	shalt  }
0x74: {  	_ =	shalt  }
0x75: {  	_ =	shalt  }
0x76: {  	_ =	shalt  }
0x77: {  	_ =	shalt  }
0x78: {  	_ =	shalt  }
0x79: {  	_ =	shalt  }
0x7a: {  	_ =	shalt  }
0x7b: {  	_ =	shalt  }
0x7c: {  	_ =	shalt  }
0x7d: {  	_ =	shalt  }
0x7e: {  	_ =	shalt  }
0x7f: {  	_ =	shalt  }
0x80: {  	_ =	shalt  }
0x81: {  	_ =	shalt  }
0x82: {  	_ =	shalt  }
0x83: {  	_ =	shalt  }
0x84: {  	_ =	shalt  }
0x85: {  	_ =	shalt  }
0x86: {  	_ =	shalt  }
0x87: {  	_ =	shalt  }
.Lfunc_end0:
.L_simem_size_0:
called_computation.1_lowered:
.L_overlay_start_0:
0x88: {  	s2 =	sld [smem:$0x3FD9]  }
0x89: {  	s3 =	sld [smem:$0x3FFE];
	_ =	sdelay $0x1  }
0x8a: {  	s1 =	srdreg.scid  }
0x8b: {  	s0 =	sand.u32 $0x1, s1  }
0x8c: {  	s16 =	sshll.u32 s0, $0xA;
	s2 =	sadd.s32 s3, s2  }
0x8d: {  	s2 =	sadd.s32 s2, s16  }
0x8e: {  	[smem:$0x3FBD] =	sst s2  }
0x8f: {  	_ = 	snop  }
0x90: {  	(tm) =	ssettm $0x1  }
0x91: {  	s17 =	sld [smem:$0x3FFB];
	_ =	sdelay $0x3  }
0x92: {  	_ =	strace s17  }
0x93: {  	s2 =	sld [smem:$0x3FFC];
	_ =	sdelay $0x3  }
0x94: {  	_ =	strace s2  }
0x95: {  	s2 =	sld [smem:$0x3FFD];
	_ =	sdelay $0x3  }
0x96: {  	_ =	strace s2  }
0x97: {  	_ =	strace $0x8FFFFFFF  }
0x98: {  	s18 =	sld [smem:$0x3FDB];
	_ =	sdelay $0x1  }
0x99: {  	s19 =	simm.s32 $_scs_section_size  }
0x9a: {  	s4 =	simm.s32 $_size__tile_overlayer_lowered;
	s5 =	simm.s32 $_tile_overlayer_lowered  }
0x9b: {  	s22 =	simm.s32 $0x1BFF;
	s21 =	sshll.u32 s5, $0x1;
	s2 =	sadd.s32 s19, s18  }
0x9c: {  	s6 =	simm.s32 $0x0;
	s20 =	sshll.u32 s4, $0x1;
	s4 =	sadd.s32 s21, s2  }
0x9d: {  	[timem:s6], [sflag:s22] =	dma.local [hbm:s4], s20  }
0x9e: {  	_ =	swait.ge [sflag:s22], s20  }
0x9f: {  	s3 =	ssub.s32 $0x0, s20;
	[sflag:s22] =	ssyncset.done $0x0  }
0xa0: {  	[sflag:s22] =	ssyncadd.s32 s3;
	_ =	sdelay $0x1  }
0xa1: {  	s23 =	simm.s32 $0x1B8B  }
0xa2: {  	_ =	swait.ge [sflag:s23], $0x1  }
0xa3: {  	[sflag:s23] =	ssyncset.done $0x0  }
0xa4: {  	s25 =	simm.s32 $0x1B8E;
	s24 =	sld [smem:$0x3FFE];
	[sflag:s23] =	ssyncadd.s32 $0xFFFFFFFF  }
0xa5: {  	s26 =	simm.s32 $execute0_lowered;
	[smem:$0x3FD2] =	sst s25  }
0xa6: {  	s4 =	sshll.u32 s26, $0x1;
	_ =	strace $0x80000049;
	[dreg:$0x1] =	wrdreg $0xFFFFFFFF  }
0xa7: {  	s28 =	simm.s32 $_size_execute0_lowered;
	s2 =	sadd.s32 s2, s4;
	[dreg:$0x0] =	wrdreg $0x0  }
0xa8: {  	s4 =	sshll.u32 s28, $0x1;
	[dreg:$0x2] =	wrdreg s2  }
0xa9: {  	[dreg:$0x3] =	wrdreg s4  }
0xaa: {  	[dreg:$0x4] =	wrdreg $0xC0  }
0xab: {  	_ =	task [dreg:s6], $0x5FFFF  }
0xac: {  	[dreg:$0x1] =	wrdreg $0xFFFFFFFF  }
0xad: {  	[dreg:$0x0] =	wrdreg $0x60  }
0xae: {  	[dreg:$0x2] =	wrdreg s24  }
0xaf: {  	[dreg:$0x3] =	wrdreg $0x120000  }
0xb0: {  	[dreg:$0x4] =	wrdreg $0xD0000  }
0xb1: {  	[dreg:$0x5] =	wrdreg $0x9  }
0xb2: {  	_ =	task.clear_ibuf [dreg:s6], $0x6FFFF;
	_ =	strace $0x90000049  }
0xb3: {  	s29 =	simm.s32 $0x9;
	_ =	strace $0x8000004B  }
0xb4: {  	_ =	swait.ge [sflag:s29], $0x1  }
0xb5: {  	[sflag:s29] =	ssyncadd.s32 $0xFFFFFFFF  }
0xb6: {  	_ =	strace $0x9000004B  }
0xb7: {  	_ =	sfence  }
0xb8: {  	s30 =	sld [smem:$0x0];
	_ =	sdelay $0x2  }
0xb9: {  	s31 =	sshll.u32 s1, $0xD;
	s1 =	sshrl.u32 s1, $0x2  }
0xba: {  	s3 =	sand.u32 $0x4000, s31;
	s1 =	sadd.s32 s1, s30  }
0xbb: {  	s0 =	sor.u32 s3, s0;
	s1 =	sshll.u32 s1, $0x11  }
0xbc: {  	s0 =	sor.u32 s1, s0  }
0xbd: {  	s0 =	sadd.s32 $0x8F2B, s0  }
0xbe: {  	[sflag:s0] =	ssyncadd.remote.s32 $0x1  }
0xbf: {  	_ =	sfence.sel $0xFFFF  }
0xc0: {  	[dreg:$0x0] =	wrdreg $0xFFFFFFFF;
	(pc) =	sbr.abs _section_cstart, $3  }
0xc1: {  	[dreg:$0x1] =	wrdreg $0xFFFFFFFF  }
0xc2: {  	_ =	task.clear_ibuf [dreg:s6], $0x2FFFF;
	_ =	strace $0x9FFFFFFF  }
0xc3: {  	(tm) =	ssettm $0x7FFFFFFF  }
tec
execute0_lowered:
.L_overlay_start_1:
0x0: {  	(tag) =	ssettag $0x1  }
0x1: {  	s0 =	srdreg.scid;
	s1 =	rddreg [dreg:$0x0]  }
0x2: {  	s2 =	rddreg [dreg:$0x1];
	s13 =	stileid.u32  }
0x3: {  	s3 =	rddreg [dreg:$0x2];
	s20 =	simm.s32 $0x0;
	s18 =	simm.s32 $0x80  }
0x4: {  	s19 =	simm.s32 $0x5000;
	s29 =	simm.s32 $0xA000;
	s30 =	simm.s32 $0x1  }
0x5: {  	s31 =	simm.s32 $0xB000;
	s17 =	simm.s32 $0x0;
	s0 =	sand.u32 $0x1, s0  }
0x6: {  	s9 =	smul.u32 $0x5000, s13;
	[smem:$0x7FF] =	sst s20;
	s21 =	sadd.s32 $0x17400, s1  }
0x7: {  	s22 =	sadd.s32 $0xCA00, s1;
	s23 =	sshll.u32 s13, $0x6;
	s20 =	simm.s32 $0x6000  }
0x8: {  	s4 =	sshll.u32 s0, $0x4;
	_ =	strace $0x8000004A;
	[dreg:$0x4] =	wrdreg s21  }
0x9: {  	s7 =	smul.u32 $0x50000, s0;
	s0 =	ssub.s32 $0x2, s0;
	[dreg:$0x5] =	wrdreg s22  }
0xa: {  	s22 =	simm.s32 $0x7000;
	s14 =	sor.u32 s13, s4;
	s6 =	sshrl.u32 s9, $0x3  }
0xb: {  	s10 =	sshrl.u32 s0, $0x1;
	s15 =	sadd.s32 s9, s2;
	s16 =	sadd.s32 s9, s3  }
0xc: {  	s5 =	smul.u32 $0x500, s14;
	s8 =	sadd.s32 s6, s1;
	s7 =	sadd.s32 s9, s7  }
0xd: {  	s0 =	ssub.s32 s0, s10;
	p0 =	seq.s32 s14, $0x1F;
	s14 =	sshrl.u32 s15, $0x3  }
0xe: {  	s15 =	simm.s32 $0x3;
	s16 =	sshrl.u32 s16, $0x3;
	s7 =	sshrl.u32 s7, $0x3  }
0xf: {  	s24 =	sadd.s32 $0xD400, s8;
	s11 =	sadd.s32 s5, s1;
	s12 =	sadd.s32 s7, s1  }
.Ltmp0:
0x10: {  	[dreg:$0x6] =	wrdreg s24;
	s1 =	sadd.s32 $0x2B100, s1;
	(pc) =	sbr.rel .LBB2_1-.Ltmp0, $4  }
0x11: {  	s8 =	sor.u32 $0x1C03, s23;
	s25 =	sadd.s32 $0x21600, s11;
	[dreg:$0x8] =	wrdreg s1  }
0x12: {  	s13 =	smax.u32 s0, $0x1;
	s26 =	sadd.s32 $0x2A00, s11;
	[dreg:$0x7] =	wrdreg s25  }
0x13: {  	s0 =	simm.s32 $0x2;
	s28 =	sadd.s32 $0x35000, s12;
	[dreg:$0x9] =	wrdreg s26  }
0x14: {  	s1 =	simm.s32 $0xC000;
	[dreg:$0xa] =	wrdreg s28;
	s26 =	simm.s32 $0x9000  }
.LBB2_4:
0x15: {  	_ =	swait.ge [sflag:s30], $0x1000  }
0x16: {  	[sflag:s30] =	ssyncset.done $0x0  }
0x17: {  	[sflag:s30] =	ssyncadd.s32 $0xFFFFF000  }
0x18: {  	[spmem:s3] =	stream.indirect.scatter.add.f32 [tilespmem:s1], [sflag:$0x2], $0x20, s24, s18, $0xb8;
	[tilespmem:$0x17000] =	vst v63  }
0x19: {  	_ =	swait.ge [sflag:s0], $0x1000  }
0x1a: {  	[sflag:s0] =	ssyncset.done $0x0  }
0x1b: {  	[sflag:s0] =	ssyncadd.s32 $0xFFFFF000  }
0x1c: {  	_ =	swait.ge [sflag:s0], $0x1000  }
0x1d: {  	[sflag:s0] =	ssyncset.done $0x0  }
0x1e: {  	[sflag:s0] =	ssyncadd.s32 $0xFFFFF000  }
0x1f: {  	_ =	swait.ge [sflag:s0], $0x1000  }
0x20: {  	[sflag:s0] =	ssyncset.done $0x0  }
0x21: {  	s17 =	sadd.s32 $0x1, s17;
	[sflag:s0] =	ssyncadd.s32 $0xFFFFF000  }
0x22: {  	p1 =	sne.s32 s17, s13;
	[bflag:$0x0] =	sbarrier.arrive $0xFFFF  }
.Ltmp1:
0x23: {  	s4 =	rddreg [dreg:$0xa];
	(pc) =	sbr.rel @!p1 .LBB2_5-.Ltmp1, $4  }
0x24: {  	[hbm:s4], [sflag:s8] =	dma.local [spmem:s16], $0xA00  }
0x25: {  	_ =	swait.ge [sflag:s15], $0xA00  }
0x26: {  	[sflag:s15] =	ssyncset.done $0x0  }
0x27: {  	[sflag:s15] =	ssyncadd.s32 $0xFFFFF600  }
.LBB2_1:
0x28: {  	s4 =	rddreg [dreg:$0x6]  }
0x29: {  	[spmem:s14], [sflag:s8] =	dma.local [hbm:s4], $0xA00  }
0x2a: {  	_ =	swait.ge [sflag:s15], $0xA00  }
0x2b: {  	[sflag:s15] =	ssyncset.done $0x0  }
0x2c: {  	s11 =	rddreg [dreg:$0x5];
	[sflag:s15] =	ssyncadd.s32 $0xFFFFF600  }
0x2d: {  	[spmem:s16], [sflag:s8] =	dma.local [hbm:s11], $0xA00  }
0x2e: {  	_ =	swait.ge [sflag:s15], $0xA00  }
0x2f: {  	s21 =	simm.s32 @p0 $0x0;
	[sflag:s15] =	ssyncset.done $0x0  }
0x30: {  	s23 =	simm.s32 @p0 $0x3;
	s4 =	rddreg [dreg:$0x8];
	[sflag:s15] =	ssyncadd.s32 $0xFFFFF600  }
0x31: {  	[tilespmem:s21], [sflag:$0x3] =	stream.linear.gather @p0 [hbm4b:s4+s21], $0xA00, $0x38;
	[tilespmem:$0x17000] =	vst v63  }
0x32: {  	_ =	swait.ge @p0 [sflag:s23], $0xA00  }
0x33: {  	[sflag:s23] =	ssyncset.done @p0 $0x0  }
0x34: {  	s24 =	simm.s32 @p0 $0xA00;
	s4 =	rddreg [dreg:$0x4];
	[sflag:s23] =	ssyncadd.s32 @p0 $0xFFFFF600  }
0x35: {  	[tilespmem:s24], [sflag:$0x3] =	stream.linear.gather @p0 [hbm4b:s4+s21], $0x1E00, $0x38;
	[tilespmem:$0x17000] =	vst v63  }
0x36: {  	_ =	swait.ge @p0 [sflag:s23], $0x1E00  }
0x37: {  	[sflag:s23] =	ssyncset.done @p0 $0x0  }
0x38: {  	s21 =	simm.s32 @!p0 $0x0;
	s4 =	rddreg [dreg:$0x7];
	[sflag:s23] =	ssyncadd.s32 @p0 $0xFFFFE200  }
0x39: {  	[tilespmem:s21], [sflag:$0x3] =	stream.linear.gather @!p0 [hbm4b:s4+s21], $0x2800, $0x38;
	[tilespmem:$0x17000] =	vst v63  }
0x3a: {  	s21 =	simm.s32 @!p0 $0x3  }
0x3b: {  	_ =	swait.ge @!p0 [sflag:s21], $0x2800  }
0x3c: {  	s12 =	simm.s32 $0x0;
	[sflag:s21] =	ssyncset.done @!p0 $0x0  }
0x3d: {  	s6 =	simm.s32 $0x2800;
	s5 =	rddreg [dreg:$0x9];
	[sflag:s21] =	ssyncadd.s32 @!p0 $0xFFFFD800  }
0x3e: {  	[tilespmem:s6], [sflag:$0x3] =	stream.linear.gather [hbm4b:s5+s12], $0x2800, $0x38;
	[tilespmem:$0x17000] =	vst v63  }
0x3f: {  	_ =	swait.ge [sflag:s15], $0x2800  }
0x40: {  	[sflag:s15] =	ssyncset.done $0x0  }
0x41: {  	[sflag:s15] =	ssyncadd.s32 $0xFFFFD800  }
0x42: {  	[bflag:$0x0] =	sbarrier.arrive $0xFFFF  }
0x43: {  	[tilespmem:s19], [sflag:$0x1] =	stream.indirect.gather [spmem:s2], $0x20, s12, s18, $0xb8;
	[tilespmem:$0x17000] =	vst v63  }
0x44: {  	_ = 	snop  }
0x45: {  	[tilespmem:s20], [sflag:$0x1] =	stream.indirect.gather [spmem:s2], $0x20, s18, s18, $0xb8;
	[tilespmem:$0x17000] =	vst v63  }
0x46: {  	s21 =	simm.s32 $0x100  }
0x47: {  	[tilespmem:s22], [sflag:$0x1] =	stream.indirect.gather [spmem:s2], $0x20, s21, s18, $0xb8;
	[tilespmem:$0x17000] =	vst v63  }
0x48: {  	s24 =	simm.s32 $0x8000;
	s23 =	simm.s32 $0x180  }
0x49: {  	[tilespmem:s24], [sflag:$0x1] =	stream.indirect.gather [spmem:s2], $0x20, s23, s18, $0xb8;
	[tilespmem:$0x17000] =	vst v63  }
0x4a: {  	s25 =	simm.s32 $0x200  }
0x4b: {  	[tilespmem:s26], [sflag:$0x1] =	stream.indirect.gather [spmem:s2], $0x20, s25, s18, $0xb8;
	[tilespmem:$0x17000] =	vst v63  }
0x4c: {  	s28 =	simm.s32 $0x280;
	s21 =	simm.s32 $0x0  }
0x4d: {  	[tilespmem:s29], [sflag:$0x1] =	stream.indirect.gather [spmem:s2], $0x20, s28, s18, $0xb8;
	[tilespmem:$0x17000] =	vst v63  }
.LBB2_2:
0x4e: {  	_ =	swait.ge [sflag:s30], $0x1000  }
0x4f: {  	s23 =	sshra.s32 s21, $0x2;
	[sflag:s30] =	ssyncset.done $0x0  }
0x50: {  	p1 =	seq.s32 s21, $0x0;
	s24 =	sadd.s32 $0x2800, s23;
	[sflag:s30] =	ssyncadd.s32 $0xFFFFF000  }
0x51: {  	[spmem:s3] =	stream.indirect.scatter.add.f32 [tilespmem:s19], [sflag:$0x2], $0x20, s24, s18, $0xb8;
	[tilespmem:$0x17000] =	vst v63  }
0x52: {  	s24 =	simm.s32 @!p1 $0x2  }
0x53: {  	_ =	swait.ge @!p1 [sflag:s24], $0x1000  }
0x54: {  	[sflag:s24] =	ssyncset.done @!p1 $0x0  }
0x55: {  	s25 =	sadd.s32 $0x300, s23;
	[sflag:s24] =	ssyncadd.s32 @!p1 $0xFFFFF000  }
0x56: {  	[tilespmem:s31], [sflag:$0x1] =	stream.indirect.gather [spmem:s2], $0x20, s25, s18, $0xb8;
	[tilespmem:$0x17000] =	vst v63  }
0x57: {  	_ =	swait.ge [sflag:s30], $0x1000  }
0x58: {  	[sflag:s30] =	ssyncset.done $0x0  }
0x59: {  	s9 =	sadd.s32 $0x2880, s23;
	[sflag:s30] =	ssyncadd.s32 $0xFFFFF000  }
0x5a: {  	[spmem:s3] =	stream.indirect.scatter.add.f32 [tilespmem:s20], [sflag:$0x2], $0x20, s9, s18, $0xb8;
	[tilespmem:$0x17000] =	vst v63  }
0x5b: {  	_ =	swait.ge @!p1 [sflag:s24], $0x1000  }
0x5c: {  	[sflag:s24] =	ssyncset.done @!p1 $0x0  }
0x5d: {  	s10 =	sadd.s32 $0x380, s23;
	[sflag:s24] =	ssyncadd.s32 @!p1 $0xFFFFF000  }
0x5e: {  	[tilespmem:s1], [sflag:$0x1] =	stream.indirect.gather [spmem:s2], $0x20, s10, s18, $0xb8;
	[tilespmem:$0x17000] =	vst v63  }
0x5f: {  	_ =	swait.ge [sflag:s30], $0x1000  }
0x60: {  	[sflag:s30] =	ssyncset.done $0x0  }
0x61: {  	s11 =	sadd.s32 $0x2900, s23;
	[sflag:s30] =	ssyncadd.s32 $0xFFFFF000  }
0x62: {  	[spmem:s3] =	stream.indirect.scatter.add.f32 [tilespmem:s22], [sflag:$0x2], $0x20, s11, s18, $0xb8;
	[tilespmem:$0x17000] =	vst v63  }
0x63: {  	_ =	swait.ge [sflag:s0], $0x1000  }
0x64: {  	p1 =	seq.s32 s21, $0x9000;
	[sflag:s0] =	ssyncset.done $0x0  }
0x65: {  	s24 =	simm.s32 @p1 $0x1;
	[sflag:s0] =	ssyncadd.s32 $0xFFFFF000  }
0x66: {  	_ =	swait.ge @p1 [sflag:s24], $0x1000  }
0x67: {  	s25 =	sshra.s32 @p1 s21, $0x2;
	s4 =	simm.s32 @p1 $0x80;
	[sflag:s24] =	ssyncset.done @p1 $0x0  }
0x68: {  	s5 =	simm.s32 @p1 $0x8000;
	s28 =	sadd.s32 @p1 $0x2980, s25;
	[sflag:s24] =	ssyncadd.s32 @p1 $0xFFFFF000  }
0x69: {  	[spmem:s3] =	stream.indirect.scatter.add.f32 @p1 [tilespmem:s5], [sflag:$0x2], $0x20, s28, s4, $0xb8;
	[tilespmem:$0x17000] =	vst v63  }
0x6a: {  	s5 =	simm.s32 @p1 $0x2  }
0x6b: {  	_ =	swait.ge @p1 [sflag:s5], $0x1000  }
0x6c: {  	s7 =	simm.s32 @!p1 $0x80;
	s28 =	sshra.s32 @!p1 s21, $0x2;
	[sflag:s5] =	ssyncset.done @p1 $0x0  }
0x6d: {  	s9 =	simm.s32 @!p1 $0x5000;
	s6 =	sadd.s32 @!p1 $0x400, s28;
	[sflag:s5] =	ssyncadd.s32 @p1 $0xFFFFF000  }
0x6e: {  	[tilespmem:s9], [sflag:$0x1] =	stream.indirect.gather @!p1 [spmem:s2], $0x20, s6, s7, $0xb8;
	[tilespmem:$0x17000] =	vst v63  }
0x6f: {  	s6 =	simm.s32 @!p1 $0x1  }
0x70: {  	_ =	swait.ge @!p1 [sflag:s6], $0x1000  }
0x71: {  	[sflag:s6] =	ssyncset.done @!p1 $0x0  }
0x72: {  	s10 =	simm.s32 @!p1 $0x8000;
	s9 =	sadd.s32 @!p1 $0x2980, s28;
	[sflag:s6] =	ssyncadd.s32 @!p1 $0xFFFFF000  }
0x73: {  	[spmem:s3] =	stream.indirect.scatter.add.f32 @!p1 [tilespmem:s10], [sflag:$0x2], $0x20, s9, s7, $0xb8;
	[tilespmem:$0x17000] =	vst v63  }
0x74: {  	s9 =	simm.s32 @!p1 $0x2  }
0x75: {  	_ =	swait.ge @!p1 [sflag:s9], $0x1000  }
0x76: {  	[sflag:s9] =	ssyncset.done @!p1 $0x0  }
0x77: {  	s12 =	simm.s32 @!p1 $0x6000;
	s11 =	sadd.s32 @!p1 $0x480, s28;
	[sflag:s9] =	ssyncadd.s32 @!p1 $0xFFFFF000  }
0x78: {  	[tilespmem:s12], [sflag:$0x1] =	stream.indirect.gather @!p1 [spmem:s2], $0x20, s11, s7, $0xb8;
	[tilespmem:$0x17000] =	vst v63  }
0x79: {  	_ =	swait.ge [sflag:s30], $0x1000  }
0x7a: {  	[sflag:s30] =	ssyncset.done $0x0  }
0x7b: {  	s12 =	sadd.s32 $0x2A00, s23;
	[sflag:s30] =	ssyncadd.s32 $0xFFFFF000  }
0x7c: {  	[spmem:s3] =	stream.indirect.scatter.add.f32 [tilespmem:s26], [sflag:$0x2], $0x20, s12, s18, $0xb8;
	[tilespmem:$0x17000] =	vst v63  }
0x7d: {  	_ =	swait.ge [sflag:s0], $0x1000  }
0x7e: {  	[sflag:s0] =	ssyncset.done $0x0  }
0x7f: {  	[sflag:s0] =	ssyncadd.s32 $0xFFFFF000  }
0x80: {  	_ =	swait.ge @p1 [sflag:s24], $0x1000  }
0x81: {  	[sflag:s24] =	ssyncset.done @p1 $0x0  }
0x82: {  	s11 =	sadd.s32 @p1 $0x2A80, s25;
	s12 =	simm.s32 @p1 $0xA000;
	[sflag:s24] =	ssyncadd.s32 @p1 $0xFFFFF000  }
0x83: {  	[spmem:s3] =	stream.indirect.scatter.add.f32 @p1 [tilespmem:s12], [sflag:$0x2], $0x20, s11, s4, $0xb8;
	[tilespmem:$0x17000] =	vst v63  }
0x84: {  	_ =	swait.ge @p1 [sflag:s5], $0x1000  }
0x85: {  	[sflag:s5] =	ssyncset.done @p1 $0x0  }
0x86: {  	s4 =	sadd.s32 @!p1 $0x500, s28;
	[sflag:s5] =	ssyncadd.s32 @p1 $0xFFFFF000;
	s5 =	simm.s32 @!p1 $0x7000  }
0x87: {  	[tilespmem:s5], [sflag:$0x1] =	stream.indirect.gather @!p1 [spmem:s2], $0x20, s4, s7, $0xb8;
	[tilespmem:$0x17000] =	vst v63  }
0x88: {  	_ =	swait.ge @!p1 [sflag:s6], $0x1000  }
0x89: {  	[sflag:s6] =	ssyncset.done @!p1 $0x0  }
0x8a: {  	s4 =	sadd.s32 @!p1 $0x2A80, s28;
	s5 =	simm.s32 @!p1 $0xA000;
	[sflag:s6] =	ssyncadd.s32 @!p1 $0xFFFFF000  }
0x8b: {  	[spmem:s3] =	stream.indirect.scatter.add.f32 @!p1 [tilespmem:s5], [sflag:$0x2], $0x20, s4, s7, $0xb8;
	[tilespmem:$0x17000] =	vst v63  }
0x8c: {  	_ =	swait.ge @!p1 [sflag:s9], $0x1000  }
0x8d: {  	[sflag:s9] =	ssyncset.done @!p1 $0x0  }
0x8e: {  	s4 =	sadd.s32 @!p1 $0x580, s28;
	[sflag:s9] =	ssyncadd.s32 @!p1 $0xFFFFF000  }
0x8f: {  	[tilespmem:s10], [sflag:$0x1] =	stream.indirect.gather @!p1 [spmem:s2], $0x20, s4, s7, $0xb8;
	[tilespmem:$0x17000] =	vst v63  }
0x90: {  	_ =	swait.ge [sflag:s30], $0x1000  }
0x91: {  	[sflag:s30] =	ssyncset.done $0x0  }
.Ltmp2:
0x92: {  	s28 =	sadd.s32 $0x2B00, s23;
	[sflag:s30] =	ssyncadd.s32 $0xFFFFF000;
	(pc) =	sbr.rel @p1 .LBB2_4-.Ltmp2, $4  }
0x93: {  	[spmem:s3] =	stream.indirect.scatter.add.f32 [tilespmem:s31], [sflag:$0x2], $0x20, s28, s18, $0xb8;
	[tilespmem:$0x17000] =	vst v63  }
0x94: {  	_ =	swait.ge [sflag:s0], $0x1000  }
0x95: {  	[sflag:s0] =	ssyncset.done $0x0  }
0x96: {  	s24 =	sadd.s32 $0x2B80, s23;
	[sflag:s0] =	ssyncadd.s32 $0xFFFFF000  }
0x97: {  	s4 =	sadd.s32 $0x600, s23  }
0x98: {  	[tilespmem:s26], [sflag:$0x1] =	stream.indirect.gather [spmem:s2], $0x20, s4, s18, $0xb8;
	[tilespmem:$0x17000] =	vst v63  }
0x99: {  	_ =	swait.ge [sflag:s30], $0x1000  }
0x9a: {  	[sflag:s30] =	ssyncset.done $0x0  }
0x9b: {  	[sflag:s30] =	ssyncadd.s32 $0xFFFFF000  }
0x9c: {  	[spmem:s3] =	stream.indirect.scatter.add.f32 [tilespmem:s1], [sflag:$0x2], $0x20, s24, s18, $0xb8;
	[tilespmem:$0x17000] =	vst v63  }
.Ltmp3:
0x9d: {  	_ = 	snop;
	(pc) =	sbr.rel .LBB2_2-.Ltmp3, $4  }
0x9e: {  	_ =	swait.ge [sflag:s0], $0x1000  }
0x9f: {  	[sflag:s0] =	ssyncset.done $0x0  }
0xa0: {  	s28 =	sadd.s32 $0x680, s23;
	s21 =	sadd.s32 $0x1000, s21;
	[sflag:s0] =	ssyncadd.s32 $0xFFFFF000  }
0xa1: {  	[tilespmem:s29], [sflag:$0x1] =	stream.indirect.gather [spmem:s2], $0x20, s28, s18, $0xb8;
	[tilespmem:$0x17000] =	vst v63  }
.LBB2_5:
0xa2: {  	_ =	sfence.sel $0x180000  }
0xa3: {  	[bflag:$0x0] =	sbarrier.arrive $0xFFFF  }
0xa4: {  	_ =	strace $0x9000004A  }
0xa5: {  	s0 =	stileid.u32;
	[bflag:$0x2] =	sbarrier.arrive $0xFFFF  }
0xa6: {  	p0 =	sne.s32 s0, $0x0;
	s0 =	rddreg [dreg:$0x3]  }
0xa7: {  	s0 =	sadd.s32 @!p0 $0x100000, s0  }
0xa8: {  	[sflag:s0] =	ssyncadd.tile.s32 @!p0 $0x1;
	_ =	shalt  }
.Lfunc_end2:
_tile_overlayer_lowered:
.L_overlay_start_2:
0xa9: {  	(tag) =	ssettag $0x2  }
0xaa: {  	s0 =	rddreg [dreg:$0x0];
	s2 =	stileid.u32  }
0xab: {  	s1 =	rddreg [dreg:$0x1];
	p0 =	sne.s32 s2, $0x0  }
0xac: {  	s3 =	rddreg [dreg:$0x2];
	[bflag:$0x3] =	sbarrier.arrive $0xFFFF;
	s2 =	simm.s32 @!p0 $0x1C03  }
0xad: {  	[timem:s3], [sflag:s2] =	dma.local @!p0 [hbm:s0], s1  }
0xae: {  	s0 =	simm.s32 @!p0 $0x3  }
0xaf: {  	_ =	swait.ge @!p0 [sflag:s0], s1  }
0xb0: {  	s1 =	ssub.s32 @!p0 $0x0, s1;
	[sflag:s0] =	ssyncset.done @!p0 $0x0  }
0xb1: {  	[sflag:s0] =	ssyncadd.s32 @!p0 s1  }
0xb2: {  	[bflag:$0x3] =	sbarrier.arrive $0xFFFF  }
0xb3: {  	_ =	shalt  }

// kernel: kernel.17.cloned.1.call-start
scs
__scs_entry_jumppad:
0x0: {  	(pc) =	sbr.rel $0x88, $3  }
0x1: {  	(tag) =	ssettag $0x0;
	lr =	simm.s32 $0x1  }
0x2: {  	[smem:$0x3F96] =	sst lr;
	_ =	strace $0xD0000000  }
0x3: {  	_ = 	snop  }
0x4: {  	_ = 	snop  }
0x5: {  	_ = 	snop  }
0x6: {  	_ = 	snop  }
0x7: {  	_ = 	snop  }
__scs_overlays_trampoline_lowered:
0x8: {  	[smem:$0x3FA5] =	sst s0  }
0x9: {  	[smem:$0x3FA6] =	sst s1  }
0xa: {  	[smem:$0x3FA7] =	sst s2  }
0xb: {  	[smem:$0x3FA8] =	sst s3  }
0xc: {  	[smem:$0x3FA9] =	sst s4  }
0xd: {  	[smem:$0x3FAA] =	sst s5  }
0xe: {  	[smem:$0x3FAB] =	sst s6  }
0xf: {  	[smem:$0x3FAC] =	sst s7  }
0x10: {  	[smem:$0x3FAD] =	sst s8  }
0x11: {  	[smem:$0x3FAE] =	sst s9;
	s0 =	simm.s32 @!p0 $0x0  }
0x12: {  	s1 =	sld [smem:$0x3F94];
	s0 =	simm.s32 @p0 $0x1  }
0x13: {  	[smem:$0x3FAF] =	sst s0;
	s0 =	simm.s32 @!p1 $0x0  }
0x14: {  	s2 =	sld [smem:$0x3F93];
	s0 =	simm.s32 @p1 $0x1  }
0x15: {  	[smem:$0x3FB0] =	sst s0;
	s0 =	simm.s32 @!p2 $0x0  }
0x16: {  	s3 =	sld [smem:$0x3FDB];
	s0 =	simm.s32 @p2 $0x1  }
0x17: {  	s4 =	simm.s32 $0x1BF5;
	[smem:$0x3FB2] =	sst s0  }
0x18: {  	s0 =	sld [smem:$0x3F95];
	_ =	swait.ge [sflag:s4], $0x0  }
0x19: {  	s7 =	sld [smem:$0x3F96]  }
0x1a: {  	s8 =	sadd.s32 $0xFFFFE003, lr  }
0x1b: {  	s9 =	sadd.s32 $0xFFFFFEF7, lr;
	s5 =	simm.s32 $0xFFFFFFFF;
	p2 =	slt.u32 s8, $0xFFFFF086  }
0x1c: {  	p1 =	slt.u32 s9, $0xF7A;
	s5 =	simm.s32 @!p2 $0x0  }
0x1d: {  	s5 =	simm.s32 @p1 $0x1;
	p0 =	seq.s32 s7, s2  }
0x1e: {  	s7 =	smul.u32 @!p0 $0xF7A, s2;
	p2 =	seq.s32 @!p0 s5, $0x0  }
0x1f: {  	s9 =	smul.u32 $0xF7A, s1;
	s8 =	simm.s32 @!p0 $0x1BF5;
	p2 =	por !p2, p0  }
0x20: {  	[sflag:s8] =	ssyncset.s32 @!p0 $0xFFFFF086;
	s6 =	sadd.s32 @!p0 s3, s7;
	s7 =	simm.s32 @!p0 $0x108  }
0x21: {  	s3 =	sadd.s32 s3, s9;
	s6 =	sadd.s32 @!p0 $0x88, s6;
	s7 =	simm.s32 @p2 $0x1082  }
0x22: {  	[simem:s7], [sflag:s8] =	dma.local @!p0 [hbm:s6], $0xF7A  }
0x23: {  	s9 =	sor.u32 $0xD0000000, s2;
	s6 =	simm.s32 $0x108;
	_ =	swait.ge @!p0 [sflag:s8], $0x0  }
0x24: {  	s3 =	sadd.s32 $0x88, s3;
	s6 =	simm.s32 @!p1 $0x1082;
	[sflag:s4] =	ssyncset.s32 $0xFFFFF086  }
0x25: {  	[simem:s6], [sflag:s4] =	dma.local [hbm:s3], $0xF7A  }
0x26: {  	[smem:$0x3F96] =	sst s1;
	(tag) =	ssettag s2;
	_ =	strace s9  }
0x27: {  	s1 =	sld [smem:$0x3FA6]  }
0x28: {  	s2 =	sld [smem:$0x3FA7]  }
0x29: {  	s4 =	sld [smem:$0x3FA9]  }
0x2a: {  	p0 =	seq.s32 s5, $0x0;
	s5 =	sld [smem:$0x3FAA]  }
0x2b: {  	s6 =	sld [smem:$0x3FAB]  }
0x2c: {  	s7 =	sld [smem:$0x3FAC]  }
0x2d: {  	s3 =	simm.s32 $0x108;
	s8 =	sld [smem:$0x3FAD]  }
0x2e: {  	s3 =	simm.s32 @!p0 $0x1082;
	s9 =	sld [smem:$0x3FAE]  }
0x2f: {  	lr =	sadd.s32 s0, s3;
	s0 =	sld [smem:$0x3FA5]  }
0x30: {  	s3 =	sld [smem:$0x3FA8]  }
0x31: {  	[smem:$0x3FB1] =	sst s10  }
0x32: {  	s10 =	sld [smem:$0x3FAF];
	_ =	sdelay $0x3  }
0x33: {  	p0 =	seq.s32 s10, $0x1;
	s10 =	sld [smem:$0x3FB1];
	_ =	sdelay $0x3  }
0x34: {  	[smem:$0x3FB1] =	sst s10  }
0x35: {  	s10 =	sld [smem:$0x3FB0];
	_ =	sdelay $0x3  }
0x36: {  	p1 =	seq.s32 s10, $0x1;
	s10 =	sld [smem:$0x3FB1];
	_ =	sdelay $0x3  }
0x37: {  	[smem:$0x3FB1] =	sst s10  }
0x38: {  	s10 =	sld [smem:$0x3FB2]  }
0x39: {  	_ = 	snop;
	(pc) =	sbr.ind lr, $3  }
0x3a: {  	_ = 	snop  }
0x3b: {  	_ = 	snop  }
0x3c: {  	p2 =	seq.s32 s10, $0x1;
	s10 =	sld [smem:$0x3FB1]  }
0x3d: {  	_ =	shalt  }
0x3e: {  	_ =	shalt  }
0x3f: {  	_ =	shalt  }
0x40: {  	_ =	shalt  }
0x41: {  	_ =	shalt  }
0x42: {  	_ =	shalt  }
0x43: {  	_ =	shalt  }
0x44: {  	_ =	shalt  }
0x45: {  	_ =	shalt  }
0x46: {  	_ =	shalt  }
0x47: {  	_ =	shalt  }
0x48: {  	_ =	shalt  }
0x49: {  	_ =	shalt  }
0x4a: {  	_ =	shalt  }
0x4b: {  	_ =	shalt  }
0x4c: {  	_ =	shalt  }
0x4d: {  	_ =	shalt  }
0x4e: {  	_ =	shalt  }
0x4f: {  	_ =	shalt  }
0x50: {  	_ =	shalt  }
0x51: {  	_ =	shalt  }
0x52: {  	_ =	shalt  }
0x53: {  	_ =	shalt  }
0x54: {  	_ =	shalt  }
0x55: {  	_ =	shalt  }
0x56: {  	_ =	shalt  }
0x57: {  	_ =	shalt  }
0x58: {  	_ =	shalt  }
0x59: {  	_ =	shalt  }
0x5a: {  	_ =	shalt  }
0x5b: {  	_ =	shalt  }
0x5c: {  	_ =	shalt  }
0x5d: {  	_ =	shalt  }
0x5e: {  	_ =	shalt  }
0x5f: {  	_ =	shalt  }
0x60: {  	_ =	shalt  }
0x61: {  	_ =	shalt  }
0x62: {  	_ =	shalt  }
0x63: {  	_ =	shalt  }
0x64: {  	_ =	shalt  }
0x65: {  	_ =	shalt  }
0x66: {  	_ =	shalt  }
0x67: {  	_ =	shalt  }
0x68: {  	_ =	shalt  }
0x69: {  	_ =	shalt  }
0x6a: {  	_ =	shalt  }
0x6b: {  	_ =	shalt  }
0x6c: {  	_ =	shalt  }
0x6d: {  	_ =	shalt  }
0x6e: {  	_ =	shalt  }
0x6f: {  	_ =	shalt  }
0x70: {  	_ =	shalt  }
0x71: {  	_ =	shalt  }
0x72: {  	_ =	shalt  }
0x73: {  	_ =	shalt  }
0x74: {  	_ =	shalt  }
0x75: {  	_ =	shalt  }
0x76: {  	_ =	shalt  }
0x77: {  	_ =	shalt  }
0x78: {  	_ =	shalt  }
0x79: {  	_ =	shalt  }
0x7a: {  	_ =	shalt  }
0x7b: {  	_ =	shalt  }
0x7c: {  	_ =	shalt  }
0x7d: {  	_ =	shalt  }
0x7e: {  	_ =	shalt  }
0x7f: {  	_ =	shalt  }
0x80: {  	_ =	shalt  }
0x81: {  	_ =	shalt  }
0x82: {  	_ =	shalt  }
0x83: {  	_ =	shalt  }
0x84: {  	_ =	shalt  }
0x85: {  	_ =	shalt  }
0x86: {  	_ =	shalt  }
0x87: {  	_ =	shalt  }
.Lfunc_end0:
.L_simem_size_0:
called_computation.2_lowered:
.L_overlay_start_0:
0x88: {  	s2 =	sld [smem:$0x3FD9]  }
0x89: {  	s3 =	sld [smem:$0x3FFE];
	_ =	sdelay $0x1  }
0x8a: {  	s1 =	srdreg.scid  }
0x8b: {  	s0 =	sand.u32 $0x1, s1  }
0x8c: {  	s16 =	sshll.u32 s0, $0xA;
	s2 =	sadd.s32 s3, s2  }
0x8d: {  	s2 =	sadd.s32 s2, s16  }
0x8e: {  	[smem:$0x3FBD] =	sst s2  }
0x8f: {  	_ = 	snop  }
0x90: {  	(tm) =	ssettm $0x1  }
0x91: {  	s17 =	sld [smem:$0x3FFB];
	_ =	sdelay $0x3  }
0x92: {  	_ =	strace s17  }
0x93: {  	s2 =	sld [smem:$0x3FFC];
	_ =	sdelay $0x3  }
0x94: {  	_ =	strace s2  }
0x95: {  	s2 =	sld [smem:$0x3FFD];
	_ =	sdelay $0x3  }
0x96: {  	_ =	strace s2  }
0x97: {  	_ =	strace $0x8FFFFFFF  }
0x98: {  	s18 =	sld [smem:$0x3FDB];
	_ =	sdelay $0x1  }
0x99: {  	s19 =	simm.s32 $_scs_section_size  }
0x9a: {  	s4 =	simm.s32 $_size__tile_overlayer_lowered;
	s5 =	simm.s32 $_tile_overlayer_lowered  }
0x9b: {  	s22 =	simm.s32 $0x1BFF;
	s21 =	sshll.u32 s5, $0x1;
	s2 =	sadd.s32 s19, s18  }
0x9c: {  	s6 =	simm.s32 $0x0;
	s20 =	sshll.u32 s4, $0x1;
	s4 =	sadd.s32 s21, s2  }
0x9d: {  	[timem:s6], [sflag:s22] =	dma.local [hbm:s4], s20  }
0x9e: {  	_ =	swait.ge [sflag:s22], s20  }
0x9f: {  	s3 =	ssub.s32 $0x0, s20;
	[sflag:s22] =	ssyncset.done $0x0  }
0xa0: {  	[sflag:s22] =	ssyncadd.s32 s3;
	_ =	sdelay $0x1  }
0xa1: {  	s23 =	simm.s32 $0x1B8B  }
0xa2: {  	_ =	swait.ge [sflag:s23], $0x1  }
0xa3: {  	[sflag:s23] =	ssyncset.done $0x0  }
0xa4: {  	s25 =	simm.s32 $0x1B8E;
	s24 =	sld [smem:$0x3FFE];
	[sflag:s23] =	ssyncadd.s32 $0xFFFFFFFF  }
0xa5: {  	s26 =	simm.s32 $execute0_lowered;
	[smem:$0x3FD2] =	sst s25  }
0xa6: {  	s4 =	sshll.u32 s26, $0x1;
	_ =	strace $0x8000004C;
	[dreg:$0x1] =	wrdreg $0xFFFFFFFF  }
0xa7: {  	s28 =	simm.s32 $_size_execute0_lowered;
	s2 =	sadd.s32 s2, s4;
	[dreg:$0x0] =	wrdreg $0x0  }
0xa8: {  	s4 =	sshll.u32 s28, $0x1;
	[dreg:$0x2] =	wrdreg s2  }
0xa9: {  	[dreg:$0x3] =	wrdreg s4  }
0xaa: {  	[dreg:$0x4] =	wrdreg $0xC0  }
0xab: {  	_ =	task [dreg:s6], $0x5FFFF  }
0xac: {  	[dreg:$0x1] =	wrdreg $0xFFFFFFFF  }
0xad: {  	[dreg:$0x0] =	wrdreg $0x60  }
0xae: {  	[dreg:$0x2] =	wrdreg s24  }
0xaf: {  	[dreg:$0x3] =	wrdreg $0x120000  }
0xb0: {  	[dreg:$0x4] =	wrdreg $0xD0000  }
0xb1: {  	[dreg:$0x5] =	wrdreg $0x9  }
0xb2: {  	_ =	task.clear_ibuf [dreg:s6], $0x6FFFF;
	_ =	strace $0x9000004C  }
0xb3: {  	s29 =	simm.s32 $0x9;
	_ =	strace $0x8000004E  }
0xb4: {  	_ =	swait.ge [sflag:s29], $0x1  }
0xb5: {  	[sflag:s29] =	ssyncadd.s32 $0xFFFFFFFF  }
0xb6: {  	_ =	strace $0x9000004E  }
0xb7: {  	_ =	sfence  }
0xb8: {  	s30 =	sld [smem:$0x0];
	_ =	sdelay $0x2  }
0xb9: {  	s31 =	sshll.u32 s1, $0xD;
	s1 =	sshrl.u32 s1, $0x2  }
0xba: {  	s3 =	sand.u32 $0x4000, s31;
	s1 =	sadd.s32 s1, s30  }
0xbb: {  	s0 =	sor.u32 s3, s0;
	s1 =	sshll.u32 s1, $0x11  }
0xbc: {  	s0 =	sor.u32 s1, s0  }
0xbd: {  	s0 =	sadd.s32 $0x8F2B, s0  }
0xbe: {  	[sflag:s0] =	ssyncadd.remote.s32 $0x1  }
0xbf: {  	_ =	sfence.sel $0xFFFF  }
0xc0: {  	[dreg:$0x0] =	wrdreg $0xFFFFFFFF;
	(pc) =	sbr.abs _section_cstart, $3  }
0xc1: {  	[dreg:$0x1] =	wrdreg $0xFFFFFFFF  }
0xc2: {  	_ =	task.clear_ibuf [dreg:s6], $0x2FFFF;
	_ =	strace $0x9FFFFFFF  }
0xc3: {  	(tm) =	ssettm $0x7FFFFFFF  }
tec
execute0_lowered:
.L_overlay_start_1:
0x0: {  	(tag) =	ssettag $0x1  }
0x1: {  	s0 =	srdreg.scid;
	s1 =	rddreg [dreg:$0x0]  }
0x2: {  	s2 =	rddreg [dreg:$0x1];
	s13 =	stileid.u32  }
0x3: {  	s3 =	rddreg [dreg:$0x2];
	s20 =	simm.s32 $0x0;
	s18 =	simm.s32 $0x80  }
0x4: {  	s19 =	simm.s32 $0x5000;
	s29 =	simm.s32 $0xA000;
	s30 =	simm.s32 $0x1  }
0x5: {  	s31 =	simm.s32 $0xB000;
	s17 =	simm.s32 $0x0;
	s0 =	sand.u32 $0x1, s0  }
0x6: {  	s9 =	smul.u32 $0x5000, s13;
	[smem:$0x7FF] =	sst s20;
	s21 =	sadd.s32 $0x17400, s1  }
0x7: {  	s22 =	sadd.s32 $0xCA00, s1;
	s23 =	sshll.u32 s13, $0x6;
	s20 =	simm.s32 $0x6000  }
0x8: {  	s4 =	sshll.u32 s0, $0x4;
	_ =	strace $0x8000004D;
	[dreg:$0x4] =	wrdreg s21  }
0x9: {  	s7 =	smul.u32 $0x50000, s0;
	s0 =	ssub.s32 $0x2, s0;
	[dreg:$0x5] =	wrdreg s22  }
0xa: {  	s22 =	simm.s32 $0x7000;
	s14 =	sor.u32 s13, s4;
	s6 =	sshrl.u32 s9, $0x3  }
0xb: {  	s10 =	sshrl.u32 s0, $0x1;
	s15 =	sadd.s32 s9, s2;
	s16 =	sadd.s32 s9, s3  }
0xc: {  	s5 =	smul.u32 $0x500, s14;
	s8 =	sadd.s32 s6, s1;
	s7 =	sadd.s32 s9, s7  }
0xd: {  	s0 =	ssub.s32 s0, s10;
	p0 =	seq.s32 s14, $0x1F;
	s14 =	sshrl.u32 s15, $0x3  }
0xe: {  	s15 =	simm.s32 $0x3;
	s16 =	sshrl.u32 s16, $0x3;
	s7 =	sshrl.u32 s7, $0x3  }
0xf: {  	s24 =	sadd.s32 $0xD400, s8;
	s11 =	sadd.s32 s5, s1;
	s12 =	sadd.s32 s7, s1  }
.Ltmp0:
0x10: {  	[dreg:$0x6] =	wrdreg s24;
	s1 =	sadd.s32 $0x2B100, s1;
	(pc) =	sbr.rel .LBB2_1-.Ltmp0, $4  }
0x11: {  	s8 =	sor.u32 $0x1C03, s23;
	s25 =	sadd.s32 $0x21600, s11;
	[dreg:$0x8] =	wrdreg s1  }
0x12: {  	s13 =	smax.u32 s0, $0x1;
	s26 =	sadd.s32 $0x2A00, s11;
	[dreg:$0x7] =	wrdreg s25  }
0x13: {  	s0 =	simm.s32 $0x2;
	s28 =	sadd.s32 $0x35000, s12;
	[dreg:$0x9] =	wrdreg s26  }
0x14: {  	s1 =	simm.s32 $0xC000;
	[dreg:$0xa] =	wrdreg s28;
	s26 =	simm.s32 $0x9000  }
.LBB2_4:
0x15: {  	_ =	swait.ge [sflag:s30], $0x1000  }
0x16: {  	[sflag:s30] =	ssyncset.done $0x0  }
0x17: {  	[sflag:s30] =	ssyncadd.s32 $0xFFFFF000  }
0x18: {  	[spmem:s3] =	stream.indirect.scatter.add.f32 [tilespmem:s1], [sflag:$0x2], $0x20, s24, s18, $0xb8;
	[tilespmem:$0x17000] =	vst v63  }
0x19: {  	_ =	swait.ge [sflag:s0], $0x1000  }
0x1a: {  	[sflag:s0] =	ssyncset.done $0x0  }
0x1b: {  	[sflag:s0] =	ssyncadd.s32 $0xFFFFF000  }
0x1c: {  	_ =	swait.ge [sflag:s0], $0x1000  }
0x1d: {  	[sflag:s0] =	ssyncset.done $0x0  }
0x1e: {  	[sflag:s0] =	ssyncadd.s32 $0xFFFFF000  }
0x1f: {  	_ =	swait.ge [sflag:s0], $0x1000  }
0x20: {  	[sflag:s0] =	ssyncset.done $0x0  }
0x21: {  	s17 =	sadd.s32 $0x1, s17;
	[sflag:s0] =	ssyncadd.s32 $0xFFFFF000  }
0x22: {  	p1 =	sne.s32 s17, s13;
	[bflag:$0x0] =	sbarrier.arrive $0xFFFF  }
.Ltmp1:
0x23: {  	s4 =	rddreg [dreg:$0xa];
	(pc) =	sbr.rel @!p1 .LBB2_5-.Ltmp1, $4  }
0x24: {  	[hbm:s4], [sflag:s8] =	dma.local [spmem:s16], $0xA00  }
0x25: {  	_ =	swait.ge [sflag:s15], $0xA00  }
0x26: {  	[sflag:s15] =	ssyncset.done $0x0  }
0x27: {  	[sflag:s15] =	ssyncadd.s32 $0xFFFFF600  }
.LBB2_1:
0x28: {  	s4 =	rddreg [dreg:$0x6]  }
0x29: {  	[spmem:s14], [sflag:s8] =	dma.local [hbm:s4], $0xA00  }
0x2a: {  	_ =	swait.ge [sflag:s15], $0xA00  }
0x2b: {  	[sflag:s15] =	ssyncset.done $0x0  }
0x2c: {  	s11 =	rddreg [dreg:$0x5];
	[sflag:s15] =	ssyncadd.s32 $0xFFFFF600  }
0x2d: {  	[spmem:s16], [sflag:s8] =	dma.local [hbm:s11], $0xA00  }
0x2e: {  	_ =	swait.ge [sflag:s15], $0xA00  }
0x2f: {  	s21 =	simm.s32 @p0 $0x0;
	[sflag:s15] =	ssyncset.done $0x0  }
0x30: {  	s23 =	simm.s32 @p0 $0x3;
	s4 =	rddreg [dreg:$0x8];
	[sflag:s15] =	ssyncadd.s32 $0xFFFFF600  }
0x31: {  	[tilespmem:s21], [sflag:$0x3] =	stream.linear.gather @p0 [hbm4b:s4+s21], $0xA00, $0x38;
	[tilespmem:$0x17000] =	vst v63  }
0x32: {  	_ =	swait.ge @p0 [sflag:s23], $0xA00  }
0x33: {  	[sflag:s23] =	ssyncset.done @p0 $0x0  }
0x34: {  	s24 =	simm.s32 @p0 $0xA00;
	s4 =	rddreg [dreg:$0x4];
	[sflag:s23] =	ssyncadd.s32 @p0 $0xFFFFF600  }
0x35: {  	[tilespmem:s24], [sflag:$0x3] =	stream.linear.gather @p0 [hbm4b:s4+s21], $0x1E00, $0x38;
	[tilespmem:$0x17000] =	vst v63  }
0x36: {  	_ =	swait.ge @p0 [sflag:s23], $0x1E00  }
0x37: {  	[sflag:s23] =	ssyncset.done @p0 $0x0  }
0x38: {  	s21 =	simm.s32 @!p0 $0x0;
	s4 =	rddreg [dreg:$0x7];
	[sflag:s23] =	ssyncadd.s32 @p0 $0xFFFFE200  }
0x39: {  	[tilespmem:s21], [sflag:$0x3] =	stream.linear.gather @!p0 [hbm4b:s4+s21], $0x2800, $0x38;
	[tilespmem:$0x17000] =	vst v63  }
0x3a: {  	s21 =	simm.s32 @!p0 $0x3  }
0x3b: {  	_ =	swait.ge @!p0 [sflag:s21], $0x2800  }
0x3c: {  	s12 =	simm.s32 $0x0;
	[sflag:s21] =	ssyncset.done @!p0 $0x0  }
0x3d: {  	s6 =	simm.s32 $0x2800;
	s5 =	rddreg [dreg:$0x9];
	[sflag:s21] =	ssyncadd.s32 @!p0 $0xFFFFD800  }
0x3e: {  	[tilespmem:s6], [sflag:$0x3] =	stream.linear.gather [hbm4b:s5+s12], $0x2800, $0x38;
	[tilespmem:$0x17000] =	vst v63  }
0x3f: {  	_ =	swait.ge [sflag:s15], $0x2800  }
0x40: {  	[sflag:s15] =	ssyncset.done $0x0  }
0x41: {  	[sflag:s15] =	ssyncadd.s32 $0xFFFFD800  }
0x42: {  	[bflag:$0x0] =	sbarrier.arrive $0xFFFF  }
0x43: {  	[tilespmem:s19], [sflag:$0x1] =	stream.indirect.gather [spmem:s2], $0x20, s12, s18, $0xb8;
	[tilespmem:$0x17000] =	vst v63  }
0x44: {  	_ = 	snop  }
0x45: {  	[tilespmem:s20], [sflag:$0x1] =	stream.indirect.gather [spmem:s2], $0x20, s18, s18, $0xb8;
	[tilespmem:$0x17000] =	vst v63  }
0x46: {  	s21 =	simm.s32 $0x100  }
0x47: {  	[tilespmem:s22], [sflag:$0x1] =	stream.indirect.gather [spmem:s2], $0x20, s21, s18, $0xb8;
	[tilespmem:$0x17000] =	vst v63  }
0x48: {  	s24 =	simm.s32 $0x8000;
	s23 =	simm.s32 $0x180  }
0x49: {  	[tilespmem:s24], [sflag:$0x1] =	stream.indirect.gather [spmem:s2], $0x20, s23, s18, $0xb8;
	[tilespmem:$0x17000] =	vst v63  }
0x4a: {  	s25 =	simm.s32 $0x200  }
0x4b: {  	[tilespmem:s26], [sflag:$0x1] =	stream.indirect.gather [spmem:s2], $0x20, s25, s18, $0xb8;
	[tilespmem:$0x17000] =	vst v63  }
0x4c: {  	s28 =	simm.s32 $0x280;
	s21 =	simm.s32 $0x0  }
0x4d: {  	[tilespmem:s29], [sflag:$0x1] =	stream.indirect.gather [spmem:s2], $0x20, s28, s18, $0xb8;
	[tilespmem:$0x17000] =	vst v63  }
.LBB2_2:
0x4e: {  	_ =	swait.ge [sflag:s30], $0x1000  }
0x4f: {  	s23 =	sshra.s32 s21, $0x2;
	[sflag:s30] =	ssyncset.done $0x0  }
0x50: {  	p1 =	seq.s32 s21, $0x0;
	s24 =	sadd.s32 $0x2800, s23;
	[sflag:s30] =	ssyncadd.s32 $0xFFFFF000  }
0x51: {  	[spmem:s3] =	stream.indirect.scatter.add.f32 [tilespmem:s19], [sflag:$0x2], $0x20, s24, s18, $0xb8;
	[tilespmem:$0x17000] =	vst v63  }
0x52: {  	s24 =	simm.s32 @!p1 $0x2  }
0x53: {  	_ =	swait.ge @!p1 [sflag:s24], $0x1000  }
0x54: {  	[sflag:s24] =	ssyncset.done @!p1 $0x0  }
0x55: {  	s25 =	sadd.s32 $0x300, s23;
	[sflag:s24] =	ssyncadd.s32 @!p1 $0xFFFFF000  }
0x56: {  	[tilespmem:s31], [sflag:$0x1] =	stream.indirect.gather [spmem:s2], $0x20, s25, s18, $0xb8;
	[tilespmem:$0x17000] =	vst v63  }
0x57: {  	_ =	swait.ge [sflag:s30], $0x1000  }
0x58: {  	[sflag:s30] =	ssyncset.done $0x0  }
0x59: {  	s9 =	sadd.s32 $0x2880, s23;
	[sflag:s30] =	ssyncadd.s32 $0xFFFFF000  }
0x5a: {  	[spmem:s3] =	stream.indirect.scatter.add.f32 [tilespmem:s20], [sflag:$0x2], $0x20, s9, s18, $0xb8;
	[tilespmem:$0x17000] =	vst v63  }
0x5b: {  	_ =	swait.ge @!p1 [sflag:s24], $0x1000  }
0x5c: {  	[sflag:s24] =	ssyncset.done @!p1 $0x0  }
0x5d: {  	s10 =	sadd.s32 $0x380, s23;
	[sflag:s24] =	ssyncadd.s32 @!p1 $0xFFFFF000  }
0x5e: {  	[tilespmem:s1], [sflag:$0x1] =	stream.indirect.gather [spmem:s2], $0x20, s10, s18, $0xb8;
	[tilespmem:$0x17000] =	vst v63  }
0x5f: {  	_ =	swait.ge [sflag:s30], $0x1000  }
0x60: {  	[sflag:s30] =	ssyncset.done $0x0  }
0x61: {  	s11 =	sadd.s32 $0x2900, s23;
	[sflag:s30] =	ssyncadd.s32 $0xFFFFF000  }
0x62: {  	[spmem:s3] =	stream.indirect.scatter.add.f32 [tilespmem:s22], [sflag:$0x2], $0x20, s11, s18, $0xb8;
	[tilespmem:$0x17000] =	vst v63  }
0x63: {  	_ =	swait.ge [sflag:s0], $0x1000  }
0x64: {  	p1 =	seq.s32 s21, $0x9000;
	[sflag:s0] =	ssyncset.done $0x0  }
0x65: {  	s24 =	simm.s32 @p1 $0x1;
	[sflag:s0] =	ssyncadd.s32 $0xFFFFF000  }
0x66: {  	_ =	swait.ge @p1 [sflag:s24], $0x1000  }
0x67: {  	s25 =	sshra.s32 @p1 s21, $0x2;
	s4 =	simm.s32 @p1 $0x80;
	[sflag:s24] =	ssyncset.done @p1 $0x0  }
0x68: {  	s5 =	simm.s32 @p1 $0x8000;
	s28 =	sadd.s32 @p1 $0x2980, s25;
	[sflag:s24] =	ssyncadd.s32 @p1 $0xFFFFF000  }
0x69: {  	[spmem:s3] =	stream.indirect.scatter.add.f32 @p1 [tilespmem:s5], [sflag:$0x2], $0x20, s28, s4, $0xb8;
	[tilespmem:$0x17000] =	vst v63  }
0x6a: {  	s5 =	simm.s32 @p1 $0x2  }
0x6b: {  	_ =	swait.ge @p1 [sflag:s5], $0x1000  }
0x6c: {  	s7 =	simm.s32 @!p1 $0x80;
	s28 =	sshra.s32 @!p1 s21, $0x2;
	[sflag:s5] =	ssyncset.done @p1 $0x0  }
0x6d: {  	s9 =	simm.s32 @!p1 $0x5000;
	s6 =	sadd.s32 @!p1 $0x400, s28;
	[sflag:s5] =	ssyncadd.s32 @p1 $0xFFFFF000  }
0x6e: {  	[tilespmem:s9], [sflag:$0x1] =	stream.indirect.gather @!p1 [spmem:s2], $0x20, s6, s7, $0xb8;
	[tilespmem:$0x17000] =	vst v63  }
0x6f: {  	s6 =	simm.s32 @!p1 $0x1  }
0x70: {  	_ =	swait.ge @!p1 [sflag:s6], $0x1000  }
0x71: {  	[sflag:s6] =	ssyncset.done @!p1 $0x0  }
0x72: {  	s10 =	simm.s32 @!p1 $0x8000;
	s9 =	sadd.s32 @!p1 $0x2980, s28;
	[sflag:s6] =	ssyncadd.s32 @!p1 $0xFFFFF000  }
0x73: {  	[spmem:s3] =	stream.indirect.scatter.add.f32 @!p1 [tilespmem:s10], [sflag:$0x2], $0x20, s9, s7, $0xb8;
	[tilespmem:$0x17000] =	vst v63  }
0x74: {  	s9 =	simm.s32 @!p1 $0x2  }
0x75: {  	_ =	swait.ge @!p1 [sflag:s9], $0x1000  }
0x76: {  	[sflag:s9] =	ssyncset.done @!p1 $0x0  }
0x77: {  	s12 =	simm.s32 @!p1 $0x6000;
	s11 =	sadd.s32 @!p1 $0x480, s28;
	[sflag:s9] =	ssyncadd.s32 @!p1 $0xFFFFF000  }
0x78: {  	[tilespmem:s12], [sflag:$0x1] =	stream.indirect.gather @!p1 [spmem:s2], $0x20, s11, s7, $0xb8;
	[tilespmem:$0x17000] =	vst v63  }
0x79: {  	_ =	swait.ge [sflag:s30], $0x1000  }
0x7a: {  	[sflag:s30] =	ssyncset.done $0x0  }
0x7b: {  	s12 =	sadd.s32 $0x2A00, s23;
	[sflag:s30] =	ssyncadd.s32 $0xFFFFF000  }
0x7c: {  	[spmem:s3] =	stream.indirect.scatter.add.f32 [tilespmem:s26], [sflag:$0x2], $0x20, s12, s18, $0xb8;
	[tilespmem:$0x17000] =	vst v63  }
0x7d: {  	_ =	swait.ge [sflag:s0], $0x1000  }
0x7e: {  	[sflag:s0] =	ssyncset.done $0x0  }
0x7f: {  	[sflag:s0] =	ssyncadd.s32 $0xFFFFF000  }
0x80: {  	_ =	swait.ge @p1 [sflag:s24], $0x1000  }
0x81: {  	[sflag:s24] =	ssyncset.done @p1 $0x0  }
0x82: {  	s11 =	sadd.s32 @p1 $0x2A80, s25;
	s12 =	simm.s32 @p1 $0xA000;
	[sflag:s24] =	ssyncadd.s32 @p1 $0xFFFFF000  }
0x83: {  	[spmem:s3] =	stream.indirect.scatter.add.f32 @p1 [tilespmem:s12], [sflag:$0x2], $0x20, s11, s4, $0xb8;
	[tilespmem:$0x17000] =	vst v63  }
0x84: {  	_ =	swait.ge @p1 [sflag:s5], $0x1000  }
0x85: {  	[sflag:s5] =	ssyncset.done @p1 $0x0  }
0x86: {  	s4 =	sadd.s32 @!p1 $0x500, s28;
	[sflag:s5] =	ssyncadd.s32 @p1 $0xFFFFF000;
	s5 =	simm.s32 @!p1 $0x7000  }
0x87: {  	[tilespmem:s5], [sflag:$0x1] =	stream.indirect.gather @!p1 [spmem:s2], $0x20, s4, s7, $0xb8;
	[tilespmem:$0x17000] =	vst v63  }
0x88: {  	_ =	swait.ge @!p1 [sflag:s6], $0x1000  }
0x89: {  	[sflag:s6] =	ssyncset.done @!p1 $0x0  }
0x8a: {  	s4 =	sadd.s32 @!p1 $0x2A80, s28;
	s5 =	simm.s32 @!p1 $0xA000;
	[sflag:s6] =	ssyncadd.s32 @!p1 $0xFFFFF000  }
0x8b: {  	[spmem:s3] =	stream.indirect.scatter.add.f32 @!p1 [tilespmem:s5], [sflag:$0x2], $0x20, s4, s7, $0xb8;
	[tilespmem:$0x17000] =	vst v63  }
0x8c: {  	_ =	swait.ge @!p1 [sflag:s9], $0x1000  }
0x8d: {  	[sflag:s9] =	ssyncset.done @!p1 $0x0  }
0x8e: {  	s4 =	sadd.s32 @!p1 $0x580, s28;
	[sflag:s9] =	ssyncadd.s32 @!p1 $0xFFFFF000  }
0x8f: {  	[tilespmem:s10], [sflag:$0x1] =	stream.indirect.gather @!p1 [spmem:s2], $0x20, s4, s7, $0xb8;
	[tilespmem:$0x17000] =	vst v63  }
0x90: {  	_ =	swait.ge [sflag:s30], $0x1000  }
0x91: {  	[sflag:s30] =	ssyncset.done $0x0  }
.Ltmp2:
0x92: {  	s28 =	sadd.s32 $0x2B00, s23;
	[sflag:s30] =	ssyncadd.s32 $0xFFFFF000;
	(pc) =	sbr.rel @p1 .LBB2_4-.Ltmp2, $4  }
0x93: {  	[spmem:s3] =	stream.indirect.scatter.add.f32 [tilespmem:s31], [sflag:$0x2], $0x20, s28, s18, $0xb8;
	[tilespmem:$0x17000] =	vst v63  }
0x94: {  	_ =	swait.ge [sflag:s0], $0x1000  }
0x95: {  	[sflag:s0] =	ssyncset.done $0x0  }
0x96: {  	s24 =	sadd.s32 $0x2B80, s23;
	[sflag:s0] =	ssyncadd.s32 $0xFFFFF000  }
0x97: {  	s4 =	sadd.s32 $0x600, s23  }
0x98: {  	[tilespmem:s26], [sflag:$0x1] =	stream.indirect.gather [spmem:s2], $0x20, s4, s18, $0xb8;
	[tilespmem:$0x17000] =	vst v63  }
0x99: {  	_ =	swait.ge [sflag:s30], $0x1000  }
0x9a: {  	[sflag:s30] =	ssyncset.done $0x0  }
0x9b: {  	[sflag:s30] =	ssyncadd.s32 $0xFFFFF000  }
0x9c: {  	[spmem:s3] =	stream.indirect.scatter.add.f32 [tilespmem:s1], [sflag:$0x2], $0x20, s24, s18, $0xb8;
	[tilespmem:$0x17000] =	vst v63  }
.Ltmp3:
0x9d: {  	_ = 	snop;
	(pc) =	sbr.rel .LBB2_2-.Ltmp3, $4  }
0x9e: {  	_ =	swait.ge [sflag:s0], $0x1000  }
0x9f: {  	[sflag:s0] =	ssyncset.done $0x0  }
0xa0: {  	s28 =	sadd.s32 $0x680, s23;
	s21 =	sadd.s32 $0x1000, s21;
	[sflag:s0] =	ssyncadd.s32 $0xFFFFF000  }
0xa1: {  	[tilespmem:s29], [sflag:$0x1] =	stream.indirect.gather [spmem:s2], $0x20, s28, s18, $0xb8;
	[tilespmem:$0x17000] =	vst v63  }
.LBB2_5:
0xa2: {  	_ =	sfence.sel $0x180000  }
0xa3: {  	[bflag:$0x0] =	sbarrier.arrive $0xFFFF  }
0xa4: {  	_ =	strace $0x9000004D  }
0xa5: {  	s0 =	stileid.u32;
	[bflag:$0x2] =	sbarrier.arrive $0xFFFF  }
0xa6: {  	p0 =	sne.s32 s0, $0x0;
	s0 =	rddreg [dreg:$0x3]  }
0xa7: {  	s0 =	sadd.s32 @!p0 $0x100000, s0  }
0xa8: {  	[sflag:s0] =	ssyncadd.tile.s32 @!p0 $0x1;
	_ =	shalt  }
.Lfunc_end2:
_tile_overlayer_lowered:
.L_overlay_start_2:
0xa9: {  	(tag) =	ssettag $0x2  }
0xaa: {  	s0 =	rddreg [dreg:$0x0];
	s2 =	stileid.u32  }
0xab: {  	s1 =	rddreg [dreg:$0x1];
	p0 =	sne.s32 s2, $0x0  }
0xac: {  	s3 =	rddreg [dreg:$0x2];
	[bflag:$0x3] =	sbarrier.arrive $0xFFFF;
	s2 =	simm.s32 @!p0 $0x1C03  }
0xad: {  	[timem:s3], [sflag:s2] =	dma.local @!p0 [hbm:s0], s1  }
0xae: {  	s0 =	simm.s32 @!p0 $0x3  }
0xaf: {  	_ =	swait.ge @!p0 [sflag:s0], s1  }
0xb0: {  	s1 =	ssub.s32 @!p0 $0x0, s1;
	[sflag:s0] =	ssyncset.done @!p0 $0x0  }
0xb1: {  	[sflag:s0] =	ssyncadd.s32 @!p0 s1  }
0xb2: {  	[bflag:$0x3] =	sbarrier.arrive $0xFFFF  }
0xb3: {  	_ =	shalt  }

// kernel: kernel.20.cloned.1.call-start
scs
__scs_entry_jumppad:
0x0: {  	(pc) =	sbr.rel $0x88, $3  }
0x1: {  	(tag) =	ssettag $0x0;
	lr =	simm.s32 $0x1  }
0x2: {  	[smem:$0x3F96] =	sst lr;
	_ =	strace $0xD0000000  }
0x3: {  	_ = 	snop  }
0x4: {  	_ = 	snop  }
0x5: {  	_ = 	snop  }
0x6: {  	_ = 	snop  }
0x7: {  	_ = 	snop  }
__scs_overlays_trampoline_lowered:
0x8: {  	[smem:$0x3FA5] =	sst s0  }
0x9: {  	[smem:$0x3FA6] =	sst s1  }
0xa: {  	[smem:$0x3FA7] =	sst s2  }
0xb: {  	[smem:$0x3FA8] =	sst s3  }
0xc: {  	[smem:$0x3FA9] =	sst s4  }
0xd: {  	[smem:$0x3FAA] =	sst s5  }
0xe: {  	[smem:$0x3FAB] =	sst s6  }
0xf: {  	[smem:$0x3FAC] =	sst s7  }
0x10: {  	[smem:$0x3FAD] =	sst s8  }
0x11: {  	[smem:$0x3FAE] =	sst s9;
	s0 =	simm.s32 @!p0 $0x0  }
0x12: {  	s1 =	sld [smem:$0x3F94];
	s0 =	simm.s32 @p0 $0x1  }
0x13: {  	[smem:$0x3FAF] =	sst s0;
	s0 =	simm.s32 @!p1 $0x0  }
0x14: {  	s2 =	sld [smem:$0x3F93];
	s0 =	simm.s32 @p1 $0x1  }
0x15: {  	[smem:$0x3FB0] =	sst s0;
	s0 =	simm.s32 @!p2 $0x0  }
0x16: {  	s3 =	sld [smem:$0x3FDB];
	s0 =	simm.s32 @p2 $0x1  }
0x17: {  	s4 =	simm.s32 $0x1BF5;
	[smem:$0x3FB2] =	sst s0  }
0x18: {  	s0 =	sld [smem:$0x3F95];
	_ =	swait.ge [sflag:s4], $0x0  }
0x19: {  	s7 =	sld [smem:$0x3F96]  }
0x1a: {  	s8 =	sadd.s32 $0xFFFFE003, lr  }
0x1b: {  	s9 =	sadd.s32 $0xFFFFFEF7, lr;
	s5 =	simm.s32 $0xFFFFFFFF;
	p2 =	slt.u32 s8, $0xFFFFF086  }
0x1c: {  	p1 =	slt.u32 s9, $0xF7A;
	s5 =	simm.s32 @!p2 $0x0  }
0x1d: {  	s5 =	simm.s32 @p1 $0x1;
	p0 =	seq.s32 s7, s2  }
0x1e: {  	s7 =	smul.u32 @!p0 $0xF7A, s2;
	p2 =	seq.s32 @!p0 s5, $0x0  }
0x1f: {  	s9 =	smul.u32 $0xF7A, s1;
	s8 =	simm.s32 @!p0 $0x1BF5;
	p2 =	por !p2, p0  }
0x20: {  	[sflag:s8] =	ssyncset.s32 @!p0 $0xFFFFF086;
	s6 =	sadd.s32 @!p0 s3, s7;
	s7 =	simm.s32 @!p0 $0x108  }
0x21: {  	s3 =	sadd.s32 s3, s9;
	s6 =	sadd.s32 @!p0 $0x88, s6;
	s7 =	simm.s32 @p2 $0x1082  }
0x22: {  	[simem:s7], [sflag:s8] =	dma.local @!p0 [hbm:s6], $0xF7A  }
0x23: {  	s9 =	sor.u32 $0xD0000000, s2;
	s6 =	simm.s32 $0x108;
	_ =	swait.ge @!p0 [sflag:s8], $0x0  }
0x24: {  	s3 =	sadd.s32 $0x88, s3;
	s6 =	simm.s32 @!p1 $0x1082;
	[sflag:s4] =	ssyncset.s32 $0xFFFFF086  }
0x25: {  	[simem:s6], [sflag:s4] =	dma.local [hbm:s3], $0xF7A  }
0x26: {  	[smem:$0x3F96] =	sst s1;
	(tag) =	ssettag s2;
	_ =	strace s9  }
0x27: {  	s1 =	sld [smem:$0x3FA6]  }
0x28: {  	s2 =	sld [smem:$0x3FA7]  }
0x29: {  	s4 =	sld [smem:$0x3FA9]  }
0x2a: {  	p0 =	seq.s32 s5, $0x0;
	s5 =	sld [smem:$0x3FAA]  }
0x2b: {  	s6 =	sld [smem:$0x3FAB]  }
0x2c: {  	s7 =	sld [smem:$0x3FAC]  }
0x2d: {  	s3 =	simm.s32 $0x108;
	s8 =	sld [smem:$0x3FAD]  }
0x2e: {  	s3 =	simm.s32 @!p0 $0x1082;
	s9 =	sld [smem:$0x3FAE]  }
0x2f: {  	lr =	sadd.s32 s0, s3;
	s0 =	sld [smem:$0x3FA5]  }
0x30: {  	s3 =	sld [smem:$0x3FA8]  }
0x31: {  	[smem:$0x3FB1] =	sst s10  }
0x32: {  	s10 =	sld [smem:$0x3FAF];
	_ =	sdelay $0x3  }
0x33: {  	p0 =	seq.s32 s10, $0x1;
	s10 =	sld [smem:$0x3FB1];
	_ =	sdelay $0x3  }
0x34: {  	[smem:$0x3FB1] =	sst s10  }
0x35: {  	s10 =	sld [smem:$0x3FB0];
	_ =	sdelay $0x3  }
0x36: {  	p1 =	seq.s32 s10, $0x1;
	s10 =	sld [smem:$0x3FB1];
	_ =	sdelay $0x3  }
0x37: {  	[smem:$0x3FB1] =	sst s10  }
0x38: {  	s10 =	sld [smem:$0x3FB2]  }
0x39: {  	_ = 	snop;
	(pc) =	sbr.ind lr, $3  }
0x3a: {  	_ = 	snop  }
0x3b: {  	_ = 	snop  }
0x3c: {  	p2 =	seq.s32 s10, $0x1;
	s10 =	sld [smem:$0x3FB1]  }
0x3d: {  	_ =	shalt  }
0x3e: {  	_ =	shalt  }
0x3f: {  	_ =	shalt  }
0x40: {  	_ =	shalt  }
0x41: {  	_ =	shalt  }
0x42: {  	_ =	shalt  }
0x43: {  	_ =	shalt  }
0x44: {  	_ =	shalt  }
0x45: {  	_ =	shalt  }
0x46: {  	_ =	shalt  }
0x47: {  	_ =	shalt  }
0x48: {  	_ =	shalt  }
0x49: {  	_ =	shalt  }
0x4a: {  	_ =	shalt  }
0x4b: {  	_ =	shalt  }
0x4c: {  	_ =	shalt  }
0x4d: {  	_ =	shalt  }
0x4e: {  	_ =	shalt  }
0x4f: {  	_ =	shalt  }
0x50: {  	_ =	shalt  }
0x51: {  	_ =	shalt  }
0x52: {  	_ =	shalt  }
0x53: {  	_ =	shalt  }
0x54: {  	_ =	shalt  }
0x55: {  	_ =	shalt  }
0x56: {  	_ =	shalt  }
0x57: {  	_ =	shalt  }
0x58: {  	_ =	shalt  }
0x59: {  	_ =	shalt  }
0x5a: {  	_ =	shalt  }
0x5b: {  	_ =	shalt  }
0x5c: {  	_ =	shalt  }
0x5d: {  	_ =	shalt  }
0x5e: {  	_ =	shalt  }
0x5f: {  	_ =	shalt  }
0x60: {  	_ =	shalt  }
0x61: {  	_ =	shalt  }
0x62: {  	_ =	shalt  }
0x63: {  	_ =	shalt  }
0x64: {  	_ =	shalt  }
0x65: {  	_ =	shalt  }
0x66: {  	_ =	shalt  }
0x67: {  	_ =	shalt  }
0x68: {  	_ =	shalt  }
0x69: {  	_ =	shalt  }
0x6a: {  	_ =	shalt  }
0x6b: {  	_ =	shalt  }
0x6c: {  	_ =	shalt  }
0x6d: {  	_ =	shalt  }
0x6e: {  	_ =	shalt  }
0x6f: {  	_ =	shalt  }
0x70: {  	_ =	shalt  }
0x71: {  	_ =	shalt  }
0x72: {  	_ =	shalt  }
0x73: {  	_ =	shalt  }
0x74: {  	_ =	shalt  }
0x75: {  	_ =	shalt  }
0x76: {  	_ =	shalt  }
0x77: {  	_ =	shalt  }
0x78: {  	_ =	shalt  }
0x79: {  	_ =	shalt  }
0x7a: {  	_ =	shalt  }
0x7b: {  	_ =	shalt  }
0x7c: {  	_ =	shalt  }
0x7d: {  	_ =	shalt  }
0x7e: {  	_ =	shalt  }
0x7f: {  	_ =	shalt  }
0x80: {  	_ =	shalt  }
0x81: {  	_ =	shalt  }
0x82: {  	_ =	shalt  }
0x83: {  	_ =	shalt  }
0x84: {  	_ =	shalt  }
0x85: {  	_ =	shalt  }
0x86: {  	_ =	shalt  }
0x87: {  	_ =	shalt  }
.Lfunc_end0:
.L_simem_size_0:
called_computation.3_lowered:
.L_overlay_start_0:
0x88: {  	s2 =	sld [smem:$0x3FD9]  }
0x89: {  	s3 =	sld [smem:$0x3FFE];
	_ =	sdelay $0x1  }
0x8a: {  	s1 =	srdreg.scid  }
0x8b: {  	s0 =	sand.u32 $0x1, s1  }
0x8c: {  	s16 =	sshll.u32 s0, $0xA;
	s2 =	sadd.s32 s3, s2  }
0x8d: {  	s2 =	sadd.s32 s2, s16  }
0x8e: {  	[smem:$0x3FBD] =	sst s2  }
0x8f: {  	_ = 	snop  }
0x90: {  	(tm) =	ssettm $0x1  }
0x91: {  	s17 =	sld [smem:$0x3FFB];
	_ =	sdelay $0x3  }
0x92: {  	_ =	strace s17  }
0x93: {  	s2 =	sld [smem:$0x3FFC];
	_ =	sdelay $0x3  }
0x94: {  	_ =	strace s2  }
0x95: {  	s2 =	sld [smem:$0x3FFD];
	_ =	sdelay $0x3  }
0x96: {  	_ =	strace s2  }
0x97: {  	_ =	strace $0x8FFFFFFF  }
0x98: {  	s18 =	sld [smem:$0x3FDB];
	_ =	sdelay $0x1  }
0x99: {  	s19 =	simm.s32 $_scs_section_size  }
0x9a: {  	s4 =	simm.s32 $_size__tile_overlayer_lowered;
	s5 =	simm.s32 $_tile_overlayer_lowered  }
0x9b: {  	s22 =	simm.s32 $0x1BFF;
	s21 =	sshll.u32 s5, $0x1;
	s2 =	sadd.s32 s19, s18  }
0x9c: {  	s6 =	simm.s32 $0x0;
	s20 =	sshll.u32 s4, $0x1;
	s4 =	sadd.s32 s21, s2  }
0x9d: {  	[timem:s6], [sflag:s22] =	dma.local [hbm:s4], s20  }
0x9e: {  	_ =	swait.ge [sflag:s22], s20  }
0x9f: {  	s3 =	ssub.s32 $0x0, s20;
	[sflag:s22] =	ssyncset.done $0x0  }
0xa0: {  	[sflag:s22] =	ssyncadd.s32 s3;
	_ =	sdelay $0x1  }
0xa1: {  	s23 =	simm.s32 $0x1B8B  }
0xa2: {  	_ =	swait.ge [sflag:s23], $0x1  }
0xa3: {  	[sflag:s23] =	ssyncset.done $0x0  }
0xa4: {  	s25 =	simm.s32 $0x1B8E;
	s24 =	sld [smem:$0x3FFE];
	[sflag:s23] =	ssyncadd.s32 $0xFFFFFFFF  }
0xa5: {  	s26 =	simm.s32 $execute0_lowered;
	[smem:$0x3FD2] =	sst s25  }
0xa6: {  	s4 =	sshll.u32 s26, $0x1;
	_ =	strace $0x8000004F;
	[dreg:$0x1] =	wrdreg $0xFFFFFFFF  }
0xa7: {  	s28 =	simm.s32 $_size_execute0_lowered;
	s2 =	sadd.s32 s2, s4;
	[dreg:$0x0] =	wrdreg $0x0  }
0xa8: {  	s4 =	sshll.u32 s28, $0x1;
	[dreg:$0x2] =	wrdreg s2  }
0xa9: {  	[dreg:$0x3] =	wrdreg s4  }
0xaa: {  	[dreg:$0x4] =	wrdreg $0xC0  }
0xab: {  	_ =	task [dreg:s6], $0x5FFFF  }
0xac: {  	[dreg:$0x1] =	wrdreg $0xFFFFFFFF  }
0xad: {  	[dreg:$0x0] =	wrdreg $0x60  }
0xae: {  	[dreg:$0x2] =	wrdreg s24  }
0xaf: {  	[dreg:$0x3] =	wrdreg $0x120000  }
0xb0: {  	[dreg:$0x4] =	wrdreg $0xD0000  }
0xb1: {  	[dreg:$0x5] =	wrdreg $0x9  }
0xb2: {  	_ =	task.clear_ibuf [dreg:s6], $0x6FFFF;
	_ =	strace $0x9000004F  }
0xb3: {  	s29 =	simm.s32 $0x9;
	_ =	strace $0x80000051  }
0xb4: {  	_ =	swait.ge [sflag:s29], $0x1  }
0xb5: {  	[sflag:s29] =	ssyncadd.s32 $0xFFFFFFFF  }
0xb6: {  	_ =	strace $0x90000051  }
0xb7: {  	_ =	sfence  }
0xb8: {  	s30 =	sld [smem:$0x0];
	_ =	sdelay $0x2  }
0xb9: {  	s31 =	sshll.u32 s1, $0xD;
	s1 =	sshrl.u32 s1, $0x2  }
0xba: {  	s3 =	sand.u32 $0x4000, s31;
	s1 =	sadd.s32 s1, s30  }
0xbb: {  	s0 =	sor.u32 s3, s0;
	s1 =	sshll.u32 s1, $0x11  }
0xbc: {  	s0 =	sor.u32 s1, s0  }
0xbd: {  	s0 =	sadd.s32 $0x8F2B, s0  }
0xbe: {  	[sflag:s0] =	ssyncadd.remote.s32 $0x1  }
0xbf: {  	_ =	sfence.sel $0xFFFF  }
0xc0: {  	[dreg:$0x0] =	wrdreg $0xFFFFFFFF;
	(pc) =	sbr.abs _section_cstart, $3  }
0xc1: {  	[dreg:$0x1] =	wrdreg $0xFFFFFFFF  }
0xc2: {  	_ =	task.clear_ibuf [dreg:s6], $0x2FFFF;
	_ =	strace $0x9FFFFFFF  }
0xc3: {  	(tm) =	ssettm $0x7FFFFFFF  }
tec
execute0_lowered:
.L_overlay_start_1:
0x0: {  	(tag) =	ssettag $0x1  }
0x1: {  	s0 =	srdreg.scid;
	s1 =	rddreg [dreg:$0x0]  }
0x2: {  	s2 =	rddreg [dreg:$0x1];
	s13 =	stileid.u32  }
0x3: {  	s3 =	rddreg [dreg:$0x2];
	s20 =	simm.s32 $0x0;
	s18 =	simm.s32 $0x80  }
0x4: {  	s19 =	simm.s32 $0x5000;
	s29 =	simm.s32 $0xA000;
	s30 =	simm.s32 $0x1  }
0x5: {  	s31 =	simm.s32 $0xB000;
	s17 =	simm.s32 $0x0;
	s0 =	sand.u32 $0x1, s0  }
0x6: {  	s9 =	smul.u32 $0x5000, s13;
	[smem:$0x7FF] =	sst s20;
	s21 =	sadd.s32 $0x17400, s1  }
0x7: {  	s22 =	sadd.s32 $0xCA00, s1;
	s23 =	sshll.u32 s13, $0x6;
	s20 =	simm.s32 $0x6000  }
0x8: {  	s4 =	sshll.u32 s0, $0x4;
	_ =	strace $0x80000050;
	[dreg:$0x4] =	wrdreg s21  }
0x9: {  	s7 =	smul.u32 $0x50000, s0;
	s0 =	ssub.s32 $0x2, s0;
	[dreg:$0x5] =	wrdreg s22  }
0xa: {  	s22 =	simm.s32 $0x7000;
	s14 =	sor.u32 s13, s4;
	s6 =	sshrl.u32 s9, $0x3  }
0xb: {  	s10 =	sshrl.u32 s0, $0x1;
	s15 =	sadd.s32 s9, s2;
	s16 =	sadd.s32 s9, s3  }
0xc: {  	s5 =	smul.u32 $0x500, s14;
	s8 =	sadd.s32 s6, s1;
	s7 =	sadd.s32 s9, s7  }
0xd: {  	s0 =	ssub.s32 s0, s10;
	p0 =	seq.s32 s14, $0x1F;
	s14 =	sshrl.u32 s15, $0x3  }
0xe: {  	s15 =	simm.s32 $0x3;
	s16 =	sshrl.u32 s16, $0x3;
	s7 =	sshrl.u32 s7, $0x3  }
0xf: {  	s24 =	sadd.s32 $0xD400, s8;
	s11 =	sadd.s32 s5, s1;
	s12 =	sadd.s32 s7, s1  }
.Ltmp0:
0x10: {  	[dreg:$0x6] =	wrdreg s24;
	s1 =	sadd.s32 $0x2B100, s1;
	(pc) =	sbr.rel .LBB2_1-.Ltmp0, $4  }
0x11: {  	s8 =	sor.u32 $0x1C03, s23;
	s25 =	sadd.s32 $0x21600, s11;
	[dreg:$0x8] =	wrdreg s1  }
0x12: {  	s13 =	smax.u32 s0, $0x1;
	s26 =	sadd.s32 $0x2A00, s11;
	[dreg:$0x7] =	wrdreg s25  }
0x13: {  	s0 =	simm.s32 $0x2;
	s28 =	sadd.s32 $0x35000, s12;
	[dreg:$0x9] =	wrdreg s26  }
0x14: {  	s1 =	simm.s32 $0xC000;
	[dreg:$0xa] =	wrdreg s28;
	s26 =	simm.s32 $0x9000  }
.LBB2_4:
0x15: {  	_ =	swait.ge [sflag:s30], $0x1000  }
0x16: {  	[sflag:s30] =	ssyncset.done $0x0  }
0x17: {  	[sflag:s30] =	ssyncadd.s32 $0xFFFFF000  }
0x18: {  	[spmem:s3] =	stream.indirect.scatter.add.f32 [tilespmem:s1], [sflag:$0x2], $0x20, s24, s18, $0xb8;
	[tilespmem:$0x17000] =	vst v63  }
0x19: {  	_ =	swait.ge [sflag:s0], $0x1000  }
0x1a: {  	[sflag:s0] =	ssyncset.done $0x0  }
0x1b: {  	[sflag:s0] =	ssyncadd.s32 $0xFFFFF000  }
0x1c: {  	_ =	swait.ge [sflag:s0], $0x1000  }
0x1d: {  	[sflag:s0] =	ssyncset.done $0x0  }
0x1e: {  	[sflag:s0] =	ssyncadd.s32 $0xFFFFF000  }
0x1f: {  	_ =	swait.ge [sflag:s0], $0x1000  }
0x20: {  	[sflag:s0] =	ssyncset.done $0x0  }
0x21: {  	s17 =	sadd.s32 $0x1, s17;
	[sflag:s0] =	ssyncadd.s32 $0xFFFFF000  }
0x22: {  	p1 =	sne.s32 s17, s13;
	[bflag:$0x0] =	sbarrier.arrive $0xFFFF  }
.Ltmp1:
0x23: {  	s4 =	rddreg [dreg:$0xa];
	(pc) =	sbr.rel @!p1 .LBB2_5-.Ltmp1, $4  }
0x24: {  	[hbm:s4], [sflag:s8] =	dma.local [spmem:s16], $0xA00  }
0x25: {  	_ =	swait.ge [sflag:s15], $0xA00  }
0x26: {  	[sflag:s15] =	ssyncset.done $0x0  }
0x27: {  	[sflag:s15] =	ssyncadd.s32 $0xFFFFF600  }
.LBB2_1:
0x28: {  	s4 =	rddreg [dreg:$0x6]  }
0x29: {  	[spmem:s14], [sflag:s8] =	dma.local [hbm:s4], $0xA00  }
0x2a: {  	_ =	swait.ge [sflag:s15], $0xA00  }
0x2b: {  	[sflag:s15] =	ssyncset.done $0x0  }
0x2c: {  	s11 =	rddreg [dreg:$0x5];
	[sflag:s15] =	ssyncadd.s32 $0xFFFFF600  }
0x2d: {  	[spmem:s16], [sflag:s8] =	dma.local [hbm:s11], $0xA00  }
0x2e: {  	_ =	swait.ge [sflag:s15], $0xA00  }
0x2f: {  	s21 =	simm.s32 @p0 $0x0;
	[sflag:s15] =	ssyncset.done $0x0  }
0x30: {  	s23 =	simm.s32 @p0 $0x3;
	s4 =	rddreg [dreg:$0x8];
	[sflag:s15] =	ssyncadd.s32 $0xFFFFF600  }
0x31: {  	[tilespmem:s21], [sflag:$0x3] =	stream.linear.gather @p0 [hbm4b:s4+s21], $0xA00, $0x38;
	[tilespmem:$0x17000] =	vst v63  }
0x32: {  	_ =	swait.ge @p0 [sflag:s23], $0xA00  }
0x33: {  	[sflag:s23] =	ssyncset.done @p0 $0x0  }
0x34: {  	s24 =	simm.s32 @p0 $0xA00;
	s4 =	rddreg [dreg:$0x4];
	[sflag:s23] =	ssyncadd.s32 @p0 $0xFFFFF600  }
0x35: {  	[tilespmem:s24], [sflag:$0x3] =	stream.linear.gather @p0 [hbm4b:s4+s21], $0x1E00, $0x38;
	[tilespmem:$0x17000] =	vst v63  }
0x36: {  	_ =	swait.ge @p0 [sflag:s23], $0x1E00  }
0x37: {  	[sflag:s23] =	ssyncset.done @p0 $0x0  }
0x38: {  	s21 =	simm.s32 @!p0 $0x0;
	s4 =	rddreg [dreg:$0x7];
	[sflag:s23] =	ssyncadd.s32 @p0 $0xFFFFE200  }
0x39: {  	[tilespmem:s21], [sflag:$0x3] =	stream.linear.gather @!p0 [hbm4b:s4+s21], $0x2800, $0x38;
	[tilespmem:$0x17000] =	vst v63  }
0x3a: {  	s21 =	simm.s32 @!p0 $0x3  }
0x3b: {  	_ =	swait.ge @!p0 [sflag:s21], $0x2800  }
0x3c: {  	s12 =	simm.s32 $0x0;
	[sflag:s21] =	ssyncset.done @!p0 $0x0  }
0x3d: {  	s6 =	simm.s32 $0x2800;
	s5 =	rddreg [dreg:$0x9];
	[sflag:s21] =	ssyncadd.s32 @!p0 $0xFFFFD800  }
0x3e: {  	[tilespmem:s6], [sflag:$0x3] =	stream.linear.gather [hbm4b:s5+s12], $0x2800, $0x38;
	[tilespmem:$0x17000] =	vst v63  }
0x3f: {  	_ =	swait.ge [sflag:s15], $0x2800  }
0x40: {  	[sflag:s15] =	ssyncset.done $0x0  }
0x41: {  	[sflag:s15] =	ssyncadd.s32 $0xFFFFD800  }
0x42: {  	[bflag:$0x0] =	sbarrier.arrive $0xFFFF  }
0x43: {  	[tilespmem:s19], [sflag:$0x1] =	stream.indirect.gather [spmem:s2], $0x20, s12, s18, $0xb8;
	[tilespmem:$0x17000] =	vst v63  }
0x44: {  	_ = 	snop  }
0x45: {  	[tilespmem:s20], [sflag:$0x1] =	stream.indirect.gather [spmem:s2], $0x20, s18, s18, $0xb8;
	[tilespmem:$0x17000] =	vst v63  }
0x46: {  	s21 =	simm.s32 $0x100  }
0x47: {  	[tilespmem:s22], [sflag:$0x1] =	stream.indirect.gather [spmem:s2], $0x20, s21, s18, $0xb8;
	[tilespmem:$0x17000] =	vst v63  }
0x48: {  	s24 =	simm.s32 $0x8000;
	s23 =	simm.s32 $0x180  }
0x49: {  	[tilespmem:s24], [sflag:$0x1] =	stream.indirect.gather [spmem:s2], $0x20, s23, s18, $0xb8;
	[tilespmem:$0x17000] =	vst v63  }
0x4a: {  	s25 =	simm.s32 $0x200  }
0x4b: {  	[tilespmem:s26], [sflag:$0x1] =	stream.indirect.gather [spmem:s2], $0x20, s25, s18, $0xb8;
	[tilespmem:$0x17000] =	vst v63  }
0x4c: {  	s28 =	simm.s32 $0x280;
	s21 =	simm.s32 $0x0  }
0x4d: {  	[tilespmem:s29], [sflag:$0x1] =	stream.indirect.gather [spmem:s2], $0x20, s28, s18, $0xb8;
	[tilespmem:$0x17000] =	vst v63  }
.LBB2_2:
0x4e: {  	_ =	swait.ge [sflag:s30], $0x1000  }
0x4f: {  	s23 =	sshra.s32 s21, $0x2;
	[sflag:s30] =	ssyncset.done $0x0  }
0x50: {  	p1 =	seq.s32 s21, $0x0;
	s24 =	sadd.s32 $0x2800, s23;
	[sflag:s30] =	ssyncadd.s32 $0xFFFFF000  }
0x51: {  	[spmem:s3] =	stream.indirect.scatter.add.f32 [tilespmem:s19], [sflag:$0x2], $0x20, s24, s18, $0xb8;
	[tilespmem:$0x17000] =	vst v63  }
0x52: {  	s24 =	simm.s32 @!p1 $0x2  }
0x53: {  	_ =	swait.ge @!p1 [sflag:s24], $0x1000  }
0x54: {  	[sflag:s24] =	ssyncset.done @!p1 $0x0  }
0x55: {  	s25 =	sadd.s32 $0x300, s23;
	[sflag:s24] =	ssyncadd.s32 @!p1 $0xFFFFF000  }
0x56: {  	[tilespmem:s31], [sflag:$0x1] =	stream.indirect.gather [spmem:s2], $0x20, s25, s18, $0xb8;
	[tilespmem:$0x17000] =	vst v63  }
0x57: {  	_ =	swait.ge [sflag:s30], $0x1000  }
0x58: {  	[sflag:s30] =	ssyncset.done $0x0  }
0x59: {  	s9 =	sadd.s32 $0x2880, s23;
	[sflag:s30] =	ssyncadd.s32 $0xFFFFF000  }
0x5a: {  	[spmem:s3] =	stream.indirect.scatter.add.f32 [tilespmem:s20], [sflag:$0x2], $0x20, s9, s18, $0xb8;
	[tilespmem:$0x17000] =	vst v63  }
0x5b: {  	_ =	swait.ge @!p1 [sflag:s24], $0x1000  }
0x5c: {  	[sflag:s24] =	ssyncset.done @!p1 $0x0  }
0x5d: {  	s10 =	sadd.s32 $0x380, s23;
	[sflag:s24] =	ssyncadd.s32 @!p1 $0xFFFFF000  }
0x5e: {  	[tilespmem:s1], [sflag:$0x1] =	stream.indirect.gather [spmem:s2], $0x20, s10, s18, $0xb8;
	[tilespmem:$0x17000] =	vst v63  }
0x5f: {  	_ =	swait.ge [sflag:s30], $0x1000  }
0x60: {  	[sflag:s30] =	ssyncset.done $0x0  }
0x61: {  	s11 =	sadd.s32 $0x2900, s23;
	[sflag:s30] =	ssyncadd.s32 $0xFFFFF000  }
0x62: {  	[spmem:s3] =	stream.indirect.scatter.add.f32 [tilespmem:s22], [sflag:$0x2], $0x20, s11, s18, $0xb8;
	[tilespmem:$0x17000] =	vst v63  }
0x63: {  	_ =	swait.ge [sflag:s0], $0x1000  }
0x64: {  	p1 =	seq.s32 s21, $0x9000;
	[sflag:s0] =	ssyncset.done $0x0  }
0x65: {  	s24 =	simm.s32 @p1 $0x1;
	[sflag:s0] =	ssyncadd.s32 $0xFFFFF000  }
0x66: {  	_ =	swait.ge @p1 [sflag:s24], $0x1000  }
0x67: {  	s25 =	sshra.s32 @p1 s21, $0x2;
	s4 =	simm.s32 @p1 $0x80;
	[sflag:s24] =	ssyncset.done @p1 $0x0  }
0x68: {  	s5 =	simm.s32 @p1 $0x8000;
	s28 =	sadd.s32 @p1 $0x2980, s25;
	[sflag:s24] =	ssyncadd.s32 @p1 $0xFFFFF000  }
0x69: {  	[spmem:s3] =	stream.indirect.scatter.add.f32 @p1 [tilespmem:s5], [sflag:$0x2], $0x20, s28, s4, $0xb8;
	[tilespmem:$0x17000] =	vst v63  }
0x6a: {  	s5 =	simm.s32 @p1 $0x2  }
0x6b: {  	_ =	swait.ge @p1 [sflag:s5], $0x1000  }
0x6c: {  	s7 =	simm.s32 @!p1 $0x80;
	s28 =	sshra.s32 @!p1 s21, $0x2;
	[sflag:s5] =	ssyncset.done @p1 $0x0  }
0x6d: {  	s9 =	simm.s32 @!p1 $0x5000;
	s6 =	sadd.s32 @!p1 $0x400, s28;
	[sflag:s5] =	ssyncadd.s32 @p1 $0xFFFFF000  }
0x6e: {  	[tilespmem:s9], [sflag:$0x1] =	stream.indirect.gather @!p1 [spmem:s2], $0x20, s6, s7, $0xb8;
	[tilespmem:$0x17000] =	vst v63  }
0x6f: {  	s6 =	simm.s32 @!p1 $0x1  }
0x70: {  	_ =	swait.ge @!p1 [sflag:s6], $0x1000  }
0x71: {  	[sflag:s6] =	ssyncset.done @!p1 $0x0  }
0x72: {  	s10 =	simm.s32 @!p1 $0x8000;
	s9 =	sadd.s32 @!p1 $0x2980, s28;
	[sflag:s6] =	ssyncadd.s32 @!p1 $0xFFFFF000  }
0x73: {  	[spmem:s3] =	stream.indirect.scatter.add.f32 @!p1 [tilespmem:s10], [sflag:$0x2], $0x20, s9, s7, $0xb8;
	[tilespmem:$0x17000] =	vst v63  }
0x74: {  	s9 =	simm.s32 @!p1 $0x2  }
0x75: {  	_ =	swait.ge @!p1 [sflag:s9], $0x1000  }
0x76: {  	[sflag:s9] =	ssyncset.done @!p1 $0x0  }
0x77: {  	s12 =	simm.s32 @!p1 $0x6000;
	s11 =	sadd.s32 @!p1 $0x480, s28;
	[sflag:s9] =	ssyncadd.s32 @!p1 $0xFFFFF000  }
0x78: {  	[tilespmem:s12], [sflag:$0x1] =	stream.indirect.gather @!p1 [spmem:s2], $0x20, s11, s7, $0xb8;
	[tilespmem:$0x17000] =	vst v63  }
0x79: {  	_ =	swait.ge [sflag:s30], $0x1000  }
0x7a: {  	[sflag:s30] =	ssyncset.done $0x0  }
0x7b: {  	s12 =	sadd.s32 $0x2A00, s23;
	[sflag:s30] =	ssyncadd.s32 $0xFFFFF000  }
0x7c: {  	[spmem:s3] =	stream.indirect.scatter.add.f32 [tilespmem:s26], [sflag:$0x2], $0x20, s12, s18, $0xb8;
	[tilespmem:$0x17000] =	vst v63  }
0x7d: {  	_ =	swait.ge [sflag:s0], $0x1000  }
0x7e: {  	[sflag:s0] =	ssyncset.done $0x0  }
0x7f: {  	[sflag:s0] =	ssyncadd.s32 $0xFFFFF000  }
0x80: {  	_ =	swait.ge @p1 [sflag:s24], $0x1000  }
0x81: {  	[sflag:s24] =	ssyncset.done @p1 $0x0  }
0x82: {  	s11 =	sadd.s32 @p1 $0x2A80, s25;
	s12 =	simm.s32 @p1 $0xA000;
	[sflag:s24] =	ssyncadd.s32 @p1 $0xFFFFF000  }
0x83: {  	[spmem:s3] =	stream.indirect.scatter.add.f32 @p1 [tilespmem:s12], [sflag:$0x2], $0x20, s11, s4, $0xb8;
	[tilespmem:$0x17000] =	vst v63  }
0x84: {  	_ =	swait.ge @p1 [sflag:s5], $0x1000  }
0x85: {  	[sflag:s5] =	ssyncset.done @p1 $0x0  }
0x86: {  	s4 =	sadd.s32 @!p1 $0x500, s28;
	[sflag:s5] =	ssyncadd.s32 @p1 $0xFFFFF000;
	s5 =	simm.s32 @!p1 $0x7000  }
0x87: {  	[tilespmem:s5], [sflag:$0x1] =	stream.indirect.gather @!p1 [spmem:s2], $0x20, s4, s7, $0xb8;
	[tilespmem:$0x17000] =	vst v63  }
0x88: {  	_ =	swait.ge @!p1 [sflag:s6], $0x1000  }
0x89: {  	[sflag:s6] =	ssyncset.done @!p1 $0x0  }
0x8a: {  	s4 =	sadd.s32 @!p1 $0x2A80, s28;
	s5 =	simm.s32 @!p1 $0xA000;
	[sflag:s6] =	ssyncadd.s32 @!p1 $0xFFFFF000  }
0x8b: {  	[spmem:s3] =	stream.indirect.scatter.add.f32 @!p1 [tilespmem:s5], [sflag:$0x2], $0x20, s4, s7, $0xb8;
	[tilespmem:$0x17000] =	vst v63  }
0x8c: {  	_ =	swait.ge @!p1 [sflag:s9], $0x1000  }
0x8d: {  	[sflag:s9] =	ssyncset.done @!p1 $0x0  }
0x8e: {  	s4 =	sadd.s32 @!p1 $0x580, s28;
	[sflag:s9] =	ssyncadd.s32 @!p1 $0xFFFFF000  }
0x8f: {  	[tilespmem:s10], [sflag:$0x1] =	stream.indirect.gather @!p1 [spmem:s2], $0x20, s4, s7, $0xb8;
	[tilespmem:$0x17000] =	vst v63  }
0x90: {  	_ =	swait.ge [sflag:s30], $0x1000  }
0x91: {  	[sflag:s30] =	ssyncset.done $0x0  }
.Ltmp2:
0x92: {  	s28 =	sadd.s32 $0x2B00, s23;
	[sflag:s30] =	ssyncadd.s32 $0xFFFFF000;
	(pc) =	sbr.rel @p1 .LBB2_4-.Ltmp2, $4  }
0x93: {  	[spmem:s3] =	stream.indirect.scatter.add.f32 [tilespmem:s31], [sflag:$0x2], $0x20, s28, s18, $0xb8;
	[tilespmem:$0x17000] =	vst v63  }
0x94: {  	_ =	swait.ge [sflag:s0], $0x1000  }
0x95: {  	[sflag:s0] =	ssyncset.done $0x0  }
0x96: {  	s24 =	sadd.s32 $0x2B80, s23;
	[sflag:s0] =	ssyncadd.s32 $0xFFFFF000  }
0x97: {  	s4 =	sadd.s32 $0x600, s23  }
0x98: {  	[tilespmem:s26], [sflag:$0x1] =	stream.indirect.gather [spmem:s2], $0x20, s4, s18, $0xb8;
	[tilespmem:$0x17000] =	vst v63  }
0x99: {  	_ =	swait.ge [sflag:s30], $0x1000  }
0x9a: {  	[sflag:s30] =	ssyncset.done $0x0  }
0x9b: {  	[sflag:s30] =	ssyncadd.s32 $0xFFFFF000  }
0x9c: {  	[spmem:s3] =	stream.indirect.scatter.add.f32 [tilespmem:s1], [sflag:$0x2], $0x20, s24, s18, $0xb8;
	[tilespmem:$0x17000] =	vst v63  }
.Ltmp3:
0x9d: {  	_ = 	snop;
	(pc) =	sbr.rel .LBB2_2-.Ltmp3, $4  }
0x9e: {  	_ =	swait.ge [sflag:s0], $0x1000  }
0x9f: {  	[sflag:s0] =	ssyncset.done $0x0  }
0xa0: {  	s28 =	sadd.s32 $0x680, s23;
	s21 =	sadd.s32 $0x1000, s21;
	[sflag:s0] =	ssyncadd.s32 $0xFFFFF000  }
0xa1: {  	[tilespmem:s29], [sflag:$0x1] =	stream.indirect.gather [spmem:s2], $0x20, s28, s18, $0xb8;
	[tilespmem:$0x17000] =	vst v63  }
.LBB2_5:
0xa2: {  	_ =	sfence.sel $0x180000  }
0xa3: {  	[bflag:$0x0] =	sbarrier.arrive $0xFFFF  }
0xa4: {  	_ =	strace $0x90000050  }
0xa5: {  	s0 =	stileid.u32;
	[bflag:$0x2] =	sbarrier.arrive $0xFFFF  }
0xa6: {  	p0 =	sne.s32 s0, $0x0;
	s0 =	rddreg [dreg:$0x3]  }
0xa7: {  	s0 =	sadd.s32 @!p0 $0x100000, s0  }
0xa8: {  	[sflag:s0] =	ssyncadd.tile.s32 @!p0 $0x1;
	_ =	shalt  }
.Lfunc_end2:
_tile_overlayer_lowered:
.L_overlay_start_2:
0xa9: {  	(tag) =	ssettag $0x2  }
0xaa: {  	s0 =	rddreg [dreg:$0x0];
	s2 =	stileid.u32  }
0xab: {  	s1 =	rddreg [dreg:$0x1];
	p0 =	sne.s32 s2, $0x0  }
0xac: {  	s3 =	rddreg [dreg:$0x2];
	[bflag:$0x3] =	sbarrier.arrive $0xFFFF;
	s2 =	simm.s32 @!p0 $0x1C03  }
0xad: {  	[timem:s3], [sflag:s2] =	dma.local @!p0 [hbm:s0], s1  }
0xae: {  	s0 =	simm.s32 @!p0 $0x3  }
0xaf: {  	_ =	swait.ge @!p0 [sflag:s0], s1  }
0xb0: {  	s1 =	ssub.s32 @!p0 $0x0, s1;
	[sflag:s0] =	ssyncset.done @!p0 $0x0  }
0xb1: {  	[sflag:s0] =	ssyncadd.s32 @!p0 s1  }
0xb2: {  	[bflag:$0x3] =	sbarrier.arrive $0xFFFF  }
0xb3: {  	_ =	shalt  }

</sc_bundles>
